<compile_context>
chip_gen: v7x
topology: tpu7x:2x2x1
jax: 0.10.2.dev20260603
libtpu: 0.0.44.dev20260713+nightly
codegen_flags: <defaults>
</compile_context>

<pallas_src>
import functools

import jax
import jax.numpy as jnp
from jax import lax
from jax.experimental import pallas as pl
from jax.experimental.pallas import tpu as pltpu
from jax.experimental.pallas import tpu_sc as plsc

_N = 10000
_E = 320000
_D = 128
_G = 64
_C = 32

_NW = 32
_K = 80
_EPW = _E // _NW
_NCH = _EPW // _K
_DEPTH = 4
_GLAG = 3
_RPS = 624
_TAIL = _N - 16 * _RPS

_mesh = plsc.VectorSubcoreMesh(core_axis_name="c", subcore_axis_name="s")


def _sliced_copy(s, src, dst):
    pltpu.sync_copy(src.at[pl.ds(s * _RPS, _RPS)], dst.at[pl.ds(s * _RPS, _RPS)])

    @pl.when(s == 15)
    def _():
        pltpu.sync_copy(src.at[pl.ds(16 * _RPS, _TAIL)],
                        dst.at[pl.ds(16 * _RPS, _TAIL)])


@functools.partial(
    pl.kernel,
    out_type=jax.ShapeDtypeStruct((_NW, _N), jnp.float32),
    mesh=_mesh,
    compiler_params=pltpu.CompilerParams(needs_layout_passes=False),
    scratch_types=[
        pltpu.VMEM((_N,), jnp.int32),
        pltpu.VMEM((_N,), jnp.float32),
    ],
)
def _deg_sc(dst_hbm, zeros_hbm, out_hbm, idxv, hist):
    c = lax.axis_index("c")
    s = lax.axis_index("s")
    wid = s * 2 + c
    pltpu.sync_copy(dst_hbm.at[wid], idxv)
    pltpu.sync_copy(zeros_hbm, hist)
    ones = jnp.ones((16,), jnp.float32)

    def body(v, carry):
        idx = idxv[pl.ds(v * 16, 16)]
        plsc.addupdate_scatter(hist, [idx], ones)
        return carry

    lax.fori_loop(0, _EPW // 16, body, 0)
    pltpu.sync_copy(hist, out_hbm.at[wid])


_NB = 5
_BCH = _NCH // _NB


@functools.partial(
    pl.kernel,
    out_type=jax.ShapeDtypeStruct((2, _N, _D), jnp.float32),
    mesh=_mesh,
    scratch_types=[
        pltpu.VMEM((2, _BCH, _K), jnp.int32),
        [pltpu.VMEM((_K, _D), jnp.float32)] * _DEPTH,
        pltpu.VMEM_SHARED((_N, _D), jnp.float32),
        [pltpu.SemaphoreType.DMA] * _DEPTH,
        [pltpu.SemaphoreType.DMA] * _DEPTH,
    ],
)
def _edge_sc(y_hbm, idx_hbm, zeros_hbm, out_hbm,
             idxv, rows, acc, gsem, ssem):
    c = lax.axis_index("c")
    s = lax.axis_index("s")
    wid = s * 2 + c
    _sliced_copy(s, zeros_hbm, acc)
    plsc.subcore_barrier()

    def gdesc(j, b):
        return pltpu.make_async_copy(y_hbm.at[idxv.at[0, j]], rows[b], gsem[b])

    def sdesc(j, b):
        return pltpu.make_async_copy(rows[b], acc.at[idxv.at[1, j]], ssem[b])

    def step(j, b):
        jmg = jnp.maximum(j - _GLAG, 0)
        jmd = jnp.maximum(j - _DEPTH, 0)

        @pl.when(jnp.logical_and(j >= _DEPTH, j <= _BCH + _DEPTH - 1))
        def _():
            sdesc(jmd, b).wait()

        @pl.when(j <= _BCH - 1)
        def _():
            gdesc(j, b).start()

        @pl.when(jnp.logical_and(j >= _GLAG, j <= _BCH + _GLAG - 1))
        def _():
            bb = (b - _GLAG) % _DEPTH
            gdesc(jmg, bb).wait()
            sdesc(jmg, bb).start(add=True)

    def body(u, carry):
        for t in range(_DEPTH):
            step(_DEPTH * u + t, t)
        return carry

    for blk in range(_NB):
        pltpu.sync_copy(idx_hbm.at[wid, blk], idxv)
        lax.fori_loop(0, (_BCH + 2 * _DEPTH - 1) // _DEPTH, body, 0)

    plsc.subcore_barrier()
    _sliced_copy(s, acc, out_hbm.at[c])


def _tc1_body(x_ref, w1_ref, degp_ref, y1_ref, dinv_ref):
    deg_col = lax.dot_general(degp_ref[...], jnp.ones((_NW, 1), jnp.float32),
                              (((0,), (0,)), ((), ())),
                              preferred_element_type=jnp.float32)
    dinv = lax.rsqrt(deg_col + 1.0)
    xw = jnp.dot(x_ref[...], w1_ref[...], preferred_element_type=jnp.float32)
    y1_ref[...] = xw * dinv
    dinv_ref[...] = jnp.broadcast_to(dinv, (_N, _D))


_tc1 = pl.pallas_call(
    _tc1_body,
    out_shape=[
        jax.ShapeDtypeStruct((_N, _D), jnp.float32),
        jax.ShapeDtypeStruct((_N, _D), jnp.float32),
    ],
)


def _tc2_body(zp_ref, y1_ref, dinv_ref, b1_ref, w2_ref, y2_ref):
    z = zp_ref[0] + zp_ref[1] + y1_ref[...]
    h = jnp.maximum(z * dinv_ref[...] + b1_ref[...], 0.0)
    y2_ref[...] = jnp.dot(h, w2_ref[...],
                          preferred_element_type=jnp.float32) * dinv_ref[...]


_tc2 = pl.pallas_call(
    _tc2_body,
    out_shape=jax.ShapeDtypeStruct((_N, _D), jnp.float32),
)


def _tc3_body(zp_ref, y2_ref, dinv_ref, b2_ref, batch_ref, wct_ref, bc_ref,
              out_ref):
    z = zp_ref[0] + zp_ref[1] + y2_ref[...]
    h = jnp.maximum(z * dinv_ref[...] + b2_ref[...], 0.0)
    seg = lax.broadcasted_iota(jnp.int32, (_G, _N), 0)
    oht = (seg == batch_ref[...]).astype(jnp.float32)
    sums = jnp.dot(oht, h, preferred_element_type=jnp.float32)
    cnt = jnp.sum(oht, axis=1, keepdims=True)
    pooled = sums / jnp.maximum(cnt, 1.0)
    out_ref[...] = jnp.dot(pooled, wct_ref[...],
                           preferred_element_type=jnp.float32) + bc_ref[...]


_tc3 = pl.pallas_call(
    _tc3_body,
    out_shape=jax.ShapeDtypeStruct((_G, _C), jnp.float32),
)


def kernel(x, edge_index, batch, W1, b1, W2, b2, Wc, bc):
    idx4 = jnp.stack([edge_index[0].reshape(_NW, _NB, _BCH, _K),
                      edge_index[1].reshape(_NW, _NB, _BCH, _K)], axis=2)
    dst2 = edge_index[1].reshape(_NW, _EPW)
    zeros128 = jnp.zeros((_N, _D), jnp.float32)
    zerosn = jnp.zeros((_N,), jnp.float32)

    degp = _deg_sc(dst2, zerosn)
    y1, dinvf = _tc1(x, W1, degp)
    z1p = _edge_sc(y1, idx4, zeros128)
    y2 = _tc2(z1p, y1, dinvf, b1.reshape(1, _D), W2)
    z2p = _edge_sc(y2, idx4, zeros128)
    return _tc3(z2p, y2, dinvf, b2.reshape(1, _D), batch.reshape(1, _N),
                Wc.T, bc.reshape(1, _C))

# --- scband reference (transcript-rebuilt; emitter-appended) ---
"""Pipeline reference for scband-window-gcn-8031588843742 (READ-ONLY COPY).

The authoritative reference and input builder live on the scoring server;
editing this copy changes nothing except your own understanding.
"""

import jax, jax.numpy as jnp
import numpy as np

N = 10000
E = 320000
D = 128
H = 128
O = 128
C = 32
G = 64


def setup_inputs(seed: int = 0) -> dict:
    key = jax.random.key(seed)
    ks = jax.random.split(key, 10)
    x = jax.random.normal(ks[0], (N, D), dtype=jnp.float32)
    edge_index = jax.random.randint(ks[1], (2, E), 0, N, dtype=jnp.int32)
    batch = jnp.sort(jax.random.randint(ks[2], (N,), 0, G, dtype=jnp.int32))
    W1 = jax.random.normal(ks[3], (D, H), dtype=jnp.float32) * (1.0 / np.sqrt(D))
    b1 = jnp.zeros((H,), dtype=jnp.float32)
    W2 = jax.random.normal(ks[4], (H, O), dtype=jnp.float32) * (1.0 / np.sqrt(H))
    b2 = jnp.zeros((O,), dtype=jnp.float32)
    Wc = jax.random.normal(ks[5], (C, O), dtype=jnp.float32) * (1.0 / np.sqrt(O))
    bc = jnp.zeros((C,), dtype=jnp.float32)
    return {"x": x, "edge_index": edge_index, "batch": batch,
            "W1": W1, "b1": b1, "W2": W2, "b2": b2, "Wc": Wc, "bc": bc}


def _gcn_conv(x, edge_index, W, b):
    # GCNConv: add self-loops, symmetric normalization D^-1/2 A_hat D^-1/2 (XW) + b
    src = edge_index[0]
    dst = edge_index[1]
    loop = jnp.arange(N, dtype=src.dtype)
    src = jnp.concatenate([src, loop])
    dst = jnp.concatenate([dst, loop])
    deg = jnp.zeros((N,), dtype=x.dtype).at[dst].add(1.0)
    dinv = jnp.where(deg > 0, jax.lax.rsqrt(deg), 0.0)
    norm = dinv[src] * dinv[dst]
    xw = x @ W
    msg = xw[src] * norm[:, None]
    out = jnp.zeros((N, W.shape[1]), dtype=x.dtype).at[dst].add(msg)
    return out + b


def reference(x, edge_index, batch, W1, b1, W2, b2, Wc, bc):
    h = jax.nn.relu(_gcn_conv(x, edge_index, W1, b1))
    # dropout is identity in eval mode (training=False)
    h = jax.nn.relu(_gcn_conv(h, edge_index, W2, b2))
    sums = jax.ops.segment_sum(h, batch, num_segments=G)
    cnt = jax.ops.segment_sum(jnp.ones((N,), dtype=h.dtype), batch, num_segments=G)
    pooled = sums / jnp.maximum(cnt, 1.0)[:, None]
    return pooled @ Wc.T + bc

if __name__ == "__main__":
    import jax
    _d = setup_inputs()
    print(jax.jit(kernel)(*tuple(_d.values())))

</pallas_src>

<mosaic_0001>
#map = affine_map<(d0, d1) -> (0, 0)>
#map1 = affine_map<(d0, d1) -> (0, 0, 0, 0, 0)>
#map2 = affine_map<(d0, d1) -> (0, 0, 0)>
module attributes {stable_mosaic.version = 14 : i64} {
  func.func @_edge_sc(%arg0: i32, %arg1: i32, %arg2: memref<10000x128xf32, #tpu.memory_space<hbm>>, %arg3: memref<32x5x2x25x80xi32, #tpu.memory_space<hbm>>, %arg4: memref<10000x128xf32, #tpu.memory_space<hbm>>, %arg5: memref<2x10000x128xf32, #tpu.memory_space<hbm>>, %arg6: memref<2x25x80xi32, #tpu.memory_space<vmem>>, %arg7: memref<80x128xf32, #tpu.memory_space<vmem>>, %arg8: memref<80x128xf32, #tpu.memory_space<vmem>>, %arg9: memref<80x128xf32, #tpu.memory_space<vmem>>, %arg10: memref<80x128xf32, #tpu.memory_space<vmem>>, %arg11: memref<10000x128xf32, #tpu.memory_space<vmem_shared>>, %arg12: memref<!tpu.dma_semaphore, #tpu.memory_space<semaphore_mem>>, %arg13: memref<!tpu.dma_semaphore, #tpu.memory_space<semaphore_mem>>, %arg14: memref<!tpu.dma_semaphore, #tpu.memory_space<semaphore_mem>>, %arg15: memref<!tpu.dma_semaphore, #tpu.memory_space<semaphore_mem>>, %arg16: memref<!tpu.dma_semaphore, #tpu.memory_space<semaphore_mem>>, %arg17: memref<!tpu.dma_semaphore, #tpu.memory_space<semaphore_mem>>, %arg18: memref<!tpu.dma_semaphore, #tpu.memory_space<semaphore_mem>>, %arg19: memref<!tpu.dma_semaphore, #tpu.memory_space<semaphore_mem>>) attributes {dimension_semantics = [#tpu.dimension_semantics<core_parallel>, #tpu.dimension_semantics<subcore_parallel>], iteration_bounds = array<i64: 2, 16>, scalar_prefetch = 0 : i64, scratch_operands = 14 : i64, tpu.core_type = #tpu.core_type<sc_vector_subcore>, window_params = [{transform_indices = #map}, {transform_indices = #map1}, {transform_indices = #map}, {transform_indices = #map2}]} {
    %mul3A = arith.constant 2 : i32
    %mul3A_0 = arith.muli %arg1, %mul3A : i32
    %add3A = arith.addi %mul3A_0, %arg0 : i32
    %mul3A_1 = arith.constant 624 : i32
    %mul3A_2 = arith.muli %arg1, %mul3A_1 : i32
    %mul3A_3 = arith.constant 624 : i32
    %mul3A_4 = arith.muli %arg1, %mul3A_3 : i32
    "tpu.region"() ({
      %run_scoped3A_50 = tpu.sem_alloc : memref<!tpu.dma_semaphore, #tpu.memory_space<semaphore_mem>>
      %dma_start3A = arith.constant 0 : i32
      %dma_start3A_51 = tpu.memref_slice %arg11[%mul3A_4, %dma_start3A] : memref<10000x128xf32, #tpu.memory_space<vmem_shared>> -> memref<624x128xf32, #tpu.memory_space<vmem_shared>>
      %dma_start3A_52 = arith.constant 0 : i32
      %dma_start3A_53 = tpu.memref_slice %arg4[%mul3A_2, %dma_start3A_52] : memref<10000x128xf32, #tpu.memory_space<hbm>> -> memref<624x128xf32, #tpu.memory_space<hbm>>
      tpu.enqueue_dma source(%dma_start3A_53 : memref<624x128xf32, #tpu.memory_space<hbm>>) target(%dma_start3A_51 : memref<624x128xf32, #tpu.memory_space<vmem_shared>>) target_semaphore(%run_scoped3A_50 : memref<!tpu.dma_semaphore, #tpu.memory_space<semaphore_mem>>)
      %dma_wait3A = arith.constant 0 : i32
      %dma_wait3A_54 = tpu.memref_slice %arg11[%mul3A_4, %dma_wait3A] : memref<10000x128xf32, #tpu.memory_space<vmem_shared>> -> memref<624x128xf32, #tpu.memory_space<vmem_shared>>
      %dma_wait3A_55 = arith.constant 0 : i32
      %dma_wait3A_56 = tpu.memref_slice %arg4[%mul3A_2, %dma_wait3A_55] : memref<10000x128xf32, #tpu.memory_space<hbm>> -> memref<624x128xf32, #tpu.memory_space<hbm>>
      tpu.wait_dma2 semaphore(%run_scoped3A_50 : memref<!tpu.dma_semaphore, #tpu.memory_space<semaphore_mem>>) src(%dma_wait3A_56 : memref<624x128xf32, #tpu.memory_space<hbm>>) dst(%dma_wait3A_54 : memref<624x128xf32, #tpu.memory_space<vmem_shared>>)
      tpu.yield
    }) : () -> ()
    %eq3A = arith.constant 15 : i32
    %eq3A_5 = arith.cmpi eq, %arg1, %eq3A : i32
    %convert_element_type3A = arith.extui %eq3A_5 : i1 to i32
    %cond3A = arith.constant 0 : i32
    %cond3A_6 = arith.cmpi ne, %convert_element_type3A, %cond3A : i32
    scf.if %cond3A_6 {
      "tpu.region"() ({
        %run_scoped3A_50 = tpu.sem_alloc : memref<!tpu.dma_semaphore, #tpu.memory_space<semaphore_mem>>
        %dma_start3A = arith.constant 9984 : i32
        %dma_start3A_51 = arith.constant 0 : i32
        %dma_start3A_52 = tpu.memref_slice %arg11[%dma_start3A, %dma_start3A_51] : memref<10000x128xf32, #tpu.memory_space<vmem_shared>> -> memref<16x128xf32, #tpu.memory_space<vmem_shared>>
        %dma_start3A_53 = arith.constant 9984 : i32
        %dma_start3A_54 = arith.constant 0 : i32
        %dma_start3A_55 = tpu.memref_slice %arg4[%dma_start3A_53, %dma_start3A_54] : memref<10000x128xf32, #tpu.memory_space<hbm>> -> memref<16x128xf32, #tpu.memory_space<hbm>>
        tpu.enqueue_dma source(%dma_start3A_55 : memref<16x128xf32, #tpu.memory_space<hbm>>) target(%dma_start3A_52 : memref<16x128xf32, #tpu.memory_space<vmem_shared>>) target_semaphore(%run_scoped3A_50 : memref<!tpu.dma_semaphore, #tpu.memory_space<semaphore_mem>>)
        %dma_wait3A = arith.constant 9984 : i32
        %dma_wait3A_56 = arith.constant 0 : i32
        %dma_wait3A_57 = tpu.memref_slice %arg11[%dma_wait3A, %dma_wait3A_56] : memref<10000x128xf32, #tpu.memory_space<vmem_shared>> -> memref<16x128xf32, #tpu.memory_space<vmem_shared>>
        %dma_wait3A_58 = arith.constant 9984 : i32
        %dma_wait3A_59 = arith.constant 0 : i32
        %dma_wait3A_60 = tpu.memref_slice %arg4[%dma_wait3A_58, %dma_wait3A_59] : memref<10000x128xf32, #tpu.memory_space<hbm>> -> memref<16x128xf32, #tpu.memory_space<hbm>>
        tpu.wait_dma2 semaphore(%run_scoped3A_50 : memref<!tpu.dma_semaphore, #tpu.memory_space<semaphore_mem>>) src(%dma_wait3A_60 : memref<16x128xf32, #tpu.memory_space<hbm>>) dst(%dma_wait3A_57 : memref<16x128xf32, #tpu.memory_space<vmem_shared>>)
        tpu.yield
      }) : () -> ()
    } else {
    }
    %barrier3A = arith.constant 0 : index
    tpu.barrier barrier_id(%barrier3A)
    %run_scoped3A = arith.constant 0 : i32
    "tpu.region"() ({
      %run_scoped3A_50 = tpu.sem_alloc : memref<!tpu.dma_semaphore, #tpu.memory_space<semaphore_mem>>
      %dma_start3A = arith.constant 0 : i32
      %dma_start3A_51 = arith.constant 0 : i32
      %dma_start3A_52 = arith.constant 0 : i32
      %dma_start3A_53 = tpu.memref_slice %arg3[%add3A, %run_scoped3A, %dma_start3A, %dma_start3A_51, %dma_start3A_52] : memref<32x5x2x25x80xi32, #tpu.memory_space<hbm>> -> memref<1x1x2x25x80xi32, #tpu.memory_space<hbm>>
      %dma_start3A_54 = tpu.memref_squeeze %dma_start3A_53 : memref<1x1x2x25x80xi32, #tpu.memory_space<hbm>> -> memref<2x25x80xi32, #tpu.memory_space<hbm>>
      %dma_start3A_55 = arith.constant 0 : i32
      %dma_start3A_56 = arith.constant 0 : i32
      %dma_start3A_57 = arith.constant 0 : i32
      %dma_start3A_58 = tpu.memref_slice %arg3[%add3A, %run_scoped3A, %dma_start3A_55, %dma_start3A_56, %dma_start3A_57] : memref<32x5x2x25x80xi32, #tpu.memory_space<hbm>> -> memref<1x1x2x25x80xi32, #tpu.memory_space<hbm>>
      %dma_start3A_59 = tpu.memref_squeeze %dma_start3A_58 : memref<1x1x2x25x80xi32, #tpu.memory_space<hbm>> -> memref<2x25x80xi32, #tpu.memory_space<hbm>>
      tpu.enqueue_dma source(%dma_start3A_59 : memref<2x25x80xi32, #tpu.memory_space<hbm>>) target(%arg6 : memref<2x25x80xi32, #tpu.memory_space<vmem>>) target_semaphore(%run_scoped3A_50 : memref<!tpu.dma_semaphore, #tpu.memory_space<semaphore_mem>>)
      %dma_wait3A = arith.constant 0 : i32
      %dma_wait3A_60 = arith.constant 0 : i32
      %dma_wait3A_61 = arith.constant 0 : i32
      %dma_wait3A_62 = tpu.memref_slice %arg3[%add3A, %run_scoped3A, %dma_wait3A, %dma_wait3A_60, %dma_wait3A_61] : memref<32x5x2x25x80xi32, #tpu.memory_space<hbm>> -> memref<1x1x2x25x80xi32, #tpu.memory_space<hbm>>
      %dma_wait3A_63 = tpu.memref_squeeze %dma_wait3A_62 : memref<1x1x2x25x80xi32, #tpu.memory_space<hbm>> -> memref<2x25x80xi32, #tpu.memory_space<hbm>>
      %dma_wait3A_64 = arith.constant 0 : i32
      %dma_wait3A_65 = arith.constant 0 : i32
      %dma_wait3A_66 = arith.constant 0 : i32
      %dma_wait3A_67 = tpu.memref_slice %arg3[%add3A, %run_scoped3A, %dma_wait3A_64, %dma_wait3A_65, %dma_wait3A_66] : memref<32x5x2x25x80xi32, #tpu.memory_space<hbm>> -> memref<1x1x2x25x80xi32, #tpu.memory_space<hbm>>
      %dma_wait3A_68 = tpu.memref_squeeze %dma_wait3A_67 : memref<1x1x2x25x80xi32, #tpu.memory_space<hbm>> -> memref<2x25x80xi32, #tpu.memory_space<hbm>>
      tpu.wait_dma2 semaphore(%run_scoped3A_50 : memref<!tpu.dma_semaphore, #tpu.memory_space<semaphore_mem>>) src(%dma_wait3A_68 : memref<2x25x80xi32, #tpu.memory_space<hbm>>) dst(%arg6 : memref<2x25x80xi32, #tpu.memory_space<vmem>>)
      tpu.yield
    }) : () -> ()
    %scan3A = arith.constant 0 : i32
    %scan3A_7 = arith.constant 0 : i32
    %scan3A_8 = arith.constant 8 : i32
    %scan3A_9 = arith.addi %scan3A_7, %scan3A_8 : i32
    %scan3A_10 = arith.constant 1 : i32
    scf.for %scan3A_50 = %scan3A_7 to %scan3A_9 step %scan3A_10  : i32 {
      %mul3A_51 = arith.constant 4 : i32
      %mul3A_52 = arith.muli %mul3A_51, %scan3A_50 : i32
      %add3A_53 = arith.constant 0 : i32
      %add3A_54 = arith.addi %mul3A_52, %add3A_53 : i32
      %sub3A = arith.constant 3 : i32
      %sub3A_55 = arith.subi %add3A_54, %sub3A : i32
      %max3A = arith.constant 0 : i32
      %max3A_56 = arith.maxsi %sub3A_55, %max3A : i32
      %sub3A_57 = arith.constant 4 : i32
      %sub3A_58 = arith.subi %add3A_54, %sub3A_57 : i32
      %max3A_59 = arith.constant 0 : i32
      %max3A_60 = arith.maxsi %sub3A_58, %max3A_59 : i32
      %ge3A = arith.constant 4 : i32
      %ge3A_61 = arith.cmpi sge, %add3A_54, %ge3A : i32
      %le3A = arith.constant 28 : i32
      %le3A_62 = arith.cmpi sle, %add3A_54, %le3A : i32
      %and3A = arith.andi %ge3A_61, %le3A_62 : i1
      %convert_element_type3A_63 = arith.extui %and3A : i1 to i32
      %cond3A_64 = arith.constant 0 : i32
      %cond3A_65 = arith.cmpi ne, %convert_element_type3A_63, %cond3A_64 : i32
      scf.if %cond3A_65 {
        %dma_wait3A = arith.constant 1 : i32
        %dma_wait3A_178 = arith.constant 0 : i32
        %dma_wait3A_179 = tpu.memref_slice %arg6[%dma_wait3A, %max3A_60, %dma_wait3A_178] : memref<2x25x80xi32, #tpu.memory_space<vmem>> -> memref<1x1x80xi32, #tpu.memory_space<vmem>>
        %dma_wait3A_180 = tpu.memref_squeeze %dma_wait3A_179 : memref<1x1x80xi32, #tpu.memory_space<vmem>> -> memref<80xi32, #tpu.memory_space<vmem>>
        %dma_wait3A_181 = arith.constant 0 : i32
        %dma_wait3A_182 = arith.constant 0 : i32
        %dma_wait3A_183 = tpu.memref_slice %arg11[%dma_wait3A_181, %dma_wait3A_182] : memref<10000x128xf32, #tpu.memory_space<vmem_shared>> -> memref<10000x128xf32, #tpu.memory_space<vmem_shared>>
        tpu.wait_indirect_dma semaphore(%arg16 : memref<!tpu.dma_semaphore, #tpu.memory_space<semaphore_mem>>) src(%arg7 : memref<80x128xf32, #tpu.memory_space<vmem>>) dst(%dma_wait3A_183 : memref<10000x128xf32, #tpu.memory_space<vmem_shared>>)
      } else {
      }
      %le3A_66 = arith.constant 24 : i32
      %le3A_67 = arith.cmpi sle, %add3A_54, %le3A_66 : i32
      %convert_element_type3A_68 = arith.extui %le3A_67 : i1 to i32
      %cond3A_69 = arith.constant 0 : i32
      %cond3A_70 = arith.cmpi ne, %convert_element_type3A_68, %cond3A_69 : i32
      scf.if %cond3A_70 {
        %dma_start3A = arith.constant 0 : i32
        %dma_start3A_178 = arith.constant 0 : i32
        %dma_start3A_179 = tpu.memref_slice %arg6[%dma_start3A, %add3A_54, %dma_start3A_178] : memref<2x25x80xi32, #tpu.memory_space<vmem>> -> memref<1x1x80xi32, #tpu.memory_space<vmem>>
        %dma_start3A_180 = tpu.memref_squeeze %dma_start3A_179 : memref<1x1x80xi32, #tpu.memory_space<vmem>> -> memref<80xi32, #tpu.memory_space<vmem>>
        %dma_start3A_181 = arith.constant 0 : i32
        %dma_start3A_182 = arith.constant 0 : i32
        %dma_start3A_183 = tpu.memref_slice %arg2[%dma_start3A_181, %dma_start3A_182] : memref<10000x128xf32, #tpu.memory_space<hbm>> -> memref<10000x128xf32, #tpu.memory_space<hbm>>
        tpu.enqueue_indirect_dma source(%dma_start3A_183 : memref<10000x128xf32, #tpu.memory_space<hbm>>) target(%arg7 : memref<80x128xf32, #tpu.memory_space<vmem>>) offsets(%dma_start3A_180 : memref<80xi32, #tpu.memory_space<vmem>>) semaphore(%arg12 : memref<!tpu.dma_semaphore, #tpu.memory_space<semaphore_mem>>)
      } else {
      }
      %ge3A_71 = arith.constant 3 : i32
      %ge3A_72 = arith.cmpi sge, %add3A_54, %ge3A_71 : i32
      %le3A_73 = arith.constant 27 : i32
      %le3A_74 = arith.cmpi sle, %add3A_54, %le3A_73 : i32
      %and3A_75 = arith.andi %ge3A_72, %le3A_74 : i1
      %convert_element_type3A_76 = arith.extui %and3A_75 : i1 to i32
      %cond3A_77 = arith.constant 0 : i32
      %cond3A_78 = arith.cmpi ne, %convert_element_type3A_76, %cond3A_77 : i32
      scf.if %cond3A_78 {
        %dma_wait3A = arith.constant 0 : i32
        %dma_wait3A_178 = arith.constant 0 : i32
        %dma_wait3A_179 = tpu.memref_slice %arg6[%dma_wait3A, %max3A_56, %dma_wait3A_178] : memref<2x25x80xi32, #tpu.memory_space<vmem>> -> memref<1x1x80xi32, #tpu.memory_space<vmem>>
        %dma_wait3A_180 = tpu.memref_squeeze %dma_wait3A_179 : memref<1x1x80xi32, #tpu.memory_space<vmem>> -> memref<80xi32, #tpu.memory_space<vmem>>
        %dma_wait3A_181 = arith.constant 0 : i32
        %dma_wait3A_182 = arith.constant 0 : i32
        %dma_wait3A_183 = tpu.memref_slice %arg2[%dma_wait3A_181, %dma_wait3A_182] : memref<10000x128xf32, #tpu.memory_space<hbm>> -> memref<10000x128xf32, #tpu.memory_space<hbm>>
        tpu.wait_indirect_dma semaphore(%arg13 : memref<!tpu.dma_semaphore, #tpu.memory_space<semaphore_mem>>) src(%dma_wait3A_183 : memref<10000x128xf32, #tpu.memory_space<hbm>>) dst(%arg8 : memref<80x128xf32, #tpu.memory_space<vmem>>)
        %dma_start3A = arith.constant 1 : i32
        %dma_start3A_184 = arith.constant 0 : i32
        %dma_start3A_185 = tpu.memref_slice %arg6[%dma_start3A, %max3A_56, %dma_start3A_184] : memref<2x25x80xi32, #tpu.memory_space<vmem>> -> memref<1x1x80xi32, #tpu.memory_space<vmem>>
        %dma_start3A_186 = tpu.memref_squeeze %dma_start3A_185 : memref<1x1x80xi32, #tpu.memory_space<vmem>> -> memref<80xi32, #tpu.memory_space<vmem>>
        %dma_start3A_187 = arith.constant 0 : i32
        %dma_start3A_188 = arith.constant 0 : i32
        %dma_start3A_189 = tpu.memref_slice %arg11[%dma_start3A_187, %dma_start3A_188] : memref<10000x128xf32, #tpu.memory_space<vmem_shared>> -> memref<10000x128xf32, #tpu.memory_space<vmem_shared>>
        tpu.enqueue_indirect_dma source(%arg8 : memref<80x128xf32, #tpu.memory_space<vmem>>) target(%dma_start3A_189 : memref<10000x128xf32, #tpu.memory_space<vmem_shared>>) offsets(%dma_start3A_186 : memref<80xi32, #tpu.memory_space<vmem>>) semaphore(%arg17 : memref<!tpu.dma_semaphore, #tpu.memory_space<semaphore_mem>>) {add = true}
      } else {
      }
      %mul3A_79 = arith.constant 4 : i32
      %mul3A_80 = arith.muli %mul3A_79, %scan3A_50 : i32
      %add3A_81 = arith.constant 1 : i32
      %add3A_82 = arith.addi %mul3A_80, %add3A_81 : i32
      %sub3A_83 = arith.constant 3 : i32
      %sub3A_84 = arith.subi %add3A_82, %sub3A_83 : i32
      %max3A_85 = arith.constant 0 : i32
      %max3A_86 = arith.maxsi %sub3A_84, %max3A_85 : i32
      %sub3A_87 = arith.constant 4 : i32
      %sub3A_88 = arith.subi %add3A_82, %sub3A_87 : i32
      %max3A_89 = arith.constant 0 : i32
      %max3A_90 = arith.maxsi %sub3A_88, %max3A_89 : i32
      %ge3A_91 = arith.constant 4 : i32
      %ge3A_92 = arith.cmpi sge, %add3A_82, %ge3A_91 : i32
      %le3A_93 = arith.constant 28 : i32
      %le3A_94 = arith.cmpi sle, %add3A_82, %le3A_93 : i32
      %and3A_95 = arith.andi %ge3A_92, %le3A_94 : i1
      %convert_element_type3A_96 = arith.extui %and3A_95 : i1 to i32
      %cond3A_97 = arith.constant 0 : i32
      %cond3A_98 = arith.cmpi ne, %convert_element_type3A_96, %cond3A_97 : i32
      scf.if %cond3A_98 {
        %dma_wait3A = arith.constant 1 : i32
        %dma_wait3A_178 = arith.constant 0 : i32
        %dma_wait3A_179 = tpu.memref_slice %arg6[%dma_wait3A, %max3A_90, %dma_wait3A_178] : memref<2x25x80xi32, #tpu.memory_space<vmem>> -> memref<1x1x80xi32, #tpu.memory_space<vmem>>
        %dma_wait3A_180 = tpu.memref_squeeze %dma_wait3A_179 : memref<1x1x80xi32, #tpu.memory_space<vmem>> -> memref<80xi32, #tpu.memory_space<vmem>>
        %dma_wait3A_181 = arith.constant 0 : i32
        %dma_wait3A_182 = arith.constant 0 : i32
        %dma_wait3A_183 = tpu.memref_slice %arg11[%dma_wait3A_181, %dma_wait3A_182] : memref<10000x128xf32, #tpu.memory_space<vmem_shared>> -> memref<10000x128xf32, #tpu.memory_space<vmem_shared>>
        tpu.wait_indirect_dma semaphore(%arg17 : memref<!tpu.dma_semaphore, #tpu.memory_space<semaphore_mem>>) src(%arg8 : memref<80x128xf32, #tpu.memory_space<vmem>>) dst(%dma_wait3A_183 : memref<10000x128xf32, #tpu.memory_space<vmem_shared>>)
      } else {
      }
      %le3A_99 = arith.constant 24 : i32
      %le3A_100 = arith.cmpi sle, %add3A_82, %le3A_99 : i32
      %convert_element_type3A_101 = arith.extui %le3A_100 : i1 to i32
      %cond3A_102 = arith.constant 0 : i32
      %cond3A_103 = arith.cmpi ne, %convert_element_type3A_101, %cond3A_102 : i32
      scf.if %cond3A_103 {
        %dma_start3A = arith.constant 0 : i32
        %dma_start3A_178 = arith.constant 0 : i32
        %dma_start3A_179 = tpu.memref_slice %arg6[%dma_start3A, %add3A_82, %dma_start3A_178] : memref<2x25x80xi32, #tpu.memory_space<vmem>> -> memref<1x1x80xi32, #tpu.memory_space<vmem>>
        %dma_start3A_180 = tpu.memref_squeeze %dma_start3A_179 : memref<1x1x80xi32, #tpu.memory_space<vmem>> -> memref<80xi32, #tpu.memory_space<vmem>>
        %dma_start3A_181 = arith.constant 0 : i32
        %dma_start3A_182 = arith.constant 0 : i32
        %dma_start3A_183 = tpu.memref_slice %arg2[%dma_start3A_181, %dma_start3A_182] : memref<10000x128xf32, #tpu.memory_space<hbm>> -> memref<10000x128xf32, #tpu.memory_space<hbm>>
        tpu.enqueue_indirect_dma source(%dma_start3A_183 : memref<10000x128xf32, #tpu.memory_space<hbm>>) target(%arg8 : memref<80x128xf32, #tpu.memory_space<vmem>>) offsets(%dma_start3A_180 : memref<80xi32, #tpu.memory_space<vmem>>) semaphore(%arg13 : memref<!tpu.dma_semaphore, #tpu.memory_space<semaphore_mem>>)
      } else {
      }
      %ge3A_104 = arith.constant 3 : i32
      %ge3A_105 = arith.cmpi sge, %add3A_82, %ge3A_104 : i32
      %le3A_106 = arith.constant 27 : i32
      %le3A_107 = arith.cmpi sle, %add3A_82, %le3A_106 : i32
      %and3A_108 = arith.andi %ge3A_105, %le3A_107 : i1
      %convert_element_type3A_109 = arith.extui %and3A_108 : i1 to i32
      %cond3A_110 = arith.constant 0 : i32
      %cond3A_111 = arith.cmpi ne, %convert_element_type3A_109, %cond3A_110 : i32
      scf.if %cond3A_111 {
        %dma_wait3A = arith.constant 0 : i32
        %dma_wait3A_178 = arith.constant 0 : i32
        %dma_wait3A_179 = tpu.memref_slice %arg6[%dma_wait3A, %max3A_86, %dma_wait3A_178] : memref<2x25x80xi32, #tpu.memory_space<vmem>> -> memref<1x1x80xi32, #tpu.memory_space<vmem>>
        %dma_wait3A_180 = tpu.memref_squeeze %dma_wait3A_179 : memref<1x1x80xi32, #tpu.memory_space<vmem>> -> memref<80xi32, #tpu.memory_space<vmem>>
        %dma_wait3A_181 = arith.constant 0 : i32
        %dma_wait3A_182 = arith.constant 0 : i32
        %dma_wait3A_183 = tpu.memref_slice %arg2[%dma_wait3A_181, %dma_wait3A_182] : memref<10000x128xf32, #tpu.memory_space<hbm>> -> memref<10000x128xf32, #tpu.memory_space<hbm>>
        tpu.wait_indirect_dma semaphore(%arg14 : memref<!tpu.dma_semaphore, #tpu.memory_space<semaphore_mem>>) src(%dma_wait3A_183 : memref<10000x128xf32, #tpu.memory_space<hbm>>) dst(%arg9 : memref<80x128xf32, #tpu.memory_space<vmem>>)
        %dma_start3A = arith.constant 1 : i32
        %dma_start3A_184 = arith.constant 0 : i32
        %dma_start3A_185 = tpu.memref_slice %arg6[%dma_start3A, %max3A_86, %dma_start3A_184] : memref<2x25x80xi32, #tpu.memory_space<vmem>> -> memref<1x1x80xi32, #tpu.memory_space<vmem>>
        %dma_start3A_186 = tpu.memref_squeeze %dma_start3A_185 : memref<1x1x80xi32, #tpu.memory_space<vmem>> -> memref<80xi32, #tpu.memory_space<vmem>>
        %dma_start3A_187 = arith.constant 0 : i32
        %dma_start3A_188 = arith.constant 0 : i32
        %dma_start3A_189 = tpu.memref_slice %arg11[%dma_start3A_187, %dma_start3A_188] : memref<10000x128xf32, #tpu.memory_space<vmem_shared>> -> memref<10000x128xf32, #tpu.memory_space<vmem_shared>>
        tpu.enqueue_indirect_dma source(%arg9 : memref<80x128xf32, #tpu.memory_space<vmem>>) target(%dma_start3A_189 : memref<10000x128xf32, #tpu.memory_space<vmem_shared>>) offsets(%dma_start3A_186 : memref<80xi32, #tpu.memory_space<vmem>>) semaphore(%arg18 : memref<!tpu.dma_semaphore, #tpu.memory_space<semaphore_mem>>) {add = true}
      } else {
      }
      %mul3A_112 = arith.constant 4 : i32
      %mul3A_113 = arith.muli %mul3A_112, %scan3A_50 : i32
      %add3A_114 = arith.constant 2 : i32
      %add3A_115 = arith.addi %mul3A_113, %add3A_114 : i32
      %sub3A_116 = arith.constant 3 : i32
      %sub3A_117 = arith.subi %add3A_115, %sub3A_116 : i32
      %max3A_118 = arith.constant 0 : i32
      %max3A_119 = arith.maxsi %sub3A_117, %max3A_118 : i32
      %sub3A_120 = arith.constant 4 : i32
      %sub3A_121 = arith.subi %add3A_115, %sub3A_120 : i32
      %max3A_122 = arith.constant 0 : i32
      %max3A_123 = arith.maxsi %sub3A_121, %max3A_122 : i32
      %ge3A_124 = arith.constant 4 : i32
      %ge3A_125 = arith.cmpi sge, %add3A_115, %ge3A_124 : i32
      %le3A_126 = arith.constant 28 : i32
      %le3A_127 = arith.cmpi sle, %add3A_115, %le3A_126 : i32
      %and3A_128 = arith.andi %ge3A_125, %le3A_127 : i1
      %convert_element_type3A_129 = arith.extui %and3A_128 : i1 to i32
      %cond3A_130 = arith.constant 0 : i32
      %cond3A_131 = arith.cmpi ne, %convert_element_type3A_129, %cond3A_130 : i32
      scf.if %cond3A_131 {
        %dma_wait3A = arith.constant 1 : i32
        %dma_wait3A_178 = arith.constant 0 : i32
        %dma_wait3A_179 = tpu.memref_slice %arg6[%dma_wait3A, %max3A_123, %dma_wait3A_178] : memref<2x25x80xi32, #tpu.memory_space<vmem>> -> memref<1x1x80xi32, #tpu.memory_space<vmem>>
        %dma_wait3A_180 = tpu.memref_squeeze %dma_wait3A_179 : memref<1x1x80xi32, #tpu.memory_space<vmem>> -> memref<80xi32, #tpu.memory_space<vmem>>
        %dma_wait3A_181 = arith.constant 0 : i32
        %dma_wait3A_182 = arith.constant 0 : i32
        %dma_wait3A_183 = tpu.memref_slice %arg11[%dma_wait3A_181, %dma_wait3A_182] : memref<10000x128xf32, #tpu.memory_space<vmem_shared>> -> memref<10000x128xf32, #tpu.memory_space<vmem_shared>>
        tpu.wait_indirect_dma semaphore(%arg18 : memref<!tpu.dma_semaphore, #tpu.memory_space<semaphore_mem>>) src(%arg9 : memref<80x128xf32, #tpu.memory_space<vmem>>) dst(%dma_wait3A_183 : memref<10000x128xf32, #tpu.memory_space<vmem_shared>>)
      } else {
      }
      %le3A_132 = arith.constant 24 : i32
      %le3A_133 = arith.cmpi sle, %add3A_115, %le3A_132 : i32
      %convert_element_type3A_134 = arith.extui %le3A_133 : i1 to i32
      %cond3A_135 = arith.constant 0 : i32
      %cond3A_136 = arith.cmpi ne, %convert_element_type3A_134, %cond3A_135 : i32
      scf.if %cond3A_136 {
        %dma_start3A = arith.constant 0 : i32
        %dma_start3A_178 = arith.constant 0 : i32
        %dma_start3A_179 = tpu.memref_slice %arg6[%dma_start3A, %add3A_115, %dma_start3A_178] : memref<2x25x80xi32, #tpu.memory_space<vmem>> -> memref<1x1x80xi32, #tpu.memory_space<vmem>>
        %dma_start3A_180 = tpu.memref_squeeze %dma_start3A_179 : memref<1x1x80xi32, #tpu.memory_space<vmem>> -> memref<80xi32, #tpu.memory_space<vmem>>
        %dma_start3A_181 = arith.constant 0 : i32
        %dma_start3A_182 = arith.constant 0 : i32
        %dma_start3A_183 = tpu.memref_slice %arg2[%dma_start3A_181, %dma_start3A_182] : memref<10000x128xf32, #tpu.memory_space<hbm>> -> memref<10000x128xf32, #tpu.memory_space<hbm>>
        tpu.enqueue_indirect_dma source(%dma_start3A_183 : memref<10000x128xf32, #tpu.memory_space<hbm>>) target(%arg9 : memref<80x128xf32, #tpu.memory_space<vmem>>) offsets(%dma_start3A_180 : memref<80xi32, #tpu.memory_space<vmem>>) semaphore(%arg14 : memref<!tpu.dma_semaphore, #tpu.memory_space<semaphore_mem>>)
      } else {
      }
      %ge3A_137 = arith.constant 3 : i32
      %ge3A_138 = arith.cmpi sge, %add3A_115, %ge3A_137 : i32
      %le3A_139 = arith.constant 27 : i32
      %le3A_140 = arith.cmpi sle, %add3A_115, %le3A_139 : i32
      %and3A_141 = arith.andi %ge3A_138, %le3A_140 : i1
      %convert_element_type3A_142 = arith.extui %and3A_141 : i1 to i32
      %cond3A_143 = arith.constant 0 : i32
      %cond3A_144 = arith.cmpi ne, %convert_element_type3A_142, %cond3A_143 : i32
      scf.if %cond3A_144 {
        %dma_wait3A = arith.constant 0 : i32
        %dma_wait3A_178 = arith.constant 0 : i32
        %dma_wait3A_179 = tpu.memref_slice %arg6[%dma_wait3A, %max3A_119, %dma_wait3A_178] : memref<2x25x80xi32, #tpu.memory_space<vmem>> -> memref<1x1x80xi32, #tpu.memory_space<vmem>>
        %dma_wait3A_180 = tpu.memref_squeeze %dma_wait3A_179 : memref<1x1x80xi32, #tpu.memory_space<vmem>> -> memref<80xi32, #tpu.memory_space<vmem>>
        %dma_wait3A_181 = arith.constant 0 : i32
        %dma_wait3A_182 = arith.constant 0 : i32
        %dma_wait3A_183 = tpu.memref_slice %arg2[%dma_wait3A_181, %dma_wait3A_182] : memref<10000x128xf32, #tpu.memory_space<hbm>> -> memref<10000x128xf32, #tpu.memory_space<hbm>>
        tpu.wait_indirect_dma semaphore(%arg15 : memref<!tpu.dma_semaphore, #tpu.memory_space<semaphore_mem>>) src(%dma_wait3A_183 : memref<10000x128xf32, #tpu.memory_space<hbm>>) dst(%arg10 : memref<80x128xf32, #tpu.memory_space<vmem>>)
        %dma_start3A = arith.constant 1 : i32
        %dma_start3A_184 = arith.constant 0 : i32
        %dma_start3A_185 = tpu.memref_slice %arg6[%dma_start3A, %max3A_119, %dma_start3A_184] : memref<2x25x80xi32, #tpu.memory_space<vmem>> -> memref<1x1x80xi32, #tpu.memory_space<vmem>>
        %dma_start3A_186 = tpu.memref_squeeze %dma_start3A_185 : memref<1x1x80xi32, #tpu.memory_space<vmem>> -> memref<80xi32, #tpu.memory_space<vmem>>
        %dma_start3A_187 = arith.constant 0 : i32
        %dma_start3A_188 = arith.constant 0 : i32
        %dma_start3A_189 = tpu.memref_slice %arg11[%dma_start3A_187, %dma_start3A_188] : memref<10000x128xf32, #tpu.memory_space<vmem_shared>> -> memref<10000x128xf32, #tpu.memory_space<vmem_shared>>
        tpu.enqueue_indirect_dma source(%arg10 : memref<80x128xf32, #tpu.memory_space<vmem>>) target(%dma_start3A_189 : memref<10000x128xf32, #tpu.memory_space<vmem_shared>>) offsets(%dma_start3A_186 : memref<80xi32, #tpu.memory_space<vmem>>) semaphore(%arg19 : memref<!tpu.dma_semaphore, #tpu.memory_space<semaphore_mem>>) {add = true}
      } else {
      }
      %mul3A_145 = arith.constant 4 : i32
      %mul3A_146 = arith.muli %mul3A_145, %scan3A_50 : i32
      %add3A_147 = arith.constant 3 : i32
      %add3A_148 = arith.addi %mul3A_146, %add3A_147 : i32
      %sub3A_149 = arith.constant 3 : i32
      %sub3A_150 = arith.subi %add3A_148, %sub3A_149 : i32
      %max3A_151 = arith.constant 0 : i32
      %max3A_152 = arith.maxsi %sub3A_150, %max3A_151 : i32
      %sub3A_153 = arith.constant 4 : i32
      %sub3A_154 = arith.subi %add3A_148, %sub3A_153 : i32
      %max3A_155 = arith.constant 0 : i32
      %max3A_156 = arith.maxsi %sub3A_154, %max3A_155 : i32
      %ge3A_157 = arith.constant 4 : i32
      %ge3A_158 = arith.cmpi sge, %add3A_148, %ge3A_157 : i32
      %le3A_159 = arith.constant 28 : i32
      %le3A_160 = arith.cmpi sle, %add3A_148, %le3A_159 : i32
      %and3A_161 = arith.andi %ge3A_158, %le3A_160 : i1
      %convert_element_type3A_162 = arith.extui %and3A_161 : i1 to i32
      %cond3A_163 = arith.constant 0 : i32
      %cond3A_164 = arith.cmpi ne, %convert_element_type3A_162, %cond3A_163 : i32
      scf.if %cond3A_164 {
        %dma_wait3A = arith.constant 1 : i32
        %dma_wait3A_178 = arith.constant 0 : i32
        %dma_wait3A_179 = tpu.memref_slice %arg6[%dma_wait3A, %max3A_156, %dma_wait3A_178] : memref<2x25x80xi32, #tpu.memory_space<vmem>> -> memref<1x1x80xi32, #tpu.memory_space<vmem>>
        %dma_wait3A_180 = tpu.memref_squeeze %dma_wait3A_179 : memref<1x1x80xi32, #tpu.memory_space<vmem>> -> memref<80xi32, #tpu.memory_space<vmem>>
        %dma_wait3A_181 = arith.constant 0 : i32
        %dma_wait3A_182 = arith.constant 0 : i32
        %dma_wait3A_183 = tpu.memref_slice %arg11[%dma_wait3A_181, %dma_wait3A_182] : memref<10000x128xf32, #tpu.memory_space<vmem_shared>> -> memref<10000x128xf32, #tpu.memory_space<vmem_shared>>
        tpu.wait_indirect_dma semaphore(%arg19 : memref<!tpu.dma_semaphore, #tpu.memory_space<semaphore_mem>>) src(%arg10 : memref<80x128xf32, #tpu.memory_space<vmem>>) dst(%dma_wait3A_183 : memref<10000x128xf32, #tpu.memory_space<vmem_shared>>)
      } else {
      }
      %le3A_165 = arith.constant 24 : i32
      %le3A_166 = arith.cmpi sle, %add3A_148, %le3A_165 : i32
      %convert_element_type3A_167 = arith.extui %le3A_166 : i1 to i32
      %cond3A_168 = arith.constant 0 : i32
      %cond3A_169 = arith.cmpi ne, %convert_element_type3A_167, %cond3A_168 : i32
      scf.if %cond3A_169 {
        %dma_start3A = arith.constant 0 : i32
        %dma_start3A_178 = arith.constant 0 : i32
        %dma_start3A_179 = tpu.memref_slice %arg6[%dma_start3A, %add3A_148, %dma_start3A_178] : memref<2x25x80xi32, #tpu.memory_space<vmem>> -> memref<1x1x80xi32, #tpu.memory_space<vmem>>
        %dma_start3A_180 = tpu.memref_squeeze %dma_start3A_179 : memref<1x1x80xi32, #tpu.memory_space<vmem>> -> memref<80xi32, #tpu.memory_space<vmem>>
        %dma_start3A_181 = arith.constant 0 : i32
        %dma_start3A_182 = arith.constant 0 : i32
        %dma_start3A_183 = tpu.memref_slice %arg2[%dma_start3A_181, %dma_start3A_182] : memref<10000x128xf32, #tpu.memory_space<hbm>> -> memref<10000x128xf32, #tpu.memory_space<hbm>>
        tpu.enqueue_indirect_dma source(%dma_start3A_183 : memref<10000x128xf32, #tpu.memory_space<hbm>>) target(%arg10 : memref<80x128xf32, #tpu.memory_space<vmem>>) offsets(%dma_start3A_180 : memref<80xi32, #tpu.memory_space<vmem>>) semaphore(%arg15 : memref<!tpu.dma_semaphore, #tpu.memory_space<semaphore_mem>>)
      } else {
      }
      %ge3A_170 = arith.constant 3 : i32
      %ge3A_171 = arith.cmpi sge, %add3A_148, %ge3A_170 : i32
      %le3A_172 = arith.constant 27 : i32
      %le3A_173 = arith.cmpi sle, %add3A_148, %le3A_172 : i32
      %and3A_174 = arith.andi %ge3A_171, %le3A_173 : i1
      %convert_element_type3A_175 = arith.extui %and3A_174 : i1 to i32
      %cond3A_176 = arith.constant 0 : i32
      %cond3A_177 = arith.cmpi ne, %convert_element_type3A_175, %cond3A_176 : i32
      scf.if %cond3A_177 {
        %dma_wait3A = arith.constant 0 : i32
        %dma_wait3A_178 = arith.constant 0 : i32
        %dma_wait3A_179 = tpu.memref_slice %arg6[%dma_wait3A, %max3A_152, %dma_wait3A_178] : memref<2x25x80xi32, #tpu.memory_space<vmem>> -> memref<1x1x80xi32, #tpu.memory_space<vmem>>
        %dma_wait3A_180 = tpu.memref_squeeze %dma_wait3A_179 : memref<1x1x80xi32, #tpu.memory_space<vmem>> -> memref<80xi32, #tpu.memory_space<vmem>>
        %dma_wait3A_181 = arith.constant 0 : i32
        %dma_wait3A_182 = arith.constant 0 : i32
        %dma_wait3A_183 = tpu.memref_slice %arg2[%dma_wait3A_181, %dma_wait3A_182] : memref<10000x128xf32, #tpu.memory_space<hbm>> -> memref<10000x128xf32, #tpu.memory_space<hbm>>
        tpu.wait_indirect_dma semaphore(%arg12 : memref<!tpu.dma_semaphore, #tpu.memory_space<semaphore_mem>>) src(%dma_wait3A_183 : memref<10000x128xf32, #tpu.memory_space<hbm>>) dst(%arg7 : memref<80x128xf32, #tpu.memory_space<vmem>>)
        %dma_start3A = arith.constant 1 : i32
        %dma_start3A_184 = arith.constant 0 : i32
        %dma_start3A_185 = tpu.memref_slice %arg6[%dma_start3A, %max3A_152, %dma_start3A_184] : memref<2x25x80xi32, #tpu.memory_space<vmem>> -> memref<1x1x80xi32, #tpu.memory_space<vmem>>
        %dma_start3A_186 = tpu.memref_squeeze %dma_start3A_185 : memref<1x1x80xi32, #tpu.memory_space<vmem>> -> memref<80xi32, #tpu.memory_space<vmem>>
        %dma_start3A_187 = arith.constant 0 : i32
        %dma_start3A_188 = arith.constant 0 : i32
        %dma_start3A_189 = tpu.memref_slice %arg11[%dma_start3A_187, %dma_start3A_188] : memref<10000x128xf32, #tpu.memory_space<vmem_shared>> -> memref<10000x128xf32, #tpu.memory_space<vmem_shared>>
        tpu.enqueue_indirect_dma source(%arg7 : memref<80x128xf32, #tpu.memory_space<vmem>>) target(%dma_start3A_189 : memref<10000x128xf32, #tpu.memory_space<vmem_shared>>) offsets(%dma_start3A_186 : memref<80xi32, #tpu.memory_space<vmem>>) semaphore(%arg16 : memref<!tpu.dma_semaphore, #tpu.memory_space<semaphore_mem>>) {add = true}
      } else {
      }
    }
    %scan3A_11 = arith.constant 8 : i32
    %run_scoped3A_12 = arith.constant 1 : i32
    "tpu.region"() ({
      %run_scoped3A_50 = tpu.sem_alloc : memref<!tpu.dma_semaphore, #tpu.memory_space<semaphore_mem>>
      %dma_start3A = arith.constant 0 : i32
      %dma_start3A_51 = arith.constant 0 : i32
      %dma_start3A_52 = arith.constant 0 : i32
      %dma_start3A_53 = tpu.memref_slice %arg3[%add3A, %run_scoped3A_12, %dma_start3A, %dma_start3A_51, %dma_start3A_52] : memref<32x5x2x25x80xi32, #tpu.memory_space<hbm>> -> memref<1x1x2x25x80xi32, #tpu.memory_space<hbm>>
      %dma_start3A_54 = tpu.memref_squeeze %dma_start3A_53 : memref<1x1x2x25x80xi32, #tpu.memory_space<hbm>> -> memref<2x25x80xi32, #tpu.memory_space<hbm>>
      %dma_start3A_55 = arith.constant 0 : i32
      %dma_start3A_56 = arith.constant 0 : i32
      %dma_start3A_57 = arith.constant 0 : i32
      %dma_start3A_58 = tpu.memref_slice %arg3[%add3A, %run_scoped3A_12, %dma_start3A_55, %dma_start3A_56, %dma_start3A_57] : memref<32x5x2x25x80xi32, #tpu.memory_space<hbm>> -> memref<1x1x2x25x80xi32, #tpu.memory_space<hbm>>
      %dma_start3A_59 = tpu.memref_squeeze %dma_start3A_58 : memref<1x1x2x25x80xi32, #tpu.memory_space<hbm>> -> memref<2x25x80xi32, #tpu.memory_space<hbm>>
      tpu.enqueue_dma source(%dma_start3A_59 : memref<2x25x80xi32, #tpu.memory_space<hbm>>) target(%arg6 : memref<2x25x80xi32, #tpu.memory_space<vmem>>) target_semaphore(%run_scoped3A_50 : memref<!tpu.dma_semaphore, #tpu.memory_space<semaphore_mem>>)
      %dma_wait3A = arith.constant 0 : i32
      %dma_wait3A_60 = arith.constant 0 : i32
      %dma_wait3A_61 = arith.constant 0 : i32
      %dma_wait3A_62 = tpu.memref_slice %arg3[%add3A, %run_scoped3A_12, %dma_wait3A, %dma_wait3A_60, %dma_wait3A_61] : memref<32x5x2x25x80xi32, #tpu.memory_space<hbm>> -> memref<1x1x2x25x80xi32, #tpu.memory_space<hbm>>
      %dma_wait3A_63 = tpu.memref_squeeze %dma_wait3A_62 : memref<1x1x2x25x80xi32, #tpu.memory_space<hbm>> -> memref<2x25x80xi32, #tpu.memory_space<hbm>>
      %dma_wait3A_64 = arith.constant 0 : i32
      %dma_wait3A_65 = arith.constant 0 : i32
      %dma_wait3A_66 = arith.constant 0 : i32
      %dma_wait3A_67 = tpu.memref_slice %arg3[%add3A, %run_scoped3A_12, %dma_wait3A_64, %dma_wait3A_65, %dma_wait3A_66] : memref<32x5x2x25x80xi32, #tpu.memory_space<hbm>> -> memref<1x1x2x25x80xi32, #tpu.memory_space<hbm>>
      %dma_wait3A_68 = tpu.memref_squeeze %dma_wait3A_67 : memref<1x1x2x25x80xi32, #tpu.memory_space<hbm>> -> memref<2x25x80xi32, #tpu.memory_space<hbm>>
      tpu.wait_dma2 semaphore(%run_scoped3A_50 : memref<!tpu.dma_semaphore, #tpu.memory_space<semaphore_mem>>) src(%dma_wait3A_68 : memref<2x25x80xi32, #tpu.memory_space<hbm>>) dst(%arg6 : memref<2x25x80xi32, #tpu.memory_space<vmem>>)
      tpu.yield
    }) : () -> ()
    %scan3A_13 = arith.constant 0 : i32
    %scan3A_14 = arith.constant 0 : i32
    %scan3A_15 = arith.constant 8 : i32
    %scan3A_16 = arith.addi %scan3A_14, %scan3A_15 : i32
    %scan3A_17 = arith.constant 1 : i32
    scf.for %scan3A_50 = %scan3A_14 to %scan3A_16 step %scan3A_17  : i32 {
      %mul3A_51 = arith.constant 4 : i32
      %mul3A_52 = arith.muli %mul3A_51, %scan3A_50 : i32
      %add3A_53 = arith.constant 0 : i32
      %add3A_54 = arith.addi %mul3A_52, %add3A_53 : i32
      %sub3A = arith.constant 3 : i32
      %sub3A_55 = arith.subi %add3A_54, %sub3A : i32
      %max3A = arith.constant 0 : i32
      %max3A_56 = arith.maxsi %sub3A_55, %max3A : i32
      %sub3A_57 = arith.constant 4 : i32
      %sub3A_58 = arith.subi %add3A_54, %sub3A_57 : i32
      %max3A_59 = arith.constant 0 : i32
      %max3A_60 = arith.maxsi %sub3A_58, %max3A_59 : i32
      %ge3A = arith.constant 4 : i32
      %ge3A_61 = arith.cmpi sge, %add3A_54, %ge3A : i32
      %le3A = arith.constant 28 : i32
      %le3A_62 = arith.cmpi sle, %add3A_54, %le3A : i32
      %and3A = arith.andi %ge3A_61, %le3A_62 : i1
      %convert_element_type3A_63 = arith.extui %and3A : i1 to i32
      %cond3A_64 = arith.constant 0 : i32
      %cond3A_65 = arith.cmpi ne, %convert_element_type3A_63, %cond3A_64 : i32
      scf.if %cond3A_65 {
        %dma_wait3A = arith.constant 1 : i32
        %dma_wait3A_178 = arith.constant 0 : i32
        %dma_wait3A_179 = tpu.memref_slice %arg6[%dma_wait3A, %max3A_60, %dma_wait3A_178] : memref<2x25x80xi32, #tpu.memory_space<vmem>> -> memref<1x1x80xi32, #tpu.memory_space<vmem>>
        %dma_wait3A_180 = tpu.memref_squeeze %dma_wait3A_179 : memref<1x1x80xi32, #tpu.memory_space<vmem>> -> memref<80xi32, #tpu.memory_space<vmem>>
        %dma_wait3A_181 = arith.constant 0 : i32
        %dma_wait3A_182 = arith.constant 0 : i32
        %dma_wait3A_183 = tpu.memref_slice %arg11[%dma_wait3A_181, %dma_wait3A_182] : memref<10000x128xf32, #tpu.memory_space<vmem_shared>> -> memref<10000x128xf32, #tpu.memory_space<vmem_shared>>
        tpu.wait_indirect_dma semaphore(%arg16 : memref<!tpu.dma_semaphore, #tpu.memory_space<semaphore_mem>>) src(%arg7 : memref<80x128xf32, #tpu.memory_space<vmem>>) dst(%dma_wait3A_183 : memref<10000x128xf32, #tpu.memory_space<vmem_shared>>)
      } else {
      }
      %le3A_66 = arith.constant 24 : i32
      %le3A_67 = arith.cmpi sle, %add3A_54, %le3A_66 : i32
      %convert_element_type3A_68 = arith.extui %le3A_67 : i1 to i32
      %cond3A_69 = arith.constant 0 : i32
      %cond3A_70 = arith.cmpi ne, %convert_element_type3A_68, %cond3A_69 : i32
      scf.if %cond3A_70 {
        %dma_start3A = arith.constant 0 : i32
        %dma_start3A_178 = arith.constant 0 : i32
        %dma_start3A_179 = tpu.memref_slice %arg6[%dma_start3A, %add3A_54, %dma_start3A_178] : memref<2x25x80xi32, #tpu.memory_space<vmem>> -> memref<1x1x80xi32, #tpu.memory_space<vmem>>
        %dma_start3A_180 = tpu.memref_squeeze %dma_start3A_179 : memref<1x1x80xi32, #tpu.memory_space<vmem>> -> memref<80xi32, #tpu.memory_space<vmem>>
        %dma_start3A_181 = arith.constant 0 : i32
        %dma_start3A_182 = arith.constant 0 : i32
        %dma_start3A_183 = tpu.memref_slice %arg2[%dma_start3A_181, %dma_start3A_182] : memref<10000x128xf32, #tpu.memory_space<hbm>> -> memref<10000x128xf32, #tpu.memory_space<hbm>>
        tpu.enqueue_indirect_dma source(%dma_start3A_183 : memref<10000x128xf32, #tpu.memory_space<hbm>>) target(%arg7 : memref<80x128xf32, #tpu.memory_space<vmem>>) offsets(%dma_start3A_180 : memref<80xi32, #tpu.memory_space<vmem>>) semaphore(%arg12 : memref<!tpu.dma_semaphore, #tpu.memory_space<semaphore_mem>>)
      } else {
      }
      %ge3A_71 = arith.constant 3 : i32
      %ge3A_72 = arith.cmpi sge, %add3A_54, %ge3A_71 : i32
      %le3A_73 = arith.constant 27 : i32
      %le3A_74 = arith.cmpi sle, %add3A_54, %le3A_73 : i32
      %and3A_75 = arith.andi %ge3A_72, %le3A_74 : i1
      %convert_element_type3A_76 = arith.extui %and3A_75 : i1 to i32
      %cond3A_77 = arith.constant 0 : i32
      %cond3A_78 = arith.cmpi ne, %convert_element_type3A_76, %cond3A_77 : i32
      scf.if %cond3A_78 {
        %dma_wait3A = arith.constant 0 : i32
        %dma_wait3A_178 = arith.constant 0 : i32
        %dma_wait3A_179 = tpu.memref_slice %arg6[%dma_wait3A, %max3A_56, %dma_wait3A_178] : memref<2x25x80xi32, #tpu.memory_space<vmem>> -> memref<1x1x80xi32, #tpu.memory_space<vmem>>
        %dma_wait3A_180 = tpu.memref_squeeze %dma_wait3A_179 : memref<1x1x80xi32, #tpu.memory_space<vmem>> -> memref<80xi32, #tpu.memory_space<vmem>>
        %dma_wait3A_181 = arith.constant 0 : i32
        %dma_wait3A_182 = arith.constant 0 : i32
        %dma_wait3A_183 = tpu.memref_slice %arg2[%dma_wait3A_181, %dma_wait3A_182] : memref<10000x128xf32, #tpu.memory_space<hbm>> -> memref<10000x128xf32, #tpu.memory_space<hbm>>
        tpu.wait_indirect_dma semaphore(%arg13 : memref<!tpu.dma_semaphore, #tpu.memory_space<semaphore_mem>>) src(%dma_wait3A_183 : memref<10000x128xf32, #tpu.memory_space<hbm>>) dst(%arg8 : memref<80x128xf32, #tpu.memory_space<vmem>>)
        %dma_start3A = arith.constant 1 : i32
        %dma_start3A_184 = arith.constant 0 : i32
        %dma_start3A_185 = tpu.memref_slice %arg6[%dma_start3A, %max3A_56, %dma_start3A_184] : memref<2x25x80xi32, #tpu.memory_space<vmem>> -> memref<1x1x80xi32, #tpu.memory_space<vmem>>
        %dma_start3A_186 = tpu.memref_squeeze %dma_start3A_185 : memref<1x1x80xi32, #tpu.memory_space<vmem>> -> memref<80xi32, #tpu.memory_space<vmem>>
        %dma_start3A_187 = arith.constant 0 : i32
        %dma_start3A_188 = arith.constant 0 : i32
        %dma_start3A_189 = tpu.memref_slice %arg11[%dma_start3A_187, %dma_start3A_188] : memref<10000x128xf32, #tpu.memory_space<vmem_shared>> -> memref<10000x128xf32, #tpu.memory_space<vmem_shared>>
        tpu.enqueue_indirect_dma source(%arg8 : memref<80x128xf32, #tpu.memory_space<vmem>>) target(%dma_start3A_189 : memref<10000x128xf32, #tpu.memory_space<vmem_shared>>) offsets(%dma_start3A_186 : memref<80xi32, #tpu.memory_space<vmem>>) semaphore(%arg17 : memref<!tpu.dma_semaphore, #tpu.memory_space<semaphore_mem>>) {add = true}
      } else {
      }
      %mul3A_79 = arith.constant 4 : i32
      %mul3A_80 = arith.muli %mul3A_79, %scan3A_50 : i32
      %add3A_81 = arith.constant 1 : i32
      %add3A_82 = arith.addi %mul3A_80, %add3A_81 : i32
      %sub3A_83 = arith.constant 3 : i32
      %sub3A_84 = arith.subi %add3A_82, %sub3A_83 : i32
      %max3A_85 = arith.constant 0 : i32
      %max3A_86 = arith.maxsi %sub3A_84, %max3A_85 : i32
      %sub3A_87 = arith.constant 4 : i32
      %sub3A_88 = arith.subi %add3A_82, %sub3A_87 : i32
      %max3A_89 = arith.constant 0 : i32
      %max3A_90 = arith.maxsi %sub3A_88, %max3A_89 : i32
      %ge3A_91 = arith.constant 4 : i32
      %ge3A_92 = arith.cmpi sge, %add3A_82, %ge3A_91 : i32
      %le3A_93 = arith.constant 28 : i32
      %le3A_94 = arith.cmpi sle, %add3A_82, %le3A_93 : i32
      %and3A_95 = arith.andi %ge3A_92, %le3A_94 : i1
      %convert_element_type3A_96 = arith.extui %and3A_95 : i1 to i32
      %cond3A_97 = arith.constant 0 : i32
      %cond3A_98 = arith.cmpi ne, %convert_element_type3A_96, %cond3A_97 : i32
      scf.if %cond3A_98 {
        %dma_wait3A = arith.constant 1 : i32
        %dma_wait3A_178 = arith.constant 0 : i32
        %dma_wait3A_179 = tpu.memref_slice %arg6[%dma_wait3A, %max3A_90, %dma_wait3A_178] : memref<2x25x80xi32, #tpu.memory_space<vmem>> -> memref<1x1x80xi32, #tpu.memory_space<vmem>>
        %dma_wait3A_180 = tpu.memref_squeeze %dma_wait3A_179 : memref<1x1x80xi32, #tpu.memory_space<vmem>> -> memref<80xi32, #tpu.memory_space<vmem>>
        %dma_wait3A_181 = arith.constant 0 : i32
        %dma_wait3A_182 = arith.constant 0 : i32
        %dma_wait3A_183 = tpu.memref_slice %arg11[%dma_wait3A_181, %dma_wait3A_182] : memref<10000x128xf32, #tpu.memory_space<vmem_shared>> -> memref<10000x128xf32, #tpu.memory_space<vmem_shared>>
        tpu.wait_indirect_dma semaphore(%arg17 : memref<!tpu.dma_semaphore, #tpu.memory_space<semaphore_mem>>) src(%arg8 : memref<80x128xf32, #tpu.memory_space<vmem>>) dst(%dma_wait3A_183 : memref<10000x128xf32, #tpu.memory_space<vmem_shared>>)
      } else {
      }
      %le3A_99 = arith.constant 24 : i32
      %le3A_100 = arith.cmpi sle, %add3A_82, %le3A_99 : i32
      %convert_element_type3A_101 = arith.extui %le3A_100 : i1 to i32
      %cond3A_102 = arith.constant 0 : i32
      %cond3A_103 = arith.cmpi ne, %convert_element_type3A_101, %cond3A_102 : i32
      scf.if %cond3A_103 {
        %dma_start3A = arith.constant 0 : i32
        %dma_start3A_178 = arith.constant 0 : i32
        %dma_start3A_179 = tpu.memref_slice %arg6[%dma_start3A, %add3A_82, %dma_start3A_178] : memref<2x25x80xi32, #tpu.memory_space<vmem>> -> memref<1x1x80xi32, #tpu.memory_space<vmem>>
        %dma_start3A_180 = tpu.memref_squeeze %dma_start3A_179 : memref<1x1x80xi32, #tpu.memory_space<vmem>> -> memref<80xi32, #tpu.memory_space<vmem>>
        %dma_start3A_181 = arith.constant 0 : i32
        %dma_start3A_182 = arith.constant 0 : i32
        %dma_start3A_183 = tpu.memref_slice %arg2[%dma_start3A_181, %dma_start3A_182] : memref<10000x128xf32, #tpu.memory_space<hbm>> -> memref<10000x128xf32, #tpu.memory_space<hbm>>
        tpu.enqueue_indirect_dma source(%dma_start3A_183 : memref<10000x128xf32, #tpu.memory_space<hbm>>) target(%arg8 : memref<80x128xf32, #tpu.memory_space<vmem>>) offsets(%dma_start3A_180 : memref<80xi32, #tpu.memory_space<vmem>>) semaphore(%arg13 : memref<!tpu.dma_semaphore, #tpu.memory_space<semaphore_mem>>)
      } else {
      }
      %ge3A_104 = arith.constant 3 : i32
      %ge3A_105 = arith.cmpi sge, %add3A_82, %ge3A_104 : i32
      %le3A_106 = arith.constant 27 : i32
      %le3A_107 = arith.cmpi sle, %add3A_82, %le3A_106 : i32
      %and3A_108 = arith.andi %ge3A_105, %le3A_107 : i1
      %convert_element_type3A_109 = arith.extui %and3A_108 : i1 to i32
      %cond3A_110 = arith.constant 0 : i32
      %cond3A_111 = arith.cmpi ne, %convert_element_type3A_109, %cond3A_110 : i32
      scf.if %cond3A_111 {
        %dma_wait3A = arith.constant 0 : i32
        %dma_wait3A_178 = arith.constant 0 : i32
        %dma_wait3A_179 = tpu.memref_slice %arg6[%dma_wait3A, %max3A_86, %dma_wait3A_178] : memref<2x25x80xi32, #tpu.memory_space<vmem>> -> memref<1x1x80xi32, #tpu.memory_space<vmem>>
        %dma_wait3A_180 = tpu.memref_squeeze %dma_wait3A_179 : memref<1x1x80xi32, #tpu.memory_space<vmem>> -> memref<80xi32, #tpu.memory_space<vmem>>
        %dma_wait3A_181 = arith.constant 0 : i32
        %dma_wait3A_182 = arith.constant 0 : i32
        %dma_wait3A_183 = tpu.memref_slice %arg2[%dma_wait3A_181, %dma_wait3A_182] : memref<10000x128xf32, #tpu.memory_space<hbm>> -> memref<10000x128xf32, #tpu.memory_space<hbm>>
        tpu.wait_indirect_dma semaphore(%arg14 : memref<!tpu.dma_semaphore, #tpu.memory_space<semaphore_mem>>) src(%dma_wait3A_183 : memref<10000x128xf32, #tpu.memory_space<hbm>>) dst(%arg9 : memref<80x128xf32, #tpu.memory_space<vmem>>)
        %dma_start3A = arith.constant 1 : i32
        %dma_start3A_184 = arith.constant 0 : i32
        %dma_start3A_185 = tpu.memref_slice %arg6[%dma_start3A, %max3A_86, %dma_start3A_184] : memref<2x25x80xi32, #tpu.memory_space<vmem>> -> memref<1x1x80xi32, #tpu.memory_space<vmem>>
        %dma_start3A_186 = tpu.memref_squeeze %dma_start3A_185 : memref<1x1x80xi32, #tpu.memory_space<vmem>> -> memref<80xi32, #tpu.memory_space<vmem>>
        %dma_start3A_187 = arith.constant 0 : i32
        %dma_start3A_188 = arith.constant 0 : i32
        %dma_start3A_189 = tpu.memref_slice %arg11[%dma_start3A_187, %dma_start3A_188] : memref<10000x128xf32, #tpu.memory_space<vmem_shared>> -> memref<10000x128xf32, #tpu.memory_space<vmem_shared>>
        tpu.enqueue_indirect_dma source(%arg9 : memref<80x128xf32, #tpu.memory_space<vmem>>) target(%dma_start3A_189 : memref<10000x128xf32, #tpu.memory_space<vmem_shared>>) offsets(%dma_start3A_186 : memref<80xi32, #tpu.memory_space<vmem>>) semaphore(%arg18 : memref<!tpu.dma_semaphore, #tpu.memory_space<semaphore_mem>>) {add = true}
      } else {
      }
      %mul3A_112 = arith.constant 4 : i32
      %mul3A_113 = arith.muli %mul3A_112, %scan3A_50 : i32
      %add3A_114 = arith.constant 2 : i32
      %add3A_115 = arith.addi %mul3A_113, %add3A_114 : i32
      %sub3A_116 = arith.constant 3 : i32
      %sub3A_117 = arith.subi %add3A_115, %sub3A_116 : i32
      %max3A_118 = arith.constant 0 : i32
      %max3A_119 = arith.maxsi %sub3A_117, %max3A_118 : i32
      %sub3A_120 = arith.constant 4 : i32
      %sub3A_121 = arith.subi %add3A_115, %sub3A_120 : i32
      %max3A_122 = arith.constant 0 : i32
      %max3A_123 = arith.maxsi %sub3A_121, %max3A_122 : i32
      %ge3A_124 = arith.constant 4 : i32
      %ge3A_125 = arith.cmpi sge, %add3A_115, %ge3A_124 : i32
      %le3A_126 = arith.constant 28 : i32
      %le3A_127 = arith.cmpi sle, %add3A_115, %le3A_126 : i32
      %and3A_128 = arith.andi %ge3A_125, %le3A_127 : i1
      %convert_element_type3A_129 = arith.extui %and3A_128 : i1 to i32
      %cond3A_130 = arith.constant 0 : i32
      %cond3A_131 = arith.cmpi ne, %convert_element_type3A_129, %cond3A_130 : i32
      scf.if %cond3A_131 {
        %dma_wait3A = arith.constant 1 : i32
        %dma_wait3A_178 = arith.constant 0 : i32
        %dma_wait3A_179 = tpu.memref_slice %arg6[%dma_wait3A, %max3A_123, %dma_wait3A_178] : memref<2x25x80xi32, #tpu.memory_space<vmem>> -> memref<1x1x80xi32, #tpu.memory_space<vmem>>
        %dma_wait3A_180 = tpu.memref_squeeze %dma_wait3A_179 : memref<1x1x80xi32, #tpu.memory_space<vmem>> -> memref<80xi32, #tpu.memory_space<vmem>>
        %dma_wait3A_181 = arith.constant 0 : i32
        %dma_wait3A_182 = arith.constant 0 : i32
        %dma_wait3A_183 = tpu.memref_slice %arg11[%dma_wait3A_181, %dma_wait3A_182] : memref<10000x128xf32, #tpu.memory_space<vmem_shared>> -> memref<10000x128xf32, #tpu.memory_space<vmem_shared>>
        tpu.wait_indirect_dma semaphore(%arg18 : memref<!tpu.dma_semaphore, #tpu.memory_space<semaphore_mem>>) src(%arg9 : memref<80x128xf32, #tpu.memory_space<vmem>>) dst(%dma_wait3A_183 : memref<10000x128xf32, #tpu.memory_space<vmem_shared>>)
      } else {
      }
      %le3A_132 = arith.constant 24 : i32
      %le3A_133 = arith.cmpi sle, %add3A_115, %le3A_132 : i32
      %convert_element_type3A_134 = arith.extui %le3A_133 : i1 to i32
      %cond3A_135 = arith.constant 0 : i32
      %cond3A_136 = arith.cmpi ne, %convert_element_type3A_134, %cond3A_135 : i32
      scf.if %cond3A_136 {
        %dma_start3A = arith.constant 0 : i32
        %dma_start3A_178 = arith.constant 0 : i32
        %dma_start3A_179 = tpu.memref_slice %arg6[%dma_start3A, %add3A_115, %dma_start3A_178] : memref<2x25x80xi32, #tpu.memory_space<vmem>> -> memref<1x1x80xi32, #tpu.memory_space<vmem>>
        %dma_start3A_180 = tpu.memref_squeeze %dma_start3A_179 : memref<1x1x80xi32, #tpu.memory_space<vmem>> -> memref<80xi32, #tpu.memory_space<vmem>>
        %dma_start3A_181 = arith.constant 0 : i32
        %dma_start3A_182 = arith.constant 0 : i32
        %dma_start3A_183 = tpu.memref_slice %arg2[%dma_start3A_181, %dma_start3A_182] : memref<10000x128xf32, #tpu.memory_space<hbm>> -> memref<10000x128xf32, #tpu.memory_space<hbm>>
        tpu.enqueue_indirect_dma source(%dma_start3A_183 : memref<10000x128xf32, #tpu.memory_space<hbm>>) target(%arg9 : memref<80x128xf32, #tpu.memory_space<vmem>>) offsets(%dma_start3A_180 : memref<80xi32, #tpu.memory_space<vmem>>) semaphore(%arg14 : memref<!tpu.dma_semaphore, #tpu.memory_space<semaphore_mem>>)
      } else {
      }
      %ge3A_137 = arith.constant 3 : i32
      %ge3A_138 = arith.cmpi sge, %add3A_115, %ge3A_137 : i32
      %le3A_139 = arith.constant 27 : i32
      %le3A_140 = arith.cmpi sle, %add3A_115, %le3A_139 : i32
      %and3A_141 = arith.andi %ge3A_138, %le3A_140 : i1
      %convert_element_type3A_142 = arith.extui %and3A_141 : i1 to i32
      %cond3A_143 = arith.constant 0 : i32
      %cond3A_144 = arith.cmpi ne, %convert_element_type3A_142, %cond3A_143 : i32
      scf.if %cond3A_144 {
        %dma_wait3A = arith.constant 0 : i32
        %dma_wait3A_178 = arith.constant 0 : i32
        %dma_wait3A_179 = tpu.memref_slice %arg6[%dma_wait3A, %max3A_119, %dma_wait3A_178] : memref<2x25x80xi32, #tpu.memory_space<vmem>> -> memref<1x1x80xi32, #tpu.memory_space<vmem>>
        %dma_wait3A_180 = tpu.memref_squeeze %dma_wait3A_179 : memref<1x1x80xi32, #tpu.memory_space<vmem>> -> memref<80xi32, #tpu.memory_space<vmem>>
        %dma_wait3A_181 = arith.constant 0 : i32
        %dma_wait3A_182 = arith.constant 0 : i32
        %dma_wait3A_183 = tpu.memref_slice %arg2[%dma_wait3A_181, %dma_wait3A_182] : memref<10000x128xf32, #tpu.memory_space<hbm>> -> memref<10000x128xf32, #tpu.memory_space<hbm>>
        tpu.wait_indirect_dma semaphore(%arg15 : memref<!tpu.dma_semaphore, #tpu.memory_space<semaphore_mem>>) src(%dma_wait3A_183 : memref<10000x128xf32, #tpu.memory_space<hbm>>) dst(%arg10 : memref<80x128xf32, #tpu.memory_space<vmem>>)
        %dma_start3A = arith.constant 1 : i32
        %dma_start3A_184 = arith.constant 0 : i32
        %dma_start3A_185 = tpu.memref_slice %arg6[%dma_start3A, %max3A_119, %dma_start3A_184] : memref<2x25x80xi32, #tpu.memory_space<vmem>> -> memref<1x1x80xi32, #tpu.memory_space<vmem>>
        %dma_start3A_186 = tpu.memref_squeeze %dma_start3A_185 : memref<1x1x80xi32, #tpu.memory_space<vmem>> -> memref<80xi32, #tpu.memory_space<vmem>>
        %dma_start3A_187 = arith.constant 0 : i32
        %dma_start3A_188 = arith.constant 0 : i32
        %dma_start3A_189 = tpu.memref_slice %arg11[%dma_start3A_187, %dma_start3A_188] : memref<10000x128xf32, #tpu.memory_space<vmem_shared>> -> memref<10000x128xf32, #tpu.memory_space<vmem_shared>>
        tpu.enqueue_indirect_dma source(%arg10 : memref<80x128xf32, #tpu.memory_space<vmem>>) target(%dma_start3A_189 : memref<10000x128xf32, #tpu.memory_space<vmem_shared>>) offsets(%dma_start3A_186 : memref<80xi32, #tpu.memory_space<vmem>>) semaphore(%arg19 : memref<!tpu.dma_semaphore, #tpu.memory_space<semaphore_mem>>) {add = true}
      } else {
      }
      %mul3A_145 = arith.constant 4 : i32
      %mul3A_146 = arith.muli %mul3A_145, %scan3A_50 : i32
      %add3A_147 = arith.constant 3 : i32
      %add3A_148 = arith.addi %mul3A_146, %add3A_147 : i32
      %sub3A_149 = arith.constant 3 : i32
      %sub3A_150 = arith.subi %add3A_148, %sub3A_149 : i32
      %max3A_151 = arith.constant 0 : i32
      %max3A_152 = arith.maxsi %sub3A_150, %max3A_151 : i32
      %sub3A_153 = arith.constant 4 : i32
      %sub3A_154 = arith.subi %add3A_148, %sub3A_153 : i32
      %max3A_155 = arith.constant 0 : i32
      %max3A_156 = arith.maxsi %sub3A_154, %max3A_155 : i32
      %ge3A_157 = arith.constant 4 : i32
      %ge3A_158 = arith.cmpi sge, %add3A_148, %ge3A_157 : i32
      %le3A_159 = arith.constant 28 : i32
      %le3A_160 = arith.cmpi sle, %add3A_148, %le3A_159 : i32
      %and3A_161 = arith.andi %ge3A_158, %le3A_160 : i1
      %convert_element_type3A_162 = arith.extui %and3A_161 : i1 to i32
      %cond3A_163 = arith.constant 0 : i32
      %cond3A_164 = arith.cmpi ne, %convert_element_type3A_162, %cond3A_163 : i32
      scf.if %cond3A_164 {
        %dma_wait3A = arith.constant 1 : i32
        %dma_wait3A_178 = arith.constant 0 : i32
        %dma_wait3A_179 = tpu.memref_slice %arg6[%dma_wait3A, %max3A_156, %dma_wait3A_178] : memref<2x25x80xi32, #tpu.memory_space<vmem>> -> memref<1x1x80xi32, #tpu.memory_space<vmem>>
        %dma_wait3A_180 = tpu.memref_squeeze %dma_wait3A_179 : memref<1x1x80xi32, #tpu.memory_space<vmem>> -> memref<80xi32, #tpu.memory_space<vmem>>
        %dma_wait3A_181 = arith.constant 0 : i32
        %dma_wait3A_182 = arith.constant 0 : i32
        %dma_wait3A_183 = tpu.memref_slice %arg11[%dma_wait3A_181, %dma_wait3A_182] : memref<10000x128xf32, #tpu.memory_space<vmem_shared>> -> memref<10000x128xf32, #tpu.memory_space<vmem_shared>>
        tpu.wait_indirect_dma semaphore(%arg19 : memref<!tpu.dma_semaphore, #tpu.memory_space<semaphore_mem>>) src(%arg10 : memref<80x128xf32, #tpu.memory_space<vmem>>) dst(%dma_wait3A_183 : memref<10000x128xf32, #tpu.memory_space<vmem_shared>>)
      } else {
      }
      %le3A_165 = arith.constant 24 : i32
      %le3A_166 = arith.cmpi sle, %add3A_148, %le3A_165 : i32
      %convert_element_type3A_167 = arith.extui %le3A_166 : i1 to i32
      %cond3A_168 = arith.constant 0 : i32
      %cond3A_169 = arith.cmpi ne, %convert_element_type3A_167, %cond3A_168 : i32
      scf.if %cond3A_169 {
        %dma_start3A = arith.constant 0 : i32
        %dma_start3A_178 = arith.constant 0 : i32
        %dma_start3A_179 = tpu.memref_slice %arg6[%dma_start3A, %add3A_148, %dma_start3A_178] : memref<2x25x80xi32, #tpu.memory_space<vmem>> -> memref<1x1x80xi32, #tpu.memory_space<vmem>>
        %dma_start3A_180 = tpu.memref_squeeze %dma_start3A_179 : memref<1x1x80xi32, #tpu.memory_space<vmem>> -> memref<80xi32, #tpu.memory_space<vmem>>
        %dma_start3A_181 = arith.constant 0 : i32
        %dma_start3A_182 = arith.constant 0 : i32
        %dma_start3A_183 = tpu.memref_slice %arg2[%dma_start3A_181, %dma_start3A_182] : memref<10000x128xf32, #tpu.memory_space<hbm>> -> memref<10000x128xf32, #tpu.memory_space<hbm>>
        tpu.enqueue_indirect_dma source(%dma_start3A_183 : memref<10000x128xf32, #tpu.memory_space<hbm>>) target(%arg10 : memref<80x128xf32, #tpu.memory_space<vmem>>) offsets(%dma_start3A_180 : memref<80xi32, #tpu.memory_space<vmem>>) semaphore(%arg15 : memref<!tpu.dma_semaphore, #tpu.memory_space<semaphore_mem>>)
      } else {
      }
      %ge3A_170 = arith.constant 3 : i32
      %ge3A_171 = arith.cmpi sge, %add3A_148, %ge3A_170 : i32
      %le3A_172 = arith.constant 27 : i32
      %le3A_173 = arith.cmpi sle, %add3A_148, %le3A_172 : i32
      %and3A_174 = arith.andi %ge3A_171, %le3A_173 : i1
      %convert_element_type3A_175 = arith.extui %and3A_174 : i1 to i32
      %cond3A_176 = arith.constant 0 : i32
      %cond3A_177 = arith.cmpi ne, %convert_element_type3A_175, %cond3A_176 : i32
      scf.if %cond3A_177 {
        %dma_wait3A = arith.constant 0 : i32
        %dma_wait3A_178 = arith.constant 0 : i32
        %dma_wait3A_179 = tpu.memref_slice %arg6[%dma_wait3A, %max3A_152, %dma_wait3A_178] : memref<2x25x80xi32, #tpu.memory_space<vmem>> -> memref<1x1x80xi32, #tpu.memory_space<vmem>>
        %dma_wait3A_180 = tpu.memref_squeeze %dma_wait3A_179 : memref<1x1x80xi32, #tpu.memory_space<vmem>> -> memref<80xi32, #tpu.memory_space<vmem>>
        %dma_wait3A_181 = arith.constant 0 : i32
        %dma_wait3A_182 = arith.constant 0 : i32
        %dma_wait3A_183 = tpu.memref_slice %arg2[%dma_wait3A_181, %dma_wait3A_182] : memref<10000x128xf32, #tpu.memory_space<hbm>> -> memref<10000x128xf32, #tpu.memory_space<hbm>>
        tpu.wait_indirect_dma semaphore(%arg12 : memref<!tpu.dma_semaphore, #tpu.memory_space<semaphore_mem>>) src(%dma_wait3A_183 : memref<10000x128xf32, #tpu.memory_space<hbm>>) dst(%arg7 : memref<80x128xf32, #tpu.memory_space<vmem>>)
        %dma_start3A = arith.constant 1 : i32
        %dma_start3A_184 = arith.constant 0 : i32
        %dma_start3A_185 = tpu.memref_slice %arg6[%dma_start3A, %max3A_152, %dma_start3A_184] : memref<2x25x80xi32, #tpu.memory_space<vmem>> -> memref<1x1x80xi32, #tpu.memory_space<vmem>>
        %dma_start3A_186 = tpu.memref_squeeze %dma_start3A_185 : memref<1x1x80xi32, #tpu.memory_space<vmem>> -> memref<80xi32, #tpu.memory_space<vmem>>
        %dma_start3A_187 = arith.constant 0 : i32
        %dma_start3A_188 = arith.constant 0 : i32
        %dma_start3A_189 = tpu.memref_slice %arg11[%dma_start3A_187, %dma_start3A_188] : memref<10000x128xf32, #tpu.memory_space<vmem_shared>> -> memref<10000x128xf32, #tpu.memory_space<vmem_shared>>
        tpu.enqueue_indirect_dma source(%arg7 : memref<80x128xf32, #tpu.memory_space<vmem>>) target(%dma_start3A_189 : memref<10000x128xf32, #tpu.memory_space<vmem_shared>>) offsets(%dma_start3A_186 : memref<80xi32, #tpu.memory_space<vmem>>) semaphore(%arg16 : memref<!tpu.dma_semaphore, #tpu.memory_space<semaphore_mem>>) {add = true}
      } else {
      }
    }
    %scan3A_18 = arith.constant 8 : i32
    %run_scoped3A_19 = arith.constant 2 : i32
    "tpu.region"() ({
      %run_scoped3A_50 = tpu.sem_alloc : memref<!tpu.dma_semaphore, #tpu.memory_space<semaphore_mem>>
      %dma_start3A = arith.constant 0 : i32
      %dma_start3A_51 = arith.constant 0 : i32
      %dma_start3A_52 = arith.constant 0 : i32
      %dma_start3A_53 = tpu.memref_slice %arg3[%add3A, %run_scoped3A_19, %dma_start3A, %dma_start3A_51, %dma_start3A_52] : memref<32x5x2x25x80xi32, #tpu.memory_space<hbm>> -> memref<1x1x2x25x80xi32, #tpu.memory_space<hbm>>
      %dma_start3A_54 = tpu.memref_squeeze %dma_start3A_53 : memref<1x1x2x25x80xi32, #tpu.memory_space<hbm>> -> memref<2x25x80xi32, #tpu.memory_space<hbm>>
      %dma_start3A_55 = arith.constant 0 : i32
      %dma_start3A_56 = arith.constant 0 : i32
      %dma_start3A_57 = arith.constant 0 : i32
      %dma_start3A_58 = tpu.memref_slice %arg3[%add3A, %run_scoped3A_19, %dma_start3A_55, %dma_start3A_56, %dma_start3A_57] : memref<32x5x2x25x80xi32, #tpu.memory_space<hbm>> -> memref<1x1x2x25x80xi32, #tpu.memory_space<hbm>>
      %dma_start3A_59 = tpu.memref_squeeze %dma_start3A_58 : memref<1x1x2x25x80xi32, #tpu.memory_space<hbm>> -> memref<2x25x80xi32, #tpu.memory_space<hbm>>
      tpu.enqueue_dma source(%dma_start3A_59 : memref<2x25x80xi32, #tpu.memory_space<hbm>>) target(%arg6 : memref<2x25x80xi32, #tpu.memory_space<vmem>>) target_semaphore(%run_scoped3A_50 : memref<!tpu.dma_semaphore, #tpu.memory_space<semaphore_mem>>)
      %dma_wait3A = arith.constant 0 : i32
      %dma_wait3A_60 = arith.constant 0 : i32
      %dma_wait3A_61 = arith.constant 0 : i32
      %dma_wait3A_62 = tpu.memref_slice %arg3[%add3A, %run_scoped3A_19, %dma_wait3A, %dma_wait3A_60, %dma_wait3A_61] : memref<32x5x2x25x80xi32, #tpu.memory_space<hbm>> -> memref<1x1x2x25x80xi32, #tpu.memory_space<hbm>>
      %dma_wait3A_63 = tpu.memref_squeeze %dma_wait3A_62 : memref<1x1x2x25x80xi32, #tpu.memory_space<hbm>> -> memref<2x25x80xi32, #tpu.memory_space<hbm>>
      %dma_wait3A_64 = arith.constant 0 : i32
      %dma_wait3A_65 = arith.constant 0 : i32
      %dma_wait3A_66 = arith.constant 0 : i32
      %dma_wait3A_67 = tpu.memref_slice %arg3[%add3A, %run_scoped3A_19, %dma_wait3A_64, %dma_wait3A_65, %dma_wait3A_66] : memref<32x5x2x25x80xi32, #tpu.memory_space<hbm>> -> memref<1x1x2x25x80xi32, #tpu.memory_space<hbm>>
      %dma_wait3A_68 = tpu.memref_squeeze %dma_wait3A_67 : memref<1x1x2x25x80xi32, #tpu.memory_space<hbm>> -> memref<2x25x80xi32, #tpu.memory_space<hbm>>
      tpu.wait_dma2 semaphore(%run_scoped3A_50 : memref<!tpu.dma_semaphore, #tpu.memory_space<semaphore_mem>>) src(%dma_wait3A_68 : memref<2x25x80xi32, #tpu.memory_space<hbm>>) dst(%arg6 : memref<2x25x80xi32, #tpu.memory_space<vmem>>)
      tpu.yield
    }) : () -> ()
    %scan3A_20 = arith.constant 0 : i32
    %scan3A_21 = arith.constant 0 : i32
    %scan3A_22 = arith.constant 8 : i32
    %scan3A_23 = arith.addi %scan3A_21, %scan3A_22 : i32
    %scan3A_24 = arith.constant 1 : i32
    scf.for %scan3A_50 = %scan3A_21 to %scan3A_23 step %scan3A_24  : i32 {
      %mul3A_51 = arith.constant 4 : i32
      %mul3A_52 = arith.muli %mul3A_51, %scan3A_50 : i32
      %add3A_53 = arith.constant 0 : i32
      %add3A_54 = arith.addi %mul3A_52, %add3A_53 : i32
      %sub3A = arith.constant 3 : i32
      %sub3A_55 = arith.subi %add3A_54, %sub3A : i32
      %max3A = arith.constant 0 : i32
      %max3A_56 = arith.maxsi %sub3A_55, %max3A : i32
      %sub3A_57 = arith.constant 4 : i32
      %sub3A_58 = arith.subi %add3A_54, %sub3A_57 : i32
      %max3A_59 = arith.constant 0 : i32
      %max3A_60 = arith.maxsi %sub3A_58, %max3A_59 : i32
      %ge3A = arith.constant 4 : i32
      %ge3A_61 = arith.cmpi sge, %add3A_54, %ge3A : i32
      %le3A = arith.constant 28 : i32
      %le3A_62 = arith.cmpi sle, %add3A_54, %le3A : i32
      %and3A = arith.andi %ge3A_61, %le3A_62 : i1
      %convert_element_type3A_63 = arith.extui %and3A : i1 to i32
      %cond3A_64 = arith.constant 0 : i32
      %cond3A_65 = arith.cmpi ne, %convert_element_type3A_63, %cond3A_64 : i32
      scf.if %cond3A_65 {
        %dma_wait3A = arith.constant 1 : i32
        %dma_wait3A_178 = arith.constant 0 : i32
        %dma_wait3A_179 = tpu.memref_slice %arg6[%dma_wait3A, %max3A_60, %dma_wait3A_178] : memref<2x25x80xi32, #tpu.memory_space<vmem>> -> memref<1x1x80xi32, #tpu.memory_space<vmem>>
        %dma_wait3A_180 = tpu.memref_squeeze %dma_wait3A_179 : memref<1x1x80xi32, #tpu.memory_space<vmem>> -> memref<80xi32, #tpu.memory_space<vmem>>
        %dma_wait3A_181 = arith.constant 0 : i32
        %dma_wait3A_182 = arith.constant 0 : i32
        %dma_wait3A_183 = tpu.memref_slice %arg11[%dma_wait3A_181, %dma_wait3A_182] : memref<10000x128xf32, #tpu.memory_space<vmem_shared>> -> memref<10000x128xf32, #tpu.memory_space<vmem_shared>>
        tpu.wait_indirect_dma semaphore(%arg16 : memref<!tpu.dma_semaphore, #tpu.memory_space<semaphore_mem>>) src(%arg7 : memref<80x128xf32, #tpu.memory_space<vmem>>) dst(%dma_wait3A_183 : memref<10000x128xf32, #tpu.memory_space<vmem_shared>>)
      } else {
      }
      %le3A_66 = arith.constant 24 : i32
      %le3A_67 = arith.cmpi sle, %add3A_54, %le3A_66 : i32
      %convert_element_type3A_68 = arith.extui %le3A_67 : i1 to i32
      %cond3A_69 = arith.constant 0 : i32
      %cond3A_70 = arith.cmpi ne, %convert_element_type3A_68, %cond3A_69 : i32
      scf.if %cond3A_70 {
        %dma_start3A = arith.constant 0 : i32
        %dma_start3A_178 = arith.constant 0 : i32
        %dma_start3A_179 = tpu.memref_slice %arg6[%dma_start3A, %add3A_54, %dma_start3A_178] : memref<2x25x80xi32, #tpu.memory_space<vmem>> -> memref<1x1x80xi32, #tpu.memory_space<vmem>>
        %dma_start3A_180 = tpu.memref_squeeze %dma_start3A_179 : memref<1x1x80xi32, #tpu.memory_space<vmem>> -> memref<80xi32, #tpu.memory_space<vmem>>
        %dma_start3A_181 = arith.constant 0 : i32
        %dma_start3A_182 = arith.constant 0 : i32
        %dma_start3A_183 = tpu.memref_slice %arg2[%dma_start3A_181, %dma_start3A_182] : memref<10000x128xf32, #tpu.memory_space<hbm>> -> memref<10000x128xf32, #tpu.memory_space<hbm>>
        tpu.enqueue_indirect_dma source(%dma_start3A_183 : memref<10000x128xf32, #tpu.memory_space<hbm>>) target(%arg7 : memref<80x128xf32, #tpu.memory_space<vmem>>) offsets(%dma_start3A_180 : memref<80xi32, #tpu.memory_space<vmem>>) semaphore(%arg12 : memref<!tpu.dma_semaphore, #tpu.memory_space<semaphore_mem>>)
      } else {
      }
      %ge3A_71 = arith.constant 3 : i32
      %ge3A_72 = arith.cmpi sge, %add3A_54, %ge3A_71 : i32
      %le3A_73 = arith.constant 27 : i32
      %le3A_74 = arith.cmpi sle, %add3A_54, %le3A_73 : i32
      %and3A_75 = arith.andi %ge3A_72, %le3A_74 : i1
      %convert_element_type3A_76 = arith.extui %and3A_75 : i1 to i32
      %cond3A_77 = arith.constant 0 : i32
      %cond3A_78 = arith.cmpi ne, %convert_element_type3A_76, %cond3A_77 : i32
      scf.if %cond3A_78 {
        %dma_wait3A = arith.constant 0 : i32
        %dma_wait3A_178 = arith.constant 0 : i32
        %dma_wait3A_179 = tpu.memref_slice %arg6[%dma_wait3A, %max3A_56, %dma_wait3A_178] : memref<2x25x80xi32, #tpu.memory_space<vmem>> -> memref<1x1x80xi32, #tpu.memory_space<vmem>>
        %dma_wait3A_180 = tpu.memref_squeeze %dma_wait3A_179 : memref<1x1x80xi32, #tpu.memory_space<vmem>> -> memref<80xi32, #tpu.memory_space<vmem>>
        %dma_wait3A_181 = arith.constant 0 : i32
        %dma_wait3A_182 = arith.constant 0 : i32
        %dma_wait3A_183 = tpu.memref_slice %arg2[%dma_wait3A_181, %dma_wait3A_182] : memref<10000x128xf32, #tpu.memory_space<hbm>> -> memref<10000x128xf32, #tpu.memory_space<hbm>>
        tpu.wait_indirect_dma semaphore(%arg13 : memref<!tpu.dma_semaphore, #tpu.memory_space<semaphore_mem>>) src(%dma_wait3A_183 : memref<10000x128xf32, #tpu.memory_space<hbm>>) dst(%arg8 : memref<80x128xf32, #tpu.memory_space<vmem>>)
        %dma_start3A = arith.constant 1 : i32
        %dma_start3A_184 = arith.constant 0 : i32
        %dma_start3A_185 = tpu.memref_slice %arg6[%dma_start3A, %max3A_56, %dma_start3A_184] : memref<2x25x80xi32, #tpu.memory_space<vmem>> -> memref<1x1x80xi32, #tpu.memory_space<vmem>>
        %dma_start3A_186 = tpu.memref_squeeze %dma_start3A_185 : memref<1x1x80xi32, #tpu.memory_space<vmem>> -> memref<80xi32, #tpu.memory_space<vmem>>
        %dma_start3A_187 = arith.constant 0 : i32
        %dma_start3A_188 = arith.constant 0 : i32
        %dma_start3A_189 = tpu.memref_slice %arg11[%dma_start3A_187, %dma_start3A_188] : memref<10000x128xf32, #tpu.memory_space<vmem_shared>> -> memref<10000x128xf32, #tpu.memory_space<vmem_shared>>
        tpu.enqueue_indirect_dma source(%arg8 : memref<80x128xf32, #tpu.memory_space<vmem>>) target(%dma_start3A_189 : memref<10000x128xf32, #tpu.memory_space<vmem_shared>>) offsets(%dma_start3A_186 : memref<80xi32, #tpu.memory_space<vmem>>) semaphore(%arg17 : memref<!tpu.dma_semaphore, #tpu.memory_space<semaphore_mem>>) {add = true}
      } else {
      }
      %mul3A_79 = arith.constant 4 : i32
      %mul3A_80 = arith.muli %mul3A_79, %scan3A_50 : i32
      %add3A_81 = arith.constant 1 : i32
      %add3A_82 = arith.addi %mul3A_80, %add3A_81 : i32
      %sub3A_83 = arith.constant 3 : i32
      %sub3A_84 = arith.subi %add3A_82, %sub3A_83 : i32
      %max3A_85 = arith.constant 0 : i32
      %max3A_86 = arith.maxsi %sub3A_84, %max3A_85 : i32
      %sub3A_87 = arith.constant 4 : i32
      %sub3A_88 = arith.subi %add3A_82, %sub3A_87 : i32
      %max3A_89 = arith.constant 0 : i32
      %max3A_90 = arith.maxsi %sub3A_88, %max3A_89 : i32
      %ge3A_91 = arith.constant 4 : i32
      %ge3A_92 = arith.cmpi sge, %add3A_82, %ge3A_91 : i32
      %le3A_93 = arith.constant 28 : i32
      %le3A_94 = arith.cmpi sle, %add3A_82, %le3A_93 : i32
      %and3A_95 = arith.andi %ge3A_92, %le3A_94 : i1
      %convert_element_type3A_96 = arith.extui %and3A_95 : i1 to i32
      %cond3A_97 = arith.constant 0 : i32
      %cond3A_98 = arith.cmpi ne, %convert_element_type3A_96, %cond3A_97 : i32
      scf.if %cond3A_98 {
        %dma_wait3A = arith.constant 1 : i32
        %dma_wait3A_178 = arith.constant 0 : i32
        %dma_wait3A_179 = tpu.memref_slice %arg6[%dma_wait3A, %max3A_90, %dma_wait3A_178] : memref<2x25x80xi32, #tpu.memory_space<vmem>> -> memref<1x1x80xi32, #tpu.memory_space<vmem>>
        %dma_wait3A_180 = tpu.memref_squeeze %dma_wait3A_179 : memref<1x1x80xi32, #tpu.memory_space<vmem>> -> memref<80xi32, #tpu.memory_space<vmem>>
        %dma_wait3A_181 = arith.constant 0 : i32
        %dma_wait3A_182 = arith.constant 0 : i32
        %dma_wait3A_183 = tpu.memref_slice %arg11[%dma_wait3A_181, %dma_wait3A_182] : memref<10000x128xf32, #tpu.memory_space<vmem_shared>> -> memref<10000x128xf32, #tpu.memory_space<vmem_shared>>
        tpu.wait_indirect_dma semaphore(%arg17 : memref<!tpu.dma_semaphore, #tpu.memory_space<semaphore_mem>>) src(%arg8 : memref<80x128xf32, #tpu.memory_space<vmem>>) dst(%dma_wait3A_183 : memref<10000x128xf32, #tpu.memory_space<vmem_shared>>)
      } else {
      }
      %le3A_99 = arith.constant 24 : i32
      %le3A_100 = arith.cmpi sle, %add3A_82, %le3A_99 : i32
      %convert_element_type3A_101 = arith.extui %le3A_100 : i1 to i32
      %cond3A_102 = arith.constant 0 : i32
      %cond3A_103 = arith.cmpi ne, %convert_element_type3A_101, %cond3A_102 : i32
      scf.if %cond3A_103 {
        %dma_start3A = arith.constant 0 : i32
        %dma_start3A_178 = arith.constant 0 : i32
        %dma_start3A_179 = tpu.memref_slice %arg6[%dma_start3A, %add3A_82, %dma_start3A_178] : memref<2x25x80xi32, #tpu.memory_space<vmem>> -> memref<1x1x80xi32, #tpu.memory_space<vmem>>
        %dma_start3A_180 = tpu.memref_squeeze %dma_start3A_179 : memref<1x1x80xi32, #tpu.memory_space<vmem>> -> memref<80xi32, #tpu.memory_space<vmem>>
        %dma_start3A_181 = arith.constant 0 : i32
        %dma_start3A_182 = arith.constant 0 : i32
        %dma_start3A_183 = tpu.memref_slice %arg2[%dma_start3A_181, %dma_start3A_182] : memref<10000x128xf32, #tpu.memory_space<hbm>> -> memref<10000x128xf32, #tpu.memory_space<hbm>>
        tpu.enqueue_indirect_dma source(%dma_start3A_183 : memref<10000x128xf32, #tpu.memory_space<hbm>>) target(%arg8 : memref<80x128xf32, #tpu.memory_space<vmem>>) offsets(%dma_start3A_180 : memref<80xi32, #tpu.memory_space<vmem>>) semaphore(%arg13 : memref<!tpu.dma_semaphore, #tpu.memory_space<semaphore_mem>>)
      } else {
      }
      %ge3A_104 = arith.constant 3 : i32
      %ge3A_105 = arith.cmpi sge, %add3A_82, %ge3A_104 : i32
      %le3A_106 = arith.constant 27 : i32
      %le3A_107 = arith.cmpi sle, %add3A_82, %le3A_106 : i32
      %and3A_108 = arith.andi %ge3A_105, %le3A_107 : i1
      %convert_element_type3A_109 = arith.extui %and3A_108 : i1 to i32
      %cond3A_110 = arith.constant 0 : i32
      %cond3A_111 = arith.cmpi ne, %convert_element_type3A_109, %cond3A_110 : i32
      scf.if %cond3A_111 {
        %dma_wait3A = arith.constant 0 : i32
        %dma_wait3A_178 = arith.constant 0 : i32
        %dma_wait3A_179 = tpu.memref_slice %arg6[%dma_wait3A, %max3A_86, %dma_wait3A_178] : memref<2x25x80xi32, #tpu.memory_space<vmem>> -> memref<1x1x80xi32, #tpu.memory_space<vmem>>
        %dma_wait3A_180 = tpu.memref_squeeze %dma_wait3A_179 : memref<1x1x80xi32, #tpu.memory_space<vmem>> -> memref<80xi32, #tpu.memory_space<vmem>>
        %dma_wait3A_181 = arith.constant 0 : i32
        %dma_wait3A_182 = arith.constant 0 : i32
        %dma_wait3A_183 = tpu.memref_slice %arg2[%dma_wait3A_181, %dma_wait3A_182] : memref<10000x128xf32, #tpu.memory_space<hbm>> -> memref<10000x128xf32, #tpu.memory_space<hbm>>
        tpu.wait_indirect_dma semaphore(%arg14 : memref<!tpu.dma_semaphore, #tpu.memory_space<semaphore_mem>>) src(%dma_wait3A_183 : memref<10000x128xf32, #tpu.memory_space<hbm>>) dst(%arg9 : memref<80x128xf32, #tpu.memory_space<vmem>>)
        %dma_start3A = arith.constant 1 : i32
        %dma_start3A_184 = arith.constant 0 : i32
        %dma_start3A_185 = tpu.memref_slice %arg6[%dma_start3A, %max3A_86, %dma_start3A_184] : memref<2x25x80xi32, #tpu.memory_space<vmem>> -> memref<1x1x80xi32, #tpu.memory_space<vmem>>
        %dma_start3A_186 = tpu.memref_squeeze %dma_start3A_185 : memref<1x1x80xi32, #tpu.memory_space<vmem>> -> memref<80xi32, #tpu.memory_space<vmem>>
        %dma_start3A_187 = arith.constant 0 : i32
        %dma_start3A_188 = arith.constant 0 : i32
        %dma_start3A_189 = tpu.memref_slice %arg11[%dma_start3A_187, %dma_start3A_188] : memref<10000x128xf32, #tpu.memory_space<vmem_shared>> -> memref<10000x128xf32, #tpu.memory_space<vmem_shared>>
        tpu.enqueue_indirect_dma source(%arg9 : memref<80x128xf32, #tpu.memory_space<vmem>>) target(%dma_start3A_189 : memref<10000x128xf32, #tpu.memory_space<vmem_shared>>) offsets(%dma_start3A_186 : memref<80xi32, #tpu.memory_space<vmem>>) semaphore(%arg18 : memref<!tpu.dma_semaphore, #tpu.memory_space<semaphore_mem>>) {add = true}
      } else {
      }
      %mul3A_112 = arith.constant 4 : i32
      %mul3A_113 = arith.muli %mul3A_112, %scan3A_50 : i32
      %add3A_114 = arith.constant 2 : i32
      %add3A_115 = arith.addi %mul3A_113, %add3A_114 : i32
      %sub3A_116 = arith.constant 3 : i32
      %sub3A_117 = arith.subi %add3A_115, %sub3A_116 : i32
      %max3A_118 = arith.constant 0 : i32
      %max3A_119 = arith.maxsi %sub3A_117, %max3A_118 : i32
      %sub3A_120 = arith.constant 4 : i32
      %sub3A_121 = arith.subi %add3A_115, %sub3A_120 : i32
      %max3A_122 = arith.constant 0 : i32
      %max3A_123 = arith.maxsi %sub3A_121, %max3A_122 : i32
      %ge3A_124 = arith.constant 4 : i32
      %ge3A_125 = arith.cmpi sge, %add3A_115, %ge3A_124 : i32
      %le3A_126 = arith.constant 28 : i32
      %le3A_127 = arith.cmpi sle, %add3A_115, %le3A_126 : i32
      %and3A_128 = arith.andi %ge3A_125, %le3A_127 : i1
      %convert_element_type3A_129 = arith.extui %and3A_128 : i1 to i32
      %cond3A_130 = arith.constant 0 : i32
      %cond3A_131 = arith.cmpi ne, %convert_element_type3A_129, %cond3A_130 : i32
      scf.if %cond3A_131 {
        %dma_wait3A = arith.constant 1 : i32
        %dma_wait3A_178 = arith.constant 0 : i32
        %dma_wait3A_179 = tpu.memref_slice %arg6[%dma_wait3A, %max3A_123, %dma_wait3A_178] : memref<2x25x80xi32, #tpu.memory_space<vmem>> -> memref<1x1x80xi32, #tpu.memory_space<vmem>>
        %dma_wait3A_180 = tpu.memref_squeeze %dma_wait3A_179 : memref<1x1x80xi32, #tpu.memory_space<vmem>> -> memref<80xi32, #tpu.memory_space<vmem>>
        %dma_wait3A_181 = arith.constant 0 : i32
        %dma_wait3A_182 = arith.constant 0 : i32
        %dma_wait3A_183 = tpu.memref_slice %arg11[%dma_wait3A_181, %dma_wait3A_182] : memref<10000x128xf32, #tpu.memory_space<vmem_shared>> -> memref<10000x128xf32, #tpu.memory_space<vmem_shared>>
        tpu.wait_indirect_dma semaphore(%arg18 : memref<!tpu.dma_semaphore, #tpu.memory_space<semaphore_mem>>) src(%arg9 : memref<80x128xf32, #tpu.memory_space<vmem>>) dst(%dma_wait3A_183 : memref<10000x128xf32, #tpu.memory_space<vmem_shared>>)
      } else {
      }
      %le3A_132 = arith.constant 24 : i32
      %le3A_133 = arith.cmpi sle, %add3A_115, %le3A_132 : i32
      %convert_element_type3A_134 = arith.extui %le3A_133 : i1 to i32
      %cond3A_135 = arith.constant 0 : i32
      %cond3A_136 = arith.cmpi ne, %convert_element_type3A_134, %cond3A_135 : i32
      scf.if %cond3A_136 {
        %dma_start3A = arith.constant 0 : i32
        %dma_start3A_178 = arith.constant 0 : i32
        %dma_start3A_179 = tpu.memref_slice %arg6[%dma_start3A, %add3A_115, %dma_start3A_178] : memref<2x25x80xi32, #tpu.memory_space<vmem>> -> memref<1x1x80xi32, #tpu.memory_space<vmem>>
        %dma_start3A_180 = tpu.memref_squeeze %dma_start3A_179 : memref<1x1x80xi32, #tpu.memory_space<vmem>> -> memref<80xi32, #tpu.memory_space<vmem>>
        %dma_start3A_181 = arith.constant 0 : i32
        %dma_start3A_182 = arith.constant 0 : i32
        %dma_start3A_183 = tpu.memref_slice %arg2[%dma_start3A_181, %dma_start3A_182] : memref<10000x128xf32, #tpu.memory_space<hbm>> -> memref<10000x128xf32, #tpu.memory_space<hbm>>
        tpu.enqueue_indirect_dma source(%dma_start3A_183 : memref<10000x128xf32, #tpu.memory_space<hbm>>) target(%arg9 : memref<80x128xf32, #tpu.memory_space<vmem>>) offsets(%dma_start3A_180 : memref<80xi32, #tpu.memory_space<vmem>>) semaphore(%arg14 : memref<!tpu.dma_semaphore, #tpu.memory_space<semaphore_mem>>)
      } else {
      }
      %ge3A_137 = arith.constant 3 : i32
      %ge3A_138 = arith.cmpi sge, %add3A_115, %ge3A_137 : i32
      %le3A_139 = arith.constant 27 : i32
      %le3A_140 = arith.cmpi sle, %add3A_115, %le3A_139 : i32
      %and3A_141 = arith.andi %ge3A_138, %le3A_140 : i1
      %convert_element_type3A_142 = arith.extui %and3A_141 : i1 to i32
      %cond3A_143 = arith.constant 0 : i32
      %cond3A_144 = arith.cmpi ne, %convert_element_type3A_142, %cond3A_143 : i32
      scf.if %cond3A_144 {
        %dma_wait3A = arith.constant 0 : i32
        %dma_wait3A_178 = arith.constant 0 : i32
        %dma_wait3A_179 = tpu.memref_slice %arg6[%dma_wait3A, %max3A_119, %dma_wait3A_178] : memref<2x25x80xi32, #tpu.memory_space<vmem>> -> memref<1x1x80xi32, #tpu.memory_space<vmem>>
        %dma_wait3A_180 = tpu.memref_squeeze %dma_wait3A_179 : memref<1x1x80xi32, #tpu.memory_space<vmem>> -> memref<80xi32, #tpu.memory_space<vmem>>
        %dma_wait3A_181 = arith.constant 0 : i32
        %dma_wait3A_182 = arith.constant 0 : i32
        %dma_wait3A_183 = tpu.memref_slice %arg2[%dma_wait3A_181, %dma_wait3A_182] : memref<10000x128xf32, #tpu.memory_space<hbm>> -> memref<10000x128xf32, #tpu.memory_space<hbm>>
        tpu.wait_indirect_dma semaphore(%arg15 : memref<!tpu.dma_semaphore, #tpu.memory_space<semaphore_mem>>) src(%dma_wait3A_183 : memref<10000x128xf32, #tpu.memory_space<hbm>>) dst(%arg10 : memref<80x128xf32, #tpu.memory_space<vmem>>)
        %dma_start3A = arith.constant 1 : i32
        %dma_start3A_184 = arith.constant 0 : i32
        %dma_start3A_185 = tpu.memref_slice %arg6[%dma_start3A, %max3A_119, %dma_start3A_184] : memref<2x25x80xi32, #tpu.memory_space<vmem>> -> memref<1x1x80xi32, #tpu.memory_space<vmem>>
        %dma_start3A_186 = tpu.memref_squeeze %dma_start3A_185 : memref<1x1x80xi32, #tpu.memory_space<vmem>> -> memref<80xi32, #tpu.memory_space<vmem>>
        %dma_start3A_187 = arith.constant 0 : i32
        %dma_start3A_188 = arith.constant 0 : i32
        %dma_start3A_189 = tpu.memref_slice %arg11[%dma_start3A_187, %dma_start3A_188] : memref<10000x128xf32, #tpu.memory_space<vmem_shared>> -> memref<10000x128xf32, #tpu.memory_space<vmem_shared>>
        tpu.enqueue_indirect_dma source(%arg10 : memref<80x128xf32, #tpu.memory_space<vmem>>) target(%dma_start3A_189 : memref<10000x128xf32, #tpu.memory_space<vmem_shared>>) offsets(%dma_start3A_186 : memref<80xi32, #tpu.memory_space<vmem>>) semaphore(%arg19 : memref<!tpu.dma_semaphore, #tpu.memory_space<semaphore_mem>>) {add = true}
      } else {
      }
      %mul3A_145 = arith.constant 4 : i32
      %mul3A_146 = arith.muli %mul3A_145, %scan3A_50 : i32
      %add3A_147 = arith.constant 3 : i32
      %add3A_148 = arith.addi %mul3A_146, %add3A_147 : i32
      %sub3A_149 = arith.constant 3 : i32
      %sub3A_150 = arith.subi %add3A_148, %sub3A_149 : i32
      %max3A_151 = arith.constant 0 : i32
      %max3A_152 = arith.maxsi %sub3A_150, %max3A_151 : i32
      %sub3A_153 = arith.constant 4 : i32
      %sub3A_154 = arith.subi %add3A_148, %sub3A_153 : i32
      %max3A_155 = arith.constant 0 : i32
      %max3A_156 = arith.maxsi %sub3A_154, %max3A_155 : i32
      %ge3A_157 = arith.constant 4 : i32
      %ge3A_158 = arith.cmpi sge, %add3A_148, %ge3A_157 : i32
      %le3A_159 = arith.constant 28 : i32
      %le3A_160 = arith.cmpi sle, %add3A_148, %le3A_159 : i32
      %and3A_161 = arith.andi %ge3A_158, %le3A_160 : i1
      %convert_element_type3A_162 = arith.extui %and3A_161 : i1 to i32
      %cond3A_163 = arith.constant 0 : i32
      %cond3A_164 = arith.cmpi ne, %convert_element_type3A_162, %cond3A_163 : i32
      scf.if %cond3A_164 {
        %dma_wait3A = arith.constant 1 : i32
        %dma_wait3A_178 = arith.constant 0 : i32
        %dma_wait3A_179 = tpu.memref_slice %arg6[%dma_wait3A, %max3A_156, %dma_wait3A_178] : memref<2x25x80xi32, #tpu.memory_space<vmem>> -> memref<1x1x80xi32, #tpu.memory_space<vmem>>
        %dma_wait3A_180 = tpu.memref_squeeze %dma_wait3A_179 : memref<1x1x80xi32, #tpu.memory_space<vmem>> -> memref<80xi32, #tpu.memory_space<vmem>>
        %dma_wait3A_181 = arith.constant 0 : i32
        %dma_wait3A_182 = arith.constant 0 : i32
        %dma_wait3A_183 = tpu.memref_slice %arg11[%dma_wait3A_181, %dma_wait3A_182] : memref<10000x128xf32, #tpu.memory_space<vmem_shared>> -> memref<10000x128xf32, #tpu.memory_space<vmem_shared>>
        tpu.wait_indirect_dma semaphore(%arg19 : memref<!tpu.dma_semaphore, #tpu.memory_space<semaphore_mem>>) src(%arg10 : memref<80x128xf32, #tpu.memory_space<vmem>>) dst(%dma_wait3A_183 : memref<10000x128xf32, #tpu.memory_space<vmem_shared>>)
      } else {
      }
      %le3A_165 = arith.constant 24 : i32
      %le3A_166 = arith.cmpi sle, %add3A_148, %le3A_165 : i32
      %convert_element_type3A_167 = arith.extui %le3A_166 : i1 to i32
      %cond3A_168 = arith.constant 0 : i32
      %cond3A_169 = arith.cmpi ne, %convert_element_type3A_167, %cond3A_168 : i32
      scf.if %cond3A_169 {
        %dma_start3A = arith.constant 0 : i32
        %dma_start3A_178 = arith.constant 0 : i32
        %dma_start3A_179 = tpu.memref_slice %arg6[%dma_start3A, %add3A_148, %dma_start3A_178] : memref<2x25x80xi32, #tpu.memory_space<vmem>> -> memref<1x1x80xi32, #tpu.memory_space<vmem>>
        %dma_start3A_180 = tpu.memref_squeeze %dma_start3A_179 : memref<1x1x80xi32, #tpu.memory_space<vmem>> -> memref<80xi32, #tpu.memory_space<vmem>>
        %dma_start3A_181 = arith.constant 0 : i32
        %dma_start3A_182 = arith.constant 0 : i32
        %dma_start3A_183 = tpu.memref_slice %arg2[%dma_start3A_181, %dma_start3A_182] : memref<10000x128xf32, #tpu.memory_space<hbm>> -> memref<10000x128xf32, #tpu.memory_space<hbm>>
        tpu.enqueue_indirect_dma source(%dma_start3A_183 : memref<10000x128xf32, #tpu.memory_space<hbm>>) target(%arg10 : memref<80x128xf32, #tpu.memory_space<vmem>>) offsets(%dma_start3A_180 : memref<80xi32, #tpu.memory_space<vmem>>) semaphore(%arg15 : memref<!tpu.dma_semaphore, #tpu.memory_space<semaphore_mem>>)
      } else {
      }
      %ge3A_170 = arith.constant 3 : i32
      %ge3A_171 = arith.cmpi sge, %add3A_148, %ge3A_170 : i32
      %le3A_172 = arith.constant 27 : i32
      %le3A_173 = arith.cmpi sle, %add3A_148, %le3A_172 : i32
      %and3A_174 = arith.andi %ge3A_171, %le3A_173 : i1
      %convert_element_type3A_175 = arith.extui %and3A_174 : i1 to i32
      %cond3A_176 = arith.constant 0 : i32
      %cond3A_177 = arith.cmpi ne, %convert_element_type3A_175, %cond3A_176 : i32
      scf.if %cond3A_177 {
        %dma_wait3A = arith.constant 0 : i32
        %dma_wait3A_178 = arith.constant 0 : i32
        %dma_wait3A_179 = tpu.memref_slice %arg6[%dma_wait3A, %max3A_152, %dma_wait3A_178] : memref<2x25x80xi32, #tpu.memory_space<vmem>> -> memref<1x1x80xi32, #tpu.memory_space<vmem>>
        %dma_wait3A_180 = tpu.memref_squeeze %dma_wait3A_179 : memref<1x1x80xi32, #tpu.memory_space<vmem>> -> memref<80xi32, #tpu.memory_space<vmem>>
        %dma_wait3A_181 = arith.constant 0 : i32
        %dma_wait3A_182 = arith.constant 0 : i32
        %dma_wait3A_183 = tpu.memref_slice %arg2[%dma_wait3A_181, %dma_wait3A_182] : memref<10000x128xf32, #tpu.memory_space<hbm>> -> memref<10000x128xf32, #tpu.memory_space<hbm>>
        tpu.wait_indirect_dma semaphore(%arg12 : memref<!tpu.dma_semaphore, #tpu.memory_space<semaphore_mem>>) src(%dma_wait3A_183 : memref<10000x128xf32, #tpu.memory_space<hbm>>) dst(%arg7 : memref<80x128xf32, #tpu.memory_space<vmem>>)
        %dma_start3A = arith.constant 1 : i32
        %dma_start3A_184 = arith.constant 0 : i32
        %dma_start3A_185 = tpu.memref_slice %arg6[%dma_start3A, %max3A_152, %dma_start3A_184] : memref<2x25x80xi32, #tpu.memory_space<vmem>> -> memref<1x1x80xi32, #tpu.memory_space<vmem>>
        %dma_start3A_186 = tpu.memref_squeeze %dma_start3A_185 : memref<1x1x80xi32, #tpu.memory_space<vmem>> -> memref<80xi32, #tpu.memory_space<vmem>>
        %dma_start3A_187 = arith.constant 0 : i32
        %dma_start3A_188 = arith.constant 0 : i32
        %dma_start3A_189 = tpu.memref_slice %arg11[%dma_start3A_187, %dma_start3A_188] : memref<10000x128xf32, #tpu.memory_space<vmem_shared>> -> memref<10000x128xf32, #tpu.memory_space<vmem_shared>>
        tpu.enqueue_indirect_dma source(%arg7 : memref<80x128xf32, #tpu.memory_space<vmem>>) target(%dma_start3A_189 : memref<10000x128xf32, #tpu.memory_space<vmem_shared>>) offsets(%dma_start3A_186 : memref<80xi32, #tpu.memory_space<vmem>>) semaphore(%arg16 : memref<!tpu.dma_semaphore, #tpu.memory_space<semaphore_mem>>) {add = true}
      } else {
      }
    }
    %scan3A_25 = arith.constant 8 : i32
    %run_scoped3A_26 = arith.constant 3 : i32
    "tpu.region"() ({
      %run_scoped3A_50 = tpu.sem_alloc : memref<!tpu.dma_semaphore, #tpu.memory_space<semaphore_mem>>
      %dma_start3A = arith.constant 0 : i32
      %dma_start3A_51 = arith.constant 0 : i32
      %dma_start3A_52 = arith.constant 0 : i32
      %dma_start3A_53 = tpu.memref_slice %arg3[%add3A, %run_scoped3A_26, %dma_start3A, %dma_start3A_51, %dma_start3A_52] : memref<32x5x2x25x80xi32, #tpu.memory_space<hbm>> -> memref<1x1x2x25x80xi32, #tpu.memory_space<hbm>>
      %dma_start3A_54 = tpu.memref_squeeze %dma_start3A_53 : memref<1x1x2x25x80xi32, #tpu.memory_space<hbm>> -> memref<2x25x80xi32, #tpu.memory_space<hbm>>
      %dma_start3A_55 = arith.constant 0 : i32
      %dma_start3A_56 = arith.constant 0 : i32
      %dma_start3A_57 = arith.constant 0 : i32
      %dma_start3A_58 = tpu.memref_slice %arg3[%add3A, %run_scoped3A_26, %dma_start3A_55, %dma_start3A_56, %dma_start3A_57] : memref<32x5x2x25x80xi32, #tpu.memory_space<hbm>> -> memref<1x1x2x25x80xi32, #tpu.memory_space<hbm>>
      %dma_start3A_59 = tpu.memref_squeeze %dma_start3A_58 : memref<1x1x2x25x80xi32, #tpu.memory_space<hbm>> -> memref<2x25x80xi32, #tpu.memory_space<hbm>>
      tpu.enqueue_dma source(%dma_start3A_59 : memref<2x25x80xi32, #tpu.memory_space<hbm>>) target(%arg6 : memref<2x25x80xi32, #tpu.memory_space<vmem>>) target_semaphore(%run_scoped3A_50 : memref<!tpu.dma_semaphore, #tpu.memory_space<semaphore_mem>>)
      %dma_wait3A = arith.constant 0 : i32
      %dma_wait3A_60 = arith.constant 0 : i32
      %dma_wait3A_61 = arith.constant 0 : i32
      %dma_wait3A_62 = tpu.memref_slice %arg3[%add3A, %run_scoped3A_26, %dma_wait3A, %dma_wait3A_60, %dma_wait3A_61] : memref<32x5x2x25x80xi32, #tpu.memory_space<hbm>> -> memref<1x1x2x25x80xi32, #tpu.memory_space<hbm>>
      %dma_wait3A_63 = tpu.memref_squeeze %dma_wait3A_62 : memref<1x1x2x25x80xi32, #tpu.memory_space<hbm>> -> memref<2x25x80xi32, #tpu.memory_space<hbm>>
      %dma_wait3A_64 = arith.constant 0 : i32
      %dma_wait3A_65 = arith.constant 0 : i32
      %dma_wait3A_66 = arith.constant 0 : i32
      %dma_wait3A_67 = tpu.memref_slice %arg3[%add3A, %run_scoped3A_26, %dma_wait3A_64, %dma_wait3A_65, %dma_wait3A_66] : memref<32x5x2x25x80xi32, #tpu.memory_space<hbm>> -> memref<1x1x2x25x80xi32, #tpu.memory_space<hbm>>
      %dma_wait3A_68 = tpu.memref_squeeze %dma_wait3A_67 : memref<1x1x2x25x80xi32, #tpu.memory_space<hbm>> -> memref<2x25x80xi32, #tpu.memory_space<hbm>>
      tpu.wait_dma2 semaphore(%run_scoped3A_50 : memref<!tpu.dma_semaphore, #tpu.memory_space<semaphore_mem>>) src(%dma_wait3A_68 : memref<2x25x80xi32, #tpu.memory_space<hbm>>) dst(%arg6 : memref<2x25x80xi32, #tpu.memory_space<vmem>>)
      tpu.yield
    }) : () -> ()
    %scan3A_27 = arith.constant 0 : i32
    %scan3A_28 = arith.constant 0 : i32
    %scan3A_29 = arith.constant 8 : i32
    %scan3A_30 = arith.addi %scan3A_28, %scan3A_29 : i32
    %scan3A_31 = arith.constant 1 : i32
    scf.for %scan3A_50 = %scan3A_28 to %scan3A_30 step %scan3A_31  : i32 {
      %mul3A_51 = arith.constant 4 : i32
      %mul3A_52 = arith.muli %mul3A_51, %scan3A_50 : i32
      %add3A_53 = arith.constant 0 : i32
      %add3A_54 = arith.addi %mul3A_52, %add3A_53 : i32
      %sub3A = arith.constant 3 : i32
      %sub3A_55 = arith.subi %add3A_54, %sub3A : i32
      %max3A = arith.constant 0 : i32
      %max3A_56 = arith.maxsi %sub3A_55, %max3A : i32
      %sub3A_57 = arith.constant 4 : i32
      %sub3A_58 = arith.subi %add3A_54, %sub3A_57 : i32
      %max3A_59 = arith.constant 0 : i32
      %max3A_60 = arith.maxsi %sub3A_58, %max3A_59 : i32
      %ge3A = arith.constant 4 : i32
      %ge3A_61 = arith.cmpi sge, %add3A_54, %ge3A : i32
      %le3A = arith.constant 28 : i32
      %le3A_62 = arith.cmpi sle, %add3A_54, %le3A : i32
      %and3A = arith.andi %ge3A_61, %le3A_62 : i1
      %convert_element_type3A_63 = arith.extui %and3A : i1 to i32
      %cond3A_64 = arith.constant 0 : i32
      %cond3A_65 = arith.cmpi ne, %convert_element_type3A_63, %cond3A_64 : i32
      scf.if %cond3A_65 {
        %dma_wait3A = arith.constant 1 : i32
        %dma_wait3A_178 = arith.constant 0 : i32
        %dma_wait3A_179 = tpu.memref_slice %arg6[%dma_wait3A, %max3A_60, %dma_wait3A_178] : memref<2x25x80xi32, #tpu.memory_space<vmem>> -> memref<1x1x80xi32, #tpu.memory_space<vmem>>
        %dma_wait3A_180 = tpu.memref_squeeze %dma_wait3A_179 : memref<1x1x80xi32, #tpu.memory_space<vmem>> -> memref<80xi32, #tpu.memory_space<vmem>>
        %dma_wait3A_181 = arith.constant 0 : i32
        %dma_wait3A_182 = arith.constant 0 : i32
        %dma_wait3A_183 = tpu.memref_slice %arg11[%dma_wait3A_181, %dma_wait3A_182] : memref<10000x128xf32, #tpu.memory_space<vmem_shared>> -> memref<10000x128xf32, #tpu.memory_space<vmem_shared>>
        tpu.wait_indirect_dma semaphore(%arg16 : memref<!tpu.dma_semaphore, #tpu.memory_space<semaphore_mem>>) src(%arg7 : memref<80x128xf32, #tpu.memory_space<vmem>>) dst(%dma_wait3A_183 : memref<10000x128xf32, #tpu.memory_space<vmem_shared>>)
      } else {
      }
      %le3A_66 = arith.constant 24 : i32
      %le3A_67 = arith.cmpi sle, %add3A_54, %le3A_66 : i32
      %convert_element_type3A_68 = arith.extui %le3A_67 : i1 to i32
      %cond3A_69 = arith.constant 0 : i32
      %cond3A_70 = arith.cmpi ne, %convert_element_type3A_68, %cond3A_69 : i32
      scf.if %cond3A_70 {
        %dma_start3A = arith.constant 0 : i32
        %dma_start3A_178 = arith.constant 0 : i32
        %dma_start3A_179 = tpu.memref_slice %arg6[%dma_start3A, %add3A_54, %dma_start3A_178] : memref<2x25x80xi32, #tpu.memory_space<vmem>> -> memref<1x1x80xi32, #tpu.memory_space<vmem>>
        %dma_start3A_180 = tpu.memref_squeeze %dma_start3A_179 : memref<1x1x80xi32, #tpu.memory_space<vmem>> -> memref<80xi32, #tpu.memory_space<vmem>>
        %dma_start3A_181 = arith.constant 0 : i32
        %dma_start3A_182 = arith.constant 0 : i32
        %dma_start3A_183 = tpu.memref_slice %arg2[%dma_start3A_181, %dma_start3A_182] : memref<10000x128xf32, #tpu.memory_space<hbm>> -> memref<10000x128xf32, #tpu.memory_space<hbm>>
        tpu.enqueue_indirect_dma source(%dma_start3A_183 : memref<10000x128xf32, #tpu.memory_space<hbm>>) target(%arg7 : memref<80x128xf32, #tpu.memory_space<vmem>>) offsets(%dma_start3A_180 : memref<80xi32, #tpu.memory_space<vmem>>) semaphore(%arg12 : memref<!tpu.dma_semaphore, #tpu.memory_space<semaphore_mem>>)
      } else {
      }
      %ge3A_71 = arith.constant 3 : i32
      %ge3A_72 = arith.cmpi sge, %add3A_54, %ge3A_71 : i32
      %le3A_73 = arith.constant 27 : i32
      %le3A_74 = arith.cmpi sle, %add3A_54, %le3A_73 : i32
      %and3A_75 = arith.andi %ge3A_72, %le3A_74 : i1
      %convert_element_type3A_76 = arith.extui %and3A_75 : i1 to i32
      %cond3A_77 = arith.constant 0 : i32
      %cond3A_78 = arith.cmpi ne, %convert_element_type3A_76, %cond3A_77 : i32
      scf.if %cond3A_78 {
        %dma_wait3A = arith.constant 0 : i32
        %dma_wait3A_178 = arith.constant 0 : i32
        %dma_wait3A_179 = tpu.memref_slice %arg6[%dma_wait3A, %max3A_56, %dma_wait3A_178] : memref<2x25x80xi32, #tpu.memory_space<vmem>> -> memref<1x1x80xi32, #tpu.memory_space<vmem>>
        %dma_wait3A_180 = tpu.memref_squeeze %dma_wait3A_179 : memref<1x1x80xi32, #tpu.memory_space<vmem>> -> memref<80xi32, #tpu.memory_space<vmem>>
        %dma_wait3A_181 = arith.constant 0 : i32
        %dma_wait3A_182 = arith.constant 0 : i32
        %dma_wait3A_183 = tpu.memref_slice %arg2[%dma_wait3A_181, %dma_wait3A_182] : memref<10000x128xf32, #tpu.memory_space<hbm>> -> memref<10000x128xf32, #tpu.memory_space<hbm>>
        tpu.wait_indirect_dma semaphore(%arg13 : memref<!tpu.dma_semaphore, #tpu.memory_space<semaphore_mem>>) src(%dma_wait3A_183 : memref<10000x128xf32, #tpu.memory_space<hbm>>) dst(%arg8 : memref<80x128xf32, #tpu.memory_space<vmem>>)
        %dma_start3A = arith.constant 1 : i32
        %dma_start3A_184 = arith.constant 0 : i32
        %dma_start3A_185 = tpu.memref_slice %arg6[%dma_start3A, %max3A_56, %dma_start3A_184] : memref<2x25x80xi32, #tpu.memory_space<vmem>> -> memref<1x1x80xi32, #tpu.memory_space<vmem>>
        %dma_start3A_186 = tpu.memref_squeeze %dma_start3A_185 : memref<1x1x80xi32, #tpu.memory_space<vmem>> -> memref<80xi32, #tpu.memory_space<vmem>>
        %dma_start3A_187 = arith.constant 0 : i32
        %dma_start3A_188 = arith.constant 0 : i32
        %dma_start3A_189 = tpu.memref_slice %arg11[%dma_start3A_187, %dma_start3A_188] : memref<10000x128xf32, #tpu.memory_space<vmem_shared>> -> memref<10000x128xf32, #tpu.memory_space<vmem_shared>>
        tpu.enqueue_indirect_dma source(%arg8 : memref<80x128xf32, #tpu.memory_space<vmem>>) target(%dma_start3A_189 : memref<10000x128xf32, #tpu.memory_space<vmem_shared>>) offsets(%dma_start3A_186 : memref<80xi32, #tpu.memory_space<vmem>>) semaphore(%arg17 : memref<!tpu.dma_semaphore, #tpu.memory_space<semaphore_mem>>) {add = true}
      } else {
      }
      %mul3A_79 = arith.constant 4 : i32
      %mul3A_80 = arith.muli %mul3A_79, %scan3A_50 : i32
      %add3A_81 = arith.constant 1 : i32
      %add3A_82 = arith.addi %mul3A_80, %add3A_81 : i32
      %sub3A_83 = arith.constant 3 : i32
      %sub3A_84 = arith.subi %add3A_82, %sub3A_83 : i32
      %max3A_85 = arith.constant 0 : i32
      %max3A_86 = arith.maxsi %sub3A_84, %max3A_85 : i32
      %sub3A_87 = arith.constant 4 : i32
      %sub3A_88 = arith.subi %add3A_82, %sub3A_87 : i32
      %max3A_89 = arith.constant 0 : i32
      %max3A_90 = arith.maxsi %sub3A_88, %max3A_89 : i32
      %ge3A_91 = arith.constant 4 : i32
      %ge3A_92 = arith.cmpi sge, %add3A_82, %ge3A_91 : i32
      %le3A_93 = arith.constant 28 : i32
      %le3A_94 = arith.cmpi sle, %add3A_82, %le3A_93 : i32
      %and3A_95 = arith.andi %ge3A_92, %le3A_94 : i1
      %convert_element_type3A_96 = arith.extui %and3A_95 : i1 to i32
      %cond3A_97 = arith.constant 0 : i32
      %cond3A_98 = arith.cmpi ne, %convert_element_type3A_96, %cond3A_97 : i32
      scf.if %cond3A_98 {
        %dma_wait3A = arith.constant 1 : i32
        %dma_wait3A_178 = arith.constant 0 : i32
        %dma_wait3A_179 = tpu.memref_slice %arg6[%dma_wait3A, %max3A_90, %dma_wait3A_178] : memref<2x25x80xi32, #tpu.memory_space<vmem>> -> memref<1x1x80xi32, #tpu.memory_space<vmem>>
        %dma_wait3A_180 = tpu.memref_squeeze %dma_wait3A_179 : memref<1x1x80xi32, #tpu.memory_space<vmem>> -> memref<80xi32, #tpu.memory_space<vmem>>
        %dma_wait3A_181 = arith.constant 0 : i32
        %dma_wait3A_182 = arith.constant 0 : i32
        %dma_wait3A_183 = tpu.memref_slice %arg11[%dma_wait3A_181, %dma_wait3A_182] : memref<10000x128xf32, #tpu.memory_space<vmem_shared>> -> memref<10000x128xf32, #tpu.memory_space<vmem_shared>>
        tpu.wait_indirect_dma semaphore(%arg17 : memref<!tpu.dma_semaphore, #tpu.memory_space<semaphore_mem>>) src(%arg8 : memref<80x128xf32, #tpu.memory_space<vmem>>) dst(%dma_wait3A_183 : memref<10000x128xf32, #tpu.memory_space<vmem_shared>>)
      } else {
      }
      %le3A_99 = arith.constant 24 : i32
      %le3A_100 = arith.cmpi sle, %add3A_82, %le3A_99 : i32
      %convert_element_type3A_101 = arith.extui %le3A_100 : i1 to i32
      %cond3A_102 = arith.constant 0 : i32
      %cond3A_103 = arith.cmpi ne, %convert_element_type3A_101, %cond3A_102 : i32
      scf.if %cond3A_103 {
        %dma_start3A = arith.constant 0 : i32
        %dma_start3A_178 = arith.constant 0 : i32
        %dma_start3A_179 = tpu.memref_slice %arg6[%dma_start3A, %add3A_82, %dma_start3A_178] : memref<2x25x80xi32, #tpu.memory_space<vmem>> -> memref<1x1x80xi32, #tpu.memory_space<vmem>>
        %dma_start3A_180 = tpu.memref_squeeze %dma_start3A_179 : memref<1x1x80xi32, #tpu.memory_space<vmem>> -> memref<80xi32, #tpu.memory_space<vmem>>
        %dma_start3A_181 = arith.constant 0 : i32
        %dma_start3A_182 = arith.constant 0 : i32
        %dma_start3A_183 = tpu.memref_slice %arg2[%dma_start3A_181, %dma_start3A_182] : memref<10000x128xf32, #tpu.memory_space<hbm>> -> memref<10000x128xf32, #tpu.memory_space<hbm>>
        tpu.enqueue_indirect_dma source(%dma_start3A_183 : memref<10000x128xf32, #tpu.memory_space<hbm>>) target(%arg8 : memref<80x128xf32, #tpu.memory_space<vmem>>) offsets(%dma_start3A_180 : memref<80xi32, #tpu.memory_space<vmem>>) semaphore(%arg13 : memref<!tpu.dma_semaphore, #tpu.memory_space<semaphore_mem>>)
      } else {
      }
      %ge3A_104 = arith.constant 3 : i32
      %ge3A_105 = arith.cmpi sge, %add3A_82, %ge3A_104 : i32
      %le3A_106 = arith.constant 27 : i32
      %le3A_107 = arith.cmpi sle, %add3A_82, %le3A_106 : i32
      %and3A_108 = arith.andi %ge3A_105, %le3A_107 : i1
      %convert_element_type3A_109 = arith.extui %and3A_108 : i1 to i32
      %cond3A_110 = arith.constant 0 : i32
      %cond3A_111 = arith.cmpi ne, %convert_element_type3A_109, %cond3A_110 : i32
      scf.if %cond3A_111 {
        %dma_wait3A = arith.constant 0 : i32
        %dma_wait3A_178 = arith.constant 0 : i32
        %dma_wait3A_179 = tpu.memref_slice %arg6[%dma_wait3A, %max3A_86, %dma_wait3A_178] : memref<2x25x80xi32, #tpu.memory_space<vmem>> -> memref<1x1x80xi32, #tpu.memory_space<vmem>>
        %dma_wait3A_180 = tpu.memref_squeeze %dma_wait3A_179 : memref<1x1x80xi32, #tpu.memory_space<vmem>> -> memref<80xi32, #tpu.memory_space<vmem>>
        %dma_wait3A_181 = arith.constant 0 : i32
        %dma_wait3A_182 = arith.constant 0 : i32
        %dma_wait3A_183 = tpu.memref_slice %arg2[%dma_wait3A_181, %dma_wait3A_182] : memref<10000x128xf32, #tpu.memory_space<hbm>> -> memref<10000x128xf32, #tpu.memory_space<hbm>>
        tpu.wait_indirect_dma semaphore(%arg14 : memref<!tpu.dma_semaphore, #tpu.memory_space<semaphore_mem>>) src(%dma_wait3A_183 : memref<10000x128xf32, #tpu.memory_space<hbm>>) dst(%arg9 : memref<80x128xf32, #tpu.memory_space<vmem>>)
        %dma_start3A = arith.constant 1 : i32
        %dma_start3A_184 = arith.constant 0 : i32
        %dma_start3A_185 = tpu.memref_slice %arg6[%dma_start3A, %max3A_86, %dma_start3A_184] : memref<2x25x80xi32, #tpu.memory_space<vmem>> -> memref<1x1x80xi32, #tpu.memory_space<vmem>>
        %dma_start3A_186 = tpu.memref_squeeze %dma_start3A_185 : memref<1x1x80xi32, #tpu.memory_space<vmem>> -> memref<80xi32, #tpu.memory_space<vmem>>
        %dma_start3A_187 = arith.constant 0 : i32
        %dma_start3A_188 = arith.constant 0 : i32
        %dma_start3A_189 = tpu.memref_slice %arg11[%dma_start3A_187, %dma_start3A_188] : memref<10000x128xf32, #tpu.memory_space<vmem_shared>> -> memref<10000x128xf32, #tpu.memory_space<vmem_shared>>
        tpu.enqueue_indirect_dma source(%arg9 : memref<80x128xf32, #tpu.memory_space<vmem>>) target(%dma_start3A_189 : memref<10000x128xf32, #tpu.memory_space<vmem_shared>>) offsets(%dma_start3A_186 : memref<80xi32, #tpu.memory_space<vmem>>) semaphore(%arg18 : memref<!tpu.dma_semaphore, #tpu.memory_space<semaphore_mem>>) {add = true}
      } else {
      }
      %mul3A_112 = arith.constant 4 : i32
      %mul3A_113 = arith.muli %mul3A_112, %scan3A_50 : i32
      %add3A_114 = arith.constant 2 : i32
      %add3A_115 = arith.addi %mul3A_113, %add3A_114 : i32
      %sub3A_116 = arith.constant 3 : i32
      %sub3A_117 = arith.subi %add3A_115, %sub3A_116 : i32
      %max3A_118 = arith.constant 0 : i32
      %max3A_119 = arith.maxsi %sub3A_117, %max3A_118 : i32
      %sub3A_120 = arith.constant 4 : i32
      %sub3A_121 = arith.subi %add3A_115, %sub3A_120 : i32
      %max3A_122 = arith.constant 0 : i32
      %max3A_123 = arith.maxsi %sub3A_121, %max3A_122 : i32
      %ge3A_124 = arith.constant 4 : i32
      %ge3A_125 = arith.cmpi sge, %add3A_115, %ge3A_124 : i32
      %le3A_126 = arith.constant 28 : i32
      %le3A_127 = arith.cmpi sle, %add3A_115, %le3A_126 : i32
      %and3A_128 = arith.andi %ge3A_125, %le3A_127 : i1
      %convert_element_type3A_129 = arith.extui %and3A_128 : i1 to i32
      %cond3A_130 = arith.constant 0 : i32
      %cond3A_131 = arith.cmpi ne, %convert_element_type3A_129, %cond3A_130 : i32
      scf.if %cond3A_131 {
        %dma_wait3A = arith.constant 1 : i32
        %dma_wait3A_178 = arith.constant 0 : i32
        %dma_wait3A_179 = tpu.memref_slice %arg6[%dma_wait3A, %max3A_123, %dma_wait3A_178] : memref<2x25x80xi32, #tpu.memory_space<vmem>> -> memref<1x1x80xi32, #tpu.memory_space<vmem>>
        %dma_wait3A_180 = tpu.memref_squeeze %dma_wait3A_179 : memref<1x1x80xi32, #tpu.memory_space<vmem>> -> memref<80xi32, #tpu.memory_space<vmem>>
        %dma_wait3A_181 = arith.constant 0 : i32
        %dma_wait3A_182 = arith.constant 0 : i32
        %dma_wait3A_183 = tpu.memref_slice %arg11[%dma_wait3A_181, %dma_wait3A_182] : memref<10000x128xf32, #tpu.memory_space<vmem_shared>> -> memref<10000x128xf32, #tpu.memory_space<vmem_shared>>
        tpu.wait_indirect_dma semaphore(%arg18 : memref<!tpu.dma_semaphore, #tpu.memory_space<semaphore_mem>>) src(%arg9 : memref<80x128xf32, #tpu.memory_space<vmem>>) dst(%dma_wait3A_183 : memref<10000x128xf32, #tpu.memory_space<vmem_shared>>)
      } else {
      }
      %le3A_132 = arith.constant 24 : i32
      %le3A_133 = arith.cmpi sle, %add3A_115, %le3A_132 : i32
      %convert_element_type3A_134 = arith.extui %le3A_133 : i1 to i32
      %cond3A_135 = arith.constant 0 : i32
      %cond3A_136 = arith.cmpi ne, %convert_element_type3A_134, %cond3A_135 : i32
      scf.if %cond3A_136 {
        %dma_start3A = arith.constant 0 : i32
        %dma_start3A_178 = arith.constant 0 : i32
        %dma_start3A_179 = tpu.memref_slice %arg6[%dma_start3A, %add3A_115, %dma_start3A_178] : memref<2x25x80xi32, #tpu.memory_space<vmem>> -> memref<1x1x80xi32, #tpu.memory_space<vmem>>
        %dma_start3A_180 = tpu.memref_squeeze %dma_start3A_179 : memref<1x1x80xi32, #tpu.memory_space<vmem>> -> memref<80xi32, #tpu.memory_space<vmem>>
        %dma_start3A_181 = arith.constant 0 : i32
        %dma_start3A_182 = arith.constant 0 : i32
        %dma_start3A_183 = tpu.memref_slice %arg2[%dma_start3A_181, %dma_start3A_182] : memref<10000x128xf32, #tpu.memory_space<hbm>> -> memref<10000x128xf32, #tpu.memory_space<hbm>>
        tpu.enqueue_indirect_dma source(%dma_start3A_183 : memref<10000x128xf32, #tpu.memory_space<hbm>>) target(%arg9 : memref<80x128xf32, #tpu.memory_space<vmem>>) offsets(%dma_start3A_180 : memref<80xi32, #tpu.memory_space<vmem>>) semaphore(%arg14 : memref<!tpu.dma_semaphore, #tpu.memory_space<semaphore_mem>>)
      } else {
      }
      %ge3A_137 = arith.constant 3 : i32
      %ge3A_138 = arith.cmpi sge, %add3A_115, %ge3A_137 : i32
      %le3A_139 = arith.constant 27 : i32
      %le3A_140 = arith.cmpi sle, %add3A_115, %le3A_139 : i32
      %and3A_141 = arith.andi %ge3A_138, %le3A_140 : i1
      %convert_element_type3A_142 = arith.extui %and3A_141 : i1 to i32
      %cond3A_143 = arith.constant 0 : i32
      %cond3A_144 = arith.cmpi ne, %convert_element_type3A_142, %cond3A_143 : i32
      scf.if %cond3A_144 {
        %dma_wait3A = arith.constant 0 : i32
        %dma_wait3A_178 = arith.constant 0 : i32
        %dma_wait3A_179 = tpu.memref_slice %arg6[%dma_wait3A, %max3A_119, %dma_wait3A_178] : memref<2x25x80xi32, #tpu.memory_space<vmem>> -> memref<1x1x80xi32, #tpu.memory_space<vmem>>
        %dma_wait3A_180 = tpu.memref_squeeze %dma_wait3A_179 : memref<1x1x80xi32, #tpu.memory_space<vmem>> -> memref<80xi32, #tpu.memory_space<vmem>>
        %dma_wait3A_181 = arith.constant 0 : i32
        %dma_wait3A_182 = arith.constant 0 : i32
        %dma_wait3A_183 = tpu.memref_slice %arg2[%dma_wait3A_181, %dma_wait3A_182] : memref<10000x128xf32, #tpu.memory_space<hbm>> -> memref<10000x128xf32, #tpu.memory_space<hbm>>
        tpu.wait_indirect_dma semaphore(%arg15 : memref<!tpu.dma_semaphore, #tpu.memory_space<semaphore_mem>>) src(%dma_wait3A_183 : memref<10000x128xf32, #tpu.memory_space<hbm>>) dst(%arg10 : memref<80x128xf32, #tpu.memory_space<vmem>>)
        %dma_start3A = arith.constant 1 : i32
        %dma_start3A_184 = arith.constant 0 : i32
        %dma_start3A_185 = tpu.memref_slice %arg6[%dma_start3A, %max3A_119, %dma_start3A_184] : memref<2x25x80xi32, #tpu.memory_space<vmem>> -> memref<1x1x80xi32, #tpu.memory_space<vmem>>
        %dma_start3A_186 = tpu.memref_squeeze %dma_start3A_185 : memref<1x1x80xi32, #tpu.memory_space<vmem>> -> memref<80xi32, #tpu.memory_space<vmem>>
        %dma_start3A_187 = arith.constant 0 : i32
        %dma_start3A_188 = arith.constant 0 : i32
        %dma_start3A_189 = tpu.memref_slice %arg11[%dma_start3A_187, %dma_start3A_188] : memref<10000x128xf32, #tpu.memory_space<vmem_shared>> -> memref<10000x128xf32, #tpu.memory_space<vmem_shared>>
        tpu.enqueue_indirect_dma source(%arg10 : memref<80x128xf32, #tpu.memory_space<vmem>>) target(%dma_start3A_189 : memref<10000x128xf32, #tpu.memory_space<vmem_shared>>) offsets(%dma_start3A_186 : memref<80xi32, #tpu.memory_space<vmem>>) semaphore(%arg19 : memref<!tpu.dma_semaphore, #tpu.memory_space<semaphore_mem>>) {add = true}
      } else {
      }
      %mul3A_145 = arith.constant 4 : i32
      %mul3A_146 = arith.muli %mul3A_145, %scan3A_50 : i32
      %add3A_147 = arith.constant 3 : i32
      %add3A_148 = arith.addi %mul3A_146, %add3A_147 : i32
      %sub3A_149 = arith.constant 3 : i32
      %sub3A_150 = arith.subi %add3A_148, %sub3A_149 : i32
      %max3A_151 = arith.constant 0 : i32
      %max3A_152 = arith.maxsi %sub3A_150, %max3A_151 : i32
      %sub3A_153 = arith.constant 4 : i32
      %sub3A_154 = arith.subi %add3A_148, %sub3A_153 : i32
      %max3A_155 = arith.constant 0 : i32
      %max3A_156 = arith.maxsi %sub3A_154, %max3A_155 : i32
      %ge3A_157 = arith.constant 4 : i32
      %ge3A_158 = arith.cmpi sge, %add3A_148, %ge3A_157 : i32
      %le3A_159 = arith.constant 28 : i32
      %le3A_160 = arith.cmpi sle, %add3A_148, %le3A_159 : i32
      %and3A_161 = arith.andi %ge3A_158, %le3A_160 : i1
      %convert_element_type3A_162 = arith.extui %and3A_161 : i1 to i32
      %cond3A_163 = arith.constant 0 : i32
      %cond3A_164 = arith.cmpi ne, %convert_element_type3A_162, %cond3A_163 : i32
      scf.if %cond3A_164 {
        %dma_wait3A = arith.constant 1 : i32
        %dma_wait3A_178 = arith.constant 0 : i32
        %dma_wait3A_179 = tpu.memref_slice %arg6[%dma_wait3A, %max3A_156, %dma_wait3A_178] : memref<2x25x80xi32, #tpu.memory_space<vmem>> -> memref<1x1x80xi32, #tpu.memory_space<vmem>>
        %dma_wait3A_180 = tpu.memref_squeeze %dma_wait3A_179 : memref<1x1x80xi32, #tpu.memory_space<vmem>> -> memref<80xi32, #tpu.memory_space<vmem>>
        %dma_wait3A_181 = arith.constant 0 : i32
        %dma_wait3A_182 = arith.constant 0 : i32
        %dma_wait3A_183 = tpu.memref_slice %arg11[%dma_wait3A_181, %dma_wait3A_182] : memref<10000x128xf32, #tpu.memory_space<vmem_shared>> -> memref<10000x128xf32, #tpu.memory_space<vmem_shared>>
        tpu.wait_indirect_dma semaphore(%arg19 : memref<!tpu.dma_semaphore, #tpu.memory_space<semaphore_mem>>) src(%arg10 : memref<80x128xf32, #tpu.memory_space<vmem>>) dst(%dma_wait3A_183 : memref<10000x128xf32, #tpu.memory_space<vmem_shared>>)
      } else {
      }
      %le3A_165 = arith.constant 24 : i32
      %le3A_166 = arith.cmpi sle, %add3A_148, %le3A_165 : i32
      %convert_element_type3A_167 = arith.extui %le3A_166 : i1 to i32
      %cond3A_168 = arith.constant 0 : i32
      %cond3A_169 = arith.cmpi ne, %convert_element_type3A_167, %cond3A_168 : i32
      scf.if %cond3A_169 {
        %dma_start3A = arith.constant 0 : i32
        %dma_start3A_178 = arith.constant 0 : i32
        %dma_start3A_179 = tpu.memref_slice %arg6[%dma_start3A, %add3A_148, %dma_start3A_178] : memref<2x25x80xi32, #tpu.memory_space<vmem>> -> memref<1x1x80xi32, #tpu.memory_space<vmem>>
        %dma_start3A_180 = tpu.memref_squeeze %dma_start3A_179 : memref<1x1x80xi32, #tpu.memory_space<vmem>> -> memref<80xi32, #tpu.memory_space<vmem>>
        %dma_start3A_181 = arith.constant 0 : i32
        %dma_start3A_182 = arith.constant 0 : i32
        %dma_start3A_183 = tpu.memref_slice %arg2[%dma_start3A_181, %dma_start3A_182] : memref<10000x128xf32, #tpu.memory_space<hbm>> -> memref<10000x128xf32, #tpu.memory_space<hbm>>
        tpu.enqueue_indirect_dma source(%dma_start3A_183 : memref<10000x128xf32, #tpu.memory_space<hbm>>) target(%arg10 : memref<80x128xf32, #tpu.memory_space<vmem>>) offsets(%dma_start3A_180 : memref<80xi32, #tpu.memory_space<vmem>>) semaphore(%arg15 : memref<!tpu.dma_semaphore, #tpu.memory_space<semaphore_mem>>)
      } else {
      }
      %ge3A_170 = arith.constant 3 : i32
      %ge3A_171 = arith.cmpi sge, %add3A_148, %ge3A_170 : i32
      %le3A_172 = arith.constant 27 : i32
      %le3A_173 = arith.cmpi sle, %add3A_148, %le3A_172 : i32
      %and3A_174 = arith.andi %ge3A_171, %le3A_173 : i1
      %convert_element_type3A_175 = arith.extui %and3A_174 : i1 to i32
      %cond3A_176 = arith.constant 0 : i32
      %cond3A_177 = arith.cmpi ne, %convert_element_type3A_175, %cond3A_176 : i32
      scf.if %cond3A_177 {
        %dma_wait3A = arith.constant 0 : i32
        %dma_wait3A_178 = arith.constant 0 : i32
        %dma_wait3A_179 = tpu.memref_slice %arg6[%dma_wait3A, %max3A_152, %dma_wait3A_178] : memref<2x25x80xi32, #tpu.memory_space<vmem>> -> memref<1x1x80xi32, #tpu.memory_space<vmem>>
        %dma_wait3A_180 = tpu.memref_squeeze %dma_wait3A_179 : memref<1x1x80xi32, #tpu.memory_space<vmem>> -> memref<80xi32, #tpu.memory_space<vmem>>
        %dma_wait3A_181 = arith.constant 0 : i32
        %dma_wait3A_182 = arith.constant 0 : i32
        %dma_wait3A_183 = tpu.memref_slice %arg2[%dma_wait3A_181, %dma_wait3A_182] : memref<10000x128xf32, #tpu.memory_space<hbm>> -> memref<10000x128xf32, #tpu.memory_space<hbm>>
        tpu.wait_indirect_dma semaphore(%arg12 : memref<!tpu.dma_semaphore, #tpu.memory_space<semaphore_mem>>) src(%dma_wait3A_183 : memref<10000x128xf32, #tpu.memory_space<hbm>>) dst(%arg7 : memref<80x128xf32, #tpu.memory_space<vmem>>)
        %dma_start3A = arith.constant 1 : i32
        %dma_start3A_184 = arith.constant 0 : i32
        %dma_start3A_185 = tpu.memref_slice %arg6[%dma_start3A, %max3A_152, %dma_start3A_184] : memref<2x25x80xi32, #tpu.memory_space<vmem>> -> memref<1x1x80xi32, #tpu.memory_space<vmem>>
        %dma_start3A_186 = tpu.memref_squeeze %dma_start3A_185 : memref<1x1x80xi32, #tpu.memory_space<vmem>> -> memref<80xi32, #tpu.memory_space<vmem>>
        %dma_start3A_187 = arith.constant 0 : i32
        %dma_start3A_188 = arith.constant 0 : i32
        %dma_start3A_189 = tpu.memref_slice %arg11[%dma_start3A_187, %dma_start3A_188] : memref<10000x128xf32, #tpu.memory_space<vmem_shared>> -> memref<10000x128xf32, #tpu.memory_space<vmem_shared>>
        tpu.enqueue_indirect_dma source(%arg7 : memref<80x128xf32, #tpu.memory_space<vmem>>) target(%dma_start3A_189 : memref<10000x128xf32, #tpu.memory_space<vmem_shared>>) offsets(%dma_start3A_186 : memref<80xi32, #tpu.memory_space<vmem>>) semaphore(%arg16 : memref<!tpu.dma_semaphore, #tpu.memory_space<semaphore_mem>>) {add = true}
      } else {
      }
    }
    %scan3A_32 = arith.constant 8 : i32
    %run_scoped3A_33 = arith.constant 4 : i32
    "tpu.region"() ({
      %run_scoped3A_50 = tpu.sem_alloc : memref<!tpu.dma_semaphore, #tpu.memory_space<semaphore_mem>>
      %dma_start3A = arith.constant 0 : i32
      %dma_start3A_51 = arith.constant 0 : i32
      %dma_start3A_52 = arith.constant 0 : i32
      %dma_start3A_53 = tpu.memref_slice %arg3[%add3A, %run_scoped3A_33, %dma_start3A, %dma_start3A_51, %dma_start3A_52] : memref<32x5x2x25x80xi32, #tpu.memory_space<hbm>> -> memref<1x1x2x25x80xi32, #tpu.memory_space<hbm>>
      %dma_start3A_54 = tpu.memref_squeeze %dma_start3A_53 : memref<1x1x2x25x80xi32, #tpu.memory_space<hbm>> -> memref<2x25x80xi32, #tpu.memory_space<hbm>>
      %dma_start3A_55 = arith.constant 0 : i32
      %dma_start3A_56 = arith.constant 0 : i32
      %dma_start3A_57 = arith.constant 0 : i32
      %dma_start3A_58 = tpu.memref_slice %arg3[%add3A, %run_scoped3A_33, %dma_start3A_55, %dma_start3A_56, %dma_start3A_57] : memref<32x5x2x25x80xi32, #tpu.memory_space<hbm>> -> memref<1x1x2x25x80xi32, #tpu.memory_space<hbm>>
      %dma_start3A_59 = tpu.memref_squeeze %dma_start3A_58 : memref<1x1x2x25x80xi32, #tpu.memory_space<hbm>> -> memref<2x25x80xi32, #tpu.memory_space<hbm>>
      tpu.enqueue_dma source(%dma_start3A_59 : memref<2x25x80xi32, #tpu.memory_space<hbm>>) target(%arg6 : memref<2x25x80xi32, #tpu.memory_space<vmem>>) target_semaphore(%run_scoped3A_50 : memref<!tpu.dma_semaphore, #tpu.memory_space<semaphore_mem>>)
      %dma_wait3A = arith.constant 0 : i32
      %dma_wait3A_60 = arith.constant 0 : i32
      %dma_wait3A_61 = arith.constant 0 : i32
      %dma_wait3A_62 = tpu.memref_slice %arg3[%add3A, %run_scoped3A_33, %dma_wait3A, %dma_wait3A_60, %dma_wait3A_61] : memref<32x5x2x25x80xi32, #tpu.memory_space<hbm>> -> memref<1x1x2x25x80xi32, #tpu.memory_space<hbm>>
      %dma_wait3A_63 = tpu.memref_squeeze %dma_wait3A_62 : memref<1x1x2x25x80xi32, #tpu.memory_space<hbm>> -> memref<2x25x80xi32, #tpu.memory_space<hbm>>
      %dma_wait3A_64 = arith.constant 0 : i32
      %dma_wait3A_65 = arith.constant 0 : i32
      %dma_wait3A_66 = arith.constant 0 : i32
      %dma_wait3A_67 = tpu.memref_slice %arg3[%add3A, %run_scoped3A_33, %dma_wait3A_64, %dma_wait3A_65, %dma_wait3A_66] : memref<32x5x2x25x80xi32, #tpu.memory_space<hbm>> -> memref<1x1x2x25x80xi32, #tpu.memory_space<hbm>>
      %dma_wait3A_68 = tpu.memref_squeeze %dma_wait3A_67 : memref<1x1x2x25x80xi32, #tpu.memory_space<hbm>> -> memref<2x25x80xi32, #tpu.memory_space<hbm>>
      tpu.wait_dma2 semaphore(%run_scoped3A_50 : memref<!tpu.dma_semaphore, #tpu.memory_space<semaphore_mem>>) src(%dma_wait3A_68 : memref<2x25x80xi32, #tpu.memory_space<hbm>>) dst(%arg6 : memref<2x25x80xi32, #tpu.memory_space<vmem>>)
      tpu.yield
    }) : () -> ()
    %scan3A_34 = arith.constant 0 : i32
    %scan3A_35 = arith.constant 0 : i32
    %scan3A_36 = arith.constant 8 : i32
    %scan3A_37 = arith.addi %scan3A_35, %scan3A_36 : i32
    %scan3A_38 = arith.constant 1 : i32
    scf.for %scan3A_50 = %scan3A_35 to %scan3A_37 step %scan3A_38  : i32 {
      %mul3A_51 = arith.constant 4 : i32
      %mul3A_52 = arith.muli %mul3A_51, %scan3A_50 : i32
      %add3A_53 = arith.constant 0 : i32
      %add3A_54 = arith.addi %mul3A_52, %add3A_53 : i32
      %sub3A = arith.constant 3 : i32
      %sub3A_55 = arith.subi %add3A_54, %sub3A : i32
      %max3A = arith.constant 0 : i32
      %max3A_56 = arith.maxsi %sub3A_55, %max3A : i32
      %sub3A_57 = arith.constant 4 : i32
      %sub3A_58 = arith.subi %add3A_54, %sub3A_57 : i32
      %max3A_59 = arith.constant 0 : i32
      %max3A_60 = arith.maxsi %sub3A_58, %max3A_59 : i32
      %ge3A = arith.constant 4 : i32
      %ge3A_61 = arith.cmpi sge, %add3A_54, %ge3A : i32
      %le3A = arith.constant 28 : i32
      %le3A_62 = arith.cmpi sle, %add3A_54, %le3A : i32
      %and3A = arith.andi %ge3A_61, %le3A_62 : i1
      %convert_element_type3A_63 = arith.extui %and3A : i1 to i32
      %cond3A_64 = arith.constant 0 : i32
      %cond3A_65 = arith.cmpi ne, %convert_element_type3A_63, %cond3A_64 : i32
      scf.if %cond3A_65 {
        %dma_wait3A = arith.constant 1 : i32
        %dma_wait3A_178 = arith.constant 0 : i32
        %dma_wait3A_179 = tpu.memref_slice %arg6[%dma_wait3A, %max3A_60, %dma_wait3A_178] : memref<2x25x80xi32, #tpu.memory_space<vmem>> -> memref<1x1x80xi32, #tpu.memory_space<vmem>>
        %dma_wait3A_180 = tpu.memref_squeeze %dma_wait3A_179 : memref<1x1x80xi32, #tpu.memory_space<vmem>> -> memref<80xi32, #tpu.memory_space<vmem>>
        %dma_wait3A_181 = arith.constant 0 : i32
        %dma_wait3A_182 = arith.constant 0 : i32
        %dma_wait3A_183 = tpu.memref_slice %arg11[%dma_wait3A_181, %dma_wait3A_182] : memref<10000x128xf32, #tpu.memory_space<vmem_shared>> -> memref<10000x128xf32, #tpu.memory_space<vmem_shared>>
        tpu.wait_indirect_dma semaphore(%arg16 : memref<!tpu.dma_semaphore, #tpu.memory_space<semaphore_mem>>) src(%arg7 : memref<80x128xf32, #tpu.memory_space<vmem>>) dst(%dma_wait3A_183 : memref<10000x128xf32, #tpu.memory_space<vmem_shared>>)
      } else {
      }
      %le3A_66 = arith.constant 24 : i32
      %le3A_67 = arith.cmpi sle, %add3A_54, %le3A_66 : i32
      %convert_element_type3A_68 = arith.extui %le3A_67 : i1 to i32
      %cond3A_69 = arith.constant 0 : i32
      %cond3A_70 = arith.cmpi ne, %convert_element_type3A_68, %cond3A_69 : i32
      scf.if %cond3A_70 {
        %dma_start3A = arith.constant 0 : i32
        %dma_start3A_178 = arith.constant 0 : i32
        %dma_start3A_179 = tpu.memref_slice %arg6[%dma_start3A, %add3A_54, %dma_start3A_178] : memref<2x25x80xi32, #tpu.memory_space<vmem>> -> memref<1x1x80xi32, #tpu.memory_space<vmem>>
        %dma_start3A_180 = tpu.memref_squeeze %dma_start3A_179 : memref<1x1x80xi32, #tpu.memory_space<vmem>> -> memref<80xi32, #tpu.memory_space<vmem>>
        %dma_start3A_181 = arith.constant 0 : i32
        %dma_start3A_182 = arith.constant 0 : i32
        %dma_start3A_183 = tpu.memref_slice %arg2[%dma_start3A_181, %dma_start3A_182] : memref<10000x128xf32, #tpu.memory_space<hbm>> -> memref<10000x128xf32, #tpu.memory_space<hbm>>
        tpu.enqueue_indirect_dma source(%dma_start3A_183 : memref<10000x128xf32, #tpu.memory_space<hbm>>) target(%arg7 : memref<80x128xf32, #tpu.memory_space<vmem>>) offsets(%dma_start3A_180 : memref<80xi32, #tpu.memory_space<vmem>>) semaphore(%arg12 : memref<!tpu.dma_semaphore, #tpu.memory_space<semaphore_mem>>)
      } else {
      }
      %ge3A_71 = arith.constant 3 : i32
      %ge3A_72 = arith.cmpi sge, %add3A_54, %ge3A_71 : i32
      %le3A_73 = arith.constant 27 : i32
      %le3A_74 = arith.cmpi sle, %add3A_54, %le3A_73 : i32
      %and3A_75 = arith.andi %ge3A_72, %le3A_74 : i1
      %convert_element_type3A_76 = arith.extui %and3A_75 : i1 to i32
      %cond3A_77 = arith.constant 0 : i32
      %cond3A_78 = arith.cmpi ne, %convert_element_type3A_76, %cond3A_77 : i32
      scf.if %cond3A_78 {
        %dma_wait3A = arith.constant 0 : i32
        %dma_wait3A_178 = arith.constant 0 : i32
        %dma_wait3A_179 = tpu.memref_slice %arg6[%dma_wait3A, %max3A_56, %dma_wait3A_178] : memref<2x25x80xi32, #tpu.memory_space<vmem>> -> memref<1x1x80xi32, #tpu.memory_space<vmem>>
        %dma_wait3A_180 = tpu.memref_squeeze %dma_wait3A_179 : memref<1x1x80xi32, #tpu.memory_space<vmem>> -> memref<80xi32, #tpu.memory_space<vmem>>
        %dma_wait3A_181 = arith.constant 0 : i32
        %dma_wait3A_182 = arith.constant 0 : i32
        %dma_wait3A_183 = tpu.memref_slice %arg2[%dma_wait3A_181, %dma_wait3A_182] : memref<10000x128xf32, #tpu.memory_space<hbm>> -> memref<10000x128xf32, #tpu.memory_space<hbm>>
        tpu.wait_indirect_dma semaphore(%arg13 : memref<!tpu.dma_semaphore, #tpu.memory_space<semaphore_mem>>) src(%dma_wait3A_183 : memref<10000x128xf32, #tpu.memory_space<hbm>>) dst(%arg8 : memref<80x128xf32, #tpu.memory_space<vmem>>)
        %dma_start3A = arith.constant 1 : i32
        %dma_start3A_184 = arith.constant 0 : i32
        %dma_start3A_185 = tpu.memref_slice %arg6[%dma_start3A, %max3A_56, %dma_start3A_184] : memref<2x25x80xi32, #tpu.memory_space<vmem>> -> memref<1x1x80xi32, #tpu.memory_space<vmem>>
        %dma_start3A_186 = tpu.memref_squeeze %dma_start3A_185 : memref<1x1x80xi32, #tpu.memory_space<vmem>> -> memref<80xi32, #tpu.memory_space<vmem>>
        %dma_start3A_187 = arith.constant 0 : i32
        %dma_start3A_188 = arith.constant 0 : i32
        %dma_start3A_189 = tpu.memref_slice %arg11[%dma_start3A_187, %dma_start3A_188] : memref<10000x128xf32, #tpu.memory_space<vmem_shared>> -> memref<10000x128xf32, #tpu.memory_space<vmem_shared>>
        tpu.enqueue_indirect_dma source(%arg8 : memref<80x128xf32, #tpu.memory_space<vmem>>) target(%dma_start3A_189 : memref<10000x128xf32, #tpu.memory_space<vmem_shared>>) offsets(%dma_start3A_186 : memref<80xi32, #tpu.memory_space<vmem>>) semaphore(%arg17 : memref<!tpu.dma_semaphore, #tpu.memory_space<semaphore_mem>>) {add = true}
      } else {
      }
      %mul3A_79 = arith.constant 4 : i32
      %mul3A_80 = arith.muli %mul3A_79, %scan3A_50 : i32
      %add3A_81 = arith.constant 1 : i32
      %add3A_82 = arith.addi %mul3A_80, %add3A_81 : i32
      %sub3A_83 = arith.constant 3 : i32
      %sub3A_84 = arith.subi %add3A_82, %sub3A_83 : i32
      %max3A_85 = arith.constant 0 : i32
      %max3A_86 = arith.maxsi %sub3A_84, %max3A_85 : i32
      %sub3A_87 = arith.constant 4 : i32
      %sub3A_88 = arith.subi %add3A_82, %sub3A_87 : i32
      %max3A_89 = arith.constant 0 : i32
      %max3A_90 = arith.maxsi %sub3A_88, %max3A_89 : i32
      %ge3A_91 = arith.constant 4 : i32
      %ge3A_92 = arith.cmpi sge, %add3A_82, %ge3A_91 : i32
      %le3A_93 = arith.constant 28 : i32
      %le3A_94 = arith.cmpi sle, %add3A_82, %le3A_93 : i32
      %and3A_95 = arith.andi %ge3A_92, %le3A_94 : i1
      %convert_element_type3A_96 = arith.extui %and3A_95 : i1 to i32
      %cond3A_97 = arith.constant 0 : i32
      %cond3A_98 = arith.cmpi ne, %convert_element_type3A_96, %cond3A_97 : i32
      scf.if %cond3A_98 {
        %dma_wait3A = arith.constant 1 : i32
        %dma_wait3A_178 = arith.constant 0 : i32
        %dma_wait3A_179 = tpu.memref_slice %arg6[%dma_wait3A, %max3A_90, %dma_wait3A_178] : memref<2x25x80xi32, #tpu.memory_space<vmem>> -> memref<1x1x80xi32, #tpu.memory_space<vmem>>
        %dma_wait3A_180 = tpu.memref_squeeze %dma_wait3A_179 : memref<1x1x80xi32, #tpu.memory_space<vmem>> -> memref<80xi32, #tpu.memory_space<vmem>>
        %dma_wait3A_181 = arith.constant 0 : i32
        %dma_wait3A_182 = arith.constant 0 : i32
        %dma_wait3A_183 = tpu.memref_slice %arg11[%dma_wait3A_181, %dma_wait3A_182] : memref<10000x128xf32, #tpu.memory_space<vmem_shared>> -> memref<10000x128xf32, #tpu.memory_space<vmem_shared>>
        tpu.wait_indirect_dma semaphore(%arg17 : memref<!tpu.dma_semaphore, #tpu.memory_space<semaphore_mem>>) src(%arg8 : memref<80x128xf32, #tpu.memory_space<vmem>>) dst(%dma_wait3A_183 : memref<10000x128xf32, #tpu.memory_space<vmem_shared>>)
      } else {
      }
      %le3A_99 = arith.constant 24 : i32
      %le3A_100 = arith.cmpi sle, %add3A_82, %le3A_99 : i32
      %convert_element_type3A_101 = arith.extui %le3A_100 : i1 to i32
      %cond3A_102 = arith.constant 0 : i32
      %cond3A_103 = arith.cmpi ne, %convert_element_type3A_101, %cond3A_102 : i32
      scf.if %cond3A_103 {
        %dma_start3A = arith.constant 0 : i32
        %dma_start3A_178 = arith.constant 0 : i32
        %dma_start3A_179 = tpu.memref_slice %arg6[%dma_start3A, %add3A_82, %dma_start3A_178] : memref<2x25x80xi32, #tpu.memory_space<vmem>> -> memref<1x1x80xi32, #tpu.memory_space<vmem>>
        %dma_start3A_180 = tpu.memref_squeeze %dma_start3A_179 : memref<1x1x80xi32, #tpu.memory_space<vmem>> -> memref<80xi32, #tpu.memory_space<vmem>>
        %dma_start3A_181 = arith.constant 0 : i32
        %dma_start3A_182 = arith.constant 0 : i32
        %dma_start3A_183 = tpu.memref_slice %arg2[%dma_start3A_181, %dma_start3A_182] : memref<10000x128xf32, #tpu.memory_space<hbm>> -> memref<10000x128xf32, #tpu.memory_space<hbm>>
        tpu.enqueue_indirect_dma source(%dma_start3A_183 : memref<10000x128xf32, #tpu.memory_space<hbm>>) target(%arg8 : memref<80x128xf32, #tpu.memory_space<vmem>>) offsets(%dma_start3A_180 : memref<80xi32, #tpu.memory_space<vmem>>) semaphore(%arg13 : memref<!tpu.dma_semaphore, #tpu.memory_space<semaphore_mem>>)
      } else {
      }
      %ge3A_104 = arith.constant 3 : i32
      %ge3A_105 = arith.cmpi sge, %add3A_82, %ge3A_104 : i32
      %le3A_106 = arith.constant 27 : i32
      %le3A_107 = arith.cmpi sle, %add3A_82, %le3A_106 : i32
      %and3A_108 = arith.andi %ge3A_105, %le3A_107 : i1
      %convert_element_type3A_109 = arith.extui %and3A_108 : i1 to i32
      %cond3A_110 = arith.constant 0 : i32
      %cond3A_111 = arith.cmpi ne, %convert_element_type3A_109, %cond3A_110 : i32
      scf.if %cond3A_111 {
        %dma_wait3A = arith.constant 0 : i32
        %dma_wait3A_178 = arith.constant 0 : i32
        %dma_wait3A_179 = tpu.memref_slice %arg6[%dma_wait3A, %max3A_86, %dma_wait3A_178] : memref<2x25x80xi32, #tpu.memory_space<vmem>> -> memref<1x1x80xi32, #tpu.memory_space<vmem>>
        %dma_wait3A_180 = tpu.memref_squeeze %dma_wait3A_179 : memref<1x1x80xi32, #tpu.memory_space<vmem>> -> memref<80xi32, #tpu.memory_space<vmem>>
        %dma_wait3A_181 = arith.constant 0 : i32
        %dma_wait3A_182 = arith.constant 0 : i32
        %dma_wait3A_183 = tpu.memref_slice %arg2[%dma_wait3A_181, %dma_wait3A_182] : memref<10000x128xf32, #tpu.memory_space<hbm>> -> memref<10000x128xf32, #tpu.memory_space<hbm>>
        tpu.wait_indirect_dma semaphore(%arg14 : memref<!tpu.dma_semaphore, #tpu.memory_space<semaphore_mem>>) src(%dma_wait3A_183 : memref<10000x128xf32, #tpu.memory_space<hbm>>) dst(%arg9 : memref<80x128xf32, #tpu.memory_space<vmem>>)
        %dma_start3A = arith.constant 1 : i32
        %dma_start3A_184 = arith.constant 0 : i32
        %dma_start3A_185 = tpu.memref_slice %arg6[%dma_start3A, %max3A_86, %dma_start3A_184] : memref<2x25x80xi32, #tpu.memory_space<vmem>> -> memref<1x1x80xi32, #tpu.memory_space<vmem>>
        %dma_start3A_186 = tpu.memref_squeeze %dma_start3A_185 : memref<1x1x80xi32, #tpu.memory_space<vmem>> -> memref<80xi32, #tpu.memory_space<vmem>>
        %dma_start3A_187 = arith.constant 0 : i32
        %dma_start3A_188 = arith.constant 0 : i32
        %dma_start3A_189 = tpu.memref_slice %arg11[%dma_start3A_187, %dma_start3A_188] : memref<10000x128xf32, #tpu.memory_space<vmem_shared>> -> memref<10000x128xf32, #tpu.memory_space<vmem_shared>>
        tpu.enqueue_indirect_dma source(%arg9 : memref<80x128xf32, #tpu.memory_space<vmem>>) target(%dma_start3A_189 : memref<10000x128xf32, #tpu.memory_space<vmem_shared>>) offsets(%dma_start3A_186 : memref<80xi32, #tpu.memory_space<vmem>>) semaphore(%arg18 : memref<!tpu.dma_semaphore, #tpu.memory_space<semaphore_mem>>) {add = true}
      } else {
      }
      %mul3A_112 = arith.constant 4 : i32
      %mul3A_113 = arith.muli %mul3A_112, %scan3A_50 : i32
      %add3A_114 = arith.constant 2 : i32
      %add3A_115 = arith.addi %mul3A_113, %add3A_114 : i32
      %sub3A_116 = arith.constant 3 : i32
      %sub3A_117 = arith.subi %add3A_115, %sub3A_116 : i32
      %max3A_118 = arith.constant 0 : i32
      %max3A_119 = arith.maxsi %sub3A_117, %max3A_118 : i32
      %sub3A_120 = arith.constant 4 : i32
      %sub3A_121 = arith.subi %add3A_115, %sub3A_120 : i32
      %max3A_122 = arith.constant 0 : i32
      %max3A_123 = arith.maxsi %sub3A_121, %max3A_122 : i32
      %ge3A_124 = arith.constant 4 : i32
      %ge3A_125 = arith.cmpi sge, %add3A_115, %ge3A_124 : i32
      %le3A_126 = arith.constant 28 : i32
      %le3A_127 = arith.cmpi sle, %add3A_115, %le3A_126 : i32
      %and3A_128 = arith.andi %ge3A_125, %le3A_127 : i1
      %convert_element_type3A_129 = arith.extui %and3A_128 : i1 to i32
      %cond3A_130 = arith.constant 0 : i32
      %cond3A_131 = arith.cmpi ne, %convert_element_type3A_129, %cond3A_130 : i32
      scf.if %cond3A_131 {
        %dma_wait3A = arith.constant 1 : i32
        %dma_wait3A_178 = arith.constant 0 : i32
        %dma_wait3A_179 = tpu.memref_slice %arg6[%dma_wait3A, %max3A_123, %dma_wait3A_178] : memref<2x25x80xi32, #tpu.memory_space<vmem>> -> memref<1x1x80xi32, #tpu.memory_space<vmem>>
        %dma_wait3A_180 = tpu.memref_squeeze %dma_wait3A_179 : memref<1x1x80xi32, #tpu.memory_space<vmem>> -> memref<80xi32, #tpu.memory_space<vmem>>
        %dma_wait3A_181 = arith.constant 0 : i32
        %dma_wait3A_182 = arith.constant 0 : i32
        %dma_wait3A_183 = tpu.memref_slice %arg11[%dma_wait3A_181, %dma_wait3A_182] : memref<10000x128xf32, #tpu.memory_space<vmem_shared>> -> memref<10000x128xf32, #tpu.memory_space<vmem_shared>>
        tpu.wait_indirect_dma semaphore(%arg18 : memref<!tpu.dma_semaphore, #tpu.memory_space<semaphore_mem>>) src(%arg9 : memref<80x128xf32, #tpu.memory_space<vmem>>) dst(%dma_wait3A_183 : memref<10000x128xf32, #tpu.memory_space<vmem_shared>>)
      } else {
      }
      %le3A_132 = arith.constant 24 : i32
      %le3A_133 = arith.cmpi sle, %add3A_115, %le3A_132 : i32
      %convert_element_type3A_134 = arith.extui %le3A_133 : i1 to i32
      %cond3A_135 = arith.constant 0 : i32
      %cond3A_136 = arith.cmpi ne, %convert_element_type3A_134, %cond3A_135 : i32
      scf.if %cond3A_136 {
        %dma_start3A = arith.constant 0 : i32
        %dma_start3A_178 = arith.constant 0 : i32
        %dma_start3A_179 = tpu.memref_slice %arg6[%dma_start3A, %add3A_115, %dma_start3A_178] : memref<2x25x80xi32, #tpu.memory_space<vmem>> -> memref<1x1x80xi32, #tpu.memory_space<vmem>>
        %dma_start3A_180 = tpu.memref_squeeze %dma_start3A_179 : memref<1x1x80xi32, #tpu.memory_space<vmem>> -> memref<80xi32, #tpu.memory_space<vmem>>
        %dma_start3A_181 = arith.constant 0 : i32
        %dma_start3A_182 = arith.constant 0 : i32
        %dma_start3A_183 = tpu.memref_slice %arg2[%dma_start3A_181, %dma_start3A_182] : memref<10000x128xf32, #tpu.memory_space<hbm>> -> memref<10000x128xf32, #tpu.memory_space<hbm>>
        tpu.enqueue_indirect_dma source(%dma_start3A_183 : memref<10000x128xf32, #tpu.memory_space<hbm>>) target(%arg9 : memref<80x128xf32, #tpu.memory_space<vmem>>) offsets(%dma_start3A_180 : memref<80xi32, #tpu.memory_space<vmem>>) semaphore(%arg14 : memref<!tpu.dma_semaphore, #tpu.memory_space<semaphore_mem>>)
      } else {
      }
      %ge3A_137 = arith.constant 3 : i32
      %ge3A_138 = arith.cmpi sge, %add3A_115, %ge3A_137 : i32
      %le3A_139 = arith.constant 27 : i32
      %le3A_140 = arith.cmpi sle, %add3A_115, %le3A_139 : i32
      %and3A_141 = arith.andi %ge3A_138, %le3A_140 : i1
      %convert_element_type3A_142 = arith.extui %and3A_141 : i1 to i32
      %cond3A_143 = arith.constant 0 : i32
      %cond3A_144 = arith.cmpi ne, %convert_element_type3A_142, %cond3A_143 : i32
      scf.if %cond3A_144 {
        %dma_wait3A = arith.constant 0 : i32
        %dma_wait3A_178 = arith.constant 0 : i32
        %dma_wait3A_179 = tpu.memref_slice %arg6[%dma_wait3A, %max3A_119, %dma_wait3A_178] : memref<2x25x80xi32, #tpu.memory_space<vmem>> -> memref<1x1x80xi32, #tpu.memory_space<vmem>>
        %dma_wait3A_180 = tpu.memref_squeeze %dma_wait3A_179 : memref<1x1x80xi32, #tpu.memory_space<vmem>> -> memref<80xi32, #tpu.memory_space<vmem>>
        %dma_wait3A_181 = arith.constant 0 : i32
        %dma_wait3A_182 = arith.constant 0 : i32
        %dma_wait3A_183 = tpu.memref_slice %arg2[%dma_wait3A_181, %dma_wait3A_182] : memref<10000x128xf32, #tpu.memory_space<hbm>> -> memref<10000x128xf32, #tpu.memory_space<hbm>>
        tpu.wait_indirect_dma semaphore(%arg15 : memref<!tpu.dma_semaphore, #tpu.memory_space<semaphore_mem>>) src(%dma_wait3A_183 : memref<10000x128xf32, #tpu.memory_space<hbm>>) dst(%arg10 : memref<80x128xf32, #tpu.memory_space<vmem>>)
        %dma_start3A = arith.constant 1 : i32
        %dma_start3A_184 = arith.constant 0 : i32
        %dma_start3A_185 = tpu.memref_slice %arg6[%dma_start3A, %max3A_119, %dma_start3A_184] : memref<2x25x80xi32, #tpu.memory_space<vmem>> -> memref<1x1x80xi32, #tpu.memory_space<vmem>>
        %dma_start3A_186 = tpu.memref_squeeze %dma_start3A_185 : memref<1x1x80xi32, #tpu.memory_space<vmem>> -> memref<80xi32, #tpu.memory_space<vmem>>
        %dma_start3A_187 = arith.constant 0 : i32
        %dma_start3A_188 = arith.constant 0 : i32
        %dma_start3A_189 = tpu.memref_slice %arg11[%dma_start3A_187, %dma_start3A_188] : memref<10000x128xf32, #tpu.memory_space<vmem_shared>> -> memref<10000x128xf32, #tpu.memory_space<vmem_shared>>
        tpu.enqueue_indirect_dma source(%arg10 : memref<80x128xf32, #tpu.memory_space<vmem>>) target(%dma_start3A_189 : memref<10000x128xf32, #tpu.memory_space<vmem_shared>>) offsets(%dma_start3A_186 : memref<80xi32, #tpu.memory_space<vmem>>) semaphore(%arg19 : memref<!tpu.dma_semaphore, #tpu.memory_space<semaphore_mem>>) {add = true}
      } else {
      }
      %mul3A_145 = arith.constant 4 : i32
      %mul3A_146 = arith.muli %mul3A_145, %scan3A_50 : i32
      %add3A_147 = arith.constant 3 : i32
      %add3A_148 = arith.addi %mul3A_146, %add3A_147 : i32
      %sub3A_149 = arith.constant 3 : i32
      %sub3A_150 = arith.subi %add3A_148, %sub3A_149 : i32
      %max3A_151 = arith.constant 0 : i32
      %max3A_152 = arith.maxsi %sub3A_150, %max3A_151 : i32
      %sub3A_153 = arith.constant 4 : i32
      %sub3A_154 = arith.subi %add3A_148, %sub3A_153 : i32
      %max3A_155 = arith.constant 0 : i32
      %max3A_156 = arith.maxsi %sub3A_154, %max3A_155 : i32
      %ge3A_157 = arith.constant 4 : i32
      %ge3A_158 = arith.cmpi sge, %add3A_148, %ge3A_157 : i32
      %le3A_159 = arith.constant 28 : i32
      %le3A_160 = arith.cmpi sle, %add3A_148, %le3A_159 : i32
      %and3A_161 = arith.andi %ge3A_158, %le3A_160 : i1
      %convert_element_type3A_162 = arith.extui %and3A_161 : i1 to i32
      %cond3A_163 = arith.constant 0 : i32
      %cond3A_164 = arith.cmpi ne, %convert_element_type3A_162, %cond3A_163 : i32
      scf.if %cond3A_164 {
        %dma_wait3A = arith.constant 1 : i32
        %dma_wait3A_178 = arith.constant 0 : i32
        %dma_wait3A_179 = tpu.memref_slice %arg6[%dma_wait3A, %max3A_156, %dma_wait3A_178] : memref<2x25x80xi32, #tpu.memory_space<vmem>> -> memref<1x1x80xi32, #tpu.memory_space<vmem>>
        %dma_wait3A_180 = tpu.memref_squeeze %dma_wait3A_179 : memref<1x1x80xi32, #tpu.memory_space<vmem>> -> memref<80xi32, #tpu.memory_space<vmem>>
        %dma_wait3A_181 = arith.constant 0 : i32
        %dma_wait3A_182 = arith.constant 0 : i32
        %dma_wait3A_183 = tpu.memref_slice %arg11[%dma_wait3A_181, %dma_wait3A_182] : memref<10000x128xf32, #tpu.memory_space<vmem_shared>> -> memref<10000x128xf32, #tpu.memory_space<vmem_shared>>
        tpu.wait_indirect_dma semaphore(%arg19 : memref<!tpu.dma_semaphore, #tpu.memory_space<semaphore_mem>>) src(%arg10 : memref<80x128xf32, #tpu.memory_space<vmem>>) dst(%dma_wait3A_183 : memref<10000x128xf32, #tpu.memory_space<vmem_shared>>)
      } else {
      }
      %le3A_165 = arith.constant 24 : i32
      %le3A_166 = arith.cmpi sle, %add3A_148, %le3A_165 : i32
      %convert_element_type3A_167 = arith.extui %le3A_166 : i1 to i32
      %cond3A_168 = arith.constant 0 : i32
      %cond3A_169 = arith.cmpi ne, %convert_element_type3A_167, %cond3A_168 : i32
      scf.if %cond3A_169 {
        %dma_start3A = arith.constant 0 : i32
        %dma_start3A_178 = arith.constant 0 : i32
        %dma_start3A_179 = tpu.memref_slice %arg6[%dma_start3A, %add3A_148, %dma_start3A_178] : memref<2x25x80xi32, #tpu.memory_space<vmem>> -> memref<1x1x80xi32, #tpu.memory_space<vmem>>
        %dma_start3A_180 = tpu.memref_squeeze %dma_start3A_179 : memref<1x1x80xi32, #tpu.memory_space<vmem>> -> memref<80xi32, #tpu.memory_space<vmem>>
        %dma_start3A_181 = arith.constant 0 : i32
        %dma_start3A_182 = arith.constant 0 : i32
        %dma_start3A_183 = tpu.memref_slice %arg2[%dma_start3A_181, %dma_start3A_182] : memref<10000x128xf32, #tpu.memory_space<hbm>> -> memref<10000x128xf32, #tpu.memory_space<hbm>>
        tpu.enqueue_indirect_dma source(%dma_start3A_183 : memref<10000x128xf32, #tpu.memory_space<hbm>>) target(%arg10 : memref<80x128xf32, #tpu.memory_space<vmem>>) offsets(%dma_start3A_180 : memref<80xi32, #tpu.memory_space<vmem>>) semaphore(%arg15 : memref<!tpu.dma_semaphore, #tpu.memory_space<semaphore_mem>>)
      } else {
      }
      %ge3A_170 = arith.constant 3 : i32
      %ge3A_171 = arith.cmpi sge, %add3A_148, %ge3A_170 : i32
      %le3A_172 = arith.constant 27 : i32
      %le3A_173 = arith.cmpi sle, %add3A_148, %le3A_172 : i32
      %and3A_174 = arith.andi %ge3A_171, %le3A_173 : i1
      %convert_element_type3A_175 = arith.extui %and3A_174 : i1 to i32
      %cond3A_176 = arith.constant 0 : i32
      %cond3A_177 = arith.cmpi ne, %convert_element_type3A_175, %cond3A_176 : i32
      scf.if %cond3A_177 {
        %dma_wait3A = arith.constant 0 : i32
        %dma_wait3A_178 = arith.constant 0 : i32
        %dma_wait3A_179 = tpu.memref_slice %arg6[%dma_wait3A, %max3A_152, %dma_wait3A_178] : memref<2x25x80xi32, #tpu.memory_space<vmem>> -> memref<1x1x80xi32, #tpu.memory_space<vmem>>
        %dma_wait3A_180 = tpu.memref_squeeze %dma_wait3A_179 : memref<1x1x80xi32, #tpu.memory_space<vmem>> -> memref<80xi32, #tpu.memory_space<vmem>>
        %dma_wait3A_181 = arith.constant 0 : i32
        %dma_wait3A_182 = arith.constant 0 : i32
        %dma_wait3A_183 = tpu.memref_slice %arg2[%dma_wait3A_181, %dma_wait3A_182] : memref<10000x128xf32, #tpu.memory_space<hbm>> -> memref<10000x128xf32, #tpu.memory_space<hbm>>
        tpu.wait_indirect_dma semaphore(%arg12 : memref<!tpu.dma_semaphore, #tpu.memory_space<semaphore_mem>>) src(%dma_wait3A_183 : memref<10000x128xf32, #tpu.memory_space<hbm>>) dst(%arg7 : memref<80x128xf32, #tpu.memory_space<vmem>>)
        %dma_start3A = arith.constant 1 : i32
        %dma_start3A_184 = arith.constant 0 : i32
        %dma_start3A_185 = tpu.memref_slice %arg6[%dma_start3A, %max3A_152, %dma_start3A_184] : memref<2x25x80xi32, #tpu.memory_space<vmem>> -> memref<1x1x80xi32, #tpu.memory_space<vmem>>
        %dma_start3A_186 = tpu.memref_squeeze %dma_start3A_185 : memref<1x1x80xi32, #tpu.memory_space<vmem>> -> memref<80xi32, #tpu.memory_space<vmem>>
        %dma_start3A_187 = arith.constant 0 : i32
        %dma_start3A_188 = arith.constant 0 : i32
        %dma_start3A_189 = tpu.memref_slice %arg11[%dma_start3A_187, %dma_start3A_188] : memref<10000x128xf32, #tpu.memory_space<vmem_shared>> -> memref<10000x128xf32, #tpu.memory_space<vmem_shared>>
        tpu.enqueue_indirect_dma source(%arg7 : memref<80x128xf32, #tpu.memory_space<vmem>>) target(%dma_start3A_189 : memref<10000x128xf32, #tpu.memory_space<vmem_shared>>) offsets(%dma_start3A_186 : memref<80xi32, #tpu.memory_space<vmem>>) semaphore(%arg16 : memref<!tpu.dma_semaphore, #tpu.memory_space<semaphore_mem>>) {add = true}
      } else {
      }
    }
    %scan3A_39 = arith.constant 8 : i32
    %barrier3A_40 = arith.constant 0 : index
    tpu.barrier barrier_id(%barrier3A_40)
    %mul3A_41 = arith.constant 624 : i32
    %mul3A_42 = arith.muli %arg1, %mul3A_41 : i32
    %mul3A_43 = arith.constant 624 : i32
    %mul3A_44 = arith.muli %arg1, %mul3A_43 : i32
    "tpu.region"() ({
      %run_scoped3A_50 = tpu.sem_alloc : memref<!tpu.dma_semaphore, #tpu.memory_space<semaphore_mem>>
      %dma_start3A = arith.constant 0 : i32
      %dma_start3A_51 = arith.constant 0 : i32
      %dma_start3A_52 = tpu.memref_slice %arg5[%arg0, %dma_start3A, %dma_start3A_51] : memref<2x10000x128xf32, #tpu.memory_space<hbm>> -> memref<1x10000x128xf32, #tpu.memory_space<hbm>>
      %dma_start3A_53 = tpu.memref_squeeze %dma_start3A_52 : memref<1x10000x128xf32, #tpu.memory_space<hbm>> -> memref<10000x128xf32, #tpu.memory_space<hbm>>
      %dma_start3A_54 = arith.constant 0 : i32
      %dma_start3A_55 = tpu.memref_slice %dma_start3A_53[%mul3A_44, %dma_start3A_54] : memref<10000x128xf32, #tpu.memory_space<hbm>> -> memref<624x128xf32, #tpu.memory_space<hbm>>
      %dma_start3A_56 = arith.constant 0 : i32
      %dma_start3A_57 = tpu.memref_slice %arg11[%mul3A_42, %dma_start3A_56] : memref<10000x128xf32, #tpu.memory_space<vmem_shared>> -> memref<624x128xf32, #tpu.memory_space<vmem_shared>>
      tpu.enqueue_dma source(%dma_start3A_57 : memref<624x128xf32, #tpu.memory_space<vmem_shared>>) target(%dma_start3A_55 : memref<624x128xf32, #tpu.memory_space<hbm>>) target_semaphore(%run_scoped3A_50 : memref<!tpu.dma_semaphore, #tpu.memory_space<semaphore_mem>>)
      %dma_wait3A = arith.constant 0 : i32
      %dma_wait3A_58 = arith.constant 0 : i32
      %dma_wait3A_59 = tpu.memref_slice %arg5[%arg0, %dma_wait3A, %dma_wait3A_58] : memref<2x10000x128xf32, #tpu.memory_space<hbm>> -> memref<1x10000x128xf32, #tpu.memory_space<hbm>>
      %dma_wait3A_60 = tpu.memref_squeeze %dma_wait3A_59 : memref<1x10000x128xf32, #tpu.memory_space<hbm>> -> memref<10000x128xf32, #tpu.memory_space<hbm>>
      %dma_wait3A_61 = arith.constant 0 : i32
      %dma_wait3A_62 = tpu.memref_slice %dma_wait3A_60[%mul3A_44, %dma_wait3A_61] : memref<10000x128xf32, #tpu.memory_space<hbm>> -> memref<624x128xf32, #tpu.memory_space<hbm>>
      %dma_wait3A_63 = arith.constant 0 : i32
      %dma_wait3A_64 = tpu.memref_slice %arg11[%mul3A_42, %dma_wait3A_63] : memref<10000x128xf32, #tpu.memory_space<vmem_shared>> -> memref<624x128xf32, #tpu.memory_space<vmem_shared>>
      tpu.wait_dma2 semaphore(%run_scoped3A_50 : memref<!tpu.dma_semaphore, #tpu.memory_space<semaphore_mem>>) src(%dma_wait3A_64 : memref<624x128xf32, #tpu.memory_space<vmem_shared>>) dst(%dma_wait3A_62 : memref<624x128xf32, #tpu.memory_space<hbm>>)
      tpu.yield
    }) : () -> ()
    %eq3A_45 = arith.constant 15 : i32
    %eq3A_46 = arith.cmpi eq, %arg1, %eq3A_45 : i32
    %convert_element_type3A_47 = arith.extui %eq3A_46 : i1 to i32
    %cond3A_48 = arith.constant 0 : i32
    %cond3A_49 = arith.cmpi ne, %convert_element_type3A_47, %cond3A_48 : i32
    scf.if %cond3A_49 {
      "tpu.region"() ({
        %run_scoped3A_50 = tpu.sem_alloc : memref<!tpu.dma_semaphore, #tpu.memory_space<semaphore_mem>>
        %dma_start3A = arith.constant 0 : i32
        %dma_start3A_51 = arith.constant 0 : i32
        %dma_start3A_52 = tpu.memref_slice %arg5[%arg0, %dma_start3A, %dma_start3A_51] : memref<2x10000x128xf32, #tpu.memory_space<hbm>> -> memref<1x10000x128xf32, #tpu.memory_space<hbm>>
        %dma_start3A_53 = tpu.memref_squeeze %dma_start3A_52 : memref<1x10000x128xf32, #tpu.memory_space<hbm>> -> memref<10000x128xf32, #tpu.memory_space<hbm>>
        %dma_start3A_54 = arith.constant 9984 : i32
        %dma_start3A_55 = arith.constant 0 : i32
        %dma_start3A_56 = tpu.memref_slice %dma_start3A_53[%dma_start3A_54, %dma_start3A_55] : memref<10000x128xf32, #tpu.memory_space<hbm>> -> memref<16x128xf32, #tpu.memory_space<hbm>>
        %dma_start3A_57 = arith.constant 9984 : i32
        %dma_start3A_58 = arith.constant 0 : i32
        %dma_start3A_59 = tpu.memref_slice %arg11[%dma_start3A_57, %dma_start3A_58] : memref<10000x128xf32, #tpu.memory_space<vmem_shared>> -> memref<16x128xf32, #tpu.memory_space<vmem_shared>>
        tpu.enqueue_dma source(%dma_start3A_59 : memref<16x128xf32, #tpu.memory_space<vmem_shared>>) target(%dma_start3A_56 : memref<16x128xf32, #tpu.memory_space<hbm>>) target_semaphore(%run_scoped3A_50 : memref<!tpu.dma_semaphore, #tpu.memory_space<semaphore_mem>>)
        %dma_wait3A = arith.constant 0 : i32
        %dma_wait3A_60 = arith.constant 0 : i32
        %dma_wait3A_61 = tpu.memref_slice %arg5[%arg0, %dma_wait3A, %dma_wait3A_60] : memref<2x10000x128xf32, #tpu.memory_space<hbm>> -> memref<1x10000x128xf32, #tpu.memory_space<hbm>>
        %dma_wait3A_62 = tpu.memref_squeeze %dma_wait3A_61 : memref<1x10000x128xf32, #tpu.memory_space<hbm>> -> memref<10000x128xf32, #tpu.memory_space<hbm>>
        %dma_wait3A_63 = arith.constant 9984 : i32
        %dma_wait3A_64 = arith.constant 0 : i32
        %dma_wait3A_65 = tpu.memref_slice %dma_wait3A_62[%dma_wait3A_63, %dma_wait3A_64] : memref<10000x128xf32, #tpu.memory_space<hbm>> -> memref<16x128xf32, #tpu.memory_space<hbm>>
        %dma_wait3A_66 = arith.constant 9984 : i32
        %dma_wait3A_67 = arith.constant 0 : i32
        %dma_wait3A_68 = tpu.memref_slice %arg11[%dma_wait3A_66, %dma_wait3A_67] : memref<10000x128xf32, #tpu.memory_space<vmem_shared>> -> memref<16x128xf32, #tpu.memory_space<vmem_shared>>
        tpu.wait_dma2 semaphore(%run_scoped3A_50 : memref<!tpu.dma_semaphore, #tpu.memory_space<semaphore_mem>>) src(%dma_wait3A_68 : memref<16x128xf32, #tpu.memory_space<vmem_shared>>) dst(%dma_wait3A_65 : memref<16x128xf32, #tpu.memory_space<hbm>>)
        tpu.yield
      }) : () -> ()
    } else {
    }
    return
  }
}

#map = affine_map<(d0, d1) -> (0, 0)>
#map1 = affine_map<(d0, d1) -> (0)>
module attributes {stable_mosaic.version = 14 : i64} {
  func.func @_deg_sc(%arg0: i32, %arg1: i32, %arg2: memref<32x10000xi32, #tpu.memory_space<hbm>>, %arg3: memref<10000xf32, #tpu.memory_space<hbm>>, %arg4: memref<32x10000xf32, #tpu.memory_space<hbm>>, %arg5: memref<10000xi32, #tpu.memory_space<vmem>>, %arg6: memref<10000xf32, #tpu.memory_space<vmem>>) attributes {dimension_semantics = [#tpu.dimension_semantics<core_parallel>, #tpu.dimension_semantics<subcore_parallel>], iteration_bounds = array<i64: 2, 16>, scalar_prefetch = 0 : i64, scratch_operands = 2 : i64, tpu.core_type = #tpu.core_type<sc_vector_subcore>, window_params = [{transform_indices = #map}, {transform_indices = #map1}, {transform_indices = #map}]} {
    %mul3A = arith.constant 2 : i32
    %mul3A_0 = arith.muli %arg1, %mul3A : i32
    %add3A = arith.addi %mul3A_0, %arg0 : i32
    "tpu.region"() ({
      %run_scoped3A = tpu.sem_alloc : memref<!tpu.dma_semaphore, #tpu.memory_space<semaphore_mem>>
      %dma_start3A = arith.constant 0 : i32
      %dma_start3A_7 = tpu.memref_slice %arg2[%add3A, %dma_start3A] : memref<32x10000xi32, #tpu.memory_space<hbm>> -> memref<1x10000xi32, #tpu.memory_space<hbm>>
      %dma_start3A_8 = tpu.memref_squeeze %dma_start3A_7 : memref<1x10000xi32, #tpu.memory_space<hbm>> -> memref<10000xi32, #tpu.memory_space<hbm>>
      %dma_start3A_9 = arith.constant 0 : i32
      %dma_start3A_10 = tpu.memref_slice %arg2[%add3A, %dma_start3A_9] : memref<32x10000xi32, #tpu.memory_space<hbm>> -> memref<1x10000xi32, #tpu.memory_space<hbm>>
      %dma_start3A_11 = tpu.memref_squeeze %dma_start3A_10 : memref<1x10000xi32, #tpu.memory_space<hbm>> -> memref<10000xi32, #tpu.memory_space<hbm>>
      tpu.enqueue_dma source(%dma_start3A_11 : memref<10000xi32, #tpu.memory_space<hbm>>) target(%arg5 : memref<10000xi32, #tpu.memory_space<vmem>>) target_semaphore(%run_scoped3A : memref<!tpu.dma_semaphore, #tpu.memory_space<semaphore_mem>>)
      %dma_wait3A = arith.constant 0 : i32
      %dma_wait3A_12 = tpu.memref_slice %arg2[%add3A, %dma_wait3A] : memref<32x10000xi32, #tpu.memory_space<hbm>> -> memref<1x10000xi32, #tpu.memory_space<hbm>>
      %dma_wait3A_13 = tpu.memref_squeeze %dma_wait3A_12 : memref<1x10000xi32, #tpu.memory_space<hbm>> -> memref<10000xi32, #tpu.memory_space<hbm>>
      %dma_wait3A_14 = arith.constant 0 : i32
      %dma_wait3A_15 = tpu.memref_slice %arg2[%add3A, %dma_wait3A_14] : memref<32x10000xi32, #tpu.memory_space<hbm>> -> memref<1x10000xi32, #tpu.memory_space<hbm>>
      %dma_wait3A_16 = tpu.memref_squeeze %dma_wait3A_15 : memref<1x10000xi32, #tpu.memory_space<hbm>> -> memref<10000xi32, #tpu.memory_space<hbm>>
      tpu.wait_dma2 semaphore(%run_scoped3A : memref<!tpu.dma_semaphore, #tpu.memory_space<semaphore_mem>>) src(%dma_wait3A_16 : memref<10000xi32, #tpu.memory_space<hbm>>) dst(%arg5 : memref<10000xi32, #tpu.memory_space<vmem>>)
      tpu.yield
    }) : () -> ()
    "tpu.region"() ({
      %run_scoped3A = tpu.sem_alloc : memref<!tpu.dma_semaphore, #tpu.memory_space<semaphore_mem>>
      tpu.enqueue_dma source(%arg3 : memref<10000xf32, #tpu.memory_space<hbm>>) target(%arg6 : memref<10000xf32, #tpu.memory_space<vmem>>) target_semaphore(%run_scoped3A : memref<!tpu.dma_semaphore, #tpu.memory_space<semaphore_mem>>)
      tpu.wait_dma2 semaphore(%run_scoped3A : memref<!tpu.dma_semaphore, #tpu.memory_space<semaphore_mem>>) src(%arg3 : memref<10000xf32, #tpu.memory_space<hbm>>) dst(%arg6 : memref<10000xf32, #tpu.memory_space<vmem>>)
      tpu.yield
    }) : () -> ()
    %broadcast_in_dim3A = arith.constant 1.000000e+00 : f32
    %broadcast_in_dim3A_1 = vector.broadcast %broadcast_in_dim3A : f32 to vector<16xf32>
    %scan3A = arith.constant 0 : i32
    %scan3A_2 = arith.constant 0 : i32
    %scan3A_3 = arith.constant 625 : i32
    %scan3A_4 = arith.addi %scan3A_2, %scan3A_3 : i32
    %scan3A_5 = arith.constant 1 : i32
    scf.for %scan3A_7 = %scan3A_2 to %scan3A_4 step %scan3A_5  : i32 {
      %mul3A_8 = arith.constant 16 : i32
      %mul3A_9 = arith.muli %scan3A_7, %mul3A_8 : i32
      %get3A = arith.index_cast %mul3A_9 : i32 to index
      %get3A_10 = tpu.vector_load %arg5[%get3A] {strides = array<i32>} : memref<10000xi32, #tpu.memory_space<vmem>>, vector<16xi32>,
      tpu.vector_store_idx %arg6[%get3A_10], %broadcast_in_dim3A_1 {add = true} : memref<10000xf32, #tpu.memory_space<vmem>>[vector<16xi32>], vector<16xf32>,
    }
    %scan3A_6 = arith.constant 625 : i32
    "tpu.region"() ({
      %run_scoped3A = tpu.sem_alloc : memref<!tpu.dma_semaphore, #tpu.memory_space<semaphore_mem>>
      %dma_start3A = arith.constant 0 : i32
      %dma_start3A_7 = tpu.memref_slice %arg4[%add3A, %dma_start3A] : memref<32x10000xf32, #tpu.memory_space<hbm>> -> memref<1x10000xf32, #tpu.memory_space<hbm>>
      %dma_start3A_8 = tpu.memref_squeeze %dma_start3A_7 : memref<1x10000xf32, #tpu.memory_space<hbm>> -> memref<10000xf32, #tpu.memory_space<hbm>>
      %dma_start3A_9 = arith.constant 0 : i32
      %dma_start3A_10 = tpu.memref_slice %arg4[%add3A, %dma_start3A_9] : memref<32x10000xf32, #tpu.memory_space<hbm>> -> memref<1x10000xf32, #tpu.memory_space<hbm>>
      %dma_start3A_11 = tpu.memref_squeeze %dma_start3A_10 : memref<1x10000xf32, #tpu.memory_space<hbm>> -> memref<10000xf32, #tpu.memory_space<hbm>>
      tpu.enqueue_dma source(%arg6 : memref<10000xf32, #tpu.memory_space<vmem>>) target(%dma_start3A_11 : memref<10000xf32, #tpu.memory_space<hbm>>) target_semaphore(%run_scoped3A : memref<!tpu.dma_semaphore, #tpu.memory_space<semaphore_mem>>)
      %dma_wait3A = arith.constant 0 : i32
      %dma_wait3A_12 = tpu.memref_slice %arg4[%add3A, %dma_wait3A] : memref<32x10000xf32, #tpu.memory_space<hbm>> -> memref<1x10000xf32, #tpu.memory_space<hbm>>
      %dma_wait3A_13 = tpu.memref_squeeze %dma_wait3A_12 : memref<1x10000xf32, #tpu.memory_space<hbm>> -> memref<10000xf32, #tpu.memory_space<hbm>>
      %dma_wait3A_14 = arith.constant 0 : i32
      %dma_wait3A_15 = tpu.memref_slice %arg4[%add3A, %dma_wait3A_14] : memref<32x10000xf32, #tpu.memory_space<hbm>> -> memref<1x10000xf32, #tpu.memory_space<hbm>>
      %dma_wait3A_16 = tpu.memref_squeeze %dma_wait3A_15 : memref<1x10000xf32, #tpu.memory_space<hbm>> -> memref<10000xf32, #tpu.memory_space<hbm>>
      tpu.wait_dma2 semaphore(%run_scoped3A : memref<!tpu.dma_semaphore, #tpu.memory_space<semaphore_mem>>) src(%arg6 : memref<10000xf32, #tpu.memory_space<vmem>>) dst(%dma_wait3A_16 : memref<10000xf32, #tpu.memory_space<hbm>>)
      tpu.yield
    }) : () -> ()
    return
  }
}

#map = affine_map<(d0, d1) -> (0, 0)>
#map1 = affine_map<(d0, d1) -> (0, 0, 0, 0, 0)>
#map2 = affine_map<(d0, d1) -> (0, 0, 0)>
module attributes {stable_mosaic.version = 14 : i64} {
  func.func @_edge_sc(%arg0: i32, %arg1: i32, %arg2: memref<10000x128xf32, #tpu.memory_space<hbm>>, %arg3: memref<32x5x2x25x80xi32, #tpu.memory_space<hbm>>, %arg4: memref<10000x128xf32, #tpu.memory_space<hbm>>, %arg5: memref<2x10000x128xf32, #tpu.memory_space<hbm>>, %arg6: memref<2x25x80xi32, #tpu.memory_space<vmem>>, %arg7: memref<80x128xf32, #tpu.memory_space<vmem>>, %arg8: memref<80x128xf32, #tpu.memory_space<vmem>>, %arg9: memref<80x128xf32, #tpu.memory_space<vmem>>, %arg10: memref<80x128xf32, #tpu.memory_space<vmem>>, %arg11: memref<10000x128xf32, #tpu.memory_space<vmem_shared>>, %arg12: memref<!tpu.dma_semaphore, #tpu.memory_space<semaphore_mem>>, %arg13: memref<!tpu.dma_semaphore, #tpu.memory_space<semaphore_mem>>, %arg14: memref<!tpu.dma_semaphore, #tpu.memory_space<semaphore_mem>>, %arg15: memref<!tpu.dma_semaphore, #tpu.memory_space<semaphore_mem>>, %arg16: memref<!tpu.dma_semaphore, #tpu.memory_space<semaphore_mem>>, %arg17: memref<!tpu.dma_semaphore, #tpu.memory_space<semaphore_mem>>, %arg18: memref<!tpu.dma_semaphore, #tpu.memory_space<semaphore_mem>>, %arg19: memref<!tpu.dma_semaphore, #tpu.memory_space<semaphore_mem>>) attributes {dimension_semantics = [#tpu.dimension_semantics<core_parallel>, #tpu.dimension_semantics<subcore_parallel>], iteration_bounds = array<i64: 2, 16>, scalar_prefetch = 0 : i64, scratch_operands = 14 : i64, tpu.core_type = #tpu.core_type<sc_vector_subcore>, window_params = [{transform_indices = #map}, {transform_indices = #map1}, {transform_indices = #map}, {transform_indices = #map2}]} {
    %mul3A = arith.constant 2 : i32
    %mul3A_0 = arith.muli %arg1, %mul3A : i32
    %add3A = arith.addi %mul3A_0, %arg0 : i32
    %mul3A_1 = arith.constant 624 : i32
    %mul3A_2 = arith.muli %arg1, %mul3A_1 : i32
    %mul3A_3 = arith.constant 624 : i32
    %mul3A_4 = arith.muli %arg1, %mul3A_3 : i32
    "tpu.region"() ({
      %run_scoped3A_50 = tpu.sem_alloc : memref<!tpu.dma_semaphore, #tpu.memory_space<semaphore_mem>>
      %dma_start3A = arith.constant 0 : i32
      %dma_start3A_51 = tpu.memref_slice %arg11[%mul3A_4, %dma_start3A] : memref<10000x128xf32, #tpu.memory_space<vmem_shared>> -> memref<624x128xf32, #tpu.memory_space<vmem_shared>>
      %dma_start3A_52 = arith.constant 0 : i32
      %dma_start3A_53 = tpu.memref_slice %arg4[%mul3A_2, %dma_start3A_52] : memref<10000x128xf32, #tpu.memory_space<hbm>> -> memref<624x128xf32, #tpu.memory_space<hbm>>
      tpu.enqueue_dma source(%dma_start3A_53 : memref<624x128xf32, #tpu.memory_space<hbm>>) target(%dma_start3A_51 : memref<624x128xf32, #tpu.memory_space<vmem_shared>>) target_semaphore(%run_scoped3A_50 : memref<!tpu.dma_semaphore, #tpu.memory_space<semaphore_mem>>)
      %dma_wait3A = arith.constant 0 : i32
      %dma_wait3A_54 = tpu.memref_slice %arg11[%mul3A_4, %dma_wait3A] : memref<10000x128xf32, #tpu.memory_space<vmem_shared>> -> memref<624x128xf32, #tpu.memory_space<vmem_shared>>
      %dma_wait3A_55 = arith.constant 0 : i32
      %dma_wait3A_56 = tpu.memref_slice %arg4[%mul3A_2, %dma_wait3A_55] : memref<10000x128xf32, #tpu.memory_space<hbm>> -> memref<624x128xf32, #tpu.memory_space<hbm>>
      tpu.wait_dma2 semaphore(%run_scoped3A_50 : memref<!tpu.dma_semaphore, #tpu.memory_space<semaphore_mem>>) src(%dma_wait3A_56 : memref<624x128xf32, #tpu.memory_space<hbm>>) dst(%dma_wait3A_54 : memref<624x128xf32, #tpu.memory_space<vmem_shared>>)
      tpu.yield
    }) : () -> ()
    %eq3A = arith.constant 15 : i32
    %eq3A_5 = arith.cmpi eq, %arg1, %eq3A : i32
    %convert_element_type3A = arith.extui %eq3A_5 : i1 to i32
    %cond3A = arith.constant 0 : i32
    %cond3A_6 = arith.cmpi ne, %convert_element_type3A, %cond3A : i32
    scf.if %cond3A_6 {
      "tpu.region"() ({
        %run_scoped3A_50 = tpu.sem_alloc : memref<!tpu.dma_semaphore, #tpu.memory_space<semaphore_mem>>
        %dma_start3A = arith.constant 9984 : i32
        %dma_start3A_51 = arith.constant 0 : i32
        %dma_start3A_52 = tpu.memref_slice %arg11[%dma_start3A, %dma_start3A_51] : memref<10000x128xf32, #tpu.memory_space<vmem_shared>> -> memref<16x128xf32, #tpu.memory_space<vmem_shared>>
        %dma_start3A_53 = arith.constant 9984 : i32
        %dma_start3A_54 = arith.constant 0 : i32
        %dma_start3A_55 = tpu.memref_slice %arg4[%dma_start3A_53, %dma_start3A_54] : memref<10000x128xf32, #tpu.memory_space<hbm>> -> memref<16x128xf32, #tpu.memory_space<hbm>>
        tpu.enqueue_dma source(%dma_start3A_55 : memref<16x128xf32, #tpu.memory_space<hbm>>) target(%dma_start3A_52 : memref<16x128xf32, #tpu.memory_space<vmem_shared>>) target_semaphore(%run_scoped3A_50 : memref<!tpu.dma_semaphore, #tpu.memory_space<semaphore_mem>>)
        %dma_wait3A = arith.constant 9984 : i32
        %dma_wait3A_56 = arith.constant 0 : i32
        %dma_wait3A_57 = tpu.memref_slice %arg11[%dma_wait3A, %dma_wait3A_56] : memref<10000x128xf32, #tpu.memory_space<vmem_shared>> -> memref<16x128xf32, #tpu.memory_space<vmem_shared>>
        %dma_wait3A_58 = arith.constant 9984 : i32
        %dma_wait3A_59 = arith.constant 0 : i32
        %dma_wait3A_60 = tpu.memref_slice %arg4[%dma_wait3A_58, %dma_wait3A_59] : memref<10000x128xf32, #tpu.memory_space<hbm>> -> memref<16x128xf32, #tpu.memory_space<hbm>>
        tpu.wait_dma2 semaphore(%run_scoped3A_50 : memref<!tpu.dma_semaphore, #tpu.memory_space<semaphore_mem>>) src(%dma_wait3A_60 : memref<16x128xf32, #tpu.memory_space<hbm>>) dst(%dma_wait3A_57 : memref<16x128xf32, #tpu.memory_space<vmem_shared>>)
        tpu.yield
      }) : () -> ()
    } else {
    }
    %barrier3A = arith.constant 0 : index
    tpu.barrier barrier_id(%barrier3A)
    %run_scoped3A = arith.constant 0 : i32
    "tpu.region"() ({
      %run_scoped3A_50 = tpu.sem_alloc : memref<!tpu.dma_semaphore, #tpu.memory_space<semaphore_mem>>
      %dma_start3A = arith.constant 0 : i32
      %dma_start3A_51 = arith.constant 0 : i32
      %dma_start3A_52 = arith.constant 0 : i32
      %dma_start3A_53 = tpu.memref_slice %arg3[%add3A, %run_scoped3A, %dma_start3A, %dma_start3A_51, %dma_start3A_52] : memref<32x5x2x25x80xi32, #tpu.memory_space<hbm>> -> memref<1x1x2x25x80xi32, #tpu.memory_space<hbm>>
      %dma_start3A_54 = tpu.memref_squeeze %dma_start3A_53 : memref<1x1x2x25x80xi32, #tpu.memory_space<hbm>> -> memref<2x25x80xi32, #tpu.memory_space<hbm>>
      %dma_start3A_55 = arith.constant 0 : i32
      %dma_start3A_56 = arith.constant 0 : i32
      %dma_start3A_57 = arith.constant 0 : i32
      %dma_start3A_58 = tpu.memref_slice %arg3[%add3A, %run_scoped3A, %dma_start3A_55, %dma_start3A_56, %dma_start3A_57] : memref<32x5x2x25x80xi32, #tpu.memory_space<hbm>> -> memref<1x1x2x25x80xi32, #tpu.memory_space<hbm>>
      %dma_start3A_59 = tpu.memref_squeeze %dma_start3A_58 : memref<1x1x2x25x80xi32, #tpu.memory_space<hbm>> -> memref<2x25x80xi32, #tpu.memory_space<hbm>>
      tpu.enqueue_dma source(%dma_start3A_59 : memref<2x25x80xi32, #tpu.memory_space<hbm>>) target(%arg6 : memref<2x25x80xi32, #tpu.memory_space<vmem>>) target_semaphore(%run_scoped3A_50 : memref<!tpu.dma_semaphore, #tpu.memory_space<semaphore_mem>>)
      %dma_wait3A = arith.constant 0 : i32
      %dma_wait3A_60 = arith.constant 0 : i32
      %dma_wait3A_61 = arith.constant 0 : i32
      %dma_wait3A_62 = tpu.memref_slice %arg3[%add3A, %run_scoped3A, %dma_wait3A, %dma_wait3A_60, %dma_wait3A_61] : memref<32x5x2x25x80xi32, #tpu.memory_space<hbm>> -> memref<1x1x2x25x80xi32, #tpu.memory_space<hbm>>
      %dma_wait3A_63 = tpu.memref_squeeze %dma_wait3A_62 : memref<1x1x2x25x80xi32, #tpu.memory_space<hbm>> -> memref<2x25x80xi32, #tpu.memory_space<hbm>>
      %dma_wait3A_64 = arith.constant 0 : i32
      %dma_wait3A_65 = arith.constant 0 : i32
      %dma_wait3A_66 = arith.constant 0 : i32
      %dma_wait3A_67 = tpu.memref_slice %arg3[%add3A, %run_scoped3A, %dma_wait3A_64, %dma_wait3A_65, %dma_wait3A_66] : memref<32x5x2x25x80xi32, #tpu.memory_space<hbm>> -> memref<1x1x2x25x80xi32, #tpu.memory_space<hbm>>
      %dma_wait3A_68 = tpu.memref_squeeze %dma_wait3A_67 : memref<1x1x2x25x80xi32, #tpu.memory_space<hbm>> -> memref<2x25x80xi32, #tpu.memory_space<hbm>>
      tpu.wait_dma2 semaphore(%run_scoped3A_50 : memref<!tpu.dma_semaphore, #tpu.memory_space<semaphore_mem>>) src(%dma_wait3A_68 : memref<2x25x80xi32, #tpu.memory_space<hbm>>) dst(%arg6 : memref<2x25x80xi32, #tpu.memory_space<vmem>>)
      tpu.yield
    }) : () -> ()
    %scan3A = arith.constant 0 : i32
    %scan3A_7 = arith.constant 0 : i32
    %scan3A_8 = arith.constant 8 : i32
    %scan3A_9 = arith.addi %scan3A_7, %scan3A_8 : i32
    %scan3A_10 = arith.constant 1 : i32
    scf.for %scan3A_50 = %scan3A_7 to %scan3A_9 step %scan3A_10  : i32 {
      %mul3A_51 = arith.constant 4 : i32
      %mul3A_52 = arith.muli %mul3A_51, %scan3A_50 : i32
      %add3A_53 = arith.constant 0 : i32
      %add3A_54 = arith.addi %mul3A_52, %add3A_53 : i32
      %sub3A = arith.constant 3 : i32
      %sub3A_55 = arith.subi %add3A_54, %sub3A : i32
      %max3A = arith.constant 0 : i32
      %max3A_56 = arith.maxsi %sub3A_55, %max3A : i32
      %sub3A_57 = arith.constant 4 : i32
      %sub3A_58 = arith.subi %add3A_54, %sub3A_57 : i32
      %max3A_59 = arith.constant 0 : i32
      %max3A_60 = arith.maxsi %sub3A_58, %max3A_59 : i32
      %ge3A = arith.constant 4 : i32
      %ge3A_61 = arith.cmpi sge, %add3A_54, %ge3A : i32
      %le3A = arith.constant 28 : i32
      %le3A_62 = arith.cmpi sle, %add3A_54, %le3A : i32
      %and3A = arith.andi %ge3A_61, %le3A_62 : i1
      %convert_element_type3A_63 = arith.extui %and3A : i1 to i32
      %cond3A_64 = arith.constant 0 : i32
      %cond3A_65 = arith.cmpi ne, %convert_element_type3A_63, %cond3A_64 : i32
      scf.if %cond3A_65 {
        %dma_wait3A = arith.constant 1 : i32
        %dma_wait3A_178 = arith.constant 0 : i32
        %dma_wait3A_179 = tpu.memref_slice %arg6[%dma_wait3A, %max3A_60, %dma_wait3A_178] : memref<2x25x80xi32, #tpu.memory_space<vmem>> -> memref<1x1x80xi32, #tpu.memory_space<vmem>>
        %dma_wait3A_180 = tpu.memref_squeeze %dma_wait3A_179 : memref<1x1x80xi32, #tpu.memory_space<vmem>> -> memref<80xi32, #tpu.memory_space<vmem>>
        %dma_wait3A_181 = arith.constant 0 : i32
        %dma_wait3A_182 = arith.constant 0 : i32
        %dma_wait3A_183 = tpu.memref_slice %arg11[%dma_wait3A_181, %dma_wait3A_182] : memref<10000x128xf32, #tpu.memory_space<vmem_shared>> -> memref<10000x128xf32, #tpu.memory_space<vmem_shared>>
        tpu.wait_indirect_dma semaphore(%arg16 : memref<!tpu.dma_semaphore, #tpu.memory_space<semaphore_mem>>) src(%arg7 : memref<80x128xf32, #tpu.memory_space<vmem>>) dst(%dma_wait3A_183 : memref<10000x128xf32, #tpu.memory_space<vmem_shared>>)
      } else {
      }
      %le3A_66 = arith.constant 24 : i32
      %le3A_67 = arith.cmpi sle, %add3A_54, %le3A_66 : i32
      %convert_element_type3A_68 = arith.extui %le3A_67 : i1 to i32
      %cond3A_69 = arith.constant 0 : i32
      %cond3A_70 = arith.cmpi ne, %convert_element_type3A_68, %cond3A_69 : i32
      scf.if %cond3A_70 {
        %dma_start3A = arith.constant 0 : i32
        %dma_start3A_178 = arith.constant 0 : i32
        %dma_start3A_179 = tpu.memref_slice %arg6[%dma_start3A, %add3A_54, %dma_start3A_178] : memref<2x25x80xi32, #tpu.memory_space<vmem>> -> memref<1x1x80xi32, #tpu.memory_space<vmem>>
        %dma_start3A_180 = tpu.memref_squeeze %dma_start3A_179 : memref<1x1x80xi32, #tpu.memory_space<vmem>> -> memref<80xi32, #tpu.memory_space<vmem>>
        %dma_start3A_181 = arith.constant 0 : i32
        %dma_start3A_182 = arith.constant 0 : i32
        %dma_start3A_183 = tpu.memref_slice %arg2[%dma_start3A_181, %dma_start3A_182] : memref<10000x128xf32, #tpu.memory_space<hbm>> -> memref<10000x128xf32, #tpu.memory_space<hbm>>
        tpu.enqueue_indirect_dma source(%dma_start3A_183 : memref<10000x128xf32, #tpu.memory_space<hbm>>) target(%arg7 : memref<80x128xf32, #tpu.memory_space<vmem>>) offsets(%dma_start3A_180 : memref<80xi32, #tpu.memory_space<vmem>>) semaphore(%arg12 : memref<!tpu.dma_semaphore, #tpu.memory_space<semaphore_mem>>)
      } else {
      }
      %ge3A_71 = arith.constant 3 : i32
      %ge3A_72 = arith.cmpi sge, %add3A_54, %ge3A_71 : i32
      %le3A_73 = arith.constant 27 : i32
      %le3A_74 = arith.cmpi sle, %add3A_54, %le3A_73 : i32
      %and3A_75 = arith.andi %ge3A_72, %le3A_74 : i1
      %convert_element_type3A_76 = arith.extui %and3A_75 : i1 to i32
      %cond3A_77 = arith.constant 0 : i32
      %cond3A_78 = arith.cmpi ne, %convert_element_type3A_76, %cond3A_77 : i32
      scf.if %cond3A_78 {
        %dma_wait3A = arith.constant 0 : i32
        %dma_wait3A_178 = arith.constant 0 : i32
        %dma_wait3A_179 = tpu.memref_slice %arg6[%dma_wait3A, %max3A_56, %dma_wait3A_178] : memref<2x25x80xi32, #tpu.memory_space<vmem>> -> memref<1x1x80xi32, #tpu.memory_space<vmem>>
        %dma_wait3A_180 = tpu.memref_squeeze %dma_wait3A_179 : memref<1x1x80xi32, #tpu.memory_space<vmem>> -> memref<80xi32, #tpu.memory_space<vmem>>
        %dma_wait3A_181 = arith.constant 0 : i32
        %dma_wait3A_182 = arith.constant 0 : i32
        %dma_wait3A_183 = tpu.memref_slice %arg2[%dma_wait3A_181, %dma_wait3A_182] : memref<10000x128xf32, #tpu.memory_space<hbm>> -> memref<10000x128xf32, #tpu.memory_space<hbm>>
        tpu.wait_indirect_dma semaphore(%arg13 : memref<!tpu.dma_semaphore, #tpu.memory_space<semaphore_mem>>) src(%dma_wait3A_183 : memref<10000x128xf32, #tpu.memory_space<hbm>>) dst(%arg8 : memref<80x128xf32, #tpu.memory_space<vmem>>)
        %dma_start3A = arith.constant 1 : i32
        %dma_start3A_184 = arith.constant 0 : i32
        %dma_start3A_185 = tpu.memref_slice %arg6[%dma_start3A, %max3A_56, %dma_start3A_184] : memref<2x25x80xi32, #tpu.memory_space<vmem>> -> memref<1x1x80xi32, #tpu.memory_space<vmem>>
        %dma_start3A_186 = tpu.memref_squeeze %dma_start3A_185 : memref<1x1x80xi32, #tpu.memory_space<vmem>> -> memref<80xi32, #tpu.memory_space<vmem>>
        %dma_start3A_187 = arith.constant 0 : i32
        %dma_start3A_188 = arith.constant 0 : i32
        %dma_start3A_189 = tpu.memref_slice %arg11[%dma_start3A_187, %dma_start3A_188] : memref<10000x128xf32, #tpu.memory_space<vmem_shared>> -> memref<10000x128xf32, #tpu.memory_space<vmem_shared>>
        tpu.enqueue_indirect_dma source(%arg8 : memref<80x128xf32, #tpu.memory_space<vmem>>) target(%dma_start3A_189 : memref<10000x128xf32, #tpu.memory_space<vmem_shared>>) offsets(%dma_start3A_186 : memref<80xi32, #tpu.memory_space<vmem>>) semaphore(%arg17 : memref<!tpu.dma_semaphore, #tpu.memory_space<semaphore_mem>>) {add = true}
      } else {
      }
      %mul3A_79 = arith.constant 4 : i32
      %mul3A_80 = arith.muli %mul3A_79, %scan3A_50 : i32
      %add3A_81 = arith.constant 1 : i32
      %add3A_82 = arith.addi %mul3A_80, %add3A_81 : i32
      %sub3A_83 = arith.constant 3 : i32
      %sub3A_84 = arith.subi %add3A_82, %sub3A_83 : i32
      %max3A_85 = arith.constant 0 : i32
      %max3A_86 = arith.maxsi %sub3A_84, %max3A_85 : i32
      %sub3A_87 = arith.constant 4 : i32
      %sub3A_88 = arith.subi %add3A_82, %sub3A_87 : i32
      %max3A_89 = arith.constant 0 : i32
      %max3A_90 = arith.maxsi %sub3A_88, %max3A_89 : i32
      %ge3A_91 = arith.constant 4 : i32
      %ge3A_92 = arith.cmpi sge, %add3A_82, %ge3A_91 : i32
      %le3A_93 = arith.constant 28 : i32
      %le3A_94 = arith.cmpi sle, %add3A_82, %le3A_93 : i32
      %and3A_95 = arith.andi %ge3A_92, %le3A_94 : i1
      %convert_element_type3A_96 = arith.extui %and3A_95 : i1 to i32
      %cond3A_97 = arith.constant 0 : i32
      %cond3A_98 = arith.cmpi ne, %convert_element_type3A_96, %cond3A_97 : i32
      scf.if %cond3A_98 {
        %dma_wait3A = arith.constant 1 : i32
        %dma_wait3A_178 = arith.constant 0 : i32
        %dma_wait3A_179 = tpu.memref_slice %arg6[%dma_wait3A, %max3A_90, %dma_wait3A_178] : memref<2x25x80xi32, #tpu.memory_space<vmem>> -> memref<1x1x80xi32, #tpu.memory_space<vmem>>
        %dma_wait3A_180 = tpu.memref_squeeze %dma_wait3A_179 : memref<1x1x80xi32, #tpu.memory_space<vmem>> -> memref<80xi32, #tpu.memory_space<vmem>>
        %dma_wait3A_181 = arith.constant 0 : i32
        %dma_wait3A_182 = arith.constant 0 : i32
        %dma_wait3A_183 = tpu.memref_slice %arg11[%dma_wait3A_181, %dma_wait3A_182] : memref<10000x128xf32, #tpu.memory_space<vmem_shared>> -> memref<10000x128xf32, #tpu.memory_space<vmem_shared>>
        tpu.wait_indirect_dma semaphore(%arg17 : memref<!tpu.dma_semaphore, #tpu.memory_space<semaphore_mem>>) src(%arg8 : memref<80x128xf32, #tpu.memory_space<vmem>>) dst(%dma_wait3A_183 : memref<10000x128xf32, #tpu.memory_space<vmem_shared>>)
      } else {
      }
      %le3A_99 = arith.constant 24 : i32
      %le3A_100 = arith.cmpi sle, %add3A_82, %le3A_99 : i32
      %convert_element_type3A_101 = arith.extui %le3A_100 : i1 to i32
      %cond3A_102 = arith.constant 0 : i32
      %cond3A_103 = arith.cmpi ne, %convert_element_type3A_101, %cond3A_102 : i32
      scf.if %cond3A_103 {
        %dma_start3A = arith.constant 0 : i32
        %dma_start3A_178 = arith.constant 0 : i32
        %dma_start3A_179 = tpu.memref_slice %arg6[%dma_start3A, %add3A_82, %dma_start3A_178] : memref<2x25x80xi32, #tpu.memory_space<vmem>> -> memref<1x1x80xi32, #tpu.memory_space<vmem>>
        %dma_start3A_180 = tpu.memref_squeeze %dma_start3A_179 : memref<1x1x80xi32, #tpu.memory_space<vmem>> -> memref<80xi32, #tpu.memory_space<vmem>>
        %dma_start3A_181 = arith.constant 0 : i32
        %dma_start3A_182 = arith.constant 0 : i32
        %dma_start3A_183 = tpu.memref_slice %arg2[%dma_start3A_181, %dma_start3A_182] : memref<10000x128xf32, #tpu.memory_space<hbm>> -> memref<10000x128xf32, #tpu.memory_space<hbm>>
        tpu.enqueue_indirect_dma source(%dma_start3A_183 : memref<10000x128xf32, #tpu.memory_space<hbm>>) target(%arg8 : memref<80x128xf32, #tpu.memory_space<vmem>>) offsets(%dma_start3A_180 : memref<80xi32, #tpu.memory_space<vmem>>) semaphore(%arg13 : memref<!tpu.dma_semaphore, #tpu.memory_space<semaphore_mem>>)
      } else {
      }
      %ge3A_104 = arith.constant 3 : i32
      %ge3A_105 = arith.cmpi sge, %add3A_82, %ge3A_104 : i32
      %le3A_106 = arith.constant 27 : i32
      %le3A_107 = arith.cmpi sle, %add3A_82, %le3A_106 : i32
      %and3A_108 = arith.andi %ge3A_105, %le3A_107 : i1
      %convert_element_type3A_109 = arith.extui %and3A_108 : i1 to i32
      %cond3A_110 = arith.constant 0 : i32
      %cond3A_111 = arith.cmpi ne, %convert_element_type3A_109, %cond3A_110 : i32
      scf.if %cond3A_111 {
        %dma_wait3A = arith.constant 0 : i32
        %dma_wait3A_178 = arith.constant 0 : i32
        %dma_wait3A_179 = tpu.memref_slice %arg6[%dma_wait3A, %max3A_86, %dma_wait3A_178] : memref<2x25x80xi32, #tpu.memory_space<vmem>> -> memref<1x1x80xi32, #tpu.memory_space<vmem>>
        %dma_wait3A_180 = tpu.memref_squeeze %dma_wait3A_179 : memref<1x1x80xi32, #tpu.memory_space<vmem>> -> memref<80xi32, #tpu.memory_space<vmem>>
        %dma_wait3A_181 = arith.constant 0 : i32
        %dma_wait3A_182 = arith.constant 0 : i32
        %dma_wait3A_183 = tpu.memref_slice %arg2[%dma_wait3A_181, %dma_wait3A_182] : memref<10000x128xf32, #tpu.memory_space<hbm>> -> memref<10000x128xf32, #tpu.memory_space<hbm>>
        tpu.wait_indirect_dma semaphore(%arg14 : memref<!tpu.dma_semaphore, #tpu.memory_space<semaphore_mem>>) src(%dma_wait3A_183 : memref<10000x128xf32, #tpu.memory_space<hbm>>) dst(%arg9 : memref<80x128xf32, #tpu.memory_space<vmem>>)
        %dma_start3A = arith.constant 1 : i32
        %dma_start3A_184 = arith.constant 0 : i32
        %dma_start3A_185 = tpu.memref_slice %arg6[%dma_start3A, %max3A_86, %dma_start3A_184] : memref<2x25x80xi32, #tpu.memory_space<vmem>> -> memref<1x1x80xi32, #tpu.memory_space<vmem>>
        %dma_start3A_186 = tpu.memref_squeeze %dma_start3A_185 : memref<1x1x80xi32, #tpu.memory_space<vmem>> -> memref<80xi32, #tpu.memory_space<vmem>>
        %dma_start3A_187 = arith.constant 0 : i32
        %dma_start3A_188 = arith.constant 0 : i32
        %dma_start3A_189 = tpu.memref_slice %arg11[%dma_start3A_187, %dma_start3A_188] : memref<10000x128xf32, #tpu.memory_space<vmem_shared>> -> memref<10000x128xf32, #tpu.memory_space<vmem_shared>>
        tpu.enqueue_indirect_dma source(%arg9 : memref<80x128xf32, #tpu.memory_space<vmem>>) target(%dma_start3A_189 : memref<10000x128xf32, #tpu.memory_space<vmem_shared>>) offsets(%dma_start3A_186 : memref<80xi32, #tpu.memory_space<vmem>>) semaphore(%arg18 : memref<!tpu.dma_semaphore, #tpu.memory_space<semaphore_mem>>) {add = true}
      } else {
      }
      %mul3A_112 = arith.constant 4 : i32
      %mul3A_113 = arith.muli %mul3A_112, %scan3A_50 : i32
      %add3A_114 = arith.constant 2 : i32
      %add3A_115 = arith.addi %mul3A_113, %add3A_114 : i32
      %sub3A_116 = arith.constant 3 : i32
      %sub3A_117 = arith.subi %add3A_115, %sub3A_116 : i32
      %max3A_118 = arith.constant 0 : i32
      %max3A_119 = arith.maxsi %sub3A_117, %max3A_118 : i32
      %sub3A_120 = arith.constant 4 : i32
      %sub3A_121 = arith.subi %add3A_115, %sub3A_120 : i32
      %max3A_122 = arith.constant 0 : i32
      %max3A_123 = arith.maxsi %sub3A_121, %max3A_122 : i32
      %ge3A_124 = arith.constant 4 : i32
      %ge3A_125 = arith.cmpi sge, %add3A_115, %ge3A_124 : i32
      %le3A_126 = arith.constant 28 : i32
      %le3A_127 = arith.cmpi sle, %add3A_115, %le3A_126 : i32
      %and3A_128 = arith.andi %ge3A_125, %le3A_127 : i1
      %convert_element_type3A_129 = arith.extui %and3A_128 : i1 to i32
      %cond3A_130 = arith.constant 0 : i32
      %cond3A_131 = arith.cmpi ne, %convert_element_type3A_129, %cond3A_130 : i32
      scf.if %cond3A_131 {
        %dma_wait3A = arith.constant 1 : i32
        %dma_wait3A_178 = arith.constant 0 : i32
        %dma_wait3A_179 = tpu.memref_slice %arg6[%dma_wait3A, %max3A_123, %dma_wait3A_178] : memref<2x25x80xi32, #tpu.memory_space<vmem>> -> memref<1x1x80xi32, #tpu.memory_space<vmem>>
        %dma_wait3A_180 = tpu.memref_squeeze %dma_wait3A_179 : memref<1x1x80xi32, #tpu.memory_space<vmem>> -> memref<80xi32, #tpu.memory_space<vmem>>
        %dma_wait3A_181 = arith.constant 0 : i32
        %dma_wait3A_182 = arith.constant 0 : i32
        %dma_wait3A_183 = tpu.memref_slice %arg11[%dma_wait3A_181, %dma_wait3A_182] : memref<10000x128xf32, #tpu.memory_space<vmem_shared>> -> memref<10000x128xf32, #tpu.memory_space<vmem_shared>>
        tpu.wait_indirect_dma semaphore(%arg18 : memref<!tpu.dma_semaphore, #tpu.memory_space<semaphore_mem>>) src(%arg9 : memref<80x128xf32, #tpu.memory_space<vmem>>) dst(%dma_wait3A_183 : memref<10000x128xf32, #tpu.memory_space<vmem_shared>>)
      } else {
      }
      %le3A_132 = arith.constant 24 : i32
      %le3A_133 = arith.cmpi sle, %add3A_115, %le3A_132 : i32
      %convert_element_type3A_134 = arith.extui %le3A_133 : i1 to i32
      %cond3A_135 = arith.constant 0 : i32
      %cond3A_136 = arith.cmpi ne, %convert_element_type3A_134, %cond3A_135 : i32
      scf.if %cond3A_136 {
        %dma_start3A = arith.constant 0 : i32
        %dma_start3A_178 = arith.constant 0 : i32
        %dma_start3A_179 = tpu.memref_slice %arg6[%dma_start3A, %add3A_115, %dma_start3A_178] : memref<2x25x80xi32, #tpu.memory_space<vmem>> -> memref<1x1x80xi32, #tpu.memory_space<vmem>>
        %dma_start3A_180 = tpu.memref_squeeze %dma_start3A_179 : memref<1x1x80xi32, #tpu.memory_space<vmem>> -> memref<80xi32, #tpu.memory_space<vmem>>
        %dma_start3A_181 = arith.constant 0 : i32
        %dma_start3A_182 = arith.constant 0 : i32
        %dma_start3A_183 = tpu.memref_slice %arg2[%dma_start3A_181, %dma_start3A_182] : memref<10000x128xf32, #tpu.memory_space<hbm>> -> memref<10000x128xf32, #tpu.memory_space<hbm>>
        tpu.enqueue_indirect_dma source(%dma_start3A_183 : memref<10000x128xf32, #tpu.memory_space<hbm>>) target(%arg9 : memref<80x128xf32, #tpu.memory_space<vmem>>) offsets(%dma_start3A_180 : memref<80xi32, #tpu.memory_space<vmem>>) semaphore(%arg14 : memref<!tpu.dma_semaphore, #tpu.memory_space<semaphore_mem>>)
      } else {
      }
      %ge3A_137 = arith.constant 3 : i32
      %ge3A_138 = arith.cmpi sge, %add3A_115, %ge3A_137 : i32
      %le3A_139 = arith.constant 27 : i32
      %le3A_140 = arith.cmpi sle, %add3A_115, %le3A_139 : i32
      %and3A_141 = arith.andi %ge3A_138, %le3A_140 : i1
      %convert_element_type3A_142 = arith.extui %and3A_141 : i1 to i32
      %cond3A_143 = arith.constant 0 : i32
      %cond3A_144 = arith.cmpi ne, %convert_element_type3A_142, %cond3A_143 : i32
      scf.if %cond3A_144 {
        %dma_wait3A = arith.constant 0 : i32
        %dma_wait3A_178 = arith.constant 0 : i32
        %dma_wait3A_179 = tpu.memref_slice %arg6[%dma_wait3A, %max3A_119, %dma_wait3A_178] : memref<2x25x80xi32, #tpu.memory_space<vmem>> -> memref<1x1x80xi32, #tpu.memory_space<vmem>>
        %dma_wait3A_180 = tpu.memref_squeeze %dma_wait3A_179 : memref<1x1x80xi32, #tpu.memory_space<vmem>> -> memref<80xi32, #tpu.memory_space<vmem>>
        %dma_wait3A_181 = arith.constant 0 : i32
        %dma_wait3A_182 = arith.constant 0 : i32
        %dma_wait3A_183 = tpu.memref_slice %arg2[%dma_wait3A_181, %dma_wait3A_182] : memref<10000x128xf32, #tpu.memory_space<hbm>> -> memref<10000x128xf32, #tpu.memory_space<hbm>>
        tpu.wait_indirect_dma semaphore(%arg15 : memref<!tpu.dma_semaphore, #tpu.memory_space<semaphore_mem>>) src(%dma_wait3A_183 : memref<10000x128xf32, #tpu.memory_space<hbm>>) dst(%arg10 : memref<80x128xf32, #tpu.memory_space<vmem>>)
        %dma_start3A = arith.constant 1 : i32
        %dma_start3A_184 = arith.constant 0 : i32
        %dma_start3A_185 = tpu.memref_slice %arg6[%dma_start3A, %max3A_119, %dma_start3A_184] : memref<2x25x80xi32, #tpu.memory_space<vmem>> -> memref<1x1x80xi32, #tpu.memory_space<vmem>>
        %dma_start3A_186 = tpu.memref_squeeze %dma_start3A_185 : memref<1x1x80xi32, #tpu.memory_space<vmem>> -> memref<80xi32, #tpu.memory_space<vmem>>
        %dma_start3A_187 = arith.constant 0 : i32
        %dma_start3A_188 = arith.constant 0 : i32
        %dma_start3A_189 = tpu.memref_slice %arg11[%dma_start3A_187, %dma_start3A_188] : memref<10000x128xf32, #tpu.memory_space<vmem_shared>> -> memref<10000x128xf32, #tpu.memory_space<vmem_shared>>
        tpu.enqueue_indirect_dma source(%arg10 : memref<80x128xf32, #tpu.memory_space<vmem>>) target(%dma_start3A_189 : memref<10000x128xf32, #tpu.memory_space<vmem_shared>>) offsets(%dma_start3A_186 : memref<80xi32, #tpu.memory_space<vmem>>) semaphore(%arg19 : memref<!tpu.dma_semaphore, #tpu.memory_space<semaphore_mem>>) {add = true}
      } else {
      }
      %mul3A_145 = arith.constant 4 : i32
      %mul3A_146 = arith.muli %mul3A_145, %scan3A_50 : i32
      %add3A_147 = arith.constant 3 : i32
      %add3A_148 = arith.addi %mul3A_146, %add3A_147 : i32
      %sub3A_149 = arith.constant 3 : i32
      %sub3A_150 = arith.subi %add3A_148, %sub3A_149 : i32
      %max3A_151 = arith.constant 0 : i32
      %max3A_152 = arith.maxsi %sub3A_150, %max3A_151 : i32
      %sub3A_153 = arith.constant 4 : i32
      %sub3A_154 = arith.subi %add3A_148, %sub3A_153 : i32
      %max3A_155 = arith.constant 0 : i32
      %max3A_156 = arith.maxsi %sub3A_154, %max3A_155 : i32
      %ge3A_157 = arith.constant 4 : i32
      %ge3A_158 = arith.cmpi sge, %add3A_148, %ge3A_157 : i32
      %le3A_159 = arith.constant 28 : i32
      %le3A_160 = arith.cmpi sle, %add3A_148, %le3A_159 : i32
      %and3A_161 = arith.andi %ge3A_158, %le3A_160 : i1
      %convert_element_type3A_162 = arith.extui %and3A_161 : i1 to i32
      %cond3A_163 = arith.constant 0 : i32
      %cond3A_164 = arith.cmpi ne, %convert_element_type3A_162, %cond3A_163 : i32
      scf.if %cond3A_164 {
        %dma_wait3A = arith.constant 1 : i32
        %dma_wait3A_178 = arith.constant 0 : i32
        %dma_wait3A_179 = tpu.memref_slice %arg6[%dma_wait3A, %max3A_156, %dma_wait3A_178] : memref<2x25x80xi32, #tpu.memory_space<vmem>> -> memref<1x1x80xi32, #tpu.memory_space<vmem>>
        %dma_wait3A_180 = tpu.memref_squeeze %dma_wait3A_179 : memref<1x1x80xi32, #tpu.memory_space<vmem>> -> memref<80xi32, #tpu.memory_space<vmem>>
        %dma_wait3A_181 = arith.constant 0 : i32
        %dma_wait3A_182 = arith.constant 0 : i32
        %dma_wait3A_183 = tpu.memref_slice %arg11[%dma_wait3A_181, %dma_wait3A_182] : memref<10000x128xf32, #tpu.memory_space<vmem_shared>> -> memref<10000x128xf32, #tpu.memory_space<vmem_shared>>
        tpu.wait_indirect_dma semaphore(%arg19 : memref<!tpu.dma_semaphore, #tpu.memory_space<semaphore_mem>>) src(%arg10 : memref<80x128xf32, #tpu.memory_space<vmem>>) dst(%dma_wait3A_183 : memref<10000x128xf32, #tpu.memory_space<vmem_shared>>)
      } else {
      }
      %le3A_165 = arith.constant 24 : i32
      %le3A_166 = arith.cmpi sle, %add3A_148, %le3A_165 : i32
      %convert_element_type3A_167 = arith.extui %le3A_166 : i1 to i32
      %cond3A_168 = arith.constant 0 : i32
      %cond3A_169 = arith.cmpi ne, %convert_element_type3A_167, %cond3A_168 : i32
      scf.if %cond3A_169 {
        %dma_start3A = arith.constant 0 : i32
        %dma_start3A_178 = arith.constant 0 : i32
        %dma_start3A_179 = tpu.memref_slice %arg6[%dma_start3A, %add3A_148, %dma_start3A_178] : memref<2x25x80xi32, #tpu.memory_space<vmem>> -> memref<1x1x80xi32, #tpu.memory_space<vmem>>
        %dma_start3A_180 = tpu.memref_squeeze %dma_start3A_179 : memref<1x1x80xi32, #tpu.memory_space<vmem>> -> memref<80xi32, #tpu.memory_space<vmem>>
        %dma_start3A_181 = arith.constant 0 : i32
        %dma_start3A_182 = arith.constant 0 : i32
        %dma_start3A_183 = tpu.memref_slice %arg2[%dma_start3A_181, %dma_start3A_182] : memref<10000x128xf32, #tpu.memory_space<hbm>> -> memref<10000x128xf32, #tpu.memory_space<hbm>>
        tpu.enqueue_indirect_dma source(%dma_start3A_183 : memref<10000x128xf32, #tpu.memory_space<hbm>>) target(%arg10 : memref<80x128xf32, #tpu.memory_space<vmem>>) offsets(%dma_start3A_180 : memref<80xi32, #tpu.memory_space<vmem>>) semaphore(%arg15 : memref<!tpu.dma_semaphore, #tpu.memory_space<semaphore_mem>>)
      } else {
      }
      %ge3A_170 = arith.constant 3 : i32
      %ge3A_171 = arith.cmpi sge, %add3A_148, %ge3A_170 : i32
      %le3A_172 = arith.constant 27 : i32
      %le3A_173 = arith.cmpi sle, %add3A_148, %le3A_172 : i32
      %and3A_174 = arith.andi %ge3A_171, %le3A_173 : i1
      %convert_element_type3A_175 = arith.extui %and3A_174 : i1 to i32
      %cond3A_176 = arith.constant 0 : i32
      %cond3A_177 = arith.cmpi ne, %convert_element_type3A_175, %cond3A_176 : i32
      scf.if %cond3A_177 {
        %dma_wait3A = arith.constant 0 : i32
        %dma_wait3A_178 = arith.constant 0 : i32
        %dma_wait3A_179 = tpu.memref_slice %arg6[%dma_wait3A, %max3A_152, %dma_wait3A_178] : memref<2x25x80xi32, #tpu.memory_space<vmem>> -> memref<1x1x80xi32, #tpu.memory_space<vmem>>
        %dma_wait3A_180 = tpu.memref_squeeze %dma_wait3A_179 : memref<1x1x80xi32, #tpu.memory_space<vmem>> -> memref<80xi32, #tpu.memory_space<vmem>>
        %dma_wait3A_181 = arith.constant 0 : i32
        %dma_wait3A_182 = arith.constant 0 : i32
        %dma_wait3A_183 = tpu.memref_slice %arg2[%dma_wait3A_181, %dma_wait3A_182] : memref<10000x128xf32, #tpu.memory_space<hbm>> -> memref<10000x128xf32, #tpu.memory_space<hbm>>
        tpu.wait_indirect_dma semaphore(%arg12 : memref<!tpu.dma_semaphore, #tpu.memory_space<semaphore_mem>>) src(%dma_wait3A_183 : memref<10000x128xf32, #tpu.memory_space<hbm>>) dst(%arg7 : memref<80x128xf32, #tpu.memory_space<vmem>>)
        %dma_start3A = arith.constant 1 : i32
        %dma_start3A_184 = arith.constant 0 : i32
        %dma_start3A_185 = tpu.memref_slice %arg6[%dma_start3A, %max3A_152, %dma_start3A_184] : memref<2x25x80xi32, #tpu.memory_space<vmem>> -> memref<1x1x80xi32, #tpu.memory_space<vmem>>
        %dma_start3A_186 = tpu.memref_squeeze %dma_start3A_185 : memref<1x1x80xi32, #tpu.memory_space<vmem>> -> memref<80xi32, #tpu.memory_space<vmem>>
        %dma_start3A_187 = arith.constant 0 : i32
        %dma_start3A_188 = arith.constant 0 : i32
        %dma_start3A_189 = tpu.memref_slice %arg11[%dma_start3A_187, %dma_start3A_188] : memref<10000x128xf32, #tpu.memory_space<vmem_shared>> -> memref<10000x128xf32, #tpu.memory_space<vmem_shared>>
        tpu.enqueue_indirect_dma source(%arg7 : memref<80x128xf32, #tpu.memory_space<vmem>>) target(%dma_start3A_189 : memref<10000x128xf32, #tpu.memory_space<vmem_shared>>) offsets(%dma_start3A_186 : memref<80xi32, #tpu.memory_space<vmem>>) semaphore(%arg16 : memref<!tpu.dma_semaphore, #tpu.memory_space<semaphore_mem>>) {add = true}
      } else {
      }
    }
    %scan3A_11 = arith.constant 8 : i32
    %run_scoped3A_12 = arith.constant 1 : i32
    "tpu.region"() ({
      %run_scoped3A_50 = tpu.sem_alloc : memref<!tpu.dma_semaphore, #tpu.memory_space<semaphore_mem>>
      %dma_start3A = arith.constant 0 : i32
      %dma_start3A_51 = arith.constant 0 : i32
      %dma_start3A_52 = arith.constant 0 : i32
      %dma_start3A_53 = tpu.memref_slice %arg3[%add3A, %run_scoped3A_12, %dma_start3A, %dma_start3A_51, %dma_start3A_52] : memref<32x5x2x25x80xi32, #tpu.memory_space<hbm>> -> memref<1x1x2x25x80xi32, #tpu.memory_space<hbm>>
      %dma_start3A_54 = tpu.memref_squeeze %dma_start3A_53 : memref<1x1x2x25x80xi32, #tpu.memory_space<hbm>> -> memref<2x25x80xi32, #tpu.memory_space<hbm>>
      %dma_start3A_55 = arith.constant 0 : i32
      %dma_start3A_56 = arith.constant 0 : i32
      %dma_start3A_57 = arith.constant 0 : i32
      %dma_start3A_58 = tpu.memref_slice %arg3[%add3A, %run_scoped3A_12, %dma_start3A_55, %dma_start3A_56, %dma_start3A_57] : memref<32x5x2x25x80xi32, #tpu.memory_space<hbm>> -> memref<1x1x2x25x80xi32, #tpu.memory_space<hbm>>
      %dma_start3A_59 = tpu.memref_squeeze %dma_start3A_58 : memref<1x1x2x25x80xi32, #tpu.memory_space<hbm>> -> memref<2x25x80xi32, #tpu.memory_space<hbm>>
      tpu.enqueue_dma source(%dma_start3A_59 : memref<2x25x80xi32, #tpu.memory_space<hbm>>) target(%arg6 : memref<2x25x80xi32, #tpu.memory_space<vmem>>) target_semaphore(%run_scoped3A_50 : memref<!tpu.dma_semaphore, #tpu.memory_space<semaphore_mem>>)
      %dma_wait3A = arith.constant 0 : i32
      %dma_wait3A_60 = arith.constant 0 : i32
      %dma_wait3A_61 = arith.constant 0 : i32
      %dma_wait3A_62 = tpu.memref_slice %arg3[%add3A, %run_scoped3A_12, %dma_wait3A, %dma_wait3A_60, %dma_wait3A_61] : memref<32x5x2x25x80xi32, #tpu.memory_space<hbm>> -> memref<1x1x2x25x80xi32, #tpu.memory_space<hbm>>
      %dma_wait3A_63 = tpu.memref_squeeze %dma_wait3A_62 : memref<1x1x2x25x80xi32, #tpu.memory_space<hbm>> -> memref<2x25x80xi32, #tpu.memory_space<hbm>>
      %dma_wait3A_64 = arith.constant 0 : i32
      %dma_wait3A_65 = arith.constant 0 : i32
      %dma_wait3A_66 = arith.constant 0 : i32
      %dma_wait3A_67 = tpu.memref_slice %arg3[%add3A, %run_scoped3A_12, %dma_wait3A_64, %dma_wait3A_65, %dma_wait3A_66] : memref<32x5x2x25x80xi32, #tpu.memory_space<hbm>> -> memref<1x1x2x25x80xi32, #tpu.memory_space<hbm>>
      %dma_wait3A_68 = tpu.memref_squeeze %dma_wait3A_67 : memref<1x1x2x25x80xi32, #tpu.memory_space<hbm>> -> memref<2x25x80xi32, #tpu.memory_space<hbm>>
      tpu.wait_dma2 semaphore(%run_scoped3A_50 : memref<!tpu.dma_semaphore, #tpu.memory_space<semaphore_mem>>) src(%dma_wait3A_68 : memref<2x25x80xi32, #tpu.memory_space<hbm>>) dst(%arg6 : memref<2x25x80xi32, #tpu.memory_space<vmem>>)
      tpu.yield
    }) : () -> ()
    %scan3A_13 = arith.constant 0 : i32
    %scan3A_14 = arith.constant 0 : i32
    %scan3A_15 = arith.constant 8 : i32
    %scan3A_16 = arith.addi %scan3A_14, %scan3A_15 : i32
    %scan3A_17 = arith.constant 1 : i32
    scf.for %scan3A_50 = %scan3A_14 to %scan3A_16 step %scan3A_17  : i32 {
      %mul3A_51 = arith.constant 4 : i32
      %mul3A_52 = arith.muli %mul3A_51, %scan3A_50 : i32
      %add3A_53 = arith.constant 0 : i32
      %add3A_54 = arith.addi %mul3A_52, %add3A_53 : i32
      %sub3A = arith.constant 3 : i32
      %sub3A_55 = arith.subi %add3A_54, %sub3A : i32
      %max3A = arith.constant 0 : i32
      %max3A_56 = arith.maxsi %sub3A_55, %max3A : i32
      %sub3A_57 = arith.constant 4 : i32
      %sub3A_58 = arith.subi %add3A_54, %sub3A_57 : i32
      %max3A_59 = arith.constant 0 : i32
      %max3A_60 = arith.maxsi %sub3A_58, %max3A_59 : i32
      %ge3A = arith.constant 4 : i32
      %ge3A_61 = arith.cmpi sge, %add3A_54, %ge3A : i32
      %le3A = arith.constant 28 : i32
      %le3A_62 = arith.cmpi sle, %add3A_54, %le3A : i32
      %and3A = arith.andi %ge3A_61, %le3A_62 : i1
      %convert_element_type3A_63 = arith.extui %and3A : i1 to i32
      %cond3A_64 = arith.constant 0 : i32
      %cond3A_65 = arith.cmpi ne, %convert_element_type3A_63, %cond3A_64 : i32
      scf.if %cond3A_65 {
        %dma_wait3A = arith.constant 1 : i32
        %dma_wait3A_178 = arith.constant 0 : i32
        %dma_wait3A_179 = tpu.memref_slice %arg6[%dma_wait3A, %max3A_60, %dma_wait3A_178] : memref<2x25x80xi32, #tpu.memory_space<vmem>> -> memref<1x1x80xi32, #tpu.memory_space<vmem>>
        %dma_wait3A_180 = tpu.memref_squeeze %dma_wait3A_179 : memref<1x1x80xi32, #tpu.memory_space<vmem>> -> memref<80xi32, #tpu.memory_space<vmem>>
        %dma_wait3A_181 = arith.constant 0 : i32
        %dma_wait3A_182 = arith.constant 0 : i32
        %dma_wait3A_183 = tpu.memref_slice %arg11[%dma_wait3A_181, %dma_wait3A_182] : memref<10000x128xf32, #tpu.memory_space<vmem_shared>> -> memref<10000x128xf32, #tpu.memory_space<vmem_shared>>
        tpu.wait_indirect_dma semaphore(%arg16 : memref<!tpu.dma_semaphore, #tpu.memory_space<semaphore_mem>>) src(%arg7 : memref<80x128xf32, #tpu.memory_space<vmem>>) dst(%dma_wait3A_183 : memref<10000x128xf32, #tpu.memory_space<vmem_shared>>)
      } else {
      }
      %le3A_66 = arith.constant 24 : i32
      %le3A_67 = arith.cmpi sle, %add3A_54, %le3A_66 : i32
      %convert_element_type3A_68 = arith.extui %le3A_67 : i1 to i32
      %cond3A_69 = arith.constant 0 : i32
      %cond3A_70 = arith.cmpi ne, %convert_element_type3A_68, %cond3A_69 : i32
      scf.if %cond3A_70 {
        %dma_start3A = arith.constant 0 : i32
        %dma_start3A_178 = arith.constant 0 : i32
        %dma_start3A_179 = tpu.memref_slice %arg6[%dma_start3A, %add3A_54, %dma_start3A_178] : memref<2x25x80xi32, #tpu.memory_space<vmem>> -> memref<1x1x80xi32, #tpu.memory_space<vmem>>
        %dma_start3A_180 = tpu.memref_squeeze %dma_start3A_179 : memref<1x1x80xi32, #tpu.memory_space<vmem>> -> memref<80xi32, #tpu.memory_space<vmem>>
        %dma_start3A_181 = arith.constant 0 : i32
        %dma_start3A_182 = arith.constant 0 : i32
        %dma_start3A_183 = tpu.memref_slice %arg2[%dma_start3A_181, %dma_start3A_182] : memref<10000x128xf32, #tpu.memory_space<hbm>> -> memref<10000x128xf32, #tpu.memory_space<hbm>>
        tpu.enqueue_indirect_dma source(%dma_start3A_183 : memref<10000x128xf32, #tpu.memory_space<hbm>>) target(%arg7 : memref<80x128xf32, #tpu.memory_space<vmem>>) offsets(%dma_start3A_180 : memref<80xi32, #tpu.memory_space<vmem>>) semaphore(%arg12 : memref<!tpu.dma_semaphore, #tpu.memory_space<semaphore_mem>>)
      } else {
      }
      %ge3A_71 = arith.constant 3 : i32
      %ge3A_72 = arith.cmpi sge, %add3A_54, %ge3A_71 : i32
      %le3A_73 = arith.constant 27 : i32
      %le3A_74 = arith.cmpi sle, %add3A_54, %le3A_73 : i32
      %and3A_75 = arith.andi %ge3A_72, %le3A_74 : i1
      %convert_element_type3A_76 = arith.extui %and3A_75 : i1 to i32
      %cond3A_77 = arith.constant 0 : i32
      %cond3A_78 = arith.cmpi ne, %convert_element_type3A_76, %cond3A_77 : i32
      scf.if %cond3A_78 {
        %dma_wait3A = arith.constant 0 : i32
        %dma_wait3A_178 = arith.constant 0 : i32
        %dma_wait3A_179 = tpu.memref_slice %arg6[%dma_wait3A, %max3A_56, %dma_wait3A_178] : memref<2x25x80xi32, #tpu.memory_space<vmem>> -> memref<1x1x80xi32, #tpu.memory_space<vmem>>
        %dma_wait3A_180 = tpu.memref_squeeze %dma_wait3A_179 : memref<1x1x80xi32, #tpu.memory_space<vmem>> -> memref<80xi32, #tpu.memory_space<vmem>>
        %dma_wait3A_181 = arith.constant 0 : i32
        %dma_wait3A_182 = arith.constant 0 : i32
        %dma_wait3A_183 = tpu.memref_slice %arg2[%dma_wait3A_181, %dma_wait3A_182] : memref<10000x128xf32, #tpu.memory_space<hbm>> -> memref<10000x128xf32, #tpu.memory_space<hbm>>
        tpu.wait_indirect_dma semaphore(%arg13 : memref<!tpu.dma_semaphore, #tpu.memory_space<semaphore_mem>>) src(%dma_wait3A_183 : memref<10000x128xf32, #tpu.memory_space<hbm>>) dst(%arg8 : memref<80x128xf32, #tpu.memory_space<vmem>>)
        %dma_start3A = arith.constant 1 : i32
        %dma_start3A_184 = arith.constant 0 : i32
        %dma_start3A_185 = tpu.memref_slice %arg6[%dma_start3A, %max3A_56, %dma_start3A_184] : memref<2x25x80xi32, #tpu.memory_space<vmem>> -> memref<1x1x80xi32, #tpu.memory_space<vmem>>
        %dma_start3A_186 = tpu.memref_squeeze %dma_start3A_185 : memref<1x1x80xi32, #tpu.memory_space<vmem>> -> memref<80xi32, #tpu.memory_space<vmem>>
        %dma_start3A_187 = arith.constant 0 : i32
        %dma_start3A_188 = arith.constant 0 : i32
        %dma_start3A_189 = tpu.memref_slice %arg11[%dma_start3A_187, %dma_start3A_188] : memref<10000x128xf32, #tpu.memory_space<vmem_shared>> -> memref<10000x128xf32, #tpu.memory_space<vmem_shared>>
        tpu.enqueue_indirect_dma source(%arg8 : memref<80x128xf32, #tpu.memory_space<vmem>>) target(%dma_start3A_189 : memref<10000x128xf32, #tpu.memory_space<vmem_shared>>) offsets(%dma_start3A_186 : memref<80xi32, #tpu.memory_space<vmem>>) semaphore(%arg17 : memref<!tpu.dma_semaphore, #tpu.memory_space<semaphore_mem>>) {add = true}
      } else {
      }
      %mul3A_79 = arith.constant 4 : i32
      %mul3A_80 = arith.muli %mul3A_79, %scan3A_50 : i32
      %add3A_81 = arith.constant 1 : i32
      %add3A_82 = arith.addi %mul3A_80, %add3A_81 : i32
      %sub3A_83 = arith.constant 3 : i32
      %sub3A_84 = arith.subi %add3A_82, %sub3A_83 : i32
      %max3A_85 = arith.constant 0 : i32
      %max3A_86 = arith.maxsi %sub3A_84, %max3A_85 : i32
      %sub3A_87 = arith.constant 4 : i32
      %sub3A_88 = arith.subi %add3A_82, %sub3A_87 : i32
      %max3A_89 = arith.constant 0 : i32
      %max3A_90 = arith.maxsi %sub3A_88, %max3A_89 : i32
      %ge3A_91 = arith.constant 4 : i32
      %ge3A_92 = arith.cmpi sge, %add3A_82, %ge3A_91 : i32
      %le3A_93 = arith.constant 28 : i32
      %le3A_94 = arith.cmpi sle, %add3A_82, %le3A_93 : i32
      %and3A_95 = arith.andi %ge3A_92, %le3A_94 : i1
      %convert_element_type3A_96 = arith.extui %and3A_95 : i1 to i32
      %cond3A_97 = arith.constant 0 : i32
      %cond3A_98 = arith.cmpi ne, %convert_element_type3A_96, %cond3A_97 : i32
      scf.if %cond3A_98 {
        %dma_wait3A = arith.constant 1 : i32
        %dma_wait3A_178 = arith.constant 0 : i32
        %dma_wait3A_179 = tpu.memref_slice %arg6[%dma_wait3A, %max3A_90, %dma_wait3A_178] : memref<2x25x80xi32, #tpu.memory_space<vmem>> -> memref<1x1x80xi32, #tpu.memory_space<vmem>>
        %dma_wait3A_180 = tpu.memref_squeeze %dma_wait3A_179 : memref<1x1x80xi32, #tpu.memory_space<vmem>> -> memref<80xi32, #tpu.memory_space<vmem>>
        %dma_wait3A_181 = arith.constant 0 : i32
        %dma_wait3A_182 = arith.constant 0 : i32
        %dma_wait3A_183 = tpu.memref_slice %arg11[%dma_wait3A_181, %dma_wait3A_182] : memref<10000x128xf32, #tpu.memory_space<vmem_shared>> -> memref<10000x128xf32, #tpu.memory_space<vmem_shared>>
        tpu.wait_indirect_dma semaphore(%arg17 : memref<!tpu.dma_semaphore, #tpu.memory_space<semaphore_mem>>) src(%arg8 : memref<80x128xf32, #tpu.memory_space<vmem>>) dst(%dma_wait3A_183 : memref<10000x128xf32, #tpu.memory_space<vmem_shared>>)
      } else {
      }
      %le3A_99 = arith.constant 24 : i32
      %le3A_100 = arith.cmpi sle, %add3A_82, %le3A_99 : i32
      %convert_element_type3A_101 = arith.extui %le3A_100 : i1 to i32
      %cond3A_102 = arith.constant 0 : i32
      %cond3A_103 = arith.cmpi ne, %convert_element_type3A_101, %cond3A_102 : i32
      scf.if %cond3A_103 {
        %dma_start3A = arith.constant 0 : i32
        %dma_start3A_178 = arith.constant 0 : i32
        %dma_start3A_179 = tpu.memref_slice %arg6[%dma_start3A, %add3A_82, %dma_start3A_178] : memref<2x25x80xi32, #tpu.memory_space<vmem>> -> memref<1x1x80xi32, #tpu.memory_space<vmem>>
        %dma_start3A_180 = tpu.memref_squeeze %dma_start3A_179 : memref<1x1x80xi32, #tpu.memory_space<vmem>> -> memref<80xi32, #tpu.memory_space<vmem>>
        %dma_start3A_181 = arith.constant 0 : i32
        %dma_start3A_182 = arith.constant 0 : i32
        %dma_start3A_183 = tpu.memref_slice %arg2[%dma_start3A_181, %dma_start3A_182] : memref<10000x128xf32, #tpu.memory_space<hbm>> -> memref<10000x128xf32, #tpu.memory_space<hbm>>
        tpu.enqueue_indirect_dma source(%dma_start3A_183 : memref<10000x128xf32, #tpu.memory_space<hbm>>) target(%arg8 : memref<80x128xf32, #tpu.memory_space<vmem>>) offsets(%dma_start3A_180 : memref<80xi32, #tpu.memory_space<vmem>>) semaphore(%arg13 : memref<!tpu.dma_semaphore, #tpu.memory_space<semaphore_mem>>)
      } else {
      }
      %ge3A_104 = arith.constant 3 : i32
      %ge3A_105 = arith.cmpi sge, %add3A_82, %ge3A_104 : i32
      %le3A_106 = arith.constant 27 : i32
      %le3A_107 = arith.cmpi sle, %add3A_82, %le3A_106 : i32
      %and3A_108 = arith.andi %ge3A_105, %le3A_107 : i1
      %convert_element_type3A_109 = arith.extui %and3A_108 : i1 to i32
      %cond3A_110 = arith.constant 0 : i32
      %cond3A_111 = arith.cmpi ne, %convert_element_type3A_109, %cond3A_110 : i32
      scf.if %cond3A_111 {
        %dma_wait3A = arith.constant 0 : i32
        %dma_wait3A_178 = arith.constant 0 : i32
        %dma_wait3A_179 = tpu.memref_slice %arg6[%dma_wait3A, %max3A_86, %dma_wait3A_178] : memref<2x25x80xi32, #tpu.memory_space<vmem>> -> memref<1x1x80xi32, #tpu.memory_space<vmem>>
        %dma_wait3A_180 = tpu.memref_squeeze %dma_wait3A_179 : memref<1x1x80xi32, #tpu.memory_space<vmem>> -> memref<80xi32, #tpu.memory_space<vmem>>
        %dma_wait3A_181 = arith.constant 0 : i32
        %dma_wait3A_182 = arith.constant 0 : i32
        %dma_wait3A_183 = tpu.memref_slice %arg2[%dma_wait3A_181, %dma_wait3A_182] : memref<10000x128xf32, #tpu.memory_space<hbm>> -> memref<10000x128xf32, #tpu.memory_space<hbm>>
        tpu.wait_indirect_dma semaphore(%arg14 : memref<!tpu.dma_semaphore, #tpu.memory_space<semaphore_mem>>) src(%dma_wait3A_183 : memref<10000x128xf32, #tpu.memory_space<hbm>>) dst(%arg9 : memref<80x128xf32, #tpu.memory_space<vmem>>)
        %dma_start3A = arith.constant 1 : i32
        %dma_start3A_184 = arith.constant 0 : i32
        %dma_start3A_185 = tpu.memref_slice %arg6[%dma_start3A, %max3A_86, %dma_start3A_184] : memref<2x25x80xi32, #tpu.memory_space<vmem>> -> memref<1x1x80xi32, #tpu.memory_space<vmem>>
        %dma_start3A_186 = tpu.memref_squeeze %dma_start3A_185 : memref<1x1x80xi32, #tpu.memory_space<vmem>> -> memref<80xi32, #tpu.memory_space<vmem>>
        %dma_start3A_187 = arith.constant 0 : i32
        %dma_start3A_188 = arith.constant 0 : i32
        %dma_start3A_189 = tpu.memref_slice %arg11[%dma_start3A_187, %dma_start3A_188] : memref<10000x128xf32, #tpu.memory_space<vmem_shared>> -> memref<10000x128xf32, #tpu.memory_space<vmem_shared>>
        tpu.enqueue_indirect_dma source(%arg9 : memref<80x128xf32, #tpu.memory_space<vmem>>) target(%dma_start3A_189 : memref<10000x128xf32, #tpu.memory_space<vmem_shared>>) offsets(%dma_start3A_186 : memref<80xi32, #tpu.memory_space<vmem>>) semaphore(%arg18 : memref<!tpu.dma_semaphore, #tpu.memory_space<semaphore_mem>>) {add = true}
      } else {
      }
      %mul3A_112 = arith.constant 4 : i32
      %mul3A_113 = arith.muli %mul3A_112, %scan3A_50 : i32
      %add3A_114 = arith.constant 2 : i32
      %add3A_115 = arith.addi %mul3A_113, %add3A_114 : i32
      %sub3A_116 = arith.constant 3 : i32
      %sub3A_117 = arith.subi %add3A_115, %sub3A_116 : i32
      %max3A_118 = arith.constant 0 : i32
      %max3A_119 = arith.maxsi %sub3A_117, %max3A_118 : i32
      %sub3A_120 = arith.constant 4 : i32
      %sub3A_121 = arith.subi %add3A_115, %sub3A_120 : i32
      %max3A_122 = arith.constant 0 : i32
      %max3A_123 = arith.maxsi %sub3A_121, %max3A_122 : i32
      %ge3A_124 = arith.constant 4 : i32
      %ge3A_125 = arith.cmpi sge, %add3A_115, %ge3A_124 : i32
      %le3A_126 = arith.constant 28 : i32
      %le3A_127 = arith.cmpi sle, %add3A_115, %le3A_126 : i32
      %and3A_128 = arith.andi %ge3A_125, %le3A_127 : i1
      %convert_element_type3A_129 = arith.extui %and3A_128 : i1 to i32
      %cond3A_130 = arith.constant 0 : i32
      %cond3A_131 = arith.cmpi ne, %convert_element_type3A_129, %cond3A_130 : i32
      scf.if %cond3A_131 {
        %dma_wait3A = arith.constant 1 : i32
        %dma_wait3A_178 = arith.constant 0 : i32
        %dma_wait3A_179 = tpu.memref_slice %arg6[%dma_wait3A, %max3A_123, %dma_wait3A_178] : memref<2x25x80xi32, #tpu.memory_space<vmem>> -> memref<1x1x80xi32, #tpu.memory_space<vmem>>
        %dma_wait3A_180 = tpu.memref_squeeze %dma_wait3A_179 : memref<1x1x80xi32, #tpu.memory_space<vmem>> -> memref<80xi32, #tpu.memory_space<vmem>>
        %dma_wait3A_181 = arith.constant 0 : i32
        %dma_wait3A_182 = arith.constant 0 : i32
        %dma_wait3A_183 = tpu.memref_slice %arg11[%dma_wait3A_181, %dma_wait3A_182] : memref<10000x128xf32, #tpu.memory_space<vmem_shared>> -> memref<10000x128xf32, #tpu.memory_space<vmem_shared>>
        tpu.wait_indirect_dma semaphore(%arg18 : memref<!tpu.dma_semaphore, #tpu.memory_space<semaphore_mem>>) src(%arg9 : memref<80x128xf32, #tpu.memory_space<vmem>>) dst(%dma_wait3A_183 : memref<10000x128xf32, #tpu.memory_space<vmem_shared>>)
      } else {
      }
      %le3A_132 = arith.constant 24 : i32
      %le3A_133 = arith.cmpi sle, %add3A_115, %le3A_132 : i32
      %convert_element_type3A_134 = arith.extui %le3A_133 : i1 to i32
      %cond3A_135 = arith.constant 0 : i32
      %cond3A_136 = arith.cmpi ne, %convert_element_type3A_134, %cond3A_135 : i32
      scf.if %cond3A_136 {
        %dma_start3A = arith.constant 0 : i32
        %dma_start3A_178 = arith.constant 0 : i32
        %dma_start3A_179 = tpu.memref_slice %arg6[%dma_start3A, %add3A_115, %dma_start3A_178] : memref<2x25x80xi32, #tpu.memory_space<vmem>> -> memref<1x1x80xi32, #tpu.memory_space<vmem>>
        %dma_start3A_180 = tpu.memref_squeeze %dma_start3A_179 : memref<1x1x80xi32, #tpu.memory_space<vmem>> -> memref<80xi32, #tpu.memory_space<vmem>>
        %dma_start3A_181 = arith.constant 0 : i32
        %dma_start3A_182 = arith.constant 0 : i32
        %dma_start3A_183 = tpu.memref_slice %arg2[%dma_start3A_181, %dma_start3A_182] : memref<10000x128xf32, #tpu.memory_space<hbm>> -> memref<10000x128xf32, #tpu.memory_space<hbm>>
        tpu.enqueue_indirect_dma source(%dma_start3A_183 : memref<10000x128xf32, #tpu.memory_space<hbm>>) target(%arg9 : memref<80x128xf32, #tpu.memory_space<vmem>>) offsets(%dma_start3A_180 : memref<80xi32, #tpu.memory_space<vmem>>) semaphore(%arg14 : memref<!tpu.dma_semaphore, #tpu.memory_space<semaphore_mem>>)
      } else {
      }
      %ge3A_137 = arith.constant 3 : i32
      %ge3A_138 = arith.cmpi sge, %add3A_115, %ge3A_137 : i32
      %le3A_139 = arith.constant 27 : i32
      %le3A_140 = arith.cmpi sle, %add3A_115, %le3A_139 : i32
      %and3A_141 = arith.andi %ge3A_138, %le3A_140 : i1
      %convert_element_type3A_142 = arith.extui %and3A_141 : i1 to i32
      %cond3A_143 = arith.constant 0 : i32
      %cond3A_144 = arith.cmpi ne, %convert_element_type3A_142, %cond3A_143 : i32
      scf.if %cond3A_144 {
        %dma_wait3A = arith.constant 0 : i32
        %dma_wait3A_178 = arith.constant 0 : i32
        %dma_wait3A_179 = tpu.memref_slice %arg6[%dma_wait3A, %max3A_119, %dma_wait3A_178] : memref<2x25x80xi32, #tpu.memory_space<vmem>> -> memref<1x1x80xi32, #tpu.memory_space<vmem>>
        %dma_wait3A_180 = tpu.memref_squeeze %dma_wait3A_179 : memref<1x1x80xi32, #tpu.memory_space<vmem>> -> memref<80xi32, #tpu.memory_space<vmem>>
        %dma_wait3A_181 = arith.constant 0 : i32
        %dma_wait3A_182 = arith.constant 0 : i32
        %dma_wait3A_183 = tpu.memref_slice %arg2[%dma_wait3A_181, %dma_wait3A_182] : memref<10000x128xf32, #tpu.memory_space<hbm>> -> memref<10000x128xf32, #tpu.memory_space<hbm>>
        tpu.wait_indirect_dma semaphore(%arg15 : memref<!tpu.dma_semaphore, #tpu.memory_space<semaphore_mem>>) src(%dma_wait3A_183 : memref<10000x128xf32, #tpu.memory_space<hbm>>) dst(%arg10 : memref<80x128xf32, #tpu.memory_space<vmem>>)
        %dma_start3A = arith.constant 1 : i32
        %dma_start3A_184 = arith.constant 0 : i32
        %dma_start3A_185 = tpu.memref_slice %arg6[%dma_start3A, %max3A_119, %dma_start3A_184] : memref<2x25x80xi32, #tpu.memory_space<vmem>> -> memref<1x1x80xi32, #tpu.memory_space<vmem>>
        %dma_start3A_186 = tpu.memref_squeeze %dma_start3A_185 : memref<1x1x80xi32, #tpu.memory_space<vmem>> -> memref<80xi32, #tpu.memory_space<vmem>>
        %dma_start3A_187 = arith.constant 0 : i32
        %dma_start3A_188 = arith.constant 0 : i32
        %dma_start3A_189 = tpu.memref_slice %arg11[%dma_start3A_187, %dma_start3A_188] : memref<10000x128xf32, #tpu.memory_space<vmem_shared>> -> memref<10000x128xf32, #tpu.memory_space<vmem_shared>>
        tpu.enqueue_indirect_dma source(%arg10 : memref<80x128xf32, #tpu.memory_space<vmem>>) target(%dma_start3A_189 : memref<10000x128xf32, #tpu.memory_space<vmem_shared>>) offsets(%dma_start3A_186 : memref<80xi32, #tpu.memory_space<vmem>>) semaphore(%arg19 : memref<!tpu.dma_semaphore, #tpu.memory_space<semaphore_mem>>) {add = true}
      } else {
      }
      %mul3A_145 = arith.constant 4 : i32
      %mul3A_146 = arith.muli %mul3A_145, %scan3A_50 : i32
      %add3A_147 = arith.constant 3 : i32
      %add3A_148 = arith.addi %mul3A_146, %add3A_147 : i32
      %sub3A_149 = arith.constant 3 : i32
      %sub3A_150 = arith.subi %add3A_148, %sub3A_149 : i32
      %max3A_151 = arith.constant 0 : i32
      %max3A_152 = arith.maxsi %sub3A_150, %max3A_151 : i32
      %sub3A_153 = arith.constant 4 : i32
      %sub3A_154 = arith.subi %add3A_148, %sub3A_153 : i32
      %max3A_155 = arith.constant 0 : i32
      %max3A_156 = arith.maxsi %sub3A_154, %max3A_155 : i32
      %ge3A_157 = arith.constant 4 : i32
      %ge3A_158 = arith.cmpi sge, %add3A_148, %ge3A_157 : i32
      %le3A_159 = arith.constant 28 : i32
      %le3A_160 = arith.cmpi sle, %add3A_148, %le3A_159 : i32
      %and3A_161 = arith.andi %ge3A_158, %le3A_160 : i1
      %convert_element_type3A_162 = arith.extui %and3A_161 : i1 to i32
      %cond3A_163 = arith.constant 0 : i32
      %cond3A_164 = arith.cmpi ne, %convert_element_type3A_162, %cond3A_163 : i32
      scf.if %cond3A_164 {
        %dma_wait3A = arith.constant 1 : i32
        %dma_wait3A_178 = arith.constant 0 : i32
        %dma_wait3A_179 = tpu.memref_slice %arg6[%dma_wait3A, %max3A_156, %dma_wait3A_178] : memref<2x25x80xi32, #tpu.memory_space<vmem>> -> memref<1x1x80xi32, #tpu.memory_space<vmem>>
        %dma_wait3A_180 = tpu.memref_squeeze %dma_wait3A_179 : memref<1x1x80xi32, #tpu.memory_space<vmem>> -> memref<80xi32, #tpu.memory_space<vmem>>
        %dma_wait3A_181 = arith.constant 0 : i32
        %dma_wait3A_182 = arith.constant 0 : i32
        %dma_wait3A_183 = tpu.memref_slice %arg11[%dma_wait3A_181, %dma_wait3A_182] : memref<10000x128xf32, #tpu.memory_space<vmem_shared>> -> memref<10000x128xf32, #tpu.memory_space<vmem_shared>>
        tpu.wait_indirect_dma semaphore(%arg19 : memref<!tpu.dma_semaphore, #tpu.memory_space<semaphore_mem>>) src(%arg10 : memref<80x128xf32, #tpu.memory_space<vmem>>) dst(%dma_wait3A_183 : memref<10000x128xf32, #tpu.memory_space<vmem_shared>>)
      } else {
      }
      %le3A_165 = arith.constant 24 : i32
      %le3A_166 = arith.cmpi sle, %add3A_148, %le3A_165 : i32
      %convert_element_type3A_167 = arith.extui %le3A_166 : i1 to i32
      %cond3A_168 = arith.constant 0 : i32
      %cond3A_169 = arith.cmpi ne, %convert_element_type3A_167, %cond3A_168 : i32
      scf.if %cond3A_169 {
        %dma_start3A = arith.constant 0 : i32
        %dma_start3A_178 = arith.constant 0 : i32
        %dma_start3A_179 = tpu.memref_slice %arg6[%dma_start3A, %add3A_148, %dma_start3A_178] : memref<2x25x80xi32, #tpu.memory_space<vmem>> -> memref<1x1x80xi32, #tpu.memory_space<vmem>>
        %dma_start3A_180 = tpu.memref_squeeze %dma_start3A_179 : memref<1x1x80xi32, #tpu.memory_space<vmem>> -> memref<80xi32, #tpu.memory_space<vmem>>
        %dma_start3A_181 = arith.constant 0 : i32
        %dma_start3A_182 = arith.constant 0 : i32
        %dma_start3A_183 = tpu.memref_slice %arg2[%dma_start3A_181, %dma_start3A_182] : memref<10000x128xf32, #tpu.memory_space<hbm>> -> memref<10000x128xf32, #tpu.memory_space<hbm>>
        tpu.enqueue_indirect_dma source(%dma_start3A_183 : memref<10000x128xf32, #tpu.memory_space<hbm>>) target(%arg10 : memref<80x128xf32, #tpu.memory_space<vmem>>) offsets(%dma_start3A_180 : memref<80xi32, #tpu.memory_space<vmem>>) semaphore(%arg15 : memref<!tpu.dma_semaphore, #tpu.memory_space<semaphore_mem>>)
      } else {
      }
      %ge3A_170 = arith.constant 3 : i32
      %ge3A_171 = arith.cmpi sge, %add3A_148, %ge3A_170 : i32
      %le3A_172 = arith.constant 27 : i32
      %le3A_173 = arith.cmpi sle, %add3A_148, %le3A_172 : i32
      %and3A_174 = arith.andi %ge3A_171, %le3A_173 : i1
      %convert_element_type3A_175 = arith.extui %and3A_174 : i1 to i32
      %cond3A_176 = arith.constant 0 : i32
      %cond3A_177 = arith.cmpi ne, %convert_element_type3A_175, %cond3A_176 : i32
      scf.if %cond3A_177 {
        %dma_wait3A = arith.constant 0 : i32
        %dma_wait3A_178 = arith.constant 0 : i32
        %dma_wait3A_179 = tpu.memref_slice %arg6[%dma_wait3A, %max3A_152, %dma_wait3A_178] : memref<2x25x80xi32, #tpu.memory_space<vmem>> -> memref<1x1x80xi32, #tpu.memory_space<vmem>>
        %dma_wait3A_180 = tpu.memref_squeeze %dma_wait3A_179 : memref<1x1x80xi32, #tpu.memory_space<vmem>> -> memref<80xi32, #tpu.memory_space<vmem>>
        %dma_wait3A_181 = arith.constant 0 : i32
        %dma_wait3A_182 = arith.constant 0 : i32
        %dma_wait3A_183 = tpu.memref_slice %arg2[%dma_wait3A_181, %dma_wait3A_182] : memref<10000x128xf32, #tpu.memory_space<hbm>> -> memref<10000x128xf32, #tpu.memory_space<hbm>>
        tpu.wait_indirect_dma semaphore(%arg12 : memref<!tpu.dma_semaphore, #tpu.memory_space<semaphore_mem>>) src(%dma_wait3A_183 : memref<10000x128xf32, #tpu.memory_space<hbm>>) dst(%arg7 : memref<80x128xf32, #tpu.memory_space<vmem>>)
        %dma_start3A = arith.constant 1 : i32
        %dma_start3A_184 = arith.constant 0 : i32
        %dma_start3A_185 = tpu.memref_slice %arg6[%dma_start3A, %max3A_152, %dma_start3A_184] : memref<2x25x80xi32, #tpu.memory_space<vmem>> -> memref<1x1x80xi32, #tpu.memory_space<vmem>>
        %dma_start3A_186 = tpu.memref_squeeze %dma_start3A_185 : memref<1x1x80xi32, #tpu.memory_space<vmem>> -> memref<80xi32, #tpu.memory_space<vmem>>
        %dma_start3A_187 = arith.constant 0 : i32
        %dma_start3A_188 = arith.constant 0 : i32
        %dma_start3A_189 = tpu.memref_slice %arg11[%dma_start3A_187, %dma_start3A_188] : memref<10000x128xf32, #tpu.memory_space<vmem_shared>> -> memref<10000x128xf32, #tpu.memory_space<vmem_shared>>
        tpu.enqueue_indirect_dma source(%arg7 : memref<80x128xf32, #tpu.memory_space<vmem>>) target(%dma_start3A_189 : memref<10000x128xf32, #tpu.memory_space<vmem_shared>>) offsets(%dma_start3A_186 : memref<80xi32, #tpu.memory_space<vmem>>) semaphore(%arg16 : memref<!tpu.dma_semaphore, #tpu.memory_space<semaphore_mem>>) {add = true}
      } else {
      }
    }
    %scan3A_18 = arith.constant 8 : i32
    %run_scoped3A_19 = arith.constant 2 : i32
    "tpu.region"() ({
      %run_scoped3A_50 = tpu.sem_alloc : memref<!tpu.dma_semaphore, #tpu.memory_space<semaphore_mem>>
      %dma_start3A = arith.constant 0 : i32
      %dma_start3A_51 = arith.constant 0 : i32
      %dma_start3A_52 = arith.constant 0 : i32
      %dma_start3A_53 = tpu.memref_slice %arg3[%add3A, %run_scoped3A_19, %dma_start3A, %dma_start3A_51, %dma_start3A_52] : memref<32x5x2x25x80xi32, #tpu.memory_space<hbm>> -> memref<1x1x2x25x80xi32, #tpu.memory_space<hbm>>
      %dma_start3A_54 = tpu.memref_squeeze %dma_start3A_53 : memref<1x1x2x25x80xi32, #tpu.memory_space<hbm>> -> memref<2x25x80xi32, #tpu.memory_space<hbm>>
      %dma_start3A_55 = arith.constant 0 : i32
      %dma_start3A_56 = arith.constant 0 : i32
      %dma_start3A_57 = arith.constant 0 : i32
      %dma_start3A_58 = tpu.memref_slice %arg3[%add3A, %run_scoped3A_19, %dma_start3A_55, %dma_start3A_56, %dma_start3A_57] : memref<32x5x2x25x80xi32, #tpu.memory_space<hbm>> -> memref<1x1x2x25x80xi32, #tpu.memory_space<hbm>>
      %dma_start3A_59 = tpu.memref_squeeze %dma_start3A_58 : memref<1x1x2x25x80xi32, #tpu.memory_space<hbm>> -> memref<2x25x80xi32, #tpu.memory_space<hbm>>
      tpu.enqueue_dma source(%dma_start3A_59 : memref<2x25x80xi32, #tpu.memory_space<hbm>>) target(%arg6 : memref<2x25x80xi32, #tpu.memory_space<vmem>>) target_semaphore(%run_scoped3A_50 : memref<!tpu.dma_semaphore, #tpu.memory_space<semaphore_mem>>)
      %dma_wait3A = arith.constant 0 : i32
      %dma_wait3A_60 = arith.constant 0 : i32
      %dma_wait3A_61 = arith.constant 0 : i32
      %dma_wait3A_62 = tpu.memref_slice %arg3[%add3A, %run_scoped3A_19, %dma_wait3A, %dma_wait3A_60, %dma_wait3A_61] : memref<32x5x2x25x80xi32, #tpu.memory_space<hbm>> -> memref<1x1x2x25x80xi32, #tpu.memory_space<hbm>>
      %dma_wait3A_63 = tpu.memref_squeeze %dma_wait3A_62 : memref<1x1x2x25x80xi32, #tpu.memory_space<hbm>> -> memref<2x25x80xi32, #tpu.memory_space<hbm>>
      %dma_wait3A_64 = arith.constant 0 : i32
      %dma_wait3A_65 = arith.constant 0 : i32
      %dma_wait3A_66 = arith.constant 0 : i32
      %dma_wait3A_67 = tpu.memref_slice %arg3[%add3A, %run_scoped3A_19, %dma_wait3A_64, %dma_wait3A_65, %dma_wait3A_66] : memref<32x5x2x25x80xi32, #tpu.memory_space<hbm>> -> memref<1x1x2x25x80xi32, #tpu.memory_space<hbm>>
      %dma_wait3A_68 = tpu.memref_squeeze %dma_wait3A_67 : memref<1x1x2x25x80xi32, #tpu.memory_space<hbm>> -> memref<2x25x80xi32, #tpu.memory_space<hbm>>
      tpu.wait_dma2 semaphore(%run_scoped3A_50 : memref<!tpu.dma_semaphore, #tpu.memory_space<semaphore_mem>>) src(%dma_wait3A_68 : memref<2x25x80xi32, #tpu.memory_space<hbm>>) dst(%arg6 : memref<2x25x80xi32, #tpu.memory_space<vmem>>)
      tpu.yield
    }) : () -> ()
    %scan3A_20 = arith.constant 0 : i32
    %scan3A_21 = arith.constant 0 : i32
    %scan3A_22 = arith.constant 8 : i32
    %scan3A_23 = arith.addi %scan3A_21, %scan3A_22 : i32
    %scan3A_24 = arith.constant 1 : i32
    scf.for %scan3A_50 = %scan3A_21 to %scan3A_23 step %scan3A_24  : i32 {
      %mul3A_51 = arith.constant 4 : i32
      %mul3A_52 = arith.muli %mul3A_51, %scan3A_50 : i32
      %add3A_53 = arith.constant 0 : i32
      %add3A_54 = arith.addi %mul3A_52, %add3A_53 : i32
      %sub3A = arith.constant 3 : i32
      %sub3A_55 = arith.subi %add3A_54, %sub3A : i32
      %max3A = arith.constant 0 : i32
      %max3A_56 = arith.maxsi %sub3A_55, %max3A : i32
      %sub3A_57 = arith.constant 4 : i32
      %sub3A_58 = arith.subi %add3A_54, %sub3A_57 : i32
      %max3A_59 = arith.constant 0 : i32
      %max3A_60 = arith.maxsi %sub3A_58, %max3A_59 : i32
      %ge3A = arith.constant 4 : i32
      %ge3A_61 = arith.cmpi sge, %add3A_54, %ge3A : i32
      %le3A = arith.constant 28 : i32
      %le3A_62 = arith.cmpi sle, %add3A_54, %le3A : i32
      %and3A = arith.andi %ge3A_61, %le3A_62 : i1
      %convert_element_type3A_63 = arith.extui %and3A : i1 to i32
      %cond3A_64 = arith.constant 0 : i32
      %cond3A_65 = arith.cmpi ne, %convert_element_type3A_63, %cond3A_64 : i32
      scf.if %cond3A_65 {
        %dma_wait3A = arith.constant 1 : i32
        %dma_wait3A_178 = arith.constant 0 : i32
        %dma_wait3A_179 = tpu.memref_slice %arg6[%dma_wait3A, %max3A_60, %dma_wait3A_178] : memref<2x25x80xi32, #tpu.memory_space<vmem>> -> memref<1x1x80xi32, #tpu.memory_space<vmem>>
        %dma_wait3A_180 = tpu.memref_squeeze %dma_wait3A_179 : memref<1x1x80xi32, #tpu.memory_space<vmem>> -> memref<80xi32, #tpu.memory_space<vmem>>
        %dma_wait3A_181 = arith.constant 0 : i32
        %dma_wait3A_182 = arith.constant 0 : i32
        %dma_wait3A_183 = tpu.memref_slice %arg11[%dma_wait3A_181, %dma_wait3A_182] : memref<10000x128xf32, #tpu.memory_space<vmem_shared>> -> memref<10000x128xf32, #tpu.memory_space<vmem_shared>>
        tpu.wait_indirect_dma semaphore(%arg16 : memref<!tpu.dma_semaphore, #tpu.memory_space<semaphore_mem>>) src(%arg7 : memref<80x128xf32, #tpu.memory_space<vmem>>) dst(%dma_wait3A_183 : memref<10000x128xf32, #tpu.memory_space<vmem_shared>>)
      } else {
      }
      %le3A_66 = arith.constant 24 : i32
      %le3A_67 = arith.cmpi sle, %add3A_54, %le3A_66 : i32
      %convert_element_type3A_68 = arith.extui %le3A_67 : i1 to i32
      %cond3A_69 = arith.constant 0 : i32
      %cond3A_70 = arith.cmpi ne, %convert_element_type3A_68, %cond3A_69 : i32
      scf.if %cond3A_70 {
        %dma_start3A = arith.constant 0 : i32
        %dma_start3A_178 = arith.constant 0 : i32
        %dma_start3A_179 = tpu.memref_slice %arg6[%dma_start3A, %add3A_54, %dma_start3A_178] : memref<2x25x80xi32, #tpu.memory_space<vmem>> -> memref<1x1x80xi32, #tpu.memory_space<vmem>>
        %dma_start3A_180 = tpu.memref_squeeze %dma_start3A_179 : memref<1x1x80xi32, #tpu.memory_space<vmem>> -> memref<80xi32, #tpu.memory_space<vmem>>
        %dma_start3A_181 = arith.constant 0 : i32
        %dma_start3A_182 = arith.constant 0 : i32
        %dma_start3A_183 = tpu.memref_slice %arg2[%dma_start3A_181, %dma_start3A_182] : memref<10000x128xf32, #tpu.memory_space<hbm>> -> memref<10000x128xf32, #tpu.memory_space<hbm>>
        tpu.enqueue_indirect_dma source(%dma_start3A_183 : memref<10000x128xf32, #tpu.memory_space<hbm>>) target(%arg7 : memref<80x128xf32, #tpu.memory_space<vmem>>) offsets(%dma_start3A_180 : memref<80xi32, #tpu.memory_space<vmem>>) semaphore(%arg12 : memref<!tpu.dma_semaphore, #tpu.memory_space<semaphore_mem>>)
      } else {
      }
      %ge3A_71 = arith.constant 3 : i32
      %ge3A_72 = arith.cmpi sge, %add3A_54, %ge3A_71 : i32
      %le3A_73 = arith.constant 27 : i32
      %le3A_74 = arith.cmpi sle, %add3A_54, %le3A_73 : i32
      %and3A_75 = arith.andi %ge3A_72, %le3A_74 : i1
      %convert_element_type3A_76 = arith.extui %and3A_75 : i1 to i32
      %cond3A_77 = arith.constant 0 : i32
      %cond3A_78 = arith.cmpi ne, %convert_element_type3A_76, %cond3A_77 : i32
      scf.if %cond3A_78 {
        %dma_wait3A = arith.constant 0 : i32
        %dma_wait3A_178 = arith.constant 0 : i32
        %dma_wait3A_179 = tpu.memref_slice %arg6[%dma_wait3A, %max3A_56, %dma_wait3A_178] : memref<2x25x80xi32, #tpu.memory_space<vmem>> -> memref<1x1x80xi32, #tpu.memory_space<vmem>>
        %dma_wait3A_180 = tpu.memref_squeeze %dma_wait3A_179 : memref<1x1x80xi32, #tpu.memory_space<vmem>> -> memref<80xi32, #tpu.memory_space<vmem>>
        %dma_wait3A_181 = arith.constant 0 : i32
        %dma_wait3A_182 = arith.constant 0 : i32
        %dma_wait3A_183 = tpu.memref_slice %arg2[%dma_wait3A_181, %dma_wait3A_182] : memref<10000x128xf32, #tpu.memory_space<hbm>> -> memref<10000x128xf32, #tpu.memory_space<hbm>>
        tpu.wait_indirect_dma semaphore(%arg13 : memref<!tpu.dma_semaphore, #tpu.memory_space<semaphore_mem>>) src(%dma_wait3A_183 : memref<10000x128xf32, #tpu.memory_space<hbm>>) dst(%arg8 : memref<80x128xf32, #tpu.memory_space<vmem>>)
        %dma_start3A = arith.constant 1 : i32
        %dma_start3A_184 = arith.constant 0 : i32
        %dma_start3A_185 = tpu.memref_slice %arg6[%dma_start3A, %max3A_56, %dma_start3A_184] : memref<2x25x80xi32, #tpu.memory_space<vmem>> -> memref<1x1x80xi32, #tpu.memory_space<vmem>>
        %dma_start3A_186 = tpu.memref_squeeze %dma_start3A_185 : memref<1x1x80xi32, #tpu.memory_space<vmem>> -> memref<80xi32, #tpu.memory_space<vmem>>
        %dma_start3A_187 = arith.constant 0 : i32
        %dma_start3A_188 = arith.constant 0 : i32
        %dma_start3A_189 = tpu.memref_slice %arg11[%dma_start3A_187, %dma_start3A_188] : memref<10000x128xf32, #tpu.memory_space<vmem_shared>> -> memref<10000x128xf32, #tpu.memory_space<vmem_shared>>
        tpu.enqueue_indirect_dma source(%arg8 : memref<80x128xf32, #tpu.memory_space<vmem>>) target(%dma_start3A_189 : memref<10000x128xf32, #tpu.memory_space<vmem_shared>>) offsets(%dma_start3A_186 : memref<80xi32, #tpu.memory_space<vmem>>) semaphore(%arg17 : memref<!tpu.dma_semaphore, #tpu.memory_space<semaphore_mem>>) {add = true}
      } else {
      }
      %mul3A_79 = arith.constant 4 : i32
      %mul3A_80 = arith.muli %mul3A_79, %scan3A_50 : i32
      %add3A_81 = arith.constant 1 : i32
      %add3A_82 = arith.addi %mul3A_80, %add3A_81 : i32
      %sub3A_83 = arith.constant 3 : i32
      %sub3A_84 = arith.subi %add3A_82, %sub3A_83 : i32
      %max3A_85 = arith.constant 0 : i32
      %max3A_86 = arith.maxsi %sub3A_84, %max3A_85 : i32
      %sub3A_87 = arith.constant 4 : i32
      %sub3A_88 = arith.subi %add3A_82, %sub3A_87 : i32
      %max3A_89 = arith.constant 0 : i32
      %max3A_90 = arith.maxsi %sub3A_88, %max3A_89 : i32
      %ge3A_91 = arith.constant 4 : i32
      %ge3A_92 = arith.cmpi sge, %add3A_82, %ge3A_91 : i32
      %le3A_93 = arith.constant 28 : i32
      %le3A_94 = arith.cmpi sle, %add3A_82, %le3A_93 : i32
      %and3A_95 = arith.andi %ge3A_92, %le3A_94 : i1
      %convert_element_type3A_96 = arith.extui %and3A_95 : i1 to i32
      %cond3A_97 = arith.constant 0 : i32
      %cond3A_98 = arith.cmpi ne, %convert_element_type3A_96, %cond3A_97 : i32
      scf.if %cond3A_98 {
        %dma_wait3A = arith.constant 1 : i32
        %dma_wait3A_178 = arith.constant 0 : i32
        %dma_wait3A_179 = tpu.memref_slice %arg6[%dma_wait3A, %max3A_90, %dma_wait3A_178] : memref<2x25x80xi32, #tpu.memory_space<vmem>> -> memref<1x1x80xi32, #tpu.memory_space<vmem>>
        %dma_wait3A_180 = tpu.memref_squeeze %dma_wait3A_179 : memref<1x1x80xi32, #tpu.memory_space<vmem>> -> memref<80xi32, #tpu.memory_space<vmem>>
        %dma_wait3A_181 = arith.constant 0 : i32
        %dma_wait3A_182 = arith.constant 0 : i32
        %dma_wait3A_183 = tpu.memref_slice %arg11[%dma_wait3A_181, %dma_wait3A_182] : memref<10000x128xf32, #tpu.memory_space<vmem_shared>> -> memref<10000x128xf32, #tpu.memory_space<vmem_shared>>
        tpu.wait_indirect_dma semaphore(%arg17 : memref<!tpu.dma_semaphore, #tpu.memory_space<semaphore_mem>>) src(%arg8 : memref<80x128xf32, #tpu.memory_space<vmem>>) dst(%dma_wait3A_183 : memref<10000x128xf32, #tpu.memory_space<vmem_shared>>)
      } else {
      }
      %le3A_99 = arith.constant 24 : i32
      %le3A_100 = arith.cmpi sle, %add3A_82, %le3A_99 : i32
      %convert_element_type3A_101 = arith.extui %le3A_100 : i1 to i32
      %cond3A_102 = arith.constant 0 : i32
      %cond3A_103 = arith.cmpi ne, %convert_element_type3A_101, %cond3A_102 : i32
      scf.if %cond3A_103 {
        %dma_start3A = arith.constant 0 : i32
        %dma_start3A_178 = arith.constant 0 : i32
        %dma_start3A_179 = tpu.memref_slice %arg6[%dma_start3A, %add3A_82, %dma_start3A_178] : memref<2x25x80xi32, #tpu.memory_space<vmem>> -> memref<1x1x80xi32, #tpu.memory_space<vmem>>
        %dma_start3A_180 = tpu.memref_squeeze %dma_start3A_179 : memref<1x1x80xi32, #tpu.memory_space<vmem>> -> memref<80xi32, #tpu.memory_space<vmem>>
        %dma_start3A_181 = arith.constant 0 : i32
        %dma_start3A_182 = arith.constant 0 : i32
        %dma_start3A_183 = tpu.memref_slice %arg2[%dma_start3A_181, %dma_start3A_182] : memref<10000x128xf32, #tpu.memory_space<hbm>> -> memref<10000x128xf32, #tpu.memory_space<hbm>>
        tpu.enqueue_indirect_dma source(%dma_start3A_183 : memref<10000x128xf32, #tpu.memory_space<hbm>>) target(%arg8 : memref<80x128xf32, #tpu.memory_space<vmem>>) offsets(%dma_start3A_180 : memref<80xi32, #tpu.memory_space<vmem>>) semaphore(%arg13 : memref<!tpu.dma_semaphore, #tpu.memory_space<semaphore_mem>>)
      } else {
      }
      %ge3A_104 = arith.constant 3 : i32
      %ge3A_105 = arith.cmpi sge, %add3A_82, %ge3A_104 : i32
      %le3A_106 = arith.constant 27 : i32
      %le3A_107 = arith.cmpi sle, %add3A_82, %le3A_106 : i32
      %and3A_108 = arith.andi %ge3A_105, %le3A_107 : i1
      %convert_element_type3A_109 = arith.extui %and3A_108 : i1 to i32
      %cond3A_110 = arith.constant 0 : i32
      %cond3A_111 = arith.cmpi ne, %convert_element_type3A_109, %cond3A_110 : i32
      scf.if %cond3A_111 {
        %dma_wait3A = arith.constant 0 : i32
        %dma_wait3A_178 = arith.constant 0 : i32
        %dma_wait3A_179 = tpu.memref_slice %arg6[%dma_wait3A, %max3A_86, %dma_wait3A_178] : memref<2x25x80xi32, #tpu.memory_space<vmem>> -> memref<1x1x80xi32, #tpu.memory_space<vmem>>
        %dma_wait3A_180 = tpu.memref_squeeze %dma_wait3A_179 : memref<1x1x80xi32, #tpu.memory_space<vmem>> -> memref<80xi32, #tpu.memory_space<vmem>>
        %dma_wait3A_181 = arith.constant 0 : i32
        %dma_wait3A_182 = arith.constant 0 : i32
        %dma_wait3A_183 = tpu.memref_slice %arg2[%dma_wait3A_181, %dma_wait3A_182] : memref<10000x128xf32, #tpu.memory_space<hbm>> -> memref<10000x128xf32, #tpu.memory_space<hbm>>
        tpu.wait_indirect_dma semaphore(%arg14 : memref<!tpu.dma_semaphore, #tpu.memory_space<semaphore_mem>>) src(%dma_wait3A_183 : memref<10000x128xf32, #tpu.memory_space<hbm>>) dst(%arg9 : memref<80x128xf32, #tpu.memory_space<vmem>>)
        %dma_start3A = arith.constant 1 : i32
        %dma_start3A_184 = arith.constant 0 : i32
        %dma_start3A_185 = tpu.memref_slice %arg6[%dma_start3A, %max3A_86, %dma_start3A_184] : memref<2x25x80xi32, #tpu.memory_space<vmem>> -> memref<1x1x80xi32, #tpu.memory_space<vmem>>
        %dma_start3A_186 = tpu.memref_squeeze %dma_start3A_185 : memref<1x1x80xi32, #tpu.memory_space<vmem>> -> memref<80xi32, #tpu.memory_space<vmem>>
        %dma_start3A_187 = arith.constant 0 : i32
        %dma_start3A_188 = arith.constant 0 : i32
        %dma_start3A_189 = tpu.memref_slice %arg11[%dma_start3A_187, %dma_start3A_188] : memref<10000x128xf32, #tpu.memory_space<vmem_shared>> -> memref<10000x128xf32, #tpu.memory_space<vmem_shared>>
        tpu.enqueue_indirect_dma source(%arg9 : memref<80x128xf32, #tpu.memory_space<vmem>>) target(%dma_start3A_189 : memref<10000x128xf32, #tpu.memory_space<vmem_shared>>) offsets(%dma_start3A_186 : memref<80xi32, #tpu.memory_space<vmem>>) semaphore(%arg18 : memref<!tpu.dma_semaphore, #tpu.memory_space<semaphore_mem>>) {add = true}
      } else {
      }
      %mul3A_112 = arith.constant 4 : i32
      %mul3A_113 = arith.muli %mul3A_112, %scan3A_50 : i32
      %add3A_114 = arith.constant 2 : i32
      %add3A_115 = arith.addi %mul3A_113, %add3A_114 : i32
      %sub3A_116 = arith.constant 3 : i32
      %sub3A_117 = arith.subi %add3A_115, %sub3A_116 : i32
      %max3A_118 = arith.constant 0 : i32
      %max3A_119 = arith.maxsi %sub3A_117, %max3A_118 : i32
      %sub3A_120 = arith.constant 4 : i32
      %sub3A_121 = arith.subi %add3A_115, %sub3A_120 : i32
      %max3A_122 = arith.constant 0 : i32
      %max3A_123 = arith.maxsi %sub3A_121, %max3A_122 : i32
      %ge3A_124 = arith.constant 4 : i32
      %ge3A_125 = arith.cmpi sge, %add3A_115, %ge3A_124 : i32
      %le3A_126 = arith.constant 28 : i32
      %le3A_127 = arith.cmpi sle, %add3A_115, %le3A_126 : i32
      %and3A_128 = arith.andi %ge3A_125, %le3A_127 : i1
      %convert_element_type3A_129 = arith.extui %and3A_128 : i1 to i32
      %cond3A_130 = arith.constant 0 : i32
      %cond3A_131 = arith.cmpi ne, %convert_element_type3A_129, %cond3A_130 : i32
      scf.if %cond3A_131 {
        %dma_wait3A = arith.constant 1 : i32
        %dma_wait3A_178 = arith.constant 0 : i32
        %dma_wait3A_179 = tpu.memref_slice %arg6[%dma_wait3A, %max3A_123, %dma_wait3A_178] : memref<2x25x80xi32, #tpu.memory_space<vmem>> -> memref<1x1x80xi32, #tpu.memory_space<vmem>>
        %dma_wait3A_180 = tpu.memref_squeeze %dma_wait3A_179 : memref<1x1x80xi32, #tpu.memory_space<vmem>> -> memref<80xi32, #tpu.memory_space<vmem>>
        %dma_wait3A_181 = arith.constant 0 : i32
        %dma_wait3A_182 = arith.constant 0 : i32
        %dma_wait3A_183 = tpu.memref_slice %arg11[%dma_wait3A_181, %dma_wait3A_182] : memref<10000x128xf32, #tpu.memory_space<vmem_shared>> -> memref<10000x128xf32, #tpu.memory_space<vmem_shared>>
        tpu.wait_indirect_dma semaphore(%arg18 : memref<!tpu.dma_semaphore, #tpu.memory_space<semaphore_mem>>) src(%arg9 : memref<80x128xf32, #tpu.memory_space<vmem>>) dst(%dma_wait3A_183 : memref<10000x128xf32, #tpu.memory_space<vmem_shared>>)
      } else {
      }
      %le3A_132 = arith.constant 24 : i32
      %le3A_133 = arith.cmpi sle, %add3A_115, %le3A_132 : i32
      %convert_element_type3A_134 = arith.extui %le3A_133 : i1 to i32
      %cond3A_135 = arith.constant 0 : i32
      %cond3A_136 = arith.cmpi ne, %convert_element_type3A_134, %cond3A_135 : i32
      scf.if %cond3A_136 {
        %dma_start3A = arith.constant 0 : i32
        %dma_start3A_178 = arith.constant 0 : i32
        %dma_start3A_179 = tpu.memref_slice %arg6[%dma_start3A, %add3A_115, %dma_start3A_178] : memref<2x25x80xi32, #tpu.memory_space<vmem>> -> memref<1x1x80xi32, #tpu.memory_space<vmem>>
        %dma_start3A_180 = tpu.memref_squeeze %dma_start3A_179 : memref<1x1x80xi32, #tpu.memory_space<vmem>> -> memref<80xi32, #tpu.memory_space<vmem>>
        %dma_start3A_181 = arith.constant 0 : i32
        %dma_start3A_182 = arith.constant 0 : i32
        %dma_start3A_183 = tpu.memref_slice %arg2[%dma_start3A_181, %dma_start3A_182] : memref<10000x128xf32, #tpu.memory_space<hbm>> -> memref<10000x128xf32, #tpu.memory_space<hbm>>
        tpu.enqueue_indirect_dma source(%dma_start3A_183 : memref<10000x128xf32, #tpu.memory_space<hbm>>) target(%arg9 : memref<80x128xf32, #tpu.memory_space<vmem>>) offsets(%dma_start3A_180 : memref<80xi32, #tpu.memory_space<vmem>>) semaphore(%arg14 : memref<!tpu.dma_semaphore, #tpu.memory_space<semaphore_mem>>)
      } else {
      }
      %ge3A_137 = arith.constant 3 : i32
      %ge3A_138 = arith.cmpi sge, %add3A_115, %ge3A_137 : i32
      %le3A_139 = arith.constant 27 : i32
      %le3A_140 = arith.cmpi sle, %add3A_115, %le3A_139 : i32
      %and3A_141 = arith.andi %ge3A_138, %le3A_140 : i1
      %convert_element_type3A_142 = arith.extui %and3A_141 : i1 to i32
      %cond3A_143 = arith.constant 0 : i32
      %cond3A_144 = arith.cmpi ne, %convert_element_type3A_142, %cond3A_143 : i32
      scf.if %cond3A_144 {
        %dma_wait3A = arith.constant 0 : i32
        %dma_wait3A_178 = arith.constant 0 : i32
        %dma_wait3A_179 = tpu.memref_slice %arg6[%dma_wait3A, %max3A_119, %dma_wait3A_178] : memref<2x25x80xi32, #tpu.memory_space<vmem>> -> memref<1x1x80xi32, #tpu.memory_space<vmem>>
        %dma_wait3A_180 = tpu.memref_squeeze %dma_wait3A_179 : memref<1x1x80xi32, #tpu.memory_space<vmem>> -> memref<80xi32, #tpu.memory_space<vmem>>
        %dma_wait3A_181 = arith.constant 0 : i32
        %dma_wait3A_182 = arith.constant 0 : i32
        %dma_wait3A_183 = tpu.memref_slice %arg2[%dma_wait3A_181, %dma_wait3A_182] : memref<10000x128xf32, #tpu.memory_space<hbm>> -> memref<10000x128xf32, #tpu.memory_space<hbm>>
        tpu.wait_indirect_dma semaphore(%arg15 : memref<!tpu.dma_semaphore, #tpu.memory_space<semaphore_mem>>) src(%dma_wait3A_183 : memref<10000x128xf32, #tpu.memory_space<hbm>>) dst(%arg10 : memref<80x128xf32, #tpu.memory_space<vmem>>)
        %dma_start3A = arith.constant 1 : i32
        %dma_start3A_184 = arith.constant 0 : i32
        %dma_start3A_185 = tpu.memref_slice %arg6[%dma_start3A, %max3A_119, %dma_start3A_184] : memref<2x25x80xi32, #tpu.memory_space<vmem>> -> memref<1x1x80xi32, #tpu.memory_space<vmem>>
        %dma_start3A_186 = tpu.memref_squeeze %dma_start3A_185 : memref<1x1x80xi32, #tpu.memory_space<vmem>> -> memref<80xi32, #tpu.memory_space<vmem>>
        %dma_start3A_187 = arith.constant 0 : i32
        %dma_start3A_188 = arith.constant 0 : i32
        %dma_start3A_189 = tpu.memref_slice %arg11[%dma_start3A_187, %dma_start3A_188] : memref<10000x128xf32, #tpu.memory_space<vmem_shared>> -> memref<10000x128xf32, #tpu.memory_space<vmem_shared>>
        tpu.enqueue_indirect_dma source(%arg10 : memref<80x128xf32, #tpu.memory_space<vmem>>) target(%dma_start3A_189 : memref<10000x128xf32, #tpu.memory_space<vmem_shared>>) offsets(%dma_start3A_186 : memref<80xi32, #tpu.memory_space<vmem>>) semaphore(%arg19 : memref<!tpu.dma_semaphore, #tpu.memory_space<semaphore_mem>>) {add = true}
      } else {
      }
      %mul3A_145 = arith.constant 4 : i32
      %mul3A_146 = arith.muli %mul3A_145, %scan3A_50 : i32
      %add3A_147 = arith.constant 3 : i32
      %add3A_148 = arith.addi %mul3A_146, %add3A_147 : i32
      %sub3A_149 = arith.constant 3 : i32
      %sub3A_150 = arith.subi %add3A_148, %sub3A_149 : i32
      %max3A_151 = arith.constant 0 : i32
      %max3A_152 = arith.maxsi %sub3A_150, %max3A_151 : i32
      %sub3A_153 = arith.constant 4 : i32
      %sub3A_154 = arith.subi %add3A_148, %sub3A_153 : i32
      %max3A_155 = arith.constant 0 : i32
      %max3A_156 = arith.maxsi %sub3A_154, %max3A_155 : i32
      %ge3A_157 = arith.constant 4 : i32
      %ge3A_158 = arith.cmpi sge, %add3A_148, %ge3A_157 : i32
      %le3A_159 = arith.constant 28 : i32
      %le3A_160 = arith.cmpi sle, %add3A_148, %le3A_159 : i32
      %and3A_161 = arith.andi %ge3A_158, %le3A_160 : i1
      %convert_element_type3A_162 = arith.extui %and3A_161 : i1 to i32
      %cond3A_163 = arith.constant 0 : i32
      %cond3A_164 = arith.cmpi ne, %convert_element_type3A_162, %cond3A_163 : i32
      scf.if %cond3A_164 {
        %dma_wait3A = arith.constant 1 : i32
        %dma_wait3A_178 = arith.constant 0 : i32
        %dma_wait3A_179 = tpu.memref_slice %arg6[%dma_wait3A, %max3A_156, %dma_wait3A_178] : memref<2x25x80xi32, #tpu.memory_space<vmem>> -> memref<1x1x80xi32, #tpu.memory_space<vmem>>
        %dma_wait3A_180 = tpu.memref_squeeze %dma_wait3A_179 : memref<1x1x80xi32, #tpu.memory_space<vmem>> -> memref<80xi32, #tpu.memory_space<vmem>>
        %dma_wait3A_181 = arith.constant 0 : i32
        %dma_wait3A_182 = arith.constant 0 : i32
        %dma_wait3A_183 = tpu.memref_slice %arg11[%dma_wait3A_181, %dma_wait3A_182] : memref<10000x128xf32, #tpu.memory_space<vmem_shared>> -> memref<10000x128xf32, #tpu.memory_space<vmem_shared>>
        tpu.wait_indirect_dma semaphore(%arg19 : memref<!tpu.dma_semaphore, #tpu.memory_space<semaphore_mem>>) src(%arg10 : memref<80x128xf32, #tpu.memory_space<vmem>>) dst(%dma_wait3A_183 : memref<10000x128xf32, #tpu.memory_space<vmem_shared>>)
      } else {
      }
      %le3A_165 = arith.constant 24 : i32
      %le3A_166 = arith.cmpi sle, %add3A_148, %le3A_165 : i32
      %convert_element_type3A_167 = arith.extui %le3A_166 : i1 to i32
      %cond3A_168 = arith.constant 0 : i32
      %cond3A_169 = arith.cmpi ne, %convert_element_type3A_167, %cond3A_168 : i32
      scf.if %cond3A_169 {
        %dma_start3A = arith.constant 0 : i32
        %dma_start3A_178 = arith.constant 0 : i32
        %dma_start3A_179 = tpu.memref_slice %arg6[%dma_start3A, %add3A_148, %dma_start3A_178] : memref<2x25x80xi32, #tpu.memory_space<vmem>> -> memref<1x1x80xi32, #tpu.memory_space<vmem>>
        %dma_start3A_180 = tpu.memref_squeeze %dma_start3A_179 : memref<1x1x80xi32, #tpu.memory_space<vmem>> -> memref<80xi32, #tpu.memory_space<vmem>>
        %dma_start3A_181 = arith.constant 0 : i32
        %dma_start3A_182 = arith.constant 0 : i32
        %dma_start3A_183 = tpu.memref_slice %arg2[%dma_start3A_181, %dma_start3A_182] : memref<10000x128xf32, #tpu.memory_space<hbm>> -> memref<10000x128xf32, #tpu.memory_space<hbm>>
        tpu.enqueue_indirect_dma source(%dma_start3A_183 : memref<10000x128xf32, #tpu.memory_space<hbm>>) target(%arg10 : memref<80x128xf32, #tpu.memory_space<vmem>>) offsets(%dma_start3A_180 : memref<80xi32, #tpu.memory_space<vmem>>) semaphore(%arg15 : memref<!tpu.dma_semaphore, #tpu.memory_space<semaphore_mem>>)
      } else {
      }
      %ge3A_170 = arith.constant 3 : i32
      %ge3A_171 = arith.cmpi sge, %add3A_148, %ge3A_170 : i32
      %le3A_172 = arith.constant 27 : i32
      %le3A_173 = arith.cmpi sle, %add3A_148, %le3A_172 : i32
      %and3A_174 = arith.andi %ge3A_171, %le3A_173 : i1
      %convert_element_type3A_175 = arith.extui %and3A_174 : i1 to i32
      %cond3A_176 = arith.constant 0 : i32
      %cond3A_177 = arith.cmpi ne, %convert_element_type3A_175, %cond3A_176 : i32
      scf.if %cond3A_177 {
        %dma_wait3A = arith.constant 0 : i32
        %dma_wait3A_178 = arith.constant 0 : i32
        %dma_wait3A_179 = tpu.memref_slice %arg6[%dma_wait3A, %max3A_152, %dma_wait3A_178] : memref<2x25x80xi32, #tpu.memory_space<vmem>> -> memref<1x1x80xi32, #tpu.memory_space<vmem>>
        %dma_wait3A_180 = tpu.memref_squeeze %dma_wait3A_179 : memref<1x1x80xi32, #tpu.memory_space<vmem>> -> memref<80xi32, #tpu.memory_space<vmem>>
        %dma_wait3A_181 = arith.constant 0 : i32
        %dma_wait3A_182 = arith.constant 0 : i32
        %dma_wait3A_183 = tpu.memref_slice %arg2[%dma_wait3A_181, %dma_wait3A_182] : memref<10000x128xf32, #tpu.memory_space<hbm>> -> memref<10000x128xf32, #tpu.memory_space<hbm>>
        tpu.wait_indirect_dma semaphore(%arg12 : memref<!tpu.dma_semaphore, #tpu.memory_space<semaphore_mem>>) src(%dma_wait3A_183 : memref<10000x128xf32, #tpu.memory_space<hbm>>) dst(%arg7 : memref<80x128xf32, #tpu.memory_space<vmem>>)
        %dma_start3A = arith.constant 1 : i32
        %dma_start3A_184 = arith.constant 0 : i32
        %dma_start3A_185 = tpu.memref_slice %arg6[%dma_start3A, %max3A_152, %dma_start3A_184] : memref<2x25x80xi32, #tpu.memory_space<vmem>> -> memref<1x1x80xi32, #tpu.memory_space<vmem>>
        %dma_start3A_186 = tpu.memref_squeeze %dma_start3A_185 : memref<1x1x80xi32, #tpu.memory_space<vmem>> -> memref<80xi32, #tpu.memory_space<vmem>>
        %dma_start3A_187 = arith.constant 0 : i32
        %dma_start3A_188 = arith.constant 0 : i32
        %dma_start3A_189 = tpu.memref_slice %arg11[%dma_start3A_187, %dma_start3A_188] : memref<10000x128xf32, #tpu.memory_space<vmem_shared>> -> memref<10000x128xf32, #tpu.memory_space<vmem_shared>>
        tpu.enqueue_indirect_dma source(%arg7 : memref<80x128xf32, #tpu.memory_space<vmem>>) target(%dma_start3A_189 : memref<10000x128xf32, #tpu.memory_space<vmem_shared>>) offsets(%dma_start3A_186 : memref<80xi32, #tpu.memory_space<vmem>>) semaphore(%arg16 : memref<!tpu.dma_semaphore, #tpu.memory_space<semaphore_mem>>) {add = true}
      } else {
      }
    }
    %scan3A_25 = arith.constant 8 : i32
    %run_scoped3A_26 = arith.constant 3 : i32
    "tpu.region"() ({
      %run_scoped3A_50 = tpu.sem_alloc : memref<!tpu.dma_semaphore, #tpu.memory_space<semaphore_mem>>
      %dma_start3A = arith.constant 0 : i32
      %dma_start3A_51 = arith.constant 0 : i32
      %dma_start3A_52 = arith.constant 0 : i32
      %dma_start3A_53 = tpu.memref_slice %arg3[%add3A, %run_scoped3A_26, %dma_start3A, %dma_start3A_51, %dma_start3A_52] : memref<32x5x2x25x80xi32, #tpu.memory_space<hbm>> -> memref<1x1x2x25x80xi32, #tpu.memory_space<hbm>>
      %dma_start3A_54 = tpu.memref_squeeze %dma_start3A_53 : memref<1x1x2x25x80xi32, #tpu.memory_space<hbm>> -> memref<2x25x80xi32, #tpu.memory_space<hbm>>
      %dma_start3A_55 = arith.constant 0 : i32
      %dma_start3A_56 = arith.constant 0 : i32
      %dma_start3A_57 = arith.constant 0 : i32
      %dma_start3A_58 = tpu.memref_slice %arg3[%add3A, %run_scoped3A_26, %dma_start3A_55, %dma_start3A_56, %dma_start3A_57] : memref<32x5x2x25x80xi32, #tpu.memory_space<hbm>> -> memref<1x1x2x25x80xi32, #tpu.memory_space<hbm>>
      %dma_start3A_59 = tpu.memref_squeeze %dma_start3A_58 : memref<1x1x2x25x80xi32, #tpu.memory_space<hbm>> -> memref<2x25x80xi32, #tpu.memory_space<hbm>>
      tpu.enqueue_dma source(%dma_start3A_59 : memref<2x25x80xi32, #tpu.memory_space<hbm>>) target(%arg6 : memref<2x25x80xi32, #tpu.memory_space<vmem>>) target_semaphore(%run_scoped3A_50 : memref<!tpu.dma_semaphore, #tpu.memory_space<semaphore_mem>>)
      %dma_wait3A = arith.constant 0 : i32
      %dma_wait3A_60 = arith.constant 0 : i32
      %dma_wait3A_61 = arith.constant 0 : i32
      %dma_wait3A_62 = tpu.memref_slice %arg3[%add3A, %run_scoped3A_26, %dma_wait3A, %dma_wait3A_60, %dma_wait3A_61] : memref<32x5x2x25x80xi32, #tpu.memory_space<hbm>> -> memref<1x1x2x25x80xi32, #tpu.memory_space<hbm>>
      %dma_wait3A_63 = tpu.memref_squeeze %dma_wait3A_62 : memref<1x1x2x25x80xi32, #tpu.memory_space<hbm>> -> memref<2x25x80xi32, #tpu.memory_space<hbm>>
      %dma_wait3A_64 = arith.constant 0 : i32
      %dma_wait3A_65 = arith.constant 0 : i32
      %dma_wait3A_66 = arith.constant 0 : i32
      %dma_wait3A_67 = tpu.memref_slice %arg3[%add3A, %run_scoped3A_26, %dma_wait3A_64, %dma_wait3A_65, %dma_wait3A_66] : memref<32x5x2x25x80xi32, #tpu.memory_space<hbm>> -> memref<1x1x2x25x80xi32, #tpu.memory_space<hbm>>
      %dma_wait3A_68 = tpu.memref_squeeze %dma_wait3A_67 : memref<1x1x2x25x80xi32, #tpu.memory_space<hbm>> -> memref<2x25x80xi32, #tpu.memory_space<hbm>>
      tpu.wait_dma2 semaphore(%run_scoped3A_50 : memref<!tpu.dma_semaphore, #tpu.memory_space<semaphore_mem>>) src(%dma_wait3A_68 : memref<2x25x80xi32, #tpu.memory_space<hbm>>) dst(%arg6 : memref<2x25x80xi32, #tpu.memory_space<vmem>>)
      tpu.yield
    }) : () -> ()
    %scan3A_27 = arith.constant 0 : i32
    %scan3A_28 = arith.constant 0 : i32
    %scan3A_29 = arith.constant 8 : i32
    %scan3A_30 = arith.addi %scan3A_28, %scan3A_29 : i32
    %scan3A_31 = arith.constant 1 : i32
    scf.for %scan3A_50 = %scan3A_28 to %scan3A_30 step %scan3A_31  : i32 {
      %mul3A_51 = arith.constant 4 : i32
      %mul3A_52 = arith.muli %mul3A_51, %scan3A_50 : i32
      %add3A_53 = arith.constant 0 : i32
      %add3A_54 = arith.addi %mul3A_52, %add3A_53 : i32
      %sub3A = arith.constant 3 : i32
      %sub3A_55 = arith.subi %add3A_54, %sub3A : i32
      %max3A = arith.constant 0 : i32
      %max3A_56 = arith.maxsi %sub3A_55, %max3A : i32
      %sub3A_57 = arith.constant 4 : i32
      %sub3A_58 = arith.subi %add3A_54, %sub3A_57 : i32
      %max3A_59 = arith.constant 0 : i32
      %max3A_60 = arith.maxsi %sub3A_58, %max3A_59 : i32
      %ge3A = arith.constant 4 : i32
      %ge3A_61 = arith.cmpi sge, %add3A_54, %ge3A : i32
      %le3A = arith.constant 28 : i32
      %le3A_62 = arith.cmpi sle, %add3A_54, %le3A : i32
      %and3A = arith.andi %ge3A_61, %le3A_62 : i1
      %convert_element_type3A_63 = arith.extui %and3A : i1 to i32
      %cond3A_64 = arith.constant 0 : i32
      %cond3A_65 = arith.cmpi ne, %convert_element_type3A_63, %cond3A_64 : i32
      scf.if %cond3A_65 {
        %dma_wait3A = arith.constant 1 : i32
        %dma_wait3A_178 = arith.constant 0 : i32
        %dma_wait3A_179 = tpu.memref_slice %arg6[%dma_wait3A, %max3A_60, %dma_wait3A_178] : memref<2x25x80xi32, #tpu.memory_space<vmem>> -> memref<1x1x80xi32, #tpu.memory_space<vmem>>
        %dma_wait3A_180 = tpu.memref_squeeze %dma_wait3A_179 : memref<1x1x80xi32, #tpu.memory_space<vmem>> -> memref<80xi32, #tpu.memory_space<vmem>>
        %dma_wait3A_181 = arith.constant 0 : i32
        %dma_wait3A_182 = arith.constant 0 : i32
        %dma_wait3A_183 = tpu.memref_slice %arg11[%dma_wait3A_181, %dma_wait3A_182] : memref<10000x128xf32, #tpu.memory_space<vmem_shared>> -> memref<10000x128xf32, #tpu.memory_space<vmem_shared>>
        tpu.wait_indirect_dma semaphore(%arg16 : memref<!tpu.dma_semaphore, #tpu.memory_space<semaphore_mem>>) src(%arg7 : memref<80x128xf32, #tpu.memory_space<vmem>>) dst(%dma_wait3A_183 : memref<10000x128xf32, #tpu.memory_space<vmem_shared>>)
      } else {
      }
      %le3A_66 = arith.constant 24 : i32
      %le3A_67 = arith.cmpi sle, %add3A_54, %le3A_66 : i32
      %convert_element_type3A_68 = arith.extui %le3A_67 : i1 to i32
      %cond3A_69 = arith.constant 0 : i32
      %cond3A_70 = arith.cmpi ne, %convert_element_type3A_68, %cond3A_69 : i32
      scf.if %cond3A_70 {
        %dma_start3A = arith.constant 0 : i32
        %dma_start3A_178 = arith.constant 0 : i32
        %dma_start3A_179 = tpu.memref_slice %arg6[%dma_start3A, %add3A_54, %dma_start3A_178] : memref<2x25x80xi32, #tpu.memory_space<vmem>> -> memref<1x1x80xi32, #tpu.memory_space<vmem>>
        %dma_start3A_180 = tpu.memref_squeeze %dma_start3A_179 : memref<1x1x80xi32, #tpu.memory_space<vmem>> -> memref<80xi32, #tpu.memory_space<vmem>>
        %dma_start3A_181 = arith.constant 0 : i32
        %dma_start3A_182 = arith.constant 0 : i32
        %dma_start3A_183 = tpu.memref_slice %arg2[%dma_start3A_181, %dma_start3A_182] : memref<10000x128xf32, #tpu.memory_space<hbm>> -> memref<10000x128xf32, #tpu.memory_space<hbm>>
        tpu.enqueue_indirect_dma source(%dma_start3A_183 : memref<10000x128xf32, #tpu.memory_space<hbm>>) target(%arg7 : memref<80x128xf32, #tpu.memory_space<vmem>>) offsets(%dma_start3A_180 : memref<80xi32, #tpu.memory_space<vmem>>) semaphore(%arg12 : memref<!tpu.dma_semaphore, #tpu.memory_space<semaphore_mem>>)
      } else {
      }
      %ge3A_71 = arith.constant 3 : i32
      %ge3A_72 = arith.cmpi sge, %add3A_54, %ge3A_71 : i32
      %le3A_73 = arith.constant 27 : i32
      %le3A_74 = arith.cmpi sle, %add3A_54, %le3A_73 : i32
      %and3A_75 = arith.andi %ge3A_72, %le3A_74 : i1
      %convert_element_type3A_76 = arith.extui %and3A_75 : i1 to i32
      %cond3A_77 = arith.constant 0 : i32
      %cond3A_78 = arith.cmpi ne, %convert_element_type3A_76, %cond3A_77 : i32
      scf.if %cond3A_78 {
        %dma_wait3A = arith.constant 0 : i32
        %dma_wait3A_178 = arith.constant 0 : i32
        %dma_wait3A_179 = tpu.memref_slice %arg6[%dma_wait3A, %max3A_56, %dma_wait3A_178] : memref<2x25x80xi32, #tpu.memory_space<vmem>> -> memref<1x1x80xi32, #tpu.memory_space<vmem>>
        %dma_wait3A_180 = tpu.memref_squeeze %dma_wait3A_179 : memref<1x1x80xi32, #tpu.memory_space<vmem>> -> memref<80xi32, #tpu.memory_space<vmem>>
        %dma_wait3A_181 = arith.constant 0 : i32
        %dma_wait3A_182 = arith.constant 0 : i32
        %dma_wait3A_183 = tpu.memref_slice %arg2[%dma_wait3A_181, %dma_wait3A_182] : memref<10000x128xf32, #tpu.memory_space<hbm>> -> memref<10000x128xf32, #tpu.memory_space<hbm>>
        tpu.wait_indirect_dma semaphore(%arg13 : memref<!tpu.dma_semaphore, #tpu.memory_space<semaphore_mem>>) src(%dma_wait3A_183 : memref<10000x128xf32, #tpu.memory_space<hbm>>) dst(%arg8 : memref<80x128xf32, #tpu.memory_space<vmem>>)
        %dma_start3A = arith.constant 1 : i32
        %dma_start3A_184 = arith.constant 0 : i32
        %dma_start3A_185 = tpu.memref_slice %arg6[%dma_start3A, %max3A_56, %dma_start3A_184] : memref<2x25x80xi32, #tpu.memory_space<vmem>> -> memref<1x1x80xi32, #tpu.memory_space<vmem>>
        %dma_start3A_186 = tpu.memref_squeeze %dma_start3A_185 : memref<1x1x80xi32, #tpu.memory_space<vmem>> -> memref<80xi32, #tpu.memory_space<vmem>>
        %dma_start3A_187 = arith.constant 0 : i32
        %dma_start3A_188 = arith.constant 0 : i32
        %dma_start3A_189 = tpu.memref_slice %arg11[%dma_start3A_187, %dma_start3A_188] : memref<10000x128xf32, #tpu.memory_space<vmem_shared>> -> memref<10000x128xf32, #tpu.memory_space<vmem_shared>>
        tpu.enqueue_indirect_dma source(%arg8 : memref<80x128xf32, #tpu.memory_space<vmem>>) target(%dma_start3A_189 : memref<10000x128xf32, #tpu.memory_space<vmem_shared>>) offsets(%dma_start3A_186 : memref<80xi32, #tpu.memory_space<vmem>>) semaphore(%arg17 : memref<!tpu.dma_semaphore, #tpu.memory_space<semaphore_mem>>) {add = true}
      } else {
      }
      %mul3A_79 = arith.constant 4 : i32
      %mul3A_80 = arith.muli %mul3A_79, %scan3A_50 : i32
      %add3A_81 = arith.constant 1 : i32
      %add3A_82 = arith.addi %mul3A_80, %add3A_81 : i32
      %sub3A_83 = arith.constant 3 : i32
      %sub3A_84 = arith.subi %add3A_82, %sub3A_83 : i32
      %max3A_85 = arith.constant 0 : i32
      %max3A_86 = arith.maxsi %sub3A_84, %max3A_85 : i32
      %sub3A_87 = arith.constant 4 : i32
      %sub3A_88 = arith.subi %add3A_82, %sub3A_87 : i32
      %max3A_89 = arith.constant 0 : i32
      %max3A_90 = arith.maxsi %sub3A_88, %max3A_89 : i32
      %ge3A_91 = arith.constant 4 : i32
      %ge3A_92 = arith.cmpi sge, %add3A_82, %ge3A_91 : i32
      %le3A_93 = arith.constant 28 : i32
      %le3A_94 = arith.cmpi sle, %add3A_82, %le3A_93 : i32
      %and3A_95 = arith.andi %ge3A_92, %le3A_94 : i1
      %convert_element_type3A_96 = arith.extui %and3A_95 : i1 to i32
      %cond3A_97 = arith.constant 0 : i32
      %cond3A_98 = arith.cmpi ne, %convert_element_type3A_96, %cond3A_97 : i32
      scf.if %cond3A_98 {
        %dma_wait3A = arith.constant 1 : i32
        %dma_wait3A_178 = arith.constant 0 : i32
        %dma_wait3A_179 = tpu.memref_slice %arg6[%dma_wait3A, %max3A_90, %dma_wait3A_178] : memref<2x25x80xi32, #tpu.memory_space<vmem>> -> memref<1x1x80xi32, #tpu.memory_space<vmem>>
        %dma_wait3A_180 = tpu.memref_squeeze %dma_wait3A_179 : memref<1x1x80xi32, #tpu.memory_space<vmem>> -> memref<80xi32, #tpu.memory_space<vmem>>
        %dma_wait3A_181 = arith.constant 0 : i32
        %dma_wait3A_182 = arith.constant 0 : i32
        %dma_wait3A_183 = tpu.memref_slice %arg11[%dma_wait3A_181, %dma_wait3A_182] : memref<10000x128xf32, #tpu.memory_space<vmem_shared>> -> memref<10000x128xf32, #tpu.memory_space<vmem_shared>>
        tpu.wait_indirect_dma semaphore(%arg17 : memref<!tpu.dma_semaphore, #tpu.memory_space<semaphore_mem>>) src(%arg8 : memref<80x128xf32, #tpu.memory_space<vmem>>) dst(%dma_wait3A_183 : memref<10000x128xf32, #tpu.memory_space<vmem_shared>>)
      } else {
      }
      %le3A_99 = arith.constant 24 : i32
      %le3A_100 = arith.cmpi sle, %add3A_82, %le3A_99 : i32
      %convert_element_type3A_101 = arith.extui %le3A_100 : i1 to i32
      %cond3A_102 = arith.constant 0 : i32
      %cond3A_103 = arith.cmpi ne, %convert_element_type3A_101, %cond3A_102 : i32
      scf.if %cond3A_103 {
        %dma_start3A = arith.constant 0 : i32
        %dma_start3A_178 = arith.constant 0 : i32
        %dma_start3A_179 = tpu.memref_slice %arg6[%dma_start3A, %add3A_82, %dma_start3A_178] : memref<2x25x80xi32, #tpu.memory_space<vmem>> -> memref<1x1x80xi32, #tpu.memory_space<vmem>>
        %dma_start3A_180 = tpu.memref_squeeze %dma_start3A_179 : memref<1x1x80xi32, #tpu.memory_space<vmem>> -> memref<80xi32, #tpu.memory_space<vmem>>
        %dma_start3A_181 = arith.constant 0 : i32
        %dma_start3A_182 = arith.constant 0 : i32
        %dma_start3A_183 = tpu.memref_slice %arg2[%dma_start3A_181, %dma_start3A_182] : memref<10000x128xf32, #tpu.memory_space<hbm>> -> memref<10000x128xf32, #tpu.memory_space<hbm>>
        tpu.enqueue_indirect_dma source(%dma_start3A_183 : memref<10000x128xf32, #tpu.memory_space<hbm>>) target(%arg8 : memref<80x128xf32, #tpu.memory_space<vmem>>) offsets(%dma_start3A_180 : memref<80xi32, #tpu.memory_space<vmem>>) semaphore(%arg13 : memref<!tpu.dma_semaphore, #tpu.memory_space<semaphore_mem>>)
      } else {
      }
      %ge3A_104 = arith.constant 3 : i32
      %ge3A_105 = arith.cmpi sge, %add3A_82, %ge3A_104 : i32
      %le3A_106 = arith.constant 27 : i32
      %le3A_107 = arith.cmpi sle, %add3A_82, %le3A_106 : i32
      %and3A_108 = arith.andi %ge3A_105, %le3A_107 : i1
      %convert_element_type3A_109 = arith.extui %and3A_108 : i1 to i32
      %cond3A_110 = arith.constant 0 : i32
      %cond3A_111 = arith.cmpi ne, %convert_element_type3A_109, %cond3A_110 : i32
      scf.if %cond3A_111 {
        %dma_wait3A = arith.constant 0 : i32
        %dma_wait3A_178 = arith.constant 0 : i32
        %dma_wait3A_179 = tpu.memref_slice %arg6[%dma_wait3A, %max3A_86, %dma_wait3A_178] : memref<2x25x80xi32, #tpu.memory_space<vmem>> -> memref<1x1x80xi32, #tpu.memory_space<vmem>>
        %dma_wait3A_180 = tpu.memref_squeeze %dma_wait3A_179 : memref<1x1x80xi32, #tpu.memory_space<vmem>> -> memref<80xi32, #tpu.memory_space<vmem>>
        %dma_wait3A_181 = arith.constant 0 : i32
        %dma_wait3A_182 = arith.constant 0 : i32
        %dma_wait3A_183 = tpu.memref_slice %arg2[%dma_wait3A_181, %dma_wait3A_182] : memref<10000x128xf32, #tpu.memory_space<hbm>> -> memref<10000x128xf32, #tpu.memory_space<hbm>>
        tpu.wait_indirect_dma semaphore(%arg14 : memref<!tpu.dma_semaphore, #tpu.memory_space<semaphore_mem>>) src(%dma_wait3A_183 : memref<10000x128xf32, #tpu.memory_space<hbm>>) dst(%arg9 : memref<80x128xf32, #tpu.memory_space<vmem>>)
        %dma_start3A = arith.constant 1 : i32
        %dma_start3A_184 = arith.constant 0 : i32
        %dma_start3A_185 = tpu.memref_slice %arg6[%dma_start3A, %max3A_86, %dma_start3A_184] : memref<2x25x80xi32, #tpu.memory_space<vmem>> -> memref<1x1x80xi32, #tpu.memory_space<vmem>>
        %dma_start3A_186 = tpu.memref_squeeze %dma_start3A_185 : memref<1x1x80xi32, #tpu.memory_space<vmem>> -> memref<80xi32, #tpu.memory_space<vmem>>
        %dma_start3A_187 = arith.constant 0 : i32
        %dma_start3A_188 = arith.constant 0 : i32
        %dma_start3A_189 = tpu.memref_slice %arg11[%dma_start3A_187, %dma_start3A_188] : memref<10000x128xf32, #tpu.memory_space<vmem_shared>> -> memref<10000x128xf32, #tpu.memory_space<vmem_shared>>
        tpu.enqueue_indirect_dma source(%arg9 : memref<80x128xf32, #tpu.memory_space<vmem>>) target(%dma_start3A_189 : memref<10000x128xf32, #tpu.memory_space<vmem_shared>>) offsets(%dma_start3A_186 : memref<80xi32, #tpu.memory_space<vmem>>) semaphore(%arg18 : memref<!tpu.dma_semaphore, #tpu.memory_space<semaphore_mem>>) {add = true}
      } else {
      }
      %mul3A_112 = arith.constant 4 : i32
      %mul3A_113 = arith.muli %mul3A_112, %scan3A_50 : i32
      %add3A_114 = arith.constant 2 : i32
      %add3A_115 = arith.addi %mul3A_113, %add3A_114 : i32
      %sub3A_116 = arith.constant 3 : i32
      %sub3A_117 = arith.subi %add3A_115, %sub3A_116 : i32
      %max3A_118 = arith.constant 0 : i32
      %max3A_119 = arith.maxsi %sub3A_117, %max3A_118 : i32
      %sub3A_120 = arith.constant 4 : i32
      %sub3A_121 = arith.subi %add3A_115, %sub3A_120 : i32
      %max3A_122 = arith.constant 0 : i32
      %max3A_123 = arith.maxsi %sub3A_121, %max3A_122 : i32
      %ge3A_124 = arith.constant 4 : i32
      %ge3A_125 = arith.cmpi sge, %add3A_115, %ge3A_124 : i32
      %le3A_126 = arith.constant 28 : i32
      %le3A_127 = arith.cmpi sle, %add3A_115, %le3A_126 : i32
      %and3A_128 = arith.andi %ge3A_125, %le3A_127 : i1
      %convert_element_type3A_129 = arith.extui %and3A_128 : i1 to i32
      %cond3A_130 = arith.constant 0 : i32
      %cond3A_131 = arith.cmpi ne, %convert_element_type3A_129, %cond3A_130 : i32
      scf.if %cond3A_131 {
        %dma_wait3A = arith.constant 1 : i32
        %dma_wait3A_178 = arith.constant 0 : i32
        %dma_wait3A_179 = tpu.memref_slice %arg6[%dma_wait3A, %max3A_123, %dma_wait3A_178] : memref<2x25x80xi32, #tpu.memory_space<vmem>> -> memref<1x1x80xi32, #tpu.memory_space<vmem>>
        %dma_wait3A_180 = tpu.memref_squeeze %dma_wait3A_179 : memref<1x1x80xi32, #tpu.memory_space<vmem>> -> memref<80xi32, #tpu.memory_space<vmem>>
        %dma_wait3A_181 = arith.constant 0 : i32
        %dma_wait3A_182 = arith.constant 0 : i32
        %dma_wait3A_183 = tpu.memref_slice %arg11[%dma_wait3A_181, %dma_wait3A_182] : memref<10000x128xf32, #tpu.memory_space<vmem_shared>> -> memref<10000x128xf32, #tpu.memory_space<vmem_shared>>
        tpu.wait_indirect_dma semaphore(%arg18 : memref<!tpu.dma_semaphore, #tpu.memory_space<semaphore_mem>>) src(%arg9 : memref<80x128xf32, #tpu.memory_space<vmem>>) dst(%dma_wait3A_183 : memref<10000x128xf32, #tpu.memory_space<vmem_shared>>)
      } else {
      }
      %le3A_132 = arith.constant 24 : i32
      %le3A_133 = arith.cmpi sle, %add3A_115, %le3A_132 : i32
      %convert_element_type3A_134 = arith.extui %le3A_133 : i1 to i32
      %cond3A_135 = arith.constant 0 : i32
      %cond3A_136 = arith.cmpi ne, %convert_element_type3A_134, %cond3A_135 : i32
      scf.if %cond3A_136 {
        %dma_start3A = arith.constant 0 : i32
        %dma_start3A_178 = arith.constant 0 : i32
        %dma_start3A_179 = tpu.memref_slice %arg6[%dma_start3A, %add3A_115, %dma_start3A_178] : memref<2x25x80xi32, #tpu.memory_space<vmem>> -> memref<1x1x80xi32, #tpu.memory_space<vmem>>
        %dma_start3A_180 = tpu.memref_squeeze %dma_start3A_179 : memref<1x1x80xi32, #tpu.memory_space<vmem>> -> memref<80xi32, #tpu.memory_space<vmem>>
        %dma_start3A_181 = arith.constant 0 : i32
        %dma_start3A_182 = arith.constant 0 : i32
        %dma_start3A_183 = tpu.memref_slice %arg2[%dma_start3A_181, %dma_start3A_182] : memref<10000x128xf32, #tpu.memory_space<hbm>> -> memref<10000x128xf32, #tpu.memory_space<hbm>>
        tpu.enqueue_indirect_dma source(%dma_start3A_183 : memref<10000x128xf32, #tpu.memory_space<hbm>>) target(%arg9 : memref<80x128xf32, #tpu.memory_space<vmem>>) offsets(%dma_start3A_180 : memref<80xi32, #tpu.memory_space<vmem>>) semaphore(%arg14 : memref<!tpu.dma_semaphore, #tpu.memory_space<semaphore_mem>>)
      } else {
      }
      %ge3A_137 = arith.constant 3 : i32
      %ge3A_138 = arith.cmpi sge, %add3A_115, %ge3A_137 : i32
      %le3A_139 = arith.constant 27 : i32
      %le3A_140 = arith.cmpi sle, %add3A_115, %le3A_139 : i32
      %and3A_141 = arith.andi %ge3A_138, %le3A_140 : i1
      %convert_element_type3A_142 = arith.extui %and3A_141 : i1 to i32
      %cond3A_143 = arith.constant 0 : i32
      %cond3A_144 = arith.cmpi ne, %convert_element_type3A_142, %cond3A_143 : i32
      scf.if %cond3A_144 {
        %dma_wait3A = arith.constant 0 : i32
        %dma_wait3A_178 = arith.constant 0 : i32
        %dma_wait3A_179 = tpu.memref_slice %arg6[%dma_wait3A, %max3A_119, %dma_wait3A_178] : memref<2x25x80xi32, #tpu.memory_space<vmem>> -> memref<1x1x80xi32, #tpu.memory_space<vmem>>
        %dma_wait3A_180 = tpu.memref_squeeze %dma_wait3A_179 : memref<1x1x80xi32, #tpu.memory_space<vmem>> -> memref<80xi32, #tpu.memory_space<vmem>>
        %dma_wait3A_181 = arith.constant 0 : i32
        %dma_wait3A_182 = arith.constant 0 : i32
        %dma_wait3A_183 = tpu.memref_slice %arg2[%dma_wait3A_181, %dma_wait3A_182] : memref<10000x128xf32, #tpu.memory_space<hbm>> -> memref<10000x128xf32, #tpu.memory_space<hbm>>
        tpu.wait_indirect_dma semaphore(%arg15 : memref<!tpu.dma_semaphore, #tpu.memory_space<semaphore_mem>>) src(%dma_wait3A_183 : memref<10000x128xf32, #tpu.memory_space<hbm>>) dst(%arg10 : memref<80x128xf32, #tpu.memory_space<vmem>>)
        %dma_start3A = arith.constant 1 : i32
        %dma_start3A_184 = arith.constant 0 : i32
        %dma_start3A_185 = tpu.memref_slice %arg6[%dma_start3A, %max3A_119, %dma_start3A_184] : memref<2x25x80xi32, #tpu.memory_space<vmem>> -> memref<1x1x80xi32, #tpu.memory_space<vmem>>
        %dma_start3A_186 = tpu.memref_squeeze %dma_start3A_185 : memref<1x1x80xi32, #tpu.memory_space<vmem>> -> memref<80xi32, #tpu.memory_space<vmem>>
        %dma_start3A_187 = arith.constant 0 : i32
        %dma_start3A_188 = arith.constant 0 : i32
        %dma_start3A_189 = tpu.memref_slice %arg11[%dma_start3A_187, %dma_start3A_188] : memref<10000x128xf32, #tpu.memory_space<vmem_shared>> -> memref<10000x128xf32, #tpu.memory_space<vmem_shared>>
        tpu.enqueue_indirect_dma source(%arg10 : memref<80x128xf32, #tpu.memory_space<vmem>>) target(%dma_start3A_189 : memref<10000x128xf32, #tpu.memory_space<vmem_shared>>) offsets(%dma_start3A_186 : memref<80xi32, #tpu.memory_space<vmem>>) semaphore(%arg19 : memref<!tpu.dma_semaphore, #tpu.memory_space<semaphore_mem>>) {add = true}
      } else {
      }
      %mul3A_145 = arith.constant 4 : i32
      %mul3A_146 = arith.muli %mul3A_145, %scan3A_50 : i32
      %add3A_147 = arith.constant 3 : i32
      %add3A_148 = arith.addi %mul3A_146, %add3A_147 : i32
      %sub3A_149 = arith.constant 3 : i32
      %sub3A_150 = arith.subi %add3A_148, %sub3A_149 : i32
      %max3A_151 = arith.constant 0 : i32
      %max3A_152 = arith.maxsi %sub3A_150, %max3A_151 : i32
      %sub3A_153 = arith.constant 4 : i32
      %sub3A_154 = arith.subi %add3A_148, %sub3A_153 : i32
      %max3A_155 = arith.constant 0 : i32
      %max3A_156 = arith.maxsi %sub3A_154, %max3A_155 : i32
      %ge3A_157 = arith.constant 4 : i32
      %ge3A_158 = arith.cmpi sge, %add3A_148, %ge3A_157 : i32
      %le3A_159 = arith.constant 28 : i32
      %le3A_160 = arith.cmpi sle, %add3A_148, %le3A_159 : i32
      %and3A_161 = arith.andi %ge3A_158, %le3A_160 : i1
      %convert_element_type3A_162 = arith.extui %and3A_161 : i1 to i32
      %cond3A_163 = arith.constant 0 : i32
      %cond3A_164 = arith.cmpi ne, %convert_element_type3A_162, %cond3A_163 : i32
      scf.if %cond3A_164 {
        %dma_wait3A = arith.constant 1 : i32
        %dma_wait3A_178 = arith.constant 0 : i32
        %dma_wait3A_179 = tpu.memref_slice %arg6[%dma_wait3A, %max3A_156, %dma_wait3A_178] : memref<2x25x80xi32, #tpu.memory_space<vmem>> -> memref<1x1x80xi32, #tpu.memory_space<vmem>>
        %dma_wait3A_180 = tpu.memref_squeeze %dma_wait3A_179 : memref<1x1x80xi32, #tpu.memory_space<vmem>> -> memref<80xi32, #tpu.memory_space<vmem>>
        %dma_wait3A_181 = arith.constant 0 : i32
        %dma_wait3A_182 = arith.constant 0 : i32
        %dma_wait3A_183 = tpu.memref_slice %arg11[%dma_wait3A_181, %dma_wait3A_182] : memref<10000x128xf32, #tpu.memory_space<vmem_shared>> -> memref<10000x128xf32, #tpu.memory_space<vmem_shared>>
        tpu.wait_indirect_dma semaphore(%arg19 : memref<!tpu.dma_semaphore, #tpu.memory_space<semaphore_mem>>) src(%arg10 : memref<80x128xf32, #tpu.memory_space<vmem>>) dst(%dma_wait3A_183 : memref<10000x128xf32, #tpu.memory_space<vmem_shared>>)
      } else {
      }
      %le3A_165 = arith.constant 24 : i32
      %le3A_166 = arith.cmpi sle, %add3A_148, %le3A_165 : i32
      %convert_element_type3A_167 = arith.extui %le3A_166 : i1 to i32
      %cond3A_168 = arith.constant 0 : i32
      %cond3A_169 = arith.cmpi ne, %convert_element_type3A_167, %cond3A_168 : i32
      scf.if %cond3A_169 {
        %dma_start3A = arith.constant 0 : i32
        %dma_start3A_178 = arith.constant 0 : i32
        %dma_start3A_179 = tpu.memref_slice %arg6[%dma_start3A, %add3A_148, %dma_start3A_178] : memref<2x25x80xi32, #tpu.memory_space<vmem>> -> memref<1x1x80xi32, #tpu.memory_space<vmem>>
        %dma_start3A_180 = tpu.memref_squeeze %dma_start3A_179 : memref<1x1x80xi32, #tpu.memory_space<vmem>> -> memref<80xi32, #tpu.memory_space<vmem>>
        %dma_start3A_181 = arith.constant 0 : i32
        %dma_start3A_182 = arith.constant 0 : i32
        %dma_start3A_183 = tpu.memref_slice %arg2[%dma_start3A_181, %dma_start3A_182] : memref<10000x128xf32, #tpu.memory_space<hbm>> -> memref<10000x128xf32, #tpu.memory_space<hbm>>
        tpu.enqueue_indirect_dma source(%dma_start3A_183 : memref<10000x128xf32, #tpu.memory_space<hbm>>) target(%arg10 : memref<80x128xf32, #tpu.memory_space<vmem>>) offsets(%dma_start3A_180 : memref<80xi32, #tpu.memory_space<vmem>>) semaphore(%arg15 : memref<!tpu.dma_semaphore, #tpu.memory_space<semaphore_mem>>)
      } else {
      }
      %ge3A_170 = arith.constant 3 : i32
      %ge3A_171 = arith.cmpi sge, %add3A_148, %ge3A_170 : i32
      %le3A_172 = arith.constant 27 : i32
      %le3A_173 = arith.cmpi sle, %add3A_148, %le3A_172 : i32
      %and3A_174 = arith.andi %ge3A_171, %le3A_173 : i1
      %convert_element_type3A_175 = arith.extui %and3A_174 : i1 to i32
      %cond3A_176 = arith.constant 0 : i32
      %cond3A_177 = arith.cmpi ne, %convert_element_type3A_175, %cond3A_176 : i32
      scf.if %cond3A_177 {
        %dma_wait3A = arith.constant 0 : i32
        %dma_wait3A_178 = arith.constant 0 : i32
        %dma_wait3A_179 = tpu.memref_slice %arg6[%dma_wait3A, %max3A_152, %dma_wait3A_178] : memref<2x25x80xi32, #tpu.memory_space<vmem>> -> memref<1x1x80xi32, #tpu.memory_space<vmem>>
        %dma_wait3A_180 = tpu.memref_squeeze %dma_wait3A_179 : memref<1x1x80xi32, #tpu.memory_space<vmem>> -> memref<80xi32, #tpu.memory_space<vmem>>
        %dma_wait3A_181 = arith.constant 0 : i32
        %dma_wait3A_182 = arith.constant 0 : i32
        %dma_wait3A_183 = tpu.memref_slice %arg2[%dma_wait3A_181, %dma_wait3A_182] : memref<10000x128xf32, #tpu.memory_space<hbm>> -> memref<10000x128xf32, #tpu.memory_space<hbm>>
        tpu.wait_indirect_dma semaphore(%arg12 : memref<!tpu.dma_semaphore, #tpu.memory_space<semaphore_mem>>) src(%dma_wait3A_183 : memref<10000x128xf32, #tpu.memory_space<hbm>>) dst(%arg7 : memref<80x128xf32, #tpu.memory_space<vmem>>)
        %dma_start3A = arith.constant 1 : i32
        %dma_start3A_184 = arith.constant 0 : i32
        %dma_start3A_185 = tpu.memref_slice %arg6[%dma_start3A, %max3A_152, %dma_start3A_184] : memref<2x25x80xi32, #tpu.memory_space<vmem>> -> memref<1x1x80xi32, #tpu.memory_space<vmem>>
        %dma_start3A_186 = tpu.memref_squeeze %dma_start3A_185 : memref<1x1x80xi32, #tpu.memory_space<vmem>> -> memref<80xi32, #tpu.memory_space<vmem>>
        %dma_start3A_187 = arith.constant 0 : i32
        %dma_start3A_188 = arith.constant 0 : i32
        %dma_start3A_189 = tpu.memref_slice %arg11[%dma_start3A_187, %dma_start3A_188] : memref<10000x128xf32, #tpu.memory_space<vmem_shared>> -> memref<10000x128xf32, #tpu.memory_space<vmem_shared>>
        tpu.enqueue_indirect_dma source(%arg7 : memref<80x128xf32, #tpu.memory_space<vmem>>) target(%dma_start3A_189 : memref<10000x128xf32, #tpu.memory_space<vmem_shared>>) offsets(%dma_start3A_186 : memref<80xi32, #tpu.memory_space<vmem>>) semaphore(%arg16 : memref<!tpu.dma_semaphore, #tpu.memory_space<semaphore_mem>>) {add = true}
      } else {
      }
    }
    %scan3A_32 = arith.constant 8 : i32
    %run_scoped3A_33 = arith.constant 4 : i32
    "tpu.region"() ({
      %run_scoped3A_50 = tpu.sem_alloc : memref<!tpu.dma_semaphore, #tpu.memory_space<semaphore_mem>>
      %dma_start3A = arith.constant 0 : i32
      %dma_start3A_51 = arith.constant 0 : i32
      %dma_start3A_52 = arith.constant 0 : i32
      %dma_start3A_53 = tpu.memref_slice %arg3[%add3A, %run_scoped3A_33, %dma_start3A, %dma_start3A_51, %dma_start3A_52] : memref<32x5x2x25x80xi32, #tpu.memory_space<hbm>> -> memref<1x1x2x25x80xi32, #tpu.memory_space<hbm>>
      %dma_start3A_54 = tpu.memref_squeeze %dma_start3A_53 : memref<1x1x2x25x80xi32, #tpu.memory_space<hbm>> -> memref<2x25x80xi32, #tpu.memory_space<hbm>>
      %dma_start3A_55 = arith.constant 0 : i32
      %dma_start3A_56 = arith.constant 0 : i32
      %dma_start3A_57 = arith.constant 0 : i32
      %dma_start3A_58 = tpu.memref_slice %arg3[%add3A, %run_scoped3A_33, %dma_start3A_55, %dma_start3A_56, %dma_start3A_57] : memref<32x5x2x25x80xi32, #tpu.memory_space<hbm>> -> memref<1x1x2x25x80xi32, #tpu.memory_space<hbm>>
      %dma_start3A_59 = tpu.memref_squeeze %dma_start3A_58 : memref<1x1x2x25x80xi32, #tpu.memory_space<hbm>> -> memref<2x25x80xi32, #tpu.memory_space<hbm>>
      tpu.enqueue_dma source(%dma_start3A_59 : memref<2x25x80xi32, #tpu.memory_space<hbm>>) target(%arg6 : memref<2x25x80xi32, #tpu.memory_space<vmem>>) target_semaphore(%run_scoped3A_50 : memref<!tpu.dma_semaphore, #tpu.memory_space<semaphore_mem>>)
      %dma_wait3A = arith.constant 0 : i32
      %dma_wait3A_60 = arith.constant 0 : i32
      %dma_wait3A_61 = arith.constant 0 : i32
      %dma_wait3A_62 = tpu.memref_slice %arg3[%add3A, %run_scoped3A_33, %dma_wait3A, %dma_wait3A_60, %dma_wait3A_61] : memref<32x5x2x25x80xi32, #tpu.memory_space<hbm>> -> memref<1x1x2x25x80xi32, #tpu.memory_space<hbm>>
      %dma_wait3A_63 = tpu.memref_squeeze %dma_wait3A_62 : memref<1x1x2x25x80xi32, #tpu.memory_space<hbm>> -> memref<2x25x80xi32, #tpu.memory_space<hbm>>
      %dma_wait3A_64 = arith.constant 0 : i32
      %dma_wait3A_65 = arith.constant 0 : i32
      %dma_wait3A_66 = arith.constant 0 : i32
      %dma_wait3A_67 = tpu.memref_slice %arg3[%add3A, %run_scoped3A_33, %dma_wait3A_64, %dma_wait3A_65, %dma_wait3A_66] : memref<32x5x2x25x80xi32, #tpu.memory_space<hbm>> -> memref<1x1x2x25x80xi32, #tpu.memory_space<hbm>>
      %dma_wait3A_68 = tpu.memref_squeeze %dma_wait3A_67 : memref<1x1x2x25x80xi32, #tpu.memory_space<hbm>> -> memref<2x25x80xi32, #tpu.memory_space<hbm>>
      tpu.wait_dma2 semaphore(%run_scoped3A_50 : memref<!tpu.dma_semaphore, #tpu.memory_space<semaphore_mem>>) src(%dma_wait3A_68 : memref<2x25x80xi32, #tpu.memory_space<hbm>>) dst(%arg6 : memref<2x25x80xi32, #tpu.memory_space<vmem>>)
      tpu.yield
    }) : () -> ()
    %scan3A_34 = arith.constant 0 : i32
    %scan3A_35 = arith.constant 0 : i32
    %scan3A_36 = arith.constant 8 : i32
    %scan3A_37 = arith.addi %scan3A_35, %scan3A_36 : i32
    %scan3A_38 = arith.constant 1 : i32
    scf.for %scan3A_50 = %scan3A_35 to %scan3A_37 step %scan3A_38  : i32 {
      %mul3A_51 = arith.constant 4 : i32
      %mul3A_52 = arith.muli %mul3A_51, %scan3A_50 : i32
      %add3A_53 = arith.constant 0 : i32
      %add3A_54 = arith.addi %mul3A_52, %add3A_53 : i32
      %sub3A = arith.constant 3 : i32
      %sub3A_55 = arith.subi %add3A_54, %sub3A : i32
      %max3A = arith.constant 0 : i32
      %max3A_56 = arith.maxsi %sub3A_55, %max3A : i32
      %sub3A_57 = arith.constant 4 : i32
      %sub3A_58 = arith.subi %add3A_54, %sub3A_57 : i32
      %max3A_59 = arith.constant 0 : i32
      %max3A_60 = arith.maxsi %sub3A_58, %max3A_59 : i32
      %ge3A = arith.constant 4 : i32
      %ge3A_61 = arith.cmpi sge, %add3A_54, %ge3A : i32
      %le3A = arith.constant 28 : i32
      %le3A_62 = arith.cmpi sle, %add3A_54, %le3A : i32
      %and3A = arith.andi %ge3A_61, %le3A_62 : i1
      %convert_element_type3A_63 = arith.extui %and3A : i1 to i32
      %cond3A_64 = arith.constant 0 : i32
      %cond3A_65 = arith.cmpi ne, %convert_element_type3A_63, %cond3A_64 : i32
      scf.if %cond3A_65 {
        %dma_wait3A = arith.constant 1 : i32
        %dma_wait3A_178 = arith.constant 0 : i32
        %dma_wait3A_179 = tpu.memref_slice %arg6[%dma_wait3A, %max3A_60, %dma_wait3A_178] : memref<2x25x80xi32, #tpu.memory_space<vmem>> -> memref<1x1x80xi32, #tpu.memory_space<vmem>>
        %dma_wait3A_180 = tpu.memref_squeeze %dma_wait3A_179 : memref<1x1x80xi32, #tpu.memory_space<vmem>> -> memref<80xi32, #tpu.memory_space<vmem>>
        %dma_wait3A_181 = arith.constant 0 : i32
        %dma_wait3A_182 = arith.constant 0 : i32
        %dma_wait3A_183 = tpu.memref_slice %arg11[%dma_wait3A_181, %dma_wait3A_182] : memref<10000x128xf32, #tpu.memory_space<vmem_shared>> -> memref<10000x128xf32, #tpu.memory_space<vmem_shared>>
        tpu.wait_indirect_dma semaphore(%arg16 : memref<!tpu.dma_semaphore, #tpu.memory_space<semaphore_mem>>) src(%arg7 : memref<80x128xf32, #tpu.memory_space<vmem>>) dst(%dma_wait3A_183 : memref<10000x128xf32, #tpu.memory_space<vmem_shared>>)
      } else {
      }
      %le3A_66 = arith.constant 24 : i32
      %le3A_67 = arith.cmpi sle, %add3A_54, %le3A_66 : i32
      %convert_element_type3A_68 = arith.extui %le3A_67 : i1 to i32
      %cond3A_69 = arith.constant 0 : i32
      %cond3A_70 = arith.cmpi ne, %convert_element_type3A_68, %cond3A_69 : i32
      scf.if %cond3A_70 {
        %dma_start3A = arith.constant 0 : i32
        %dma_start3A_178 = arith.constant 0 : i32
        %dma_start3A_179 = tpu.memref_slice %arg6[%dma_start3A, %add3A_54, %dma_start3A_178] : memref<2x25x80xi32, #tpu.memory_space<vmem>> -> memref<1x1x80xi32, #tpu.memory_space<vmem>>
        %dma_start3A_180 = tpu.memref_squeeze %dma_start3A_179 : memref<1x1x80xi32, #tpu.memory_space<vmem>> -> memref<80xi32, #tpu.memory_space<vmem>>
        %dma_start3A_181 = arith.constant 0 : i32
        %dma_start3A_182 = arith.constant 0 : i32
        %dma_start3A_183 = tpu.memref_slice %arg2[%dma_start3A_181, %dma_start3A_182] : memref<10000x128xf32, #tpu.memory_space<hbm>> -> memref<10000x128xf32, #tpu.memory_space<hbm>>
        tpu.enqueue_indirect_dma source(%dma_start3A_183 : memref<10000x128xf32, #tpu.memory_space<hbm>>) target(%arg7 : memref<80x128xf32, #tpu.memory_space<vmem>>) offsets(%dma_start3A_180 : memref<80xi32, #tpu.memory_space<vmem>>) semaphore(%arg12 : memref<!tpu.dma_semaphore, #tpu.memory_space<semaphore_mem>>)
      } else {
      }
      %ge3A_71 = arith.constant 3 : i32
      %ge3A_72 = arith.cmpi sge, %add3A_54, %ge3A_71 : i32
      %le3A_73 = arith.constant 27 : i32
      %le3A_74 = arith.cmpi sle, %add3A_54, %le3A_73 : i32
      %and3A_75 = arith.andi %ge3A_72, %le3A_74 : i1
      %convert_element_type3A_76 = arith.extui %and3A_75 : i1 to i32
      %cond3A_77 = arith.constant 0 : i32
      %cond3A_78 = arith.cmpi ne, %convert_element_type3A_76, %cond3A_77 : i32
      scf.if %cond3A_78 {
        %dma_wait3A = arith.constant 0 : i32
        %dma_wait3A_178 = arith.constant 0 : i32
        %dma_wait3A_179 = tpu.memref_slice %arg6[%dma_wait3A, %max3A_56, %dma_wait3A_178] : memref<2x25x80xi32, #tpu.memory_space<vmem>> -> memref<1x1x80xi32, #tpu.memory_space<vmem>>
        %dma_wait3A_180 = tpu.memref_squeeze %dma_wait3A_179 : memref<1x1x80xi32, #tpu.memory_space<vmem>> -> memref<80xi32, #tpu.memory_space<vmem>>
        %dma_wait3A_181 = arith.constant 0 : i32
        %dma_wait3A_182 = arith.constant 0 : i32
        %dma_wait3A_183 = tpu.memref_slice %arg2[%dma_wait3A_181, %dma_wait3A_182] : memref<10000x128xf32, #tpu.memory_space<hbm>> -> memref<10000x128xf32, #tpu.memory_space<hbm>>
        tpu.wait_indirect_dma semaphore(%arg13 : memref<!tpu.dma_semaphore, #tpu.memory_space<semaphore_mem>>) src(%dma_wait3A_183 : memref<10000x128xf32, #tpu.memory_space<hbm>>) dst(%arg8 : memref<80x128xf32, #tpu.memory_space<vmem>>)
        %dma_start3A = arith.constant 1 : i32
        %dma_start3A_184 = arith.constant 0 : i32
        %dma_start3A_185 = tpu.memref_slice %arg6[%dma_start3A, %max3A_56, %dma_start3A_184] : memref<2x25x80xi32, #tpu.memory_space<vmem>> -> memref<1x1x80xi32, #tpu.memory_space<vmem>>
        %dma_start3A_186 = tpu.memref_squeeze %dma_start3A_185 : memref<1x1x80xi32, #tpu.memory_space<vmem>> -> memref<80xi32, #tpu.memory_space<vmem>>
        %dma_start3A_187 = arith.constant 0 : i32
        %dma_start3A_188 = arith.constant 0 : i32
        %dma_start3A_189 = tpu.memref_slice %arg11[%dma_start3A_187, %dma_start3A_188] : memref<10000x128xf32, #tpu.memory_space<vmem_shared>> -> memref<10000x128xf32, #tpu.memory_space<vmem_shared>>
        tpu.enqueue_indirect_dma source(%arg8 : memref<80x128xf32, #tpu.memory_space<vmem>>) target(%dma_start3A_189 : memref<10000x128xf32, #tpu.memory_space<vmem_shared>>) offsets(%dma_start3A_186 : memref<80xi32, #tpu.memory_space<vmem>>) semaphore(%arg17 : memref<!tpu.dma_semaphore, #tpu.memory_space<semaphore_mem>>) {add = true}
      } else {
      }
      %mul3A_79 = arith.constant 4 : i32
      %mul3A_80 = arith.muli %mul3A_79, %scan3A_50 : i32
      %add3A_81 = arith.constant 1 : i32
      %add3A_82 = arith.addi %mul3A_80, %add3A_81 : i32
      %sub3A_83 = arith.constant 3 : i32
      %sub3A_84 = arith.subi %add3A_82, %sub3A_83 : i32
      %max3A_85 = arith.constant 0 : i32
      %max3A_86 = arith.maxsi %sub3A_84, %max3A_85 : i32
      %sub3A_87 = arith.constant 4 : i32
      %sub3A_88 = arith.subi %add3A_82, %sub3A_87 : i32
      %max3A_89 = arith.constant 0 : i32
      %max3A_90 = arith.maxsi %sub3A_88, %max3A_89 : i32
      %ge3A_91 = arith.constant 4 : i32
      %ge3A_92 = arith.cmpi sge, %add3A_82, %ge3A_91 : i32
      %le3A_93 = arith.constant 28 : i32
      %le3A_94 = arith.cmpi sle, %add3A_82, %le3A_93 : i32
      %and3A_95 = arith.andi %ge3A_92, %le3A_94 : i1
      %convert_element_type3A_96 = arith.extui %and3A_95 : i1 to i32
      %cond3A_97 = arith.constant 0 : i32
      %cond3A_98 = arith.cmpi ne, %convert_element_type3A_96, %cond3A_97 : i32
      scf.if %cond3A_98 {
        %dma_wait3A = arith.constant 1 : i32
        %dma_wait3A_178 = arith.constant 0 : i32
        %dma_wait3A_179 = tpu.memref_slice %arg6[%dma_wait3A, %max3A_90, %dma_wait3A_178] : memref<2x25x80xi32, #tpu.memory_space<vmem>> -> memref<1x1x80xi32, #tpu.memory_space<vmem>>
        %dma_wait3A_180 = tpu.memref_squeeze %dma_wait3A_179 : memref<1x1x80xi32, #tpu.memory_space<vmem>> -> memref<80xi32, #tpu.memory_space<vmem>>
        %dma_wait3A_181 = arith.constant 0 : i32
        %dma_wait3A_182 = arith.constant 0 : i32
        %dma_wait3A_183 = tpu.memref_slice %arg11[%dma_wait3A_181, %dma_wait3A_182] : memref<10000x128xf32, #tpu.memory_space<vmem_shared>> -> memref<10000x128xf32, #tpu.memory_space<vmem_shared>>
        tpu.wait_indirect_dma semaphore(%arg17 : memref<!tpu.dma_semaphore, #tpu.memory_space<semaphore_mem>>) src(%arg8 : memref<80x128xf32, #tpu.memory_space<vmem>>) dst(%dma_wait3A_183 : memref<10000x128xf32, #tpu.memory_space<vmem_shared>>)
      } else {
      }
      %le3A_99 = arith.constant 24 : i32
      %le3A_100 = arith.cmpi sle, %add3A_82, %le3A_99 : i32
      %convert_element_type3A_101 = arith.extui %le3A_100 : i1 to i32
      %cond3A_102 = arith.constant 0 : i32
      %cond3A_103 = arith.cmpi ne, %convert_element_type3A_101, %cond3A_102 : i32
      scf.if %cond3A_103 {
        %dma_start3A = arith.constant 0 : i32
        %dma_start3A_178 = arith.constant 0 : i32
        %dma_start3A_179 = tpu.memref_slice %arg6[%dma_start3A, %add3A_82, %dma_start3A_178] : memref<2x25x80xi32, #tpu.memory_space<vmem>> -> memref<1x1x80xi32, #tpu.memory_space<vmem>>
        %dma_start3A_180 = tpu.memref_squeeze %dma_start3A_179 : memref<1x1x80xi32, #tpu.memory_space<vmem>> -> memref<80xi32, #tpu.memory_space<vmem>>
        %dma_start3A_181 = arith.constant 0 : i32
        %dma_start3A_182 = arith.constant 0 : i32
        %dma_start3A_183 = tpu.memref_slice %arg2[%dma_start3A_181, %dma_start3A_182] : memref<10000x128xf32, #tpu.memory_space<hbm>> -> memref<10000x128xf32, #tpu.memory_space<hbm>>
        tpu.enqueue_indirect_dma source(%dma_start3A_183 : memref<10000x128xf32, #tpu.memory_space<hbm>>) target(%arg8 : memref<80x128xf32, #tpu.memory_space<vmem>>) offsets(%dma_start3A_180 : memref<80xi32, #tpu.memory_space<vmem>>) semaphore(%arg13 : memref<!tpu.dma_semaphore, #tpu.memory_space<semaphore_mem>>)
      } else {
      }
      %ge3A_104 = arith.constant 3 : i32
      %ge3A_105 = arith.cmpi sge, %add3A_82, %ge3A_104 : i32
      %le3A_106 = arith.constant 27 : i32
      %le3A_107 = arith.cmpi sle, %add3A_82, %le3A_106 : i32
      %and3A_108 = arith.andi %ge3A_105, %le3A_107 : i1
      %convert_element_type3A_109 = arith.extui %and3A_108 : i1 to i32
      %cond3A_110 = arith.constant 0 : i32
      %cond3A_111 = arith.cmpi ne, %convert_element_type3A_109, %cond3A_110 : i32
      scf.if %cond3A_111 {
        %dma_wait3A = arith.constant 0 : i32
        %dma_wait3A_178 = arith.constant 0 : i32
        %dma_wait3A_179 = tpu.memref_slice %arg6[%dma_wait3A, %max3A_86, %dma_wait3A_178] : memref<2x25x80xi32, #tpu.memory_space<vmem>> -> memref<1x1x80xi32, #tpu.memory_space<vmem>>
        %dma_wait3A_180 = tpu.memref_squeeze %dma_wait3A_179 : memref<1x1x80xi32, #tpu.memory_space<vmem>> -> memref<80xi32, #tpu.memory_space<vmem>>
        %dma_wait3A_181 = arith.constant 0 : i32
        %dma_wait3A_182 = arith.constant 0 : i32
        %dma_wait3A_183 = tpu.memref_slice %arg2[%dma_wait3A_181, %dma_wait3A_182] : memref<10000x128xf32, #tpu.memory_space<hbm>> -> memref<10000x128xf32, #tpu.memory_space<hbm>>
        tpu.wait_indirect_dma semaphore(%arg14 : memref<!tpu.dma_semaphore, #tpu.memory_space<semaphore_mem>>) src(%dma_wait3A_183 : memref<10000x128xf32, #tpu.memory_space<hbm>>) dst(%arg9 : memref<80x128xf32, #tpu.memory_space<vmem>>)
        %dma_start3A = arith.constant 1 : i32
        %dma_start3A_184 = arith.constant 0 : i32
        %dma_start3A_185 = tpu.memref_slice %arg6[%dma_start3A, %max3A_86, %dma_start3A_184] : memref<2x25x80xi32, #tpu.memory_space<vmem>> -> memref<1x1x80xi32, #tpu.memory_space<vmem>>
        %dma_start3A_186 = tpu.memref_squeeze %dma_start3A_185 : memref<1x1x80xi32, #tpu.memory_space<vmem>> -> memref<80xi32, #tpu.memory_space<vmem>>
        %dma_start3A_187 = arith.constant 0 : i32
        %dma_start3A_188 = arith.constant 0 : i32
        %dma_start3A_189 = tpu.memref_slice %arg11[%dma_start3A_187, %dma_start3A_188] : memref<10000x128xf32, #tpu.memory_space<vmem_shared>> -> memref<10000x128xf32, #tpu.memory_space<vmem_shared>>
        tpu.enqueue_indirect_dma source(%arg9 : memref<80x128xf32, #tpu.memory_space<vmem>>) target(%dma_start3A_189 : memref<10000x128xf32, #tpu.memory_space<vmem_shared>>) offsets(%dma_start3A_186 : memref<80xi32, #tpu.memory_space<vmem>>) semaphore(%arg18 : memref<!tpu.dma_semaphore, #tpu.memory_space<semaphore_mem>>) {add = true}
      } else {
      }
      %mul3A_112 = arith.constant 4 : i32
      %mul3A_113 = arith.muli %mul3A_112, %scan3A_50 : i32
      %add3A_114 = arith.constant 2 : i32
      %add3A_115 = arith.addi %mul3A_113, %add3A_114 : i32
      %sub3A_116 = arith.constant 3 : i32
      %sub3A_117 = arith.subi %add3A_115, %sub3A_116 : i32
      %max3A_118 = arith.constant 0 : i32
      %max3A_119 = arith.maxsi %sub3A_117, %max3A_118 : i32
      %sub3A_120 = arith.constant 4 : i32
      %sub3A_121 = arith.subi %add3A_115, %sub3A_120 : i32
      %max3A_122 = arith.constant 0 : i32
      %max3A_123 = arith.maxsi %sub3A_121, %max3A_122 : i32
      %ge3A_124 = arith.constant 4 : i32
      %ge3A_125 = arith.cmpi sge, %add3A_115, %ge3A_124 : i32
      %le3A_126 = arith.constant 28 : i32
      %le3A_127 = arith.cmpi sle, %add3A_115, %le3A_126 : i32
      %and3A_128 = arith.andi %ge3A_125, %le3A_127 : i1
      %convert_element_type3A_129 = arith.extui %and3A_128 : i1 to i32
      %cond3A_130 = arith.constant 0 : i32
      %cond3A_131 = arith.cmpi ne, %convert_element_type3A_129, %cond3A_130 : i32
      scf.if %cond3A_131 {
        %dma_wait3A = arith.constant 1 : i32
        %dma_wait3A_178 = arith.constant 0 : i32
        %dma_wait3A_179 = tpu.memref_slice %arg6[%dma_wait3A, %max3A_123, %dma_wait3A_178] : memref<2x25x80xi32, #tpu.memory_space<vmem>> -> memref<1x1x80xi32, #tpu.memory_space<vmem>>
        %dma_wait3A_180 = tpu.memref_squeeze %dma_wait3A_179 : memref<1x1x80xi32, #tpu.memory_space<vmem>> -> memref<80xi32, #tpu.memory_space<vmem>>
        %dma_wait3A_181 = arith.constant 0 : i32
        %dma_wait3A_182 = arith.constant 0 : i32
        %dma_wait3A_183 = tpu.memref_slice %arg11[%dma_wait3A_181, %dma_wait3A_182] : memref<10000x128xf32, #tpu.memory_space<vmem_shared>> -> memref<10000x128xf32, #tpu.memory_space<vmem_shared>>
        tpu.wait_indirect_dma semaphore(%arg18 : memref<!tpu.dma_semaphore, #tpu.memory_space<semaphore_mem>>) src(%arg9 : memref<80x128xf32, #tpu.memory_space<vmem>>) dst(%dma_wait3A_183 : memref<10000x128xf32, #tpu.memory_space<vmem_shared>>)
      } else {
      }
      %le3A_132 = arith.constant 24 : i32
      %le3A_133 = arith.cmpi sle, %add3A_115, %le3A_132 : i32
      %convert_element_type3A_134 = arith.extui %le3A_133 : i1 to i32
      %cond3A_135 = arith.constant 0 : i32
      %cond3A_136 = arith.cmpi ne, %convert_element_type3A_134, %cond3A_135 : i32
      scf.if %cond3A_136 {
        %dma_start3A = arith.constant 0 : i32
        %dma_start3A_178 = arith.constant 0 : i32
        %dma_start3A_179 = tpu.memref_slice %arg6[%dma_start3A, %add3A_115, %dma_start3A_178] : memref<2x25x80xi32, #tpu.memory_space<vmem>> -> memref<1x1x80xi32, #tpu.memory_space<vmem>>
        %dma_start3A_180 = tpu.memref_squeeze %dma_start3A_179 : memref<1x1x80xi32, #tpu.memory_space<vmem>> -> memref<80xi32, #tpu.memory_space<vmem>>
        %dma_start3A_181 = arith.constant 0 : i32
        %dma_start3A_182 = arith.constant 0 : i32
        %dma_start3A_183 = tpu.memref_slice %arg2[%dma_start3A_181, %dma_start3A_182] : memref<10000x128xf32, #tpu.memory_space<hbm>> -> memref<10000x128xf32, #tpu.memory_space<hbm>>
        tpu.enqueue_indirect_dma source(%dma_start3A_183 : memref<10000x128xf32, #tpu.memory_space<hbm>>) target(%arg9 : memref<80x128xf32, #tpu.memory_space<vmem>>) offsets(%dma_start3A_180 : memref<80xi32, #tpu.memory_space<vmem>>) semaphore(%arg14 : memref<!tpu.dma_semaphore, #tpu.memory_space<semaphore_mem>>)
      } else {
      }
      %ge3A_137 = arith.constant 3 : i32
      %ge3A_138 = arith.cmpi sge, %add3A_115, %ge3A_137 : i32
      %le3A_139 = arith.constant 27 : i32
      %le3A_140 = arith.cmpi sle, %add3A_115, %le3A_139 : i32
      %and3A_141 = arith.andi %ge3A_138, %le3A_140 : i1
      %convert_element_type3A_142 = arith.extui %and3A_141 : i1 to i32
      %cond3A_143 = arith.constant 0 : i32
      %cond3A_144 = arith.cmpi ne, %convert_element_type3A_142, %cond3A_143 : i32
      scf.if %cond3A_144 {
        %dma_wait3A = arith.constant 0 : i32
        %dma_wait3A_178 = arith.constant 0 : i32
        %dma_wait3A_179 = tpu.memref_slice %arg6[%dma_wait3A, %max3A_119, %dma_wait3A_178] : memref<2x25x80xi32, #tpu.memory_space<vmem>> -> memref<1x1x80xi32, #tpu.memory_space<vmem>>
        %dma_wait3A_180 = tpu.memref_squeeze %dma_wait3A_179 : memref<1x1x80xi32, #tpu.memory_space<vmem>> -> memref<80xi32, #tpu.memory_space<vmem>>
        %dma_wait3A_181 = arith.constant 0 : i32
        %dma_wait3A_182 = arith.constant 0 : i32
        %dma_wait3A_183 = tpu.memref_slice %arg2[%dma_wait3A_181, %dma_wait3A_182] : memref<10000x128xf32, #tpu.memory_space<hbm>> -> memref<10000x128xf32, #tpu.memory_space<hbm>>
        tpu.wait_indirect_dma semaphore(%arg15 : memref<!tpu.dma_semaphore, #tpu.memory_space<semaphore_mem>>) src(%dma_wait3A_183 : memref<10000x128xf32, #tpu.memory_space<hbm>>) dst(%arg10 : memref<80x128xf32, #tpu.memory_space<vmem>>)
        %dma_start3A = arith.constant 1 : i32
        %dma_start3A_184 = arith.constant 0 : i32
        %dma_start3A_185 = tpu.memref_slice %arg6[%dma_start3A, %max3A_119, %dma_start3A_184] : memref<2x25x80xi32, #tpu.memory_space<vmem>> -> memref<1x1x80xi32, #tpu.memory_space<vmem>>
        %dma_start3A_186 = tpu.memref_squeeze %dma_start3A_185 : memref<1x1x80xi32, #tpu.memory_space<vmem>> -> memref<80xi32, #tpu.memory_space<vmem>>
        %dma_start3A_187 = arith.constant 0 : i32
        %dma_start3A_188 = arith.constant 0 : i32
        %dma_start3A_189 = tpu.memref_slice %arg11[%dma_start3A_187, %dma_start3A_188] : memref<10000x128xf32, #tpu.memory_space<vmem_shared>> -> memref<10000x128xf32, #tpu.memory_space<vmem_shared>>
        tpu.enqueue_indirect_dma source(%arg10 : memref<80x128xf32, #tpu.memory_space<vmem>>) target(%dma_start3A_189 : memref<10000x128xf32, #tpu.memory_space<vmem_shared>>) offsets(%dma_start3A_186 : memref<80xi32, #tpu.memory_space<vmem>>) semaphore(%arg19 : memref<!tpu.dma_semaphore, #tpu.memory_space<semaphore_mem>>) {add = true}
      } else {
      }
      %mul3A_145 = arith.constant 4 : i32
      %mul3A_146 = arith.muli %mul3A_145, %scan3A_50 : i32
      %add3A_147 = arith.constant 3 : i32
      %add3A_148 = arith.addi %mul3A_146, %add3A_147 : i32
      %sub3A_149 = arith.constant 3 : i32
      %sub3A_150 = arith.subi %add3A_148, %sub3A_149 : i32
      %max3A_151 = arith.constant 0 : i32
      %max3A_152 = arith.maxsi %sub3A_150, %max3A_151 : i32
      %sub3A_153 = arith.constant 4 : i32
      %sub3A_154 = arith.subi %add3A_148, %sub3A_153 : i32
      %max3A_155 = arith.constant 0 : i32
      %max3A_156 = arith.maxsi %sub3A_154, %max3A_155 : i32
      %ge3A_157 = arith.constant 4 : i32
      %ge3A_158 = arith.cmpi sge, %add3A_148, %ge3A_157 : i32
      %le3A_159 = arith.constant 28 : i32
      %le3A_160 = arith.cmpi sle, %add3A_148, %le3A_159 : i32
      %and3A_161 = arith.andi %ge3A_158, %le3A_160 : i1
      %convert_element_type3A_162 = arith.extui %and3A_161 : i1 to i32
      %cond3A_163 = arith.constant 0 : i32
      %cond3A_164 = arith.cmpi ne, %convert_element_type3A_162, %cond3A_163 : i32
      scf.if %cond3A_164 {
        %dma_wait3A = arith.constant 1 : i32
        %dma_wait3A_178 = arith.constant 0 : i32
        %dma_wait3A_179 = tpu.memref_slice %arg6[%dma_wait3A, %max3A_156, %dma_wait3A_178] : memref<2x25x80xi32, #tpu.memory_space<vmem>> -> memref<1x1x80xi32, #tpu.memory_space<vmem>>
        %dma_wait3A_180 = tpu.memref_squeeze %dma_wait3A_179 : memref<1x1x80xi32, #tpu.memory_space<vmem>> -> memref<80xi32, #tpu.memory_space<vmem>>
        %dma_wait3A_181 = arith.constant 0 : i32
        %dma_wait3A_182 = arith.constant 0 : i32
        %dma_wait3A_183 = tpu.memref_slice %arg11[%dma_wait3A_181, %dma_wait3A_182] : memref<10000x128xf32, #tpu.memory_space<vmem_shared>> -> memref<10000x128xf32, #tpu.memory_space<vmem_shared>>
        tpu.wait_indirect_dma semaphore(%arg19 : memref<!tpu.dma_semaphore, #tpu.memory_space<semaphore_mem>>) src(%arg10 : memref<80x128xf32, #tpu.memory_space<vmem>>) dst(%dma_wait3A_183 : memref<10000x128xf32, #tpu.memory_space<vmem_shared>>)
      } else {
      }
      %le3A_165 = arith.constant 24 : i32
      %le3A_166 = arith.cmpi sle, %add3A_148, %le3A_165 : i32
      %convert_element_type3A_167 = arith.extui %le3A_166 : i1 to i32
      %cond3A_168 = arith.constant 0 : i32
      %cond3A_169 = arith.cmpi ne, %convert_element_type3A_167, %cond3A_168 : i32
      scf.if %cond3A_169 {
        %dma_start3A = arith.constant 0 : i32
        %dma_start3A_178 = arith.constant 0 : i32
        %dma_start3A_179 = tpu.memref_slice %arg6[%dma_start3A, %add3A_148, %dma_start3A_178] : memref<2x25x80xi32, #tpu.memory_space<vmem>> -> memref<1x1x80xi32, #tpu.memory_space<vmem>>
        %dma_start3A_180 = tpu.memref_squeeze %dma_start3A_179 : memref<1x1x80xi32, #tpu.memory_space<vmem>> -> memref<80xi32, #tpu.memory_space<vmem>>
        %dma_start3A_181 = arith.constant 0 : i32
        %dma_start3A_182 = arith.constant 0 : i32
        %dma_start3A_183 = tpu.memref_slice %arg2[%dma_start3A_181, %dma_start3A_182] : memref<10000x128xf32, #tpu.memory_space<hbm>> -> memref<10000x128xf32, #tpu.memory_space<hbm>>
        tpu.enqueue_indirect_dma source(%dma_start3A_183 : memref<10000x128xf32, #tpu.memory_space<hbm>>) target(%arg10 : memref<80x128xf32, #tpu.memory_space<vmem>>) offsets(%dma_start3A_180 : memref<80xi32, #tpu.memory_space<vmem>>) semaphore(%arg15 : memref<!tpu.dma_semaphore, #tpu.memory_space<semaphore_mem>>)
      } else {
      }
      %ge3A_170 = arith.constant 3 : i32
      %ge3A_171 = arith.cmpi sge, %add3A_148, %ge3A_170 : i32
      %le3A_172 = arith.constant 27 : i32
      %le3A_173 = arith.cmpi sle, %add3A_148, %le3A_172 : i32
      %and3A_174 = arith.andi %ge3A_171, %le3A_173 : i1
      %convert_element_type3A_175 = arith.extui %and3A_174 : i1 to i32
      %cond3A_176 = arith.constant 0 : i32
      %cond3A_177 = arith.cmpi ne, %convert_element_type3A_175, %cond3A_176 : i32
      scf.if %cond3A_177 {
        %dma_wait3A = arith.constant 0 : i32
        %dma_wait3A_178 = arith.constant 0 : i32
        %dma_wait3A_179 = tpu.memref_slice %arg6[%dma_wait3A, %max3A_152, %dma_wait3A_178] : memref<2x25x80xi32, #tpu.memory_space<vmem>> -> memref<1x1x80xi32, #tpu.memory_space<vmem>>
        %dma_wait3A_180 = tpu.memref_squeeze %dma_wait3A_179 : memref<1x1x80xi32, #tpu.memory_space<vmem>> -> memref<80xi32, #tpu.memory_space<vmem>>
        %dma_wait3A_181 = arith.constant 0 : i32
        %dma_wait3A_182 = arith.constant 0 : i32
        %dma_wait3A_183 = tpu.memref_slice %arg2[%dma_wait3A_181, %dma_wait3A_182] : memref<10000x128xf32, #tpu.memory_space<hbm>> -> memref<10000x128xf32, #tpu.memory_space<hbm>>
        tpu.wait_indirect_dma semaphore(%arg12 : memref<!tpu.dma_semaphore, #tpu.memory_space<semaphore_mem>>) src(%dma_wait3A_183 : memref<10000x128xf32, #tpu.memory_space<hbm>>) dst(%arg7 : memref<80x128xf32, #tpu.memory_space<vmem>>)
        %dma_start3A = arith.constant 1 : i32
        %dma_start3A_184 = arith.constant 0 : i32
        %dma_start3A_185 = tpu.memref_slice %arg6[%dma_start3A, %max3A_152, %dma_start3A_184] : memref<2x25x80xi32, #tpu.memory_space<vmem>> -> memref<1x1x80xi32, #tpu.memory_space<vmem>>
        %dma_start3A_186 = tpu.memref_squeeze %dma_start3A_185 : memref<1x1x80xi32, #tpu.memory_space<vmem>> -> memref<80xi32, #tpu.memory_space<vmem>>
        %dma_start3A_187 = arith.constant 0 : i32
        %dma_start3A_188 = arith.constant 0 : i32
        %dma_start3A_189 = tpu.memref_slice %arg11[%dma_start3A_187, %dma_start3A_188] : memref<10000x128xf32, #tpu.memory_space<vmem_shared>> -> memref<10000x128xf32, #tpu.memory_space<vmem_shared>>
        tpu.enqueue_indirect_dma source(%arg7 : memref<80x128xf32, #tpu.memory_space<vmem>>) target(%dma_start3A_189 : memref<10000x128xf32, #tpu.memory_space<vmem_shared>>) offsets(%dma_start3A_186 : memref<80xi32, #tpu.memory_space<vmem>>) semaphore(%arg16 : memref<!tpu.dma_semaphore, #tpu.memory_space<semaphore_mem>>) {add = true}
      } else {
      }
    }
    %scan3A_39 = arith.constant 8 : i32
    %barrier3A_40 = arith.constant 0 : index
    tpu.barrier barrier_id(%barrier3A_40)
    %mul3A_41 = arith.constant 624 : i32
    %mul3A_42 = arith.muli %arg1, %mul3A_41 : i32
    %mul3A_43 = arith.constant 624 : i32
    %mul3A_44 = arith.muli %arg1, %mul3A_43 : i32
    "tpu.region"() ({
      %run_scoped3A_50 = tpu.sem_alloc : memref<!tpu.dma_semaphore, #tpu.memory_space<semaphore_mem>>
      %dma_start3A = arith.constant 0 : i32
      %dma_start3A_51 = arith.constant 0 : i32
      %dma_start3A_52 = tpu.memref_slice %arg5[%arg0, %dma_start3A, %dma_start3A_51] : memref<2x10000x128xf32, #tpu.memory_space<hbm>> -> memref<1x10000x128xf32, #tpu.memory_space<hbm>>
      %dma_start3A_53 = tpu.memref_squeeze %dma_start3A_52 : memref<1x10000x128xf32, #tpu.memory_space<hbm>> -> memref<10000x128xf32, #tpu.memory_space<hbm>>
      %dma_start3A_54 = arith.constant 0 : i32
      %dma_start3A_55 = tpu.memref_slice %dma_start3A_53[%mul3A_44, %dma_start3A_54] : memref<10000x128xf32, #tpu.memory_space<hbm>> -> memref<624x128xf32, #tpu.memory_space<hbm>>
      %dma_start3A_56 = arith.constant 0 : i32
      %dma_start3A_57 = tpu.memref_slice %arg11[%mul3A_42, %dma_start3A_56] : memref<10000x128xf32, #tpu.memory_space<vmem_shared>> -> memref<624x128xf32, #tpu.memory_space<vmem_shared>>
      tpu.enqueue_dma source(%dma_start3A_57 : memref<624x128xf32, #tpu.memory_space<vmem_shared>>) target(%dma_start3A_55 : memref<624x128xf32, #tpu.memory_space<hbm>>) target_semaphore(%run_scoped3A_50 : memref<!tpu.dma_semaphore, #tpu.memory_space<semaphore_mem>>)
      %dma_wait3A = arith.constant 0 : i32
      %dma_wait3A_58 = arith.constant 0 : i32
      %dma_wait3A_59 = tpu.memref_slice %arg5[%arg0, %dma_wait3A, %dma_wait3A_58] : memref<2x10000x128xf32, #tpu.memory_space<hbm>> -> memref<1x10000x128xf32, #tpu.memory_space<hbm>>
      %dma_wait3A_60 = tpu.memref_squeeze %dma_wait3A_59 : memref<1x10000x128xf32, #tpu.memory_space<hbm>> -> memref<10000x128xf32, #tpu.memory_space<hbm>>
      %dma_wait3A_61 = arith.constant 0 : i32
      %dma_wait3A_62 = tpu.memref_slice %dma_wait3A_60[%mul3A_44, %dma_wait3A_61] : memref<10000x128xf32, #tpu.memory_space<hbm>> -> memref<624x128xf32, #tpu.memory_space<hbm>>
      %dma_wait3A_63 = arith.constant 0 : i32
      %dma_wait3A_64 = tpu.memref_slice %arg11[%mul3A_42, %dma_wait3A_63] : memref<10000x128xf32, #tpu.memory_space<vmem_shared>> -> memref<624x128xf32, #tpu.memory_space<vmem_shared>>
      tpu.wait_dma2 semaphore(%run_scoped3A_50 : memref<!tpu.dma_semaphore, #tpu.memory_space<semaphore_mem>>) src(%dma_wait3A_64 : memref<624x128xf32, #tpu.memory_space<vmem_shared>>) dst(%dma_wait3A_62 : memref<624x128xf32, #tpu.memory_space<hbm>>)
      tpu.yield
    }) : () -> ()
    %eq3A_45 = arith.constant 15 : i32
    %eq3A_46 = arith.cmpi eq, %arg1, %eq3A_45 : i32
    %convert_element_type3A_47 = arith.extui %eq3A_46 : i1 to i32
    %cond3A_48 = arith.constant 0 : i32
    %cond3A_49 = arith.cmpi ne, %convert_element_type3A_47, %cond3A_48 : i32
    scf.if %cond3A_49 {
      "tpu.region"() ({
        %run_scoped3A_50 = tpu.sem_alloc : memref<!tpu.dma_semaphore, #tpu.memory_space<semaphore_mem>>
        %dma_start3A = arith.constant 0 : i32
        %dma_start3A_51 = arith.constant 0 : i32
        %dma_start3A_52 = tpu.memref_slice %arg5[%arg0, %dma_start3A, %dma_start3A_51] : memref<2x10000x128xf32, #tpu.memory_space<hbm>> -> memref<1x10000x128xf32, #tpu.memory_space<hbm>>
        %dma_start3A_53 = tpu.memref_squeeze %dma_start3A_52 : memref<1x10000x128xf32, #tpu.memory_space<hbm>> -> memref<10000x128xf32, #tpu.memory_space<hbm>>
        %dma_start3A_54 = arith.constant 9984 : i32
        %dma_start3A_55 = arith.constant 0 : i32
        %dma_start3A_56 = tpu.memref_slice %dma_start3A_53[%dma_start3A_54, %dma_start3A_55] : memref<10000x128xf32, #tpu.memory_space<hbm>> -> memref<16x128xf32, #tpu.memory_space<hbm>>
        %dma_start3A_57 = arith.constant 9984 : i32
        %dma_start3A_58 = arith.constant 0 : i32
        %dma_start3A_59 = tpu.memref_slice %arg11[%dma_start3A_57, %dma_start3A_58] : memref<10000x128xf32, #tpu.memory_space<vmem_shared>> -> memref<16x128xf32, #tpu.memory_space<vmem_shared>>
        tpu.enqueue_dma source(%dma_start3A_59 : memref<16x128xf32, #tpu.memory_space<vmem_shared>>) target(%dma_start3A_56 : memref<16x128xf32, #tpu.memory_space<hbm>>) target_semaphore(%run_scoped3A_50 : memref<!tpu.dma_semaphore, #tpu.memory_space<semaphore_mem>>)
        %dma_wait3A = arith.constant 0 : i32
        %dma_wait3A_60 = arith.constant 0 : i32
        %dma_wait3A_61 = tpu.memref_slice %arg5[%arg0, %dma_wait3A, %dma_wait3A_60] : memref<2x10000x128xf32, #tpu.memory_space<hbm>> -> memref<1x10000x128xf32, #tpu.memory_space<hbm>>
        %dma_wait3A_62 = tpu.memref_squeeze %dma_wait3A_61 : memref<1x10000x128xf32, #tpu.memory_space<hbm>> -> memref<10000x128xf32, #tpu.memory_space<hbm>>
        %dma_wait3A_63 = arith.constant 9984 : i32
        %dma_wait3A_64 = arith.constant 0 : i32
        %dma_wait3A_65 = tpu.memref_slice %dma_wait3A_62[%dma_wait3A_63, %dma_wait3A_64] : memref<10000x128xf32, #tpu.memory_space<hbm>> -> memref<16x128xf32, #tpu.memory_space<hbm>>
        %dma_wait3A_66 = arith.constant 9984 : i32
        %dma_wait3A_67 = arith.constant 0 : i32
        %dma_wait3A_68 = tpu.memref_slice %arg11[%dma_wait3A_66, %dma_wait3A_67] : memref<10000x128xf32, #tpu.memory_space<vmem_shared>> -> memref<16x128xf32, #tpu.memory_space<vmem_shared>>
        tpu.wait_dma2 semaphore(%run_scoped3A_50 : memref<!tpu.dma_semaphore, #tpu.memory_space<semaphore_mem>>) src(%dma_wait3A_68 : memref<16x128xf32, #tpu.memory_space<vmem_shared>>) dst(%dma_wait3A_65 : memref<16x128xf32, #tpu.memory_space<hbm>>)
        tpu.yield
      }) : () -> ()
    } else {
    }
    return
  }
}

module attributes {stable_mosaic.version = 14 : i64} {
  func.func @_tc1_body(%arg0: memref<10000x128xf32, #tpu.memory_space<vmem>>, %arg1: memref<128x128xf32, #tpu.memory_space<vmem>>, %arg2: memref<32x10000xf32, #tpu.memory_space<vmem>>, %arg3: memref<10000x128xf32, #tpu.memory_space<vmem>>, %arg4: memref<10000x128xf32, #tpu.memory_space<vmem>>) attributes {dimension_semantics = [], scalar_prefetch = 0 : i64, scratch_operands = 0 : i64, tpu.core_type = #tpu.core_type<tc>} {
    %get3A = arith.constant 0 : index
    %get3A_0 = arith.constant 0 : index
    %get3A_1 = vector.load %arg2[%get3A, %get3A_0] : memref<32x10000xf32, #tpu.memory_space<vmem>>, vector<32x10000xf32>
    %broadcast_in_dim3A = arith.constant 1.000000e+00 : f32
    %broadcast_in_dim3A_2 = vector.broadcast %broadcast_in_dim3A : f32 to vector<32x1xf32>
    %dot_general3A = arith.constant dense<0.000000e+00> : vector<10000x1xf32>
    %dot_general3A_3 = tpu.matmul %get3A_1, %broadcast_in_dim3A_2, %dot_general3A {dimension_numbers = #tpu.dot_dimension_numbers<[0], [0], [1], [1], [0, 1, 1, 1], [], []>, transpose_lhs_hint = false} : vector<32x10000xf32>, vector<32x1xf32>, vector<10000x1xf32> -> vector<10000x1xf32>
    %add3A = arith.constant 1.000000e+00 : f32
    %add3A_4 = vector.broadcast %add3A : f32 to vector<10000x1xf32>
    %add3A_5 = arith.addf %dot_general3A_3, %add3A_4 : vector<10000x1xf32>
    %rsqrt3A = math.rsqrt %add3A_5 : vector<10000x1xf32>
    %get3A_6 = arith.constant 0 : index
    %get3A_7 = arith.constant 0 : index
    %get3A_8 = vector.load %arg0[%get3A_6, %get3A_7] : memref<10000x128xf32, #tpu.memory_space<vmem>>, vector<10000x128xf32>
    %get3A_9 = arith.constant 0 : index
    %get3A_10 = arith.constant 0 : index
    %get3A_11 = vector.load %arg1[%get3A_9, %get3A_10] : memref<128x128xf32, #tpu.memory_space<vmem>>, vector<128x128xf32>
    %dot_general3A_12 = arith.constant dense<0.000000e+00> : vector<10000x128xf32>
    %dot_general3A_13 = tpu.matmul %get3A_8, %get3A_11, %dot_general3A_12 {dimension_numbers = #tpu.dot_dimension_numbers<[1], [0], [0], [1], [0, 0, 1, 1], [], []>, transpose_lhs_hint = false} : vector<10000x128xf32>, vector<128x128xf32>, vector<10000x128xf32> -> vector<10000x128xf32>
    %mul3A = vector.broadcast %rsqrt3A : vector<10000x1xf32> to vector<10000x128xf32>
    %mul3A_14 = arith.mulf %dot_general3A_13, %mul3A : vector<10000x128xf32>
    %swap3A = arith.constant 0 : index
    %swap3A_15 = arith.constant 0 : index
    %swap3A_16 = vector.load %arg3[%swap3A, %swap3A_15] : memref<10000x128xf32, #tpu.memory_space<vmem>>, vector<10000x128xf32>
    tpu.vector_store %arg3[%swap3A, %swap3A_15], %mul3A_14 {strides = array<i32>} : memref<10000x128xf32, #tpu.memory_space<vmem>>, vector<10000x128xf32>,
    %broadcast_in_dim3A_17 = vector.shape_cast %rsqrt3A : vector<10000x1xf32> to vector<10000x1xf32>
    %broadcast_in_dim3A_18 = vector.broadcast %broadcast_in_dim3A_17 : vector<10000x1xf32> to vector<10000x128xf32>
    %swap3A_19 = arith.constant 0 : index
    %swap3A_20 = arith.constant 0 : index
    %swap3A_21 = vector.load %arg4[%swap3A_19, %swap3A_20] : memref<10000x128xf32, #tpu.memory_space<vmem>>, vector<10000x128xf32>
    tpu.vector_store %arg4[%swap3A_19, %swap3A_20], %broadcast_in_dim3A_18 {strides = array<i32>} : memref<10000x128xf32, #tpu.memory_space<vmem>>, vector<10000x128xf32>,
    return
  }
}

module attributes {stable_mosaic.version = 14 : i64} {
  func.func @_tc2_body(%arg0: memref<2x10000x128xf32, #tpu.memory_space<vmem>>, %arg1: memref<10000x128xf32, #tpu.memory_space<vmem>>, %arg2: memref<10000x128xf32, #tpu.memory_space<vmem>>, %arg3: memref<1x128xf32, #tpu.memory_space<vmem>>, %arg4: memref<128x128xf32, #tpu.memory_space<vmem>>, %arg5: memref<10000x128xf32, #tpu.memory_space<vmem>>) attributes {dimension_semantics = [], scalar_prefetch = 0 : i64, scratch_operands = 0 : i64, tpu.core_type = #tpu.core_type<tc>} {
    %get3A = arith.constant 0 : index
    %get3A_0 = arith.constant 0 : index
    %get3A_1 = arith.constant 0 : index
    %get3A_2 = vector.load %arg0[%get3A, %get3A_0, %get3A_1] : memref<2x10000x128xf32, #tpu.memory_space<vmem>>, vector<1x10000x128xf32>
    %get3A_3 = vector.shape_cast %get3A_2 : vector<1x10000x128xf32> to vector<10000x128xf32>
    %get3A_4 = arith.constant 1 : index
    %get3A_5 = arith.constant 0 : index
    %get3A_6 = arith.constant 0 : index
    %get3A_7 = vector.load %arg0[%get3A_4, %get3A_5, %get3A_6] : memref<2x10000x128xf32, #tpu.memory_space<vmem>>, vector<1x10000x128xf32>
    %get3A_8 = vector.shape_cast %get3A_7 : vector<1x10000x128xf32> to vector<10000x128xf32>
    %add3A = arith.addf %get3A_3, %get3A_8 : vector<10000x128xf32>
    %get3A_9 = arith.constant 0 : index
    %get3A_10 = arith.constant 0 : index
    %get3A_11 = vector.load %arg1[%get3A_9, %get3A_10] : memref<10000x128xf32, #tpu.memory_space<vmem>>, vector<10000x128xf32>
    %add3A_12 = arith.addf %add3A, %get3A_11 : vector<10000x128xf32>
    %get3A_13 = arith.constant 0 : index
    %get3A_14 = arith.constant 0 : index
    %get3A_15 = vector.load %arg2[%get3A_13, %get3A_14] : memref<10000x128xf32, #tpu.memory_space<vmem>>, vector<10000x128xf32>
    %mul3A = arith.mulf %add3A_12, %get3A_15 : vector<10000x128xf32>
    %get3A_16 = arith.constant 0 : index
    %get3A_17 = arith.constant 0 : index
    %get3A_18 = vector.load %arg3[%get3A_16, %get3A_17] : memref<1x128xf32, #tpu.memory_space<vmem>>, vector<1x128xf32>
    %add3A_19 = vector.broadcast %get3A_18 : vector<1x128xf32> to vector<10000x128xf32>
    %add3A_20 = arith.addf %mul3A, %add3A_19 : vector<10000x128xf32>
    %max3A = arith.constant 0.000000e+00 : f32
    %max3A_21 = vector.broadcast %max3A : f32 to vector<10000x128xf32>
    %max3A_22 = arith.maximumf %add3A_20, %max3A_21 : vector<10000x128xf32>
    %get3A_23 = arith.constant 0 : index
    %get3A_24 = arith.constant 0 : index
    %get3A_25 = vector.load %arg4[%get3A_23, %get3A_24] : memref<128x128xf32, #tpu.memory_space<vmem>>, vector<128x128xf32>
    %dot_general3A = arith.constant dense<0.000000e+00> : vector<10000x128xf32>
    %dot_general3A_26 = tpu.matmul %max3A_22, %get3A_25, %dot_general3A {dimension_numbers = #tpu.dot_dimension_numbers<[1], [0], [0], [1], [0, 0, 1, 1], [], []>, transpose_lhs_hint = false} : vector<10000x128xf32>, vector<128x128xf32>, vector<10000x128xf32> -> vector<10000x128xf32>
    %get3A_27 = arith.constant 0 : index
    %get3A_28 = arith.constant 0 : index
    %get3A_29 = vector.load %arg2[%get3A_27, %get3A_28] : memref<10000x128xf32, #tpu.memory_space<vmem>>, vector<10000x128xf32>
    %mul3A_30 = arith.mulf %dot_general3A_26, %get3A_29 : vector<10000x128xf32>
    %swap3A = arith.constant 0 : index
    %swap3A_31 = arith.constant 0 : index
    %swap3A_32 = vector.load %arg5[%swap3A, %swap3A_31] : memref<10000x128xf32, #tpu.memory_space<vmem>>, vector<10000x128xf32>
    tpu.vector_store %arg5[%swap3A, %swap3A_31], %mul3A_30 {strides = array<i32>} : memref<10000x128xf32, #tpu.memory_space<vmem>>, vector<10000x128xf32>,
    return
  }
}

module attributes {stable_mosaic.version = 14 : i64} {
  func.func @_tc3_body(%arg0: memref<2x10000x128xf32, #tpu.memory_space<vmem>>, %arg1: memref<10000x128xf32, #tpu.memory_space<vmem>>, %arg2: memref<10000x128xf32, #tpu.memory_space<vmem>>, %arg3: memref<1x128xf32, #tpu.memory_space<vmem>>, %arg4: memref<1x10000xi32, #tpu.memory_space<vmem>>, %arg5: memref<128x32xf32, #tpu.memory_space<vmem>>, %arg6: memref<1x32xf32, #tpu.memory_space<vmem>>, %arg7: memref<64x32xf32, #tpu.memory_space<vmem>>) attributes {dimension_semantics = [], scalar_prefetch = 0 : i64, scratch_operands = 0 : i64, tpu.core_type = #tpu.core_type<tc>} {
    %get3A = arith.constant 0 : index
    %get3A_0 = arith.constant 0 : index
    %get3A_1 = arith.constant 0 : index
    %get3A_2 = vector.load %arg0[%get3A, %get3A_0, %get3A_1] : memref<2x10000x128xf32, #tpu.memory_space<vmem>>, vector<1x10000x128xf32>
    %get3A_3 = vector.shape_cast %get3A_2 : vector<1x10000x128xf32> to vector<10000x128xf32>
    %get3A_4 = arith.constant 1 : index
    %get3A_5 = arith.constant 0 : index
    %get3A_6 = arith.constant 0 : index
    %get3A_7 = vector.load %arg0[%get3A_4, %get3A_5, %get3A_6] : memref<2x10000x128xf32, #tpu.memory_space<vmem>>, vector<1x10000x128xf32>
    %get3A_8 = vector.shape_cast %get3A_7 : vector<1x10000x128xf32> to vector<10000x128xf32>
    %add3A = arith.addf %get3A_3, %get3A_8 : vector<10000x128xf32>
    %get3A_9 = arith.constant 0 : index
    %get3A_10 = arith.constant 0 : index
    %get3A_11 = vector.load %arg1[%get3A_9, %get3A_10] : memref<10000x128xf32, #tpu.memory_space<vmem>>, vector<10000x128xf32>
    %add3A_12 = arith.addf %add3A, %get3A_11 : vector<10000x128xf32>
    %get3A_13 = arith.constant 0 : index
    %get3A_14 = arith.constant 0 : index
    %get3A_15 = vector.load %arg2[%get3A_13, %get3A_14] : memref<10000x128xf32, #tpu.memory_space<vmem>>, vector<10000x128xf32>
    %mul3A = arith.mulf %add3A_12, %get3A_15 : vector<10000x128xf32>
    %get3A_16 = arith.constant 0 : index
    %get3A_17 = arith.constant 0 : index
    %get3A_18 = vector.load %arg3[%get3A_16, %get3A_17] : memref<1x128xf32, #tpu.memory_space<vmem>>, vector<1x128xf32>
    %add3A_19 = vector.broadcast %get3A_18 : vector<1x128xf32> to vector<10000x128xf32>
    %add3A_20 = arith.addf %mul3A, %add3A_19 : vector<10000x128xf32>
    %max3A = arith.constant 0.000000e+00 : f32
    %max3A_21 = vector.broadcast %max3A : f32 to vector<10000x128xf32>
    %max3A_22 = arith.maximumf %add3A_20, %max3A_21 : vector<10000x128xf32>
    %iota3A = tpu.iota {dimensions = array<i32: 0>} : vector<64x10000xi32>
    %get3A_23 = arith.constant 0 : index
    %get3A_24 = arith.constant 0 : index
    %get3A_25 = vector.load %arg4[%get3A_23, %get3A_24] : memref<1x10000xi32, #tpu.memory_space<vmem>>, vector<1x10000xi32>
    %eq3A = vector.broadcast %get3A_25 : vector<1x10000xi32> to vector<64x10000xi32>
    %eq3A_26 = arith.cmpi eq, %iota3A, %eq3A : vector<64x10000xi32>
    %convert_element_type3A = arith.extui %eq3A_26 : vector<64x10000xi1> to vector<64x10000xi32>
    %convert_element_type3A_27 = arith.sitofp %convert_element_type3A : vector<64x10000xi32> to vector<64x10000xf32>
    %dot_general3A = arith.constant dense<0.000000e+00> : vector<64x128xf32>
    %dot_general3A_28 = tpu.matmul %convert_element_type3A_27, %max3A_22, %dot_general3A {dimension_numbers = #tpu.dot_dimension_numbers<[1], [0], [0], [1], [0, 0, 1, 1], [], []>, transpose_lhs_hint = false} : vector<64x10000xf32>, vector<10000x128xf32>, vector<64x128xf32> -> vector<64x128xf32>
    %reduce_sum3A = arith.constant dense<0.000000e+00> : vector<64xf32>
    %reduce_sum3A_29 = vector.multi_reduction <add>, %convert_element_type3A_27, %reduce_sum3A [1] : vector<64x10000xf32> to vector<64xf32>
    %broadcast_in_dim3A = vector.shape_cast %reduce_sum3A_29 : vector<64xf32> to vector<64x1xf32>
    %max3A_30 = arith.constant 1.000000e+00 : f32
    %max3A_31 = vector.broadcast %max3A_30 : f32 to vector<64x1xf32>
    %max3A_32 = arith.maximumf %broadcast_in_dim3A, %max3A_31 : vector<64x1xf32>
    %div3A = vector.broadcast %max3A_32 : vector<64x1xf32> to vector<64x128xf32>
    %div3A_33 = arith.divf %dot_general3A_28, %div3A : vector<64x128xf32>
    %get3A_34 = arith.constant 0 : index
    %get3A_35 = arith.constant 0 : index
    %get3A_36 = vector.load %arg5[%get3A_34, %get3A_35] : memref<128x32xf32, #tpu.memory_space<vmem>>, vector<128x32xf32>
    %dot_general3A_37 = arith.constant dense<0.000000e+00> : vector<64x32xf32>
    %dot_general3A_38 = tpu.matmul %div3A_33, %get3A_36, %dot_general3A_37 {dimension_numbers = #tpu.dot_dimension_numbers<[1], [0], [0], [1], [0, 0, 1, 1], [], []>, transpose_lhs_hint = false} : vector<64x128xf32>, vector<128x32xf32>, vector<64x32xf32> -> vector<64x32xf32>
    %get3A_39 = arith.constant 0 : index
    %get3A_40 = arith.constant 0 : index
    %get3A_41 = vector.load %arg6[%get3A_39, %get3A_40] : memref<1x32xf32, #tpu.memory_space<vmem>>, vector<1x32xf32>
    %add3A_42 = vector.broadcast %get3A_41 : vector<1x32xf32> to vector<64x32xf32>
    %add3A_43 = arith.addf %dot_general3A_38, %add3A_42 : vector<64x32xf32>
    %swap3A = arith.constant 0 : index
    %swap3A_44 = arith.constant 0 : index
    %swap3A_45 = vector.load %arg7[%swap3A, %swap3A_44] : memref<64x32xf32, #tpu.memory_space<vmem>>, vector<64x32xf32>
    tpu.vector_store %arg7[%swap3A, %swap3A_44], %add3A_43 {strides = array<i32>} : memref<64x32xf32, #tpu.memory_space<vmem>>, vector<64x32xf32>,
    return
  }
}

</mosaic_0001>

<sc_bundles>
// kernel: kernel.11.cloned.1.call-start
scs
__scs_entry_jumppad:
0x0: {  	(pc) =	sbr.rel $0x88, $3  }
0x1: {  	(tag) =	ssettag $0x0;
	lr =	simm.s32 $0x1  }
0x2: {  	[smem:$0x3F98] =	sst lr;
	_ =	strace $0xD0000000  }
0x3: {  	_ = 	snop  }
0x4: {  	_ = 	snop  }
0x5: {  	_ = 	snop  }
0x6: {  	_ = 	snop  }
0x7: {  	_ = 	snop  }
__scs_overlays_trampoline_lowered:
0x8: {  	[smem:$0x3FA7] =	sst s0  }
0x9: {  	[smem:$0x3FA8] =	sst s1  }
0xa: {  	[smem:$0x3FA9] =	sst s2  }
0xb: {  	[smem:$0x3FAA] =	sst s3  }
0xc: {  	[smem:$0x3FAB] =	sst s4  }
0xd: {  	[smem:$0x3FAC] =	sst s5  }
0xe: {  	[smem:$0x3FAD] =	sst s6  }
0xf: {  	[smem:$0x3FAE] =	sst s7  }
0x10: {  	[smem:$0x3FAF] =	sst s8  }
0x11: {  	[smem:$0x3FB0] =	sst s9;
	s0 =	simm.s32 @!p0 $0x0  }
0x12: {  	s1 =	sld [smem:$0x3F96];
	s0 =	simm.s32 @p0 $0x1  }
0x13: {  	[smem:$0x3FB1] =	sst s0;
	s0 =	simm.s32 @!p1 $0x0  }
0x14: {  	s2 =	sld [smem:$0x3F95];
	s0 =	simm.s32 @p1 $0x1  }
0x15: {  	[smem:$0x3FB2] =	sst s0;
	s0 =	simm.s32 @!p2 $0x0  }
0x16: {  	s3 =	sld [smem:$0x3FDB];
	s0 =	simm.s32 @p2 $0x1  }
0x17: {  	s4 =	simm.s32 $0x1BF5;
	[smem:$0x3FB4] =	sst s0  }
0x18: {  	s0 =	sld [smem:$0x3F97];
	_ =	swait.ge [sflag:s4], $0x0  }
0x19: {  	s7 =	sld [smem:$0x3F98]  }
0x1a: {  	s8 =	sadd.s32 $0xFFFFE003, lr  }
0x1b: {  	s9 =	sadd.s32 $0xFFFFFEF7, lr;
	s5 =	simm.s32 $0xFFFFFFFF;
	p2 =	slt.u32 s8, $0xFFFFF086  }
0x1c: {  	p1 =	slt.u32 s9, $0xF7A;
	s5 =	simm.s32 @!p2 $0x0  }
0x1d: {  	s5 =	simm.s32 @p1 $0x1;
	p0 =	seq.s32 s7, s2  }
0x1e: {  	s7 =	smul.u32 @!p0 $0xF7A, s2;
	p2 =	seq.s32 @!p0 s5, $0x0  }
0x1f: {  	s9 =	smul.u32 $0xF7A, s1;
	s8 =	simm.s32 @!p0 $0x1BF5;
	p2 =	por !p2, p0  }
0x20: {  	[sflag:s8] =	ssyncset.s32 @!p0 $0xFFFFF086;
	s6 =	sadd.s32 @!p0 s3, s7;
	s7 =	simm.s32 @!p0 $0x108  }
0x21: {  	s3 =	sadd.s32 s3, s9;
	s6 =	sadd.s32 @!p0 $0x88, s6;
	s7 =	simm.s32 @p2 $0x1082  }
0x22: {  	[simem:s7], [sflag:s8] =	dma.local @!p0 [hbm:s6], $0xF7A  }
0x23: {  	s9 =	sor.u32 $0xD0000000, s2;
	s6 =	simm.s32 $0x108;
	_ =	swait.ge @!p0 [sflag:s8], $0x0  }
0x24: {  	s3 =	sadd.s32 $0x88, s3;
	s6 =	simm.s32 @!p1 $0x1082;
	[sflag:s4] =	ssyncset.s32 $0xFFFFF086  }
0x25: {  	[simem:s6], [sflag:s4] =	dma.local [hbm:s3], $0xF7A  }
0x26: {  	[smem:$0x3F98] =	sst s1;
	(tag) =	ssettag s2;
	_ =	strace s9  }
0x27: {  	s1 =	sld [smem:$0x3FA8]  }
0x28: {  	s2 =	sld [smem:$0x3FA9]  }
0x29: {  	s4 =	sld [smem:$0x3FAB]  }
0x2a: {  	p0 =	seq.s32 s5, $0x0;
	s5 =	sld [smem:$0x3FAC]  }
0x2b: {  	s6 =	sld [smem:$0x3FAD]  }
0x2c: {  	s7 =	sld [smem:$0x3FAE]  }
0x2d: {  	s3 =	simm.s32 $0x108;
	s8 =	sld [smem:$0x3FAF]  }
0x2e: {  	s3 =	simm.s32 @!p0 $0x1082;
	s9 =	sld [smem:$0x3FB0]  }
0x2f: {  	lr =	sadd.s32 s0, s3;
	s0 =	sld [smem:$0x3FA7]  }
0x30: {  	s3 =	sld [smem:$0x3FAA]  }
0x31: {  	[smem:$0x3FB3] =	sst s10  }
0x32: {  	s10 =	sld [smem:$0x3FB1];
	_ =	sdelay $0x3  }
0x33: {  	p0 =	seq.s32 s10, $0x1;
	s10 =	sld [smem:$0x3FB3];
	_ =	sdelay $0x3  }
0x34: {  	[smem:$0x3FB3] =	sst s10  }
0x35: {  	s10 =	sld [smem:$0x3FB2];
	_ =	sdelay $0x3  }
0x36: {  	p1 =	seq.s32 s10, $0x1;
	s10 =	sld [smem:$0x3FB3];
	_ =	sdelay $0x3  }
0x37: {  	[smem:$0x3FB3] =	sst s10  }
0x38: {  	s10 =	sld [smem:$0x3FB4]  }
0x39: {  	_ = 	snop;
	(pc) =	sbr.ind lr, $3  }
0x3a: {  	_ = 	snop  }
0x3b: {  	_ = 	snop  }
0x3c: {  	p2 =	seq.s32 s10, $0x1;
	s10 =	sld [smem:$0x3FB3]  }
0x3d: {  	_ =	shalt  }
0x3e: {  	_ =	shalt  }
0x3f: {  	_ =	shalt  }
0x40: {  	_ =	shalt  }
0x41: {  	_ =	shalt  }
0x42: {  	_ =	shalt  }
0x43: {  	_ =	shalt  }
0x44: {  	_ =	shalt  }
0x45: {  	_ =	shalt  }
0x46: {  	_ =	shalt  }
0x47: {  	_ =	shalt  }
0x48: {  	_ =	shalt  }
0x49: {  	_ =	shalt  }
0x4a: {  	_ =	shalt  }
0x4b: {  	_ =	shalt  }
0x4c: {  	_ =	shalt  }
0x4d: {  	_ =	shalt  }
0x4e: {  	_ =	shalt  }
0x4f: {  	_ =	shalt  }
0x50: {  	_ =	shalt  }
0x51: {  	_ =	shalt  }
0x52: {  	_ =	shalt  }
0x53: {  	_ =	shalt  }
0x54: {  	_ =	shalt  }
0x55: {  	_ =	shalt  }
0x56: {  	_ =	shalt  }
0x57: {  	_ =	shalt  }
0x58: {  	_ =	shalt  }
0x59: {  	_ =	shalt  }
0x5a: {  	_ =	shalt  }
0x5b: {  	_ =	shalt  }
0x5c: {  	_ =	shalt  }
0x5d: {  	_ =	shalt  }
0x5e: {  	_ =	shalt  }
0x5f: {  	_ =	shalt  }
0x60: {  	_ =	shalt  }
0x61: {  	_ =	shalt  }
0x62: {  	_ =	shalt  }
0x63: {  	_ =	shalt  }
0x64: {  	_ =	shalt  }
0x65: {  	_ =	shalt  }
0x66: {  	_ =	shalt  }
0x67: {  	_ =	shalt  }
0x68: {  	_ =	shalt  }
0x69: {  	_ =	shalt  }
0x6a: {  	_ =	shalt  }
0x6b: {  	_ =	shalt  }
0x6c: {  	_ =	shalt  }
0x6d: {  	_ =	shalt  }
0x6e: {  	_ =	shalt  }
0x6f: {  	_ =	shalt  }
0x70: {  	_ =	shalt  }
0x71: {  	_ =	shalt  }
0x72: {  	_ =	shalt  }
0x73: {  	_ =	shalt  }
0x74: {  	_ =	shalt  }
0x75: {  	_ =	shalt  }
0x76: {  	_ =	shalt  }
0x77: {  	_ =	shalt  }
0x78: {  	_ =	shalt  }
0x79: {  	_ =	shalt  }
0x7a: {  	_ =	shalt  }
0x7b: {  	_ =	shalt  }
0x7c: {  	_ =	shalt  }
0x7d: {  	_ =	shalt  }
0x7e: {  	_ =	shalt  }
0x7f: {  	_ =	shalt  }
0x80: {  	_ =	shalt  }
0x81: {  	_ =	shalt  }
0x82: {  	_ =	shalt  }
0x83: {  	_ =	shalt  }
0x84: {  	_ =	shalt  }
0x85: {  	_ =	shalt  }
0x86: {  	_ =	shalt  }
0x87: {  	_ =	shalt  }
.Lfunc_end0:
.L_simem_size_0:
called_computation.1_lowered:
.L_overlay_start_0:
0x88: {  	s2 =	sld [smem:$0x3FD9]  }
0x89: {  	s3 =	sld [smem:$0x3FFE];
	_ =	sdelay $0x1  }
0x8a: {  	s1 =	srdreg.scid  }
0x8b: {  	s0 =	sand.u32 $0x1, s1  }
0x8c: {  	s16 =	sshll.u32 s0, $0xA;
	s2 =	sadd.s32 s3, s2  }
0x8d: {  	s2 =	sadd.s32 s2, s16  }
0x8e: {  	[smem:$0x3FBF] =	sst s2  }
0x8f: {  	_ = 	snop  }
0x90: {  	(tm) =	ssettm $0x1  }
0x91: {  	s17 =	sld [smem:$0x3FFB];
	_ =	sdelay $0x3  }
0x92: {  	_ =	strace s17  }
0x93: {  	s2 =	sld [smem:$0x3FFC];
	_ =	sdelay $0x3  }
0x94: {  	_ =	strace s2  }
0x95: {  	s2 =	sld [smem:$0x3FFD];
	_ =	sdelay $0x3  }
0x96: {  	_ =	strace s2  }
0x97: {  	_ =	strace $0x8FFFFFFF  }
0x98: {  	s18 =	sld [smem:$0x3FDB];
	_ =	sdelay $0x1  }
0x99: {  	s19 =	simm.s32 $_scs_section_size  }
0x9a: {  	s4 =	simm.s32 $_size__tile_overlayer_lowered;
	s5 =	simm.s32 $_tile_overlayer_lowered  }
0x9b: {  	s22 =	simm.s32 $0x1BFF;
	s21 =	sshll.u32 s5, $0x1;
	s2 =	sadd.s32 s19, s18  }
0x9c: {  	s6 =	simm.s32 $0x0;
	s20 =	sshll.u32 s4, $0x1;
	s4 =	sadd.s32 s21, s2  }
0x9d: {  	[timem:s6], [sflag:s22] =	dma.local [hbm:s4], s20  }
0x9e: {  	_ =	swait.ge [sflag:s22], s20  }
0x9f: {  	s3 =	ssub.s32 $0x0, s20;
	[sflag:s22] =	ssyncset.done $0x0  }
0xa0: {  	[sflag:s22] =	ssyncadd.s32 s3;
	_ =	sdelay $0x1  }
0xa1: {  	s23 =	simm.s32 $0x1B8B  }
0xa2: {  	_ =	swait.ge [sflag:s23], $0x1  }
0xa3: {  	[sflag:s23] =	ssyncset.done $0x0  }
0xa4: {  	s25 =	simm.s32 $0x1B8E;
	s24 =	sld [smem:$0x3FFE];
	[sflag:s23] =	ssyncadd.s32 $0xFFFFFFFF  }
0xa5: {  	s26 =	simm.s32 $execute0_lowered;
	[smem:$0x3FD2] =	sst s25  }
0xa6: {  	s4 =	sshll.u32 s26, $0x1;
	_ =	strace $0x80000049;
	[dreg:$0x1] =	wrdreg $0xFFFFFFFF  }
0xa7: {  	s28 =	simm.s32 $_size_execute0_lowered;
	s2 =	sadd.s32 s2, s4;
	[dreg:$0x0] =	wrdreg $0x0  }
0xa8: {  	s4 =	sshll.u32 s28, $0x1;
	[dreg:$0x2] =	wrdreg s2  }
0xa9: {  	[dreg:$0x3] =	wrdreg s4  }
0xaa: {  	[dreg:$0x4] =	wrdreg $0xC0  }
0xab: {  	_ =	task [dreg:s6], $0x5FFFF  }
0xac: {  	[dreg:$0x1] =	wrdreg $0xFFFFFFFF  }
0xad: {  	[dreg:$0x0] =	wrdreg $0x60  }
0xae: {  	[dreg:$0x2] =	wrdreg s24  }
0xaf: {  	[dreg:$0x3] =	wrdreg $0xC0000  }
0xb0: {  	[dreg:$0x4] =	wrdreg $0x9  }
0xb1: {  	_ =	task.clear_ibuf [dreg:s6], $0x5FFFF;
	_ =	strace $0x90000049  }
0xb2: {  	s29 =	simm.s32 $0x9;
	_ =	strace $0x8000004B  }
0xb3: {  	_ =	swait.ge [sflag:s29], $0x1  }
0xb4: {  	[sflag:s29] =	ssyncadd.s32 $0xFFFFFFFF  }
0xb5: {  	_ =	strace $0x9000004B  }
0xb6: {  	_ =	sfence  }
0xb7: {  	s30 =	sld [smem:$0x0];
	_ =	sdelay $0x2  }
0xb8: {  	s31 =	sshll.u32 s1, $0xD;
	s1 =	sshrl.u32 s1, $0x2  }
0xb9: {  	s3 =	sand.u32 $0x4000, s31;
	s1 =	sadd.s32 s1, s30  }
0xba: {  	s0 =	sor.u32 s3, s0;
	s1 =	sshll.u32 s1, $0x11  }
0xbb: {  	s0 =	sor.u32 s1, s0  }
0xbc: {  	s0 =	sadd.s32 $0x8F2B, s0  }
0xbd: {  	[sflag:s0] =	ssyncadd.remote.s32 $0x1  }
0xbe: {  	_ =	sfence.sel $0xFFFF  }
0xbf: {  	[dreg:$0x0] =	wrdreg $0xFFFFFFFF;
	(pc) =	sbr.abs _section_cstart, $3  }
0xc0: {  	[dreg:$0x1] =	wrdreg $0xFFFFFFFF  }
0xc1: {  	_ =	task.clear_ibuf [dreg:s6], $0x2FFFF;
	_ =	strace $0x9FFFFFFF  }
0xc2: {  	(tm) =	ssettm $0x7FFFFFFF  }
0xc3: {  	_ =	shalt  }
tec
execute0_lowered:
.L_overlay_start_1:
0x0: {  	(tag) =	ssettag $0x1  }
0x1: {  	s1 =	srdreg.scid  }
0x2: {  	s0 =	stileid.u32;
	s8 =	rddreg [dreg:$0x0]  }
0x3: {  	s2 =	rddreg [dreg:$0x1];
	s3 =	simm.s32 $0x0;
	s17 =	simm.s32 $0x9  }
0x4: {  	s21 =	simm.s32 $0x50;
	s22 =	simm.s32 $0x2000;
	s23 =	simm.s32 $0x1  }
0x5: {  	s24 =	simm.s32 $0x0;
	s6 =	sand.u32 $0x1, s1;
	s1 =	rddreg [dreg:$0x2]  }
0x6: {  	s28 =	sshll.u32 s0, $0x1;
	[smem:$0x7FF] =	sst s3;
	s5 =	sadd.s32 $0x3EA00, s8  }
0x7: {  	s10 =	smul.u32 $0x4E000, s0;
	s31 =	sshll.u32 s0, $0x6;
	s18 =	sadd.s32 $0x138000, s2  }
0x8: {  	p0 =	sne.s32 s0, $0xF;
	s4 =	sor.u32 s6, s28;
	s9 =	smul.u32 $0x27100, s6  }
0x9: {  	_ =	strace $0x8000004A;
	s6 =	ssub.s32 $0x2, s6;
	s7 =	smul.u32 $0xA000, s4  }
0xa: {  	s18 =	sshrl.u32 @!p0 s18, $0x3;
	s4 =	smul.u32 $0x2700, s0;
	s30 =	sshrl.u32 s6, $0x1  }
0xb: {  	s10 =	sshrl.u32 s10, $0x2;
	s14 =	sadd.s32 s9, s8;
	s15 =	ssub.s32 s6, s30  }
0xc: {  	s16 =	sadd.s32 s10, s2;
	s7 =	sshrl.u32 s7, $0x3;
	s29 =	sadd.s32 s4, s8  }
.Ltmp0:
0xd: {  	s14 =	sadd.s32 $0x8CE00, s14;
	s15 =	smax.u32 s15, $0x1;
	(pc) =	sbr.rel .LBB2_1-.Ltmp0, $4  }
0xe: {  	s16 =	sshrl.u32 s16, $0x3;
	s13 =	sadd.s32 s7, s8;
	s6 =	sadd.s32 $0x65C00, s29  }
0xf: {  	s7 =	sor.u32 $0x1C09, s31;
	s8 =	sadd.s32 $0x8CC00, s8;
	s9 =	sadd.s32 $0x16A00, s13  }
0x10: {  	s10 =	sadd.s32 $0x16E00, s13;
	s11 =	sadd.s32 $0x17200, s13;
	s12 =	sadd.s32 $0x17600, s13  }
0x11: {  	s13 =	sadd.s32 $0x17A00, s13;
	s19 =	sadd.s32 $0x200, s9;
	s20 =	sadd.s32 $0x200, s10  }
.LBB2_16:
0x12: {  	[bflag:$0x0] =	sbarrier.arrive $0xFFFF;
	s25 =	sadd.s32 s4, s14  }
0x13: {  	[hbm:s25], [sflag:s7] =	dma.local [spmem:s16], $0x2700  }
0x14: {  	_ =	swait.ge [sflag:s17], $0x2700  }
0x15: {  	s24 =	sadd.s32 $0x1, s24;
	[sflag:s17] =	ssyncset.done $0x0  }
0x16: {  	s25 =	sadd.s32 @!p0 $0x27000, s14;
	p1 =	sne.s32 s24, s15;
	[sflag:s17] =	ssyncadd.s32 $0xFFFFD900  }
0x17: {  	[hbm:s25], [sflag:s7] =	dma.local @!p0 [spmem:s18], $0x100  }
.Ltmp1:
0x18: {  	_ = 	snop;
	(pc) =	sbr.rel @!p1 .LBB2_17-.Ltmp1, $4  }
0x19: {  	s25 =	simm.s32 @!p0 $0x9  }
0x1a: {  	_ =	swait.ge @!p0 [sflag:s25], $0x100  }
0x1b: {  	[sflag:s25] =	ssyncset.done @!p0 $0x0  }
0x1c: {  	[sflag:s25] =	ssyncadd.s32 @!p0 $0xFFFFFF00  }
.LBB2_1:
0x1d: {  	[spmem:s16], [sflag:s7] =	dma.local [hbm:s6], $0x2700  }
0x1e: {  	_ =	swait.ge [sflag:s17], $0x2700  }
0x1f: {  	[sflag:s17] =	ssyncset.done $0x0  }
0x20: {  	s25 =	simm.s32 @!p0 $0x9;
	[sflag:s17] =	ssyncadd.s32 $0xFFFFD900  }
0x21: {  	[spmem:s18], [sflag:s7] =	dma.local @!p0 [hbm:s8], $0x100  }
0x22: {  	_ =	swait.ge @!p0 [sflag:s25], $0x100  }
0x23: {  	[sflag:s25] =	ssyncset.done @!p0 $0x0  }
0x24: {  	[sflag:s25] =	ssyncadd.s32 @!p0 $0xFFFFFF00  }
0x25: {  	[bflag:$0x0] =	sbarrier.arrive $0xFFFF  }
0x26: {  	[tilespmem:s3], [sflag:$0x9] =	stream.linear.gather [hbm4b:s9+s3], $0xC80, $0x38;
	[tilespmem:$0x1F880] =	vst v63  }
0x27: {  	s25 =	simm.s32 $0x1000  }
0x28: {  	[tilespmem:s25], [sflag:$0x9] =	stream.linear.gather [hbm4b:s19+s3], $0xC80, $0x38;
	[tilespmem:$0x1F880] =	vst v63  }
0x29: {  	_ =	swait.ge [sflag:s17], $0x1900  }
0x2a: {  	[sflag:s17] =	ssyncset.done $0x0  }
0x2b: {  	s26 =	simm.s32 $0x0;
	[sflag:s17] =	ssyncadd.s32 $0xFFFFE700  }
.LBB2_2:
0x2c: {  	s28 =	sadd.s32 $0xFFFFFFFC, s26;
	p2 =	seq.s32 s26, $0x1C  }
.Ltmp2:
0x2d: {  	p1 =	sgt.u32 s28, $0x18;
	(pc) =	sbr.rel @p2 .LBB2_4-.Ltmp2, $4  }
0x2e: {  	s28 =	simm.s32 @!p1 $0x5  }
0x2f: {  	_ =	swait.ge @!p1 [sflag:s28], $0x2800  }
0x30: {  	[sflag:s28] =	ssyncset.done @!p1 $0x0  }
0x31: {  	[sflag:s28] =	ssyncadd.s32 @!p1 $0xFFFFD800  }
0x32: {  	s28 =	sadd.s32 $0xFFFFF000, s25;
	s29 =	sadd.s32 $0xFFFFFFFD, s26  }
0x33: {  	[tilespmem:s22], [sflag:$0x1] =	stream.indirect.gather [hbm4b:s5+s21], $0x80, s28, s21, $0xb8;
	[tilespmem:$0x1F880] =	vst v63  }
0x34: {  	p1 =	sgt.u32 s29, $0x18  }
0x35: {  	s28 =	simm.s32 @!p1 $0x2  }
0x36: {  	s29 =	smax.u32 s26, $0x3;
	_ =	swait.ge @!p1 [sflag:s28], $0x2800  }
0x37: {  	s29 =	sshll.u32 @!p1 s29, $0x7;
	[sflag:s28] =	ssyncset.done @!p1 $0x0  }
0x38: {  	[sflag:s28] =	ssyncadd.s32 @!p1 $0xFFFFD800;
	s28 =	sand.u32 @!p1 $0x3FFFFF80, s29  }
0x39: {  	s30 =	simm.s32 @!p1 $0x4800;
	s29 =	simm.s32 @!p1 $0x50;
	s28 =	sadd.s32 @!p1 $0xE80, s28  }
0x3a: {  	[spmem:s2] =	stream.indirect.scatter.add.f32 @!p1 [tilespmem:s30], [sflag:$0x6], $0x80, s28, s29, $0xb8;
	[tilespmem:$0x1F880] =	vst v63  }
0x3b: {  	s28 =	sadd.s32 $0x1, s26;
	p1 =	seq.s32 s26, $0x0  }
0x3c: {  	p2 =	sgt.u32 @!p1 s28, $0x1C  }
0x3d: {  	p2 =	por p2, p1  }
0x3e: {  	s29 =	simm.s32 @!p2 $0x6  }
0x3f: {  	_ =	swait.ge @!p2 [sflag:s29], $0x2800  }
0x40: {  	[sflag:s29] =	ssyncset.done @!p2 $0x0  }
0x41: {  	[sflag:s29] =	ssyncadd.s32 @!p2 $0xFFFFD800;
	p2 =	sgt.u32 s28, $0x18  }
0x42: {  	s28 =	sadd.s32 @!p2 $0xFFFFF080, s25;
	s29 =	simm.s32 @!p2 $0x50;
	s30 =	simm.s32 @!p2 $0x4800  }
0x43: {  	[tilespmem:s30], [sflag:$0x2] =	stream.indirect.gather @!p2 [hbm4b:s5+s29], $0x80, s28, s29, $0xb8;
	[tilespmem:$0x1F880] =	vst v63  }
0x44: {  	s28 =	simm.s32 @!p1 $0x3  }
0x45: {  	s29 =	smax.u32 s26, $0x2;
	_ =	swait.ge @!p1 [sflag:s28], $0x2800  }
0x46: {  	s29 =	sshll.u32 @!p1 s29, $0x7;
	[sflag:s28] =	ssyncset.done @!p1 $0x0  }
0x47: {  	[sflag:s28] =	ssyncadd.s32 @!p1 $0xFFFFD800;
	s28 =	sand.u32 @!p1 $0x3FFFFF80, s29  }
0x48: {  	s30 =	simm.s32 @!p1 $0x7000;
	s29 =	simm.s32 @!p1 $0x50;
	s28 =	sadd.s32 @!p1 $0xF00, s28  }
0x49: {  	[spmem:s2] =	stream.indirect.scatter.add.f32 @!p1 [tilespmem:s30], [sflag:$0x7], $0x80, s28, s29, $0xb8;
	[tilespmem:$0x1F880] =	vst v63  }
0x4a: {  	s30 =	sadd.s32 $0xFFFFFFFE, s26  }
0x4b: {  	p2 =	sgt.u32 s30, $0x18  }
0x4c: {  	s28 =	simm.s32 @!p2 $0x7  }
0x4d: {  	_ =	swait.ge @!p2 [sflag:s28], $0x2800  }
0x4e: {  	s31 =	sadd.s32 $0x2, s26;
	[sflag:s28] =	ssyncset.done @!p2 $0x0  }
0x4f: {  	[sflag:s28] =	ssyncadd.s32 @!p2 $0xFFFFD800;
	p2 =	sgt.u32 s31, $0x18  }
0x50: {  	s28 =	sadd.s32 @!p2 $0xFFFFF100, s25;
	s30 =	simm.s32 @!p2 $0x50;
	s31 =	simm.s32 @!p2 $0x7000  }
0x51: {  	[tilespmem:s31], [sflag:$0x3] =	stream.indirect.gather @!p2 [hbm4b:s5+s30], $0x80, s28, s30, $0xb8;
	[tilespmem:$0x1F880] =	vst v63  }
0x52: {  	s28 =	smax.u32 s26, $0x1;
	s30 =	simm.s32 @!p1 $0x4  }
0x53: {  	_ =	swait.ge @!p1 [sflag:s30], $0x2800;
	s28 =	sshll.u32 @!p1 s28, $0x7  }
0x54: {  	[sflag:s30] =	ssyncset.done @!p1 $0x0;
	s28 =	sand.u32 @!p1 $0x3FFFFF80, s28  }
0x55: {  	[sflag:s30] =	ssyncadd.s32 @!p1 $0xFFFFD800;
	s28 =	sadd.s32 @!p1 $0xF80, s28;
	s30 =	simm.s32 @!p1 $0x9800  }
0x56: {  	[spmem:s2] =	stream.indirect.scatter.add.f32 @!p1 [tilespmem:s30], [sflag:$0x8], $0x80, s28, s29, $0xb8;
	[tilespmem:$0x1F880] =	vst v63  }
0x57: {  	s28 =	sadd.s32 $0x3, s26  }
0x58: {  	p2 =	sgt.u32 @!p1 s28, $0x1C  }
0x59: {  	p1 =	por p2, p1  }
0x5a: {  	s29 =	simm.s32 @!p1 $0x8  }
0x5b: {  	_ =	swait.ge @!p1 [sflag:s29], $0x2800  }
0x5c: {  	[sflag:s29] =	ssyncset.done @!p1 $0x0  }
0x5d: {  	[sflag:s29] =	ssyncadd.s32 @!p1 $0xFFFFD800;
	p1 =	sgt.u32 s28, $0x18  }
0x5e: {  	s28 =	sadd.s32 @!p1 $0xFFFFF180, s25;
	s29 =	simm.s32 @!p1 $0x50;
	s30 =	simm.s32 @!p1 $0x9800  }
0x5f: {  	[tilespmem:s30], [sflag:$0x4] =	stream.indirect.gather @!p1 [hbm4b:s5+s29], $0x80, s28, s29, $0xb8;
	[tilespmem:$0x1F880] =	vst v63  }
.Ltmp3:
0x60: {  	_ =	swait.ge [sflag:s23], $0x2800;
	(pc) =	sbr.rel .LBB2_2-.Ltmp3, $4  }
0x61: {  	[sflag:s23] =	ssyncset.done $0x0  }
0x62: {  	[sflag:s23] =	ssyncadd.s32 $0xFFFFD800  }
0x63: {  	[spmem:s2] =	stream.indirect.scatter.add.f32 [tilespmem:s22], [sflag:$0x5], $0x80, s25, s21, $0xb8;
	[tilespmem:$0x1F880] =	vst v63  }
0x64: {  	s26 =	sadd.s32 $0x4, s26;
	s25 =	sadd.s32 $0x200, s25  }
.LBB2_4:
0x65: {  	s25 =	simm.s32 $0x0  }
0x66: {  	[tilespmem:s25], [sflag:$0x9] =	stream.linear.gather [hbm4b:s10+s25], $0xC80, $0x38;
	[tilespmem:$0x1F880] =	vst v63  }
0x67: {  	s26 =	simm.s32 $0x1000  }
0x68: {  	[tilespmem:s26], [sflag:$0x9] =	stream.linear.gather [hbm4b:s20+s25], $0xC80, $0x38;
	[tilespmem:$0x1F880] =	vst v63  }
0x69: {  	_ =	swait.ge [sflag:s17], $0x1900  }
0x6a: {  	[sflag:s17] =	ssyncset.done $0x0  }
0x6b: {  	[sflag:s17] =	ssyncadd.s32 $0xFFFFE700  }
.LBB2_5:
0x6c: {  	s28 =	sadd.s32 $0xFFFFFFFC, s25;
	p2 =	seq.s32 s25, $0x1C  }
.Ltmp4:
0x6d: {  	p1 =	sgt.u32 s28, $0x18;
	(pc) =	sbr.rel @p2 .LBB2_7-.Ltmp4, $4  }
0x6e: {  	s28 =	simm.s32 @!p1 $0x5  }
0x6f: {  	_ =	swait.ge @!p1 [sflag:s28], $0x2800  }
0x70: {  	[sflag:s28] =	ssyncset.done @!p1 $0x0  }
0x71: {  	[sflag:s28] =	ssyncadd.s32 @!p1 $0xFFFFD800  }
0x72: {  	s28 =	sadd.s32 $0xFFFFF000, s26;
	s29 =	sadd.s32 $0xFFFFFFFD, s25  }
0x73: {  	[tilespmem:s22], [sflag:$0x1] =	stream.indirect.gather [hbm4b:s5+s21], $0x80, s28, s21, $0xb8;
	[tilespmem:$0x1F880] =	vst v63  }
0x74: {  	p1 =	sgt.u32 s29, $0x18  }
0x75: {  	s28 =	simm.s32 @!p1 $0x2  }
0x76: {  	s29 =	smax.u32 s25, $0x3;
	_ =	swait.ge @!p1 [sflag:s28], $0x2800  }
0x77: {  	s29 =	sshll.u32 @!p1 s29, $0x7;
	[sflag:s28] =	ssyncset.done @!p1 $0x0  }
0x78: {  	[sflag:s28] =	ssyncadd.s32 @!p1 $0xFFFFD800;
	s28 =	sand.u32 @!p1 $0x3FFFFF80, s29  }
0x79: {  	s30 =	simm.s32 @!p1 $0x4800;
	s29 =	simm.s32 @!p1 $0x50;
	s28 =	sadd.s32 @!p1 $0xE80, s28  }
0x7a: {  	[spmem:s2] =	stream.indirect.scatter.add.f32 @!p1 [tilespmem:s30], [sflag:$0x6], $0x80, s28, s29, $0xb8;
	[tilespmem:$0x1F880] =	vst v63  }
0x7b: {  	s28 =	sadd.s32 $0x1, s25;
	p1 =	seq.s32 s25, $0x0  }
0x7c: {  	p2 =	sgt.u32 @!p1 s28, $0x1C  }
0x7d: {  	p2 =	por p2, p1  }
0x7e: {  	s29 =	simm.s32 @!p2 $0x6  }
0x7f: {  	_ =	swait.ge @!p2 [sflag:s29], $0x2800  }
0x80: {  	[sflag:s29] =	ssyncset.done @!p2 $0x0  }
0x81: {  	[sflag:s29] =	ssyncadd.s32 @!p2 $0xFFFFD800;
	p2 =	sgt.u32 s28, $0x18  }
0x82: {  	s28 =	sadd.s32 @!p2 $0xFFFFF080, s26;
	s29 =	simm.s32 @!p2 $0x50;
	s30 =	simm.s32 @!p2 $0x4800  }
0x83: {  	[tilespmem:s30], [sflag:$0x2] =	stream.indirect.gather @!p2 [hbm4b:s5+s29], $0x80, s28, s29, $0xb8;
	[tilespmem:$0x1F880] =	vst v63  }
0x84: {  	s28 =	simm.s32 @!p1 $0x3  }
0x85: {  	s29 =	smax.u32 s25, $0x2;
	_ =	swait.ge @!p1 [sflag:s28], $0x2800  }
0x86: {  	s29 =	sshll.u32 @!p1 s29, $0x7;
	[sflag:s28] =	ssyncset.done @!p1 $0x0  }
0x87: {  	[sflag:s28] =	ssyncadd.s32 @!p1 $0xFFFFD800;
	s28 =	sand.u32 @!p1 $0x3FFFFF80, s29  }
0x88: {  	s30 =	simm.s32 @!p1 $0x7000;
	s29 =	simm.s32 @!p1 $0x50;
	s28 =	sadd.s32 @!p1 $0xF00, s28  }
0x89: {  	[spmem:s2] =	stream.indirect.scatter.add.f32 @!p1 [tilespmem:s30], [sflag:$0x7], $0x80, s28, s29, $0xb8;
	[tilespmem:$0x1F880] =	vst v63  }
0x8a: {  	s30 =	sadd.s32 $0xFFFFFFFE, s25  }
0x8b: {  	p2 =	sgt.u32 s30, $0x18  }
0x8c: {  	s28 =	simm.s32 @!p2 $0x7  }
0x8d: {  	_ =	swait.ge @!p2 [sflag:s28], $0x2800  }
0x8e: {  	s31 =	sadd.s32 $0x2, s25;
	[sflag:s28] =	ssyncset.done @!p2 $0x0  }
0x8f: {  	[sflag:s28] =	ssyncadd.s32 @!p2 $0xFFFFD800;
	p2 =	sgt.u32 s31, $0x18  }
0x90: {  	s28 =	sadd.s32 @!p2 $0xFFFFF100, s26;
	s30 =	simm.s32 @!p2 $0x50;
	s31 =	simm.s32 @!p2 $0x7000  }
0x91: {  	[tilespmem:s31], [sflag:$0x3] =	stream.indirect.gather @!p2 [hbm4b:s5+s30], $0x80, s28, s30, $0xb8;
	[tilespmem:$0x1F880] =	vst v63  }
0x92: {  	s28 =	smax.u32 s25, $0x1;
	s30 =	simm.s32 @!p1 $0x4  }
0x93: {  	_ =	swait.ge @!p1 [sflag:s30], $0x2800;
	s28 =	sshll.u32 @!p1 s28, $0x7  }
0x94: {  	[sflag:s30] =	ssyncset.done @!p1 $0x0;
	s28 =	sand.u32 @!p1 $0x3FFFFF80, s28  }
0x95: {  	[sflag:s30] =	ssyncadd.s32 @!p1 $0xFFFFD800;
	s28 =	sadd.s32 @!p1 $0xF80, s28;
	s30 =	simm.s32 @!p1 $0x9800  }
0x96: {  	[spmem:s2] =	stream.indirect.scatter.add.f32 @!p1 [tilespmem:s30], [sflag:$0x8], $0x80, s28, s29, $0xb8;
	[tilespmem:$0x1F880] =	vst v63  }
0x97: {  	s28 =	sadd.s32 $0x3, s25  }
0x98: {  	p2 =	sgt.u32 @!p1 s28, $0x1C  }
0x99: {  	p1 =	por p2, p1  }
0x9a: {  	s29 =	simm.s32 @!p1 $0x8  }
0x9b: {  	_ =	swait.ge @!p1 [sflag:s29], $0x2800  }
0x9c: {  	[sflag:s29] =	ssyncset.done @!p1 $0x0  }
0x9d: {  	[sflag:s29] =	ssyncadd.s32 @!p1 $0xFFFFD800;
	p1 =	sgt.u32 s28, $0x18  }
0x9e: {  	s28 =	sadd.s32 @!p1 $0xFFFFF180, s26;
	s29 =	simm.s32 @!p1 $0x50;
	s30 =	simm.s32 @!p1 $0x9800  }
0x9f: {  	[tilespmem:s30], [sflag:$0x4] =	stream.indirect.gather @!p1 [hbm4b:s5+s29], $0x80, s28, s29, $0xb8;
	[tilespmem:$0x1F880] =	vst v63  }
.Ltmp5:
0xa0: {  	_ =	swait.ge [sflag:s23], $0x2800;
	(pc) =	sbr.rel .LBB2_5-.Ltmp5, $4  }
0xa1: {  	[sflag:s23] =	ssyncset.done $0x0  }
0xa2: {  	[sflag:s23] =	ssyncadd.s32 $0xFFFFD800  }
0xa3: {  	[spmem:s2] =	stream.indirect.scatter.add.f32 [tilespmem:s22], [sflag:$0x5], $0x80, s26, s21, $0xb8;
	[tilespmem:$0x1F880] =	vst v63  }
0xa4: {  	s25 =	sadd.s32 $0x4, s25;
	s26 =	sadd.s32 $0x200, s26  }
.LBB2_7:
0xa5: {  	s25 =	simm.s32 $0x0  }
0xa6: {  	[tilespmem:s25], [sflag:$0x9] =	stream.linear.gather [hbm4b:s11+s25], $0xC80, $0x38;
	[tilespmem:$0x1F880] =	vst v63  }
0xa7: {  	s28 =	sadd.s32 $0x200, s11;
	s26 =	simm.s32 $0x1000  }
0xa8: {  	[tilespmem:s26], [sflag:$0x9] =	stream.linear.gather [hbm4b:s28+s25], $0xC80, $0x38;
	[tilespmem:$0x1F880] =	vst v63  }
0xa9: {  	_ =	swait.ge [sflag:s17], $0x1900  }
0xaa: {  	[sflag:s17] =	ssyncset.done $0x0  }
0xab: {  	[sflag:s17] =	ssyncadd.s32 $0xFFFFE700  }
.LBB2_8:
0xac: {  	s28 =	sadd.s32 $0xFFFFFFFC, s25;
	p2 =	seq.s32 s25, $0x1C  }
.Ltmp6:
0xad: {  	p1 =	sgt.u32 s28, $0x18;
	(pc) =	sbr.rel @p2 .LBB2_10-.Ltmp6, $4  }
0xae: {  	s28 =	simm.s32 @!p1 $0x5  }
0xaf: {  	_ =	swait.ge @!p1 [sflag:s28], $0x2800  }
0xb0: {  	[sflag:s28] =	ssyncset.done @!p1 $0x0  }
0xb1: {  	[sflag:s28] =	ssyncadd.s32 @!p1 $0xFFFFD800  }
0xb2: {  	s28 =	sadd.s32 $0xFFFFF000, s26;
	s29 =	sadd.s32 $0xFFFFFFFD, s25  }
0xb3: {  	[tilespmem:s22], [sflag:$0x1] =	stream.indirect.gather [hbm4b:s5+s21], $0x80, s28, s21, $0xb8;
	[tilespmem:$0x1F880] =	vst v63  }
0xb4: {  	p1 =	sgt.u32 s29, $0x18  }
0xb5: {  	s28 =	simm.s32 @!p1 $0x2  }
0xb6: {  	s29 =	smax.u32 s25, $0x3;
	_ =	swait.ge @!p1 [sflag:s28], $0x2800  }
0xb7: {  	s29 =	sshll.u32 @!p1 s29, $0x7;
	[sflag:s28] =	ssyncset.done @!p1 $0x0  }
0xb8: {  	[sflag:s28] =	ssyncadd.s32 @!p1 $0xFFFFD800;
	s28 =	sand.u32 @!p1 $0x3FFFFF80, s29  }
0xb9: {  	s30 =	simm.s32 @!p1 $0x4800;
	s29 =	simm.s32 @!p1 $0x50;
	s28 =	sadd.s32 @!p1 $0xE80, s28  }
0xba: {  	[spmem:s2] =	stream.indirect.scatter.add.f32 @!p1 [tilespmem:s30], [sflag:$0x6], $0x80, s28, s29, $0xb8;
	[tilespmem:$0x1F880] =	vst v63  }
0xbb: {  	s28 =	sadd.s32 $0x1, s25;
	p1 =	seq.s32 s25, $0x0  }
0xbc: {  	p2 =	sgt.u32 @!p1 s28, $0x1C  }
0xbd: {  	p2 =	por p2, p1  }
0xbe: {  	s29 =	simm.s32 @!p2 $0x6  }
0xbf: {  	_ =	swait.ge @!p2 [sflag:s29], $0x2800  }
0xc0: {  	[sflag:s29] =	ssyncset.done @!p2 $0x0  }
0xc1: {  	[sflag:s29] =	ssyncadd.s32 @!p2 $0xFFFFD800;
	p2 =	sgt.u32 s28, $0x18  }
0xc2: {  	s28 =	sadd.s32 @!p2 $0xFFFFF080, s26;
	s29 =	simm.s32 @!p2 $0x50;
	s30 =	simm.s32 @!p2 $0x4800  }
0xc3: {  	[tilespmem:s30], [sflag:$0x2] =	stream.indirect.gather @!p2 [hbm4b:s5+s29], $0x80, s28, s29, $0xb8;
	[tilespmem:$0x1F880] =	vst v63  }
0xc4: {  	s28 =	simm.s32 @!p1 $0x3  }
0xc5: {  	s29 =	smax.u32 s25, $0x2;
	_ =	swait.ge @!p1 [sflag:s28], $0x2800  }
0xc6: {  	s29 =	sshll.u32 @!p1 s29, $0x7;
	[sflag:s28] =	ssyncset.done @!p1 $0x0  }
0xc7: {  	[sflag:s28] =	ssyncadd.s32 @!p1 $0xFFFFD800;
	s28 =	sand.u32 @!p1 $0x3FFFFF80, s29  }
0xc8: {  	s30 =	simm.s32 @!p1 $0x7000;
	s29 =	simm.s32 @!p1 $0x50;
	s28 =	sadd.s32 @!p1 $0xF00, s28  }
0xc9: {  	[spmem:s2] =	stream.indirect.scatter.add.f32 @!p1 [tilespmem:s30], [sflag:$0x7], $0x80, s28, s29, $0xb8;
	[tilespmem:$0x1F880] =	vst v63  }
0xca: {  	s30 =	sadd.s32 $0xFFFFFFFE, s25  }
0xcb: {  	p2 =	sgt.u32 s30, $0x18  }
0xcc: {  	s28 =	simm.s32 @!p2 $0x7  }
0xcd: {  	_ =	swait.ge @!p2 [sflag:s28], $0x2800  }
0xce: {  	s31 =	sadd.s32 $0x2, s25;
	[sflag:s28] =	ssyncset.done @!p2 $0x0  }
0xcf: {  	[sflag:s28] =	ssyncadd.s32 @!p2 $0xFFFFD800;
	p2 =	sgt.u32 s31, $0x18  }
0xd0: {  	s28 =	sadd.s32 @!p2 $0xFFFFF100, s26;
	s30 =	simm.s32 @!p2 $0x50;
	s31 =	simm.s32 @!p2 $0x7000  }
0xd1: {  	[tilespmem:s31], [sflag:$0x3] =	stream.indirect.gather @!p2 [hbm4b:s5+s30], $0x80, s28, s30, $0xb8;
	[tilespmem:$0x1F880] =	vst v63  }
0xd2: {  	s28 =	smax.u32 s25, $0x1;
	s30 =	simm.s32 @!p1 $0x4  }
0xd3: {  	_ =	swait.ge @!p1 [sflag:s30], $0x2800;
	s28 =	sshll.u32 @!p1 s28, $0x7  }
0xd4: {  	[sflag:s30] =	ssyncset.done @!p1 $0x0;
	s28 =	sand.u32 @!p1 $0x3FFFFF80, s28  }
0xd5: {  	[sflag:s30] =	ssyncadd.s32 @!p1 $0xFFFFD800;
	s28 =	sadd.s32 @!p1 $0xF80, s28;
	s30 =	simm.s32 @!p1 $0x9800  }
0xd6: {  	[spmem:s2] =	stream.indirect.scatter.add.f32 @!p1 [tilespmem:s30], [sflag:$0x8], $0x80, s28, s29, $0xb8;
	[tilespmem:$0x1F880] =	vst v63  }
0xd7: {  	s28 =	sadd.s32 $0x3, s25  }
0xd8: {  	p2 =	sgt.u32 @!p1 s28, $0x1C  }
0xd9: {  	p1 =	por p2, p1  }
0xda: {  	s29 =	simm.s32 @!p1 $0x8  }
0xdb: {  	_ =	swait.ge @!p1 [sflag:s29], $0x2800  }
0xdc: {  	[sflag:s29] =	ssyncset.done @!p1 $0x0  }
0xdd: {  	[sflag:s29] =	ssyncadd.s32 @!p1 $0xFFFFD800;
	p1 =	sgt.u32 s28, $0x18  }
0xde: {  	s28 =	sadd.s32 @!p1 $0xFFFFF180, s26;
	s29 =	simm.s32 @!p1 $0x50;
	s30 =	simm.s32 @!p1 $0x9800  }
0xdf: {  	[tilespmem:s30], [sflag:$0x4] =	stream.indirect.gather @!p1 [hbm4b:s5+s29], $0x80, s28, s29, $0xb8;
	[tilespmem:$0x1F880] =	vst v63  }
.Ltmp7:
0xe0: {  	_ =	swait.ge [sflag:s23], $0x2800;
	(pc) =	sbr.rel .LBB2_8-.Ltmp7, $4  }
0xe1: {  	[sflag:s23] =	ssyncset.done $0x0  }
0xe2: {  	[sflag:s23] =	ssyncadd.s32 $0xFFFFD800  }
0xe3: {  	[spmem:s2] =	stream.indirect.scatter.add.f32 [tilespmem:s22], [sflag:$0x5], $0x80, s26, s21, $0xb8;
	[tilespmem:$0x1F880] =	vst v63  }
0xe4: {  	s25 =	sadd.s32 $0x4, s25;
	s26 =	sadd.s32 $0x200, s26  }
.LBB2_10:
0xe5: {  	s25 =	simm.s32 $0x0  }
0xe6: {  	[tilespmem:s25], [sflag:$0x9] =	stream.linear.gather [hbm4b:s12+s25], $0xC80, $0x38;
	[tilespmem:$0x1F880] =	vst v63  }
0xe7: {  	s28 =	sadd.s32 $0x200, s12;
	s26 =	simm.s32 $0x1000  }
0xe8: {  	[tilespmem:s26], [sflag:$0x9] =	stream.linear.gather [hbm4b:s28+s25], $0xC80, $0x38;
	[tilespmem:$0x1F880] =	vst v63  }
0xe9: {  	_ =	swait.ge [sflag:s17], $0x1900  }
0xea: {  	[sflag:s17] =	ssyncset.done $0x0  }
0xeb: {  	[sflag:s17] =	ssyncadd.s32 $0xFFFFE700  }
.LBB2_11:
0xec: {  	s28 =	sadd.s32 $0xFFFFFFFC, s25;
	p2 =	seq.s32 s25, $0x1C  }
.Ltmp8:
0xed: {  	p1 =	sgt.u32 s28, $0x18;
	(pc) =	sbr.rel @p2 .LBB2_13-.Ltmp8, $4  }
0xee: {  	s28 =	simm.s32 @!p1 $0x5  }
0xef: {  	_ =	swait.ge @!p1 [sflag:s28], $0x2800  }
0xf0: {  	[sflag:s28] =	ssyncset.done @!p1 $0x0  }
0xf1: {  	[sflag:s28] =	ssyncadd.s32 @!p1 $0xFFFFD800  }
0xf2: {  	s28 =	sadd.s32 $0xFFFFF000, s26;
	s29 =	sadd.s32 $0xFFFFFFFD, s25  }
0xf3: {  	[tilespmem:s22], [sflag:$0x1] =	stream.indirect.gather [hbm4b:s5+s21], $0x80, s28, s21, $0xb8;
	[tilespmem:$0x1F880] =	vst v63  }
0xf4: {  	p1 =	sgt.u32 s29, $0x18  }
0xf5: {  	s28 =	simm.s32 @!p1 $0x2  }
0xf6: {  	s29 =	smax.u32 s25, $0x3;
	_ =	swait.ge @!p1 [sflag:s28], $0x2800  }
0xf7: {  	s29 =	sshll.u32 @!p1 s29, $0x7;
	[sflag:s28] =	ssyncset.done @!p1 $0x0  }
0xf8: {  	[sflag:s28] =	ssyncadd.s32 @!p1 $0xFFFFD800;
	s28 =	sand.u32 @!p1 $0x3FFFFF80, s29  }
0xf9: {  	s30 =	simm.s32 @!p1 $0x4800;
	s29 =	simm.s32 @!p1 $0x50;
	s28 =	sadd.s32 @!p1 $0xE80, s28  }
0xfa: {  	[spmem:s2] =	stream.indirect.scatter.add.f32 @!p1 [tilespmem:s30], [sflag:$0x6], $0x80, s28, s29, $0xb8;
	[tilespmem:$0x1F880] =	vst v63  }
0xfb: {  	s28 =	sadd.s32 $0x1, s25;
	p1 =	seq.s32 s25, $0x0  }
0xfc: {  	p2 =	sgt.u32 @!p1 s28, $0x1C  }
0xfd: {  	p2 =	por p2, p1  }
0xfe: {  	s29 =	simm.s32 @!p2 $0x6  }
0xff: {  	_ =	swait.ge @!p2 [sflag:s29], $0x2800  }
0x100: {  	[sflag:s29] =	ssyncset.done @!p2 $0x0  }
0x101: {  	[sflag:s29] =	ssyncadd.s32 @!p2 $0xFFFFD800;
	p2 =	sgt.u32 s28, $0x18  }
0x102: {  	s28 =	sadd.s32 @!p2 $0xFFFFF080, s26;
	s29 =	simm.s32 @!p2 $0x50;
	s30 =	simm.s32 @!p2 $0x4800  }
0x103: {  	[tilespmem:s30], [sflag:$0x2] =	stream.indirect.gather @!p2 [hbm4b:s5+s29], $0x80, s28, s29, $0xb8;
	[tilespmem:$0x1F880] =	vst v63  }
0x104: {  	s28 =	simm.s32 @!p1 $0x3  }
0x105: {  	s29 =	smax.u32 s25, $0x2;
	_ =	swait.ge @!p1 [sflag:s28], $0x2800  }
0x106: {  	s29 =	sshll.u32 @!p1 s29, $0x7;
	[sflag:s28] =	ssyncset.done @!p1 $0x0  }
0x107: {  	[sflag:s28] =	ssyncadd.s32 @!p1 $0xFFFFD800;
	s28 =	sand.u32 @!p1 $0x3FFFFF80, s29  }
0x108: {  	s30 =	simm.s32 @!p1 $0x7000;
	s29 =	simm.s32 @!p1 $0x50;
	s28 =	sadd.s32 @!p1 $0xF00, s28  }
0x109: {  	[spmem:s2] =	stream.indirect.scatter.add.f32 @!p1 [tilespmem:s30], [sflag:$0x7], $0x80, s28, s29, $0xb8;
	[tilespmem:$0x1F880] =	vst v63  }
0x10a: {  	s30 =	sadd.s32 $0xFFFFFFFE, s25  }
0x10b: {  	p2 =	sgt.u32 s30, $0x18  }
0x10c: {  	s28 =	simm.s32 @!p2 $0x7  }
0x10d: {  	_ =	swait.ge @!p2 [sflag:s28], $0x2800  }
0x10e: {  	s31 =	sadd.s32 $0x2, s25;
	[sflag:s28] =	ssyncset.done @!p2 $0x0  }
0x10f: {  	[sflag:s28] =	ssyncadd.s32 @!p2 $0xFFFFD800;
	p2 =	sgt.u32 s31, $0x18  }
0x110: {  	s28 =	sadd.s32 @!p2 $0xFFFFF100, s26;
	s30 =	simm.s32 @!p2 $0x50;
	s31 =	simm.s32 @!p2 $0x7000  }
0x111: {  	[tilespmem:s31], [sflag:$0x3] =	stream.indirect.gather @!p2 [hbm4b:s5+s30], $0x80, s28, s30, $0xb8;
	[tilespmem:$0x1F880] =	vst v63  }
0x112: {  	s28 =	smax.u32 s25, $0x1;
	s30 =	simm.s32 @!p1 $0x4  }
0x113: {  	_ =	swait.ge @!p1 [sflag:s30], $0x2800;
	s28 =	sshll.u32 @!p1 s28, $0x7  }
0x114: {  	[sflag:s30] =	ssyncset.done @!p1 $0x0;
	s28 =	sand.u32 @!p1 $0x3FFFFF80, s28  }
0x115: {  	[sflag:s30] =	ssyncadd.s32 @!p1 $0xFFFFD800;
	s28 =	sadd.s32 @!p1 $0xF80, s28;
	s30 =	simm.s32 @!p1 $0x9800  }
0x116: {  	[spmem:s2] =	stream.indirect.scatter.add.f32 @!p1 [tilespmem:s30], [sflag:$0x8], $0x80, s28, s29, $0xb8;
	[tilespmem:$0x1F880] =	vst v63  }
0x117: {  	s28 =	sadd.s32 $0x3, s25  }
0x118: {  	p2 =	sgt.u32 @!p1 s28, $0x1C  }
0x119: {  	p1 =	por p2, p1  }
0x11a: {  	s29 =	simm.s32 @!p1 $0x8  }
0x11b: {  	_ =	swait.ge @!p1 [sflag:s29], $0x2800  }
0x11c: {  	[sflag:s29] =	ssyncset.done @!p1 $0x0  }
0x11d: {  	[sflag:s29] =	ssyncadd.s32 @!p1 $0xFFFFD800;
	p1 =	sgt.u32 s28, $0x18  }
0x11e: {  	s28 =	sadd.s32 @!p1 $0xFFFFF180, s26;
	s29 =	simm.s32 @!p1 $0x50;
	s30 =	simm.s32 @!p1 $0x9800  }
0x11f: {  	[tilespmem:s30], [sflag:$0x4] =	stream.indirect.gather @!p1 [hbm4b:s5+s29], $0x80, s28, s29, $0xb8;
	[tilespmem:$0x1F880] =	vst v63  }
.Ltmp9:
0x120: {  	_ =	swait.ge [sflag:s23], $0x2800;
	(pc) =	sbr.rel .LBB2_11-.Ltmp9, $4  }
0x121: {  	[sflag:s23] =	ssyncset.done $0x0  }
0x122: {  	[sflag:s23] =	ssyncadd.s32 $0xFFFFD800  }
0x123: {  	[spmem:s2] =	stream.indirect.scatter.add.f32 [tilespmem:s22], [sflag:$0x5], $0x80, s26, s21, $0xb8;
	[tilespmem:$0x1F880] =	vst v63  }
0x124: {  	s25 =	sadd.s32 $0x4, s25;
	s26 =	sadd.s32 $0x200, s26  }
.LBB2_13:
0x125: {  	s25 =	simm.s32 $0x0  }
0x126: {  	[tilespmem:s25], [sflag:$0x9] =	stream.linear.gather [hbm4b:s13+s25], $0xC80, $0x38;
	[tilespmem:$0x1F880] =	vst v63  }
0x127: {  	s28 =	sadd.s32 $0x200, s13;
	s26 =	simm.s32 $0x1000  }
0x128: {  	[tilespmem:s26], [sflag:$0x9] =	stream.linear.gather [hbm4b:s28+s25], $0xC80, $0x38;
	[tilespmem:$0x1F880] =	vst v63  }
0x129: {  	_ =	swait.ge [sflag:s17], $0x1900  }
0x12a: {  	[sflag:s17] =	ssyncset.done $0x0  }
0x12b: {  	[sflag:s17] =	ssyncadd.s32 $0xFFFFE700  }
.LBB2_14:
0x12c: {  	s28 =	sadd.s32 $0xFFFFFFFC, s25;
	p2 =	seq.s32 s25, $0x1C  }
.Ltmp10:
0x12d: {  	p1 =	sgt.u32 s28, $0x18;
	(pc) =	sbr.rel @p2 .LBB2_16-.Ltmp10, $4  }
0x12e: {  	s28 =	simm.s32 @!p1 $0x5  }
0x12f: {  	_ =	swait.ge @!p1 [sflag:s28], $0x2800  }
0x130: {  	[sflag:s28] =	ssyncset.done @!p1 $0x0  }
0x131: {  	[sflag:s28] =	ssyncadd.s32 @!p1 $0xFFFFD800  }
0x132: {  	s28 =	sadd.s32 $0xFFFFF000, s26;
	s29 =	sadd.s32 $0xFFFFFFFD, s25  }
0x133: {  	[tilespmem:s22], [sflag:$0x1] =	stream.indirect.gather [hbm4b:s5+s21], $0x80, s28, s21, $0xb8;
	[tilespmem:$0x1F880] =	vst v63  }
0x134: {  	p1 =	sgt.u32 s29, $0x18  }
0x135: {  	s28 =	simm.s32 @!p1 $0x2  }
0x136: {  	s29 =	smax.u32 s25, $0x3;
	_ =	swait.ge @!p1 [sflag:s28], $0x2800  }
0x137: {  	s29 =	sshll.u32 @!p1 s29, $0x7;
	[sflag:s28] =	ssyncset.done @!p1 $0x0  }
0x138: {  	[sflag:s28] =	ssyncadd.s32 @!p1 $0xFFFFD800;
	s28 =	sand.u32 @!p1 $0x3FFFFF80, s29  }
0x139: {  	s30 =	simm.s32 @!p1 $0x4800;
	s29 =	simm.s32 @!p1 $0x50;
	s28 =	sadd.s32 @!p1 $0xE80, s28  }
0x13a: {  	[spmem:s2] =	stream.indirect.scatter.add.f32 @!p1 [tilespmem:s30], [sflag:$0x6], $0x80, s28, s29, $0xb8;
	[tilespmem:$0x1F880] =	vst v63  }
0x13b: {  	s28 =	sadd.s32 $0x1, s25;
	p1 =	seq.s32 s25, $0x0  }
0x13c: {  	p2 =	sgt.u32 @!p1 s28, $0x1C  }
0x13d: {  	p2 =	por p2, p1  }
0x13e: {  	s29 =	simm.s32 @!p2 $0x6  }
0x13f: {  	_ =	swait.ge @!p2 [sflag:s29], $0x2800  }
0x140: {  	[sflag:s29] =	ssyncset.done @!p2 $0x0  }
0x141: {  	[sflag:s29] =	ssyncadd.s32 @!p2 $0xFFFFD800;
	p2 =	sgt.u32 s28, $0x18  }
0x142: {  	s28 =	sadd.s32 @!p2 $0xFFFFF080, s26;
	s29 =	simm.s32 @!p2 $0x50;
	s30 =	simm.s32 @!p2 $0x4800  }
0x143: {  	[tilespmem:s30], [sflag:$0x2] =	stream.indirect.gather @!p2 [hbm4b:s5+s29], $0x80, s28, s29, $0xb8;
	[tilespmem:$0x1F880] =	vst v63  }
0x144: {  	s28 =	simm.s32 @!p1 $0x3  }
0x145: {  	s29 =	smax.u32 s25, $0x2;
	_ =	swait.ge @!p1 [sflag:s28], $0x2800  }
0x146: {  	s29 =	sshll.u32 @!p1 s29, $0x7;
	[sflag:s28] =	ssyncset.done @!p1 $0x0  }
0x147: {  	[sflag:s28] =	ssyncadd.s32 @!p1 $0xFFFFD800;
	s28 =	sand.u32 @!p1 $0x3FFFFF80, s29  }
0x148: {  	s30 =	simm.s32 @!p1 $0x7000;
	s29 =	simm.s32 @!p1 $0x50;
	s28 =	sadd.s32 @!p1 $0xF00, s28  }
0x149: {  	[spmem:s2] =	stream.indirect.scatter.add.f32 @!p1 [tilespmem:s30], [sflag:$0x7], $0x80, s28, s29, $0xb8;
	[tilespmem:$0x1F880] =	vst v63  }
0x14a: {  	s30 =	sadd.s32 $0xFFFFFFFE, s25  }
0x14b: {  	p2 =	sgt.u32 s30, $0x18  }
0x14c: {  	s28 =	simm.s32 @!p2 $0x7  }
0x14d: {  	_ =	swait.ge @!p2 [sflag:s28], $0x2800  }
0x14e: {  	s31 =	sadd.s32 $0x2, s25;
	[sflag:s28] =	ssyncset.done @!p2 $0x0  }
0x14f: {  	[sflag:s28] =	ssyncadd.s32 @!p2 $0xFFFFD800;
	p2 =	sgt.u32 s31, $0x18  }
0x150: {  	s28 =	sadd.s32 @!p2 $0xFFFFF100, s26;
	s30 =	simm.s32 @!p2 $0x50;
	s31 =	simm.s32 @!p2 $0x7000  }
0x151: {  	[tilespmem:s31], [sflag:$0x3] =	stream.indirect.gather @!p2 [hbm4b:s5+s30], $0x80, s28, s30, $0xb8;
	[tilespmem:$0x1F880] =	vst v63  }
0x152: {  	s28 =	smax.u32 s25, $0x1;
	s30 =	simm.s32 @!p1 $0x4  }
0x153: {  	_ =	swait.ge @!p1 [sflag:s30], $0x2800;
	s28 =	sshll.u32 @!p1 s28, $0x7  }
0x154: {  	[sflag:s30] =	ssyncset.done @!p1 $0x0;
	s28 =	sand.u32 @!p1 $0x3FFFFF80, s28  }
0x155: {  	[sflag:s30] =	ssyncadd.s32 @!p1 $0xFFFFD800;
	s28 =	sadd.s32 @!p1 $0xF80, s28;
	s30 =	simm.s32 @!p1 $0x9800  }
0x156: {  	[spmem:s2] =	stream.indirect.scatter.add.f32 @!p1 [tilespmem:s30], [sflag:$0x8], $0x80, s28, s29, $0xb8;
	[tilespmem:$0x1F880] =	vst v63  }
0x157: {  	s28 =	sadd.s32 $0x3, s25  }
0x158: {  	p2 =	sgt.u32 @!p1 s28, $0x1C  }
0x159: {  	p1 =	por p2, p1  }
0x15a: {  	s29 =	simm.s32 @!p1 $0x8  }
0x15b: {  	_ =	swait.ge @!p1 [sflag:s29], $0x2800  }
0x15c: {  	[sflag:s29] =	ssyncset.done @!p1 $0x0  }
0x15d: {  	[sflag:s29] =	ssyncadd.s32 @!p1 $0xFFFFD800;
	p1 =	sgt.u32 s28, $0x18  }
0x15e: {  	s28 =	sadd.s32 @!p1 $0xFFFFF180, s26;
	s29 =	simm.s32 @!p1 $0x50;
	s30 =	simm.s32 @!p1 $0x9800  }
0x15f: {  	[tilespmem:s30], [sflag:$0x4] =	stream.indirect.gather @!p1 [hbm4b:s5+s29], $0x80, s28, s29, $0xb8;
	[tilespmem:$0x1F880] =	vst v63  }
.Ltmp11:
0x160: {  	_ =	swait.ge [sflag:s23], $0x2800;
	(pc) =	sbr.rel .LBB2_14-.Ltmp11, $4  }
0x161: {  	[sflag:s23] =	ssyncset.done $0x0  }
0x162: {  	[sflag:s23] =	ssyncadd.s32 $0xFFFFD800  }
0x163: {  	[spmem:s2] =	stream.indirect.scatter.add.f32 [tilespmem:s22], [sflag:$0x5], $0x80, s26, s21, $0xb8;
	[tilespmem:$0x1F880] =	vst v63  }
0x164: {  	s25 =	sadd.s32 $0x4, s25;
	s26 =	sadd.s32 $0x200, s26  }
.LBB2_17:
0x165: {  	_ =	sfence.sel $0x180000  }
0x166: {  	[bflag:$0x0] =	sbarrier.arrive $0xFFFF  }
0x167: {  	p0 =	sne.s32 s0, $0x0;
	_ =	strace $0x9000004A  }
0x168: {  	s0 =	sadd.s32 @!p0 $0x100000, s1;
	[bflag:$0x2] =	sbarrier.arrive $0xFFFF  }
0x169: {  	[sflag:s0] =	ssyncadd.tile.s32 @!p0 $0x1;
	_ =	shalt  }
.Lfunc_end2:
_tile_overlayer_lowered:
.L_overlay_start_2:
0x16a: {  	(tag) =	ssettag $0x2  }
0x16b: {  	s0 =	rddreg [dreg:$0x0];
	s2 =	stileid.u32  }
0x16c: {  	s1 =	rddreg [dreg:$0x1];
	p0 =	sne.s32 s2, $0x0  }
0x16d: {  	s3 =	rddreg [dreg:$0x2];
	[bflag:$0x3] =	sbarrier.arrive $0xFFFF;
	s2 =	simm.s32 @!p0 $0x1C09  }
0x16e: {  	[timem:s3], [sflag:s2] =	dma.local @!p0 [hbm:s0], s1  }
0x16f: {  	s0 =	simm.s32 @!p0 $0x9  }
0x170: {  	_ =	swait.ge @!p0 [sflag:s0], s1  }
0x171: {  	s1 =	ssub.s32 @!p0 $0x0, s1;
	[sflag:s0] =	ssyncset.done @!p0 $0x0  }
0x172: {  	[sflag:s0] =	ssyncadd.s32 @!p0 s1  }
0x173: {  	[bflag:$0x3] =	sbarrier.arrive $0xFFFF  }
0x174: {  	_ =	shalt  }

// kernel: kernel.14.cloned.1.call-start
scs
__scs_entry_jumppad:
0x0: {  	(pc) =	sbr.rel $0x88, $3  }
0x1: {  	(tag) =	ssettag $0x0;
	lr =	simm.s32 $0x1  }
0x2: {  	[smem:$0x3F98] =	sst lr;
	_ =	strace $0xD0000000  }
0x3: {  	_ = 	snop  }
0x4: {  	_ = 	snop  }
0x5: {  	_ = 	snop  }
0x6: {  	_ = 	snop  }
0x7: {  	_ = 	snop  }
__scs_overlays_trampoline_lowered:
0x8: {  	[smem:$0x3FA7] =	sst s0  }
0x9: {  	[smem:$0x3FA8] =	sst s1  }
0xa: {  	[smem:$0x3FA9] =	sst s2  }
0xb: {  	[smem:$0x3FAA] =	sst s3  }
0xc: {  	[smem:$0x3FAB] =	sst s4  }
0xd: {  	[smem:$0x3FAC] =	sst s5  }
0xe: {  	[smem:$0x3FAD] =	sst s6  }
0xf: {  	[smem:$0x3FAE] =	sst s7  }
0x10: {  	[smem:$0x3FAF] =	sst s8  }
0x11: {  	[smem:$0x3FB0] =	sst s9;
	s0 =	simm.s32 @!p0 $0x0  }
0x12: {  	s1 =	sld [smem:$0x3F96];
	s0 =	simm.s32 @p0 $0x1  }
0x13: {  	[smem:$0x3FB1] =	sst s0;
	s0 =	simm.s32 @!p1 $0x0  }
0x14: {  	s2 =	sld [smem:$0x3F95];
	s0 =	simm.s32 @p1 $0x1  }
0x15: {  	[smem:$0x3FB2] =	sst s0;
	s0 =	simm.s32 @!p2 $0x0  }
0x16: {  	s3 =	sld [smem:$0x3FDB];
	s0 =	simm.s32 @p2 $0x1  }
0x17: {  	s4 =	simm.s32 $0x1BF5;
	[smem:$0x3FB4] =	sst s0  }
0x18: {  	s0 =	sld [smem:$0x3F97];
	_ =	swait.ge [sflag:s4], $0x0  }
0x19: {  	s7 =	sld [smem:$0x3F98]  }
0x1a: {  	s8 =	sadd.s32 $0xFFFFE003, lr  }
0x1b: {  	s9 =	sadd.s32 $0xFFFFFEF7, lr;
	s5 =	simm.s32 $0xFFFFFFFF;
	p2 =	slt.u32 s8, $0xFFFFF086  }
0x1c: {  	p1 =	slt.u32 s9, $0xF7A;
	s5 =	simm.s32 @!p2 $0x0  }
0x1d: {  	s5 =	simm.s32 @p1 $0x1;
	p0 =	seq.s32 s7, s2  }
0x1e: {  	s7 =	smul.u32 @!p0 $0xF7A, s2;
	p2 =	seq.s32 @!p0 s5, $0x0  }
0x1f: {  	s9 =	smul.u32 $0xF7A, s1;
	s8 =	simm.s32 @!p0 $0x1BF5;
	p2 =	por !p2, p0  }
0x20: {  	[sflag:s8] =	ssyncset.s32 @!p0 $0xFFFFF086;
	s6 =	sadd.s32 @!p0 s3, s7;
	s7 =	simm.s32 @!p0 $0x108  }
0x21: {  	s3 =	sadd.s32 s3, s9;
	s6 =	sadd.s32 @!p0 $0x88, s6;
	s7 =	simm.s32 @p2 $0x1082  }
0x22: {  	[simem:s7], [sflag:s8] =	dma.local @!p0 [hbm:s6], $0xF7A  }
0x23: {  	s9 =	sor.u32 $0xD0000000, s2;
	s6 =	simm.s32 $0x108;
	_ =	swait.ge @!p0 [sflag:s8], $0x0  }
0x24: {  	s3 =	sadd.s32 $0x88, s3;
	s6 =	simm.s32 @!p1 $0x1082;
	[sflag:s4] =	ssyncset.s32 $0xFFFFF086  }
0x25: {  	[simem:s6], [sflag:s4] =	dma.local [hbm:s3], $0xF7A  }
0x26: {  	[smem:$0x3F98] =	sst s1;
	(tag) =	ssettag s2;
	_ =	strace s9  }
0x27: {  	s1 =	sld [smem:$0x3FA8]  }
0x28: {  	s2 =	sld [smem:$0x3FA9]  }
0x29: {  	s4 =	sld [smem:$0x3FAB]  }
0x2a: {  	p0 =	seq.s32 s5, $0x0;
	s5 =	sld [smem:$0x3FAC]  }
0x2b: {  	s6 =	sld [smem:$0x3FAD]  }
0x2c: {  	s7 =	sld [smem:$0x3FAE]  }
0x2d: {  	s3 =	simm.s32 $0x108;
	s8 =	sld [smem:$0x3FAF]  }
0x2e: {  	s3 =	simm.s32 @!p0 $0x1082;
	s9 =	sld [smem:$0x3FB0]  }
0x2f: {  	lr =	sadd.s32 s0, s3;
	s0 =	sld [smem:$0x3FA7]  }
0x30: {  	s3 =	sld [smem:$0x3FAA]  }
0x31: {  	[smem:$0x3FB3] =	sst s10  }
0x32: {  	s10 =	sld [smem:$0x3FB1];
	_ =	sdelay $0x3  }
0x33: {  	p0 =	seq.s32 s10, $0x1;
	s10 =	sld [smem:$0x3FB3];
	_ =	sdelay $0x3  }
0x34: {  	[smem:$0x3FB3] =	sst s10  }
0x35: {  	s10 =	sld [smem:$0x3FB2];
	_ =	sdelay $0x3  }
0x36: {  	p1 =	seq.s32 s10, $0x1;
	s10 =	sld [smem:$0x3FB3];
	_ =	sdelay $0x3  }
0x37: {  	[smem:$0x3FB3] =	sst s10  }
0x38: {  	s10 =	sld [smem:$0x3FB4]  }
0x39: {  	_ = 	snop;
	(pc) =	sbr.ind lr, $3  }
0x3a: {  	_ = 	snop  }
0x3b: {  	_ = 	snop  }
0x3c: {  	p2 =	seq.s32 s10, $0x1;
	s10 =	sld [smem:$0x3FB3]  }
0x3d: {  	_ =	shalt  }
0x3e: {  	_ =	shalt  }
0x3f: {  	_ =	shalt  }
0x40: {  	_ =	shalt  }
0x41: {  	_ =	shalt  }
0x42: {  	_ =	shalt  }
0x43: {  	_ =	shalt  }
0x44: {  	_ =	shalt  }
0x45: {  	_ =	shalt  }
0x46: {  	_ =	shalt  }
0x47: {  	_ =	shalt  }
0x48: {  	_ =	shalt  }
0x49: {  	_ =	shalt  }
0x4a: {  	_ =	shalt  }
0x4b: {  	_ =	shalt  }
0x4c: {  	_ =	shalt  }
0x4d: {  	_ =	shalt  }
0x4e: {  	_ =	shalt  }
0x4f: {  	_ =	shalt  }
0x50: {  	_ =	shalt  }
0x51: {  	_ =	shalt  }
0x52: {  	_ =	shalt  }
0x53: {  	_ =	shalt  }
0x54: {  	_ =	shalt  }
0x55: {  	_ =	shalt  }
0x56: {  	_ =	shalt  }
0x57: {  	_ =	shalt  }
0x58: {  	_ =	shalt  }
0x59: {  	_ =	shalt  }
0x5a: {  	_ =	shalt  }
0x5b: {  	_ =	shalt  }
0x5c: {  	_ =	shalt  }
0x5d: {  	_ =	shalt  }
0x5e: {  	_ =	shalt  }
0x5f: {  	_ =	shalt  }
0x60: {  	_ =	shalt  }
0x61: {  	_ =	shalt  }
0x62: {  	_ =	shalt  }
0x63: {  	_ =	shalt  }
0x64: {  	_ =	shalt  }
0x65: {  	_ =	shalt  }
0x66: {  	_ =	shalt  }
0x67: {  	_ =	shalt  }
0x68: {  	_ =	shalt  }
0x69: {  	_ =	shalt  }
0x6a: {  	_ =	shalt  }
0x6b: {  	_ =	shalt  }
0x6c: {  	_ =	shalt  }
0x6d: {  	_ =	shalt  }
0x6e: {  	_ =	shalt  }
0x6f: {  	_ =	shalt  }
0x70: {  	_ =	shalt  }
0x71: {  	_ =	shalt  }
0x72: {  	_ =	shalt  }
0x73: {  	_ =	shalt  }
0x74: {  	_ =	shalt  }
0x75: {  	_ =	shalt  }
0x76: {  	_ =	shalt  }
0x77: {  	_ =	shalt  }
0x78: {  	_ =	shalt  }
0x79: {  	_ =	shalt  }
0x7a: {  	_ =	shalt  }
0x7b: {  	_ =	shalt  }
0x7c: {  	_ =	shalt  }
0x7d: {  	_ =	shalt  }
0x7e: {  	_ =	shalt  }
0x7f: {  	_ =	shalt  }
0x80: {  	_ =	shalt  }
0x81: {  	_ =	shalt  }
0x82: {  	_ =	shalt  }
0x83: {  	_ =	shalt  }
0x84: {  	_ =	shalt  }
0x85: {  	_ =	shalt  }
0x86: {  	_ =	shalt  }
0x87: {  	_ =	shalt  }
.Lfunc_end0:
.L_simem_size_0:
called_computation.2_lowered:
.L_overlay_start_0:
0x88: {  	s2 =	sld [smem:$0x3FD9]  }
0x89: {  	s3 =	sld [smem:$0x3FFE];
	_ =	sdelay $0x1  }
0x8a: {  	s1 =	srdreg.scid  }
0x8b: {  	s0 =	sand.u32 $0x1, s1  }
0x8c: {  	s16 =	sshll.u32 s0, $0xA;
	s2 =	sadd.s32 s3, s2  }
0x8d: {  	s2 =	sadd.s32 s2, s16  }
0x8e: {  	[smem:$0x3FBF] =	sst s2  }
0x8f: {  	_ = 	snop  }
0x90: {  	(tm) =	ssettm $0x1  }
0x91: {  	s17 =	sld [smem:$0x3FFB];
	_ =	sdelay $0x3  }
0x92: {  	_ =	strace s17  }
0x93: {  	s2 =	sld [smem:$0x3FFC];
	_ =	sdelay $0x3  }
0x94: {  	_ =	strace s2  }
0x95: {  	s2 =	sld [smem:$0x3FFD];
	_ =	sdelay $0x3  }
0x96: {  	_ =	strace s2  }
0x97: {  	_ =	strace $0x8FFFFFFF  }
0x98: {  	s18 =	sld [smem:$0x3FDB];
	_ =	sdelay $0x1  }
0x99: {  	s19 =	simm.s32 $_scs_section_size  }
0x9a: {  	s4 =	simm.s32 $_size__tile_overlayer_lowered;
	s5 =	simm.s32 $_tile_overlayer_lowered  }
0x9b: {  	s22 =	simm.s32 $0x1BFF;
	s21 =	sshll.u32 s5, $0x1;
	s2 =	sadd.s32 s19, s18  }
0x9c: {  	s6 =	simm.s32 $0x0;
	s20 =	sshll.u32 s4, $0x1;
	s4 =	sadd.s32 s21, s2  }
0x9d: {  	[timem:s6], [sflag:s22] =	dma.local [hbm:s4], s20  }
0x9e: {  	_ =	swait.ge [sflag:s22], s20  }
0x9f: {  	s3 =	ssub.s32 $0x0, s20;
	[sflag:s22] =	ssyncset.done $0x0  }
0xa0: {  	[sflag:s22] =	ssyncadd.s32 s3;
	_ =	sdelay $0x1  }
0xa1: {  	s23 =	simm.s32 $0x1B8B  }
0xa2: {  	_ =	swait.ge [sflag:s23], $0x1  }
0xa3: {  	[sflag:s23] =	ssyncset.done $0x0  }
0xa4: {  	s25 =	simm.s32 $0x1B8E;
	s24 =	sld [smem:$0x3FFE];
	[sflag:s23] =	ssyncadd.s32 $0xFFFFFFFF  }
0xa5: {  	s26 =	simm.s32 $execute0_lowered;
	[smem:$0x3FD2] =	sst s25  }
0xa6: {  	s4 =	sshll.u32 s26, $0x1;
	_ =	strace $0x8000004C;
	[dreg:$0x1] =	wrdreg $0xFFFFFFFF  }
0xa7: {  	s28 =	simm.s32 $_size_execute0_lowered;
	s2 =	sadd.s32 s2, s4;
	[dreg:$0x0] =	wrdreg $0x0  }
0xa8: {  	s4 =	sshll.u32 s28, $0x1;
	[dreg:$0x2] =	wrdreg s2  }
0xa9: {  	[dreg:$0x3] =	wrdreg s4  }
0xaa: {  	[dreg:$0x4] =	wrdreg $0xC0  }
0xab: {  	_ =	task [dreg:s6], $0x5FFFF  }
0xac: {  	[dreg:$0x1] =	wrdreg $0xFFFFFFFF  }
0xad: {  	[dreg:$0x0] =	wrdreg $0x60  }
0xae: {  	[dreg:$0x2] =	wrdreg s24  }
0xaf: {  	[dreg:$0x3] =	wrdreg $0xC0000  }
0xb0: {  	[dreg:$0x4] =	wrdreg $0x9  }
0xb1: {  	_ =	task.clear_ibuf [dreg:s6], $0x5FFFF;
	_ =	strace $0x9000004C  }
0xb2: {  	s29 =	simm.s32 $0x9;
	_ =	strace $0x8000004E  }
0xb3: {  	_ =	swait.ge [sflag:s29], $0x1  }
0xb4: {  	[sflag:s29] =	ssyncadd.s32 $0xFFFFFFFF  }
0xb5: {  	_ =	strace $0x9000004E  }
0xb6: {  	_ =	sfence  }
0xb7: {  	s30 =	sld [smem:$0x0];
	_ =	sdelay $0x2  }
0xb8: {  	s31 =	sshll.u32 s1, $0xD;
	s1 =	sshrl.u32 s1, $0x2  }
0xb9: {  	s3 =	sand.u32 $0x4000, s31;
	s1 =	sadd.s32 s1, s30  }
0xba: {  	s0 =	sor.u32 s3, s0;
	s1 =	sshll.u32 s1, $0x11  }
0xbb: {  	s0 =	sor.u32 s1, s0  }
0xbc: {  	s0 =	sadd.s32 $0x8F2B, s0  }
0xbd: {  	[sflag:s0] =	ssyncadd.remote.s32 $0x1  }
0xbe: {  	_ =	sfence.sel $0xFFFF  }
0xbf: {  	[dreg:$0x0] =	wrdreg $0xFFFFFFFF;
	(pc) =	sbr.abs _section_cstart, $3  }
0xc0: {  	[dreg:$0x1] =	wrdreg $0xFFFFFFFF  }
0xc1: {  	_ =	task.clear_ibuf [dreg:s6], $0x2FFFF;
	_ =	strace $0x9FFFFFFF  }
0xc2: {  	(tm) =	ssettm $0x7FFFFFFF  }
0xc3: {  	_ =	shalt  }
tec
execute0_lowered:
.L_overlay_start_1:
0x0: {  	(tag) =	ssettag $0x1  }
0x1: {  	s1 =	srdreg.scid  }
0x2: {  	s0 =	stileid.u32;
	s8 =	rddreg [dreg:$0x0]  }
0x3: {  	s2 =	rddreg [dreg:$0x1];
	s3 =	simm.s32 $0x0;
	s17 =	simm.s32 $0x9  }
0x4: {  	s21 =	simm.s32 $0x50;
	s22 =	simm.s32 $0x2000;
	s23 =	simm.s32 $0x1  }
0x5: {  	s24 =	simm.s32 $0x0;
	s6 =	sand.u32 $0x1, s1;
	s1 =	rddreg [dreg:$0x2]  }
0x6: {  	s28 =	sshll.u32 s0, $0x1;
	[smem:$0x7FF] =	sst s3;
	s5 =	sadd.s32 $0x3EA00, s8  }
0x7: {  	s10 =	smul.u32 $0x4E000, s0;
	s31 =	sshll.u32 s0, $0x6;
	s18 =	sadd.s32 $0x138000, s2  }
0x8: {  	p0 =	sne.s32 s0, $0xF;
	s4 =	sor.u32 s6, s28;
	s9 =	smul.u32 $0x27100, s6  }
0x9: {  	_ =	strace $0x8000004D;
	s6 =	ssub.s32 $0x2, s6;
	s7 =	smul.u32 $0xA000, s4  }
0xa: {  	s18 =	sshrl.u32 @!p0 s18, $0x3;
	s4 =	smul.u32 $0x2700, s0;
	s30 =	sshrl.u32 s6, $0x1  }
0xb: {  	s10 =	sshrl.u32 s10, $0x2;
	s14 =	sadd.s32 s9, s8;
	s15 =	ssub.s32 s6, s30  }
0xc: {  	s16 =	sadd.s32 s10, s2;
	s7 =	sshrl.u32 s7, $0x3;
	s29 =	sadd.s32 s4, s8  }
.Ltmp0:
0xd: {  	s14 =	sadd.s32 $0x8CE00, s14;
	s15 =	smax.u32 s15, $0x1;
	(pc) =	sbr.rel .LBB2_1-.Ltmp0, $4  }
0xe: {  	s16 =	sshrl.u32 s16, $0x3;
	s13 =	sadd.s32 s7, s8;
	s6 =	sadd.s32 $0x65C00, s29  }
0xf: {  	s7 =	sor.u32 $0x1C09, s31;
	s8 =	sadd.s32 $0x8CC00, s8;
	s9 =	sadd.s32 $0x16A00, s13  }
0x10: {  	s10 =	sadd.s32 $0x16E00, s13;
	s11 =	sadd.s32 $0x17200, s13;
	s12 =	sadd.s32 $0x17600, s13  }
0x11: {  	s13 =	sadd.s32 $0x17A00, s13;
	s19 =	sadd.s32 $0x200, s9;
	s20 =	sadd.s32 $0x200, s10  }
.LBB2_16:
0x12: {  	[bflag:$0x0] =	sbarrier.arrive $0xFFFF;
	s25 =	sadd.s32 s4, s14  }
0x13: {  	[hbm:s25], [sflag:s7] =	dma.local [spmem:s16], $0x2700  }
0x14: {  	_ =	swait.ge [sflag:s17], $0x2700  }
0x15: {  	s24 =	sadd.s32 $0x1, s24;
	[sflag:s17] =	ssyncset.done $0x0  }
0x16: {  	s25 =	sadd.s32 @!p0 $0x27000, s14;
	p1 =	sne.s32 s24, s15;
	[sflag:s17] =	ssyncadd.s32 $0xFFFFD900  }
0x17: {  	[hbm:s25], [sflag:s7] =	dma.local @!p0 [spmem:s18], $0x100  }
.Ltmp1:
0x18: {  	_ = 	snop;
	(pc) =	sbr.rel @!p1 .LBB2_17-.Ltmp1, $4  }
0x19: {  	s25 =	simm.s32 @!p0 $0x9  }
0x1a: {  	_ =	swait.ge @!p0 [sflag:s25], $0x100  }
0x1b: {  	[sflag:s25] =	ssyncset.done @!p0 $0x0  }
0x1c: {  	[sflag:s25] =	ssyncadd.s32 @!p0 $0xFFFFFF00  }
.LBB2_1:
0x1d: {  	[spmem:s16], [sflag:s7] =	dma.local [hbm:s6], $0x2700  }
0x1e: {  	_ =	swait.ge [sflag:s17], $0x2700  }
0x1f: {  	[sflag:s17] =	ssyncset.done $0x0  }
0x20: {  	s25 =	simm.s32 @!p0 $0x9;
	[sflag:s17] =	ssyncadd.s32 $0xFFFFD900  }
0x21: {  	[spmem:s18], [sflag:s7] =	dma.local @!p0 [hbm:s8], $0x100  }
0x22: {  	_ =	swait.ge @!p0 [sflag:s25], $0x100  }
0x23: {  	[sflag:s25] =	ssyncset.done @!p0 $0x0  }
0x24: {  	[sflag:s25] =	ssyncadd.s32 @!p0 $0xFFFFFF00  }
0x25: {  	[bflag:$0x0] =	sbarrier.arrive $0xFFFF  }
0x26: {  	[tilespmem:s3], [sflag:$0x9] =	stream.linear.gather [hbm4b:s9+s3], $0xC80, $0x38;
	[tilespmem:$0x1F880] =	vst v63  }
0x27: {  	s25 =	simm.s32 $0x1000  }
0x28: {  	[tilespmem:s25], [sflag:$0x9] =	stream.linear.gather [hbm4b:s19+s3], $0xC80, $0x38;
	[tilespmem:$0x1F880] =	vst v63  }
0x29: {  	_ =	swait.ge [sflag:s17], $0x1900  }
0x2a: {  	[sflag:s17] =	ssyncset.done $0x0  }
0x2b: {  	s26 =	simm.s32 $0x0;
	[sflag:s17] =	ssyncadd.s32 $0xFFFFE700  }
.LBB2_2:
0x2c: {  	s28 =	sadd.s32 $0xFFFFFFFC, s26;
	p2 =	seq.s32 s26, $0x1C  }
.Ltmp2:
0x2d: {  	p1 =	sgt.u32 s28, $0x18;
	(pc) =	sbr.rel @p2 .LBB2_4-.Ltmp2, $4  }
0x2e: {  	s28 =	simm.s32 @!p1 $0x5  }
0x2f: {  	_ =	swait.ge @!p1 [sflag:s28], $0x2800  }
0x30: {  	[sflag:s28] =	ssyncset.done @!p1 $0x0  }
0x31: {  	[sflag:s28] =	ssyncadd.s32 @!p1 $0xFFFFD800  }
0x32: {  	s28 =	sadd.s32 $0xFFFFF000, s25;
	s29 =	sadd.s32 $0xFFFFFFFD, s26  }
0x33: {  	[tilespmem:s22], [sflag:$0x1] =	stream.indirect.gather [hbm4b:s5+s21], $0x80, s28, s21, $0xb8;
	[tilespmem:$0x1F880] =	vst v63  }
0x34: {  	p1 =	sgt.u32 s29, $0x18  }
0x35: {  	s28 =	simm.s32 @!p1 $0x2  }
0x36: {  	s29 =	smax.u32 s26, $0x3;
	_ =	swait.ge @!p1 [sflag:s28], $0x2800  }
0x37: {  	s29 =	sshll.u32 @!p1 s29, $0x7;
	[sflag:s28] =	ssyncset.done @!p1 $0x0  }
0x38: {  	[sflag:s28] =	ssyncadd.s32 @!p1 $0xFFFFD800;
	s28 =	sand.u32 @!p1 $0x3FFFFF80, s29  }
0x39: {  	s30 =	simm.s32 @!p1 $0x4800;
	s29 =	simm.s32 @!p1 $0x50;
	s28 =	sadd.s32 @!p1 $0xE80, s28  }
0x3a: {  	[spmem:s2] =	stream.indirect.scatter.add.f32 @!p1 [tilespmem:s30], [sflag:$0x6], $0x80, s28, s29, $0xb8;
	[tilespmem:$0x1F880] =	vst v63  }
0x3b: {  	s28 =	sadd.s32 $0x1, s26;
	p1 =	seq.s32 s26, $0x0  }
0x3c: {  	p2 =	sgt.u32 @!p1 s28, $0x1C  }
0x3d: {  	p2 =	por p2, p1  }
0x3e: {  	s29 =	simm.s32 @!p2 $0x6  }
0x3f: {  	_ =	swait.ge @!p2 [sflag:s29], $0x2800  }
0x40: {  	[sflag:s29] =	ssyncset.done @!p2 $0x0  }
0x41: {  	[sflag:s29] =	ssyncadd.s32 @!p2 $0xFFFFD800;
	p2 =	sgt.u32 s28, $0x18  }
0x42: {  	s28 =	sadd.s32 @!p2 $0xFFFFF080, s25;
	s29 =	simm.s32 @!p2 $0x50;
	s30 =	simm.s32 @!p2 $0x4800  }
0x43: {  	[tilespmem:s30], [sflag:$0x2] =	stream.indirect.gather @!p2 [hbm4b:s5+s29], $0x80, s28, s29, $0xb8;
	[tilespmem:$0x1F880] =	vst v63  }
0x44: {  	s28 =	simm.s32 @!p1 $0x3  }
0x45: {  	s29 =	smax.u32 s26, $0x2;
	_ =	swait.ge @!p1 [sflag:s28], $0x2800  }
0x46: {  	s29 =	sshll.u32 @!p1 s29, $0x7;
	[sflag:s28] =	ssyncset.done @!p1 $0x0  }
0x47: {  	[sflag:s28] =	ssyncadd.s32 @!p1 $0xFFFFD800;
	s28 =	sand.u32 @!p1 $0x3FFFFF80, s29  }
0x48: {  	s30 =	simm.s32 @!p1 $0x7000;
	s29 =	simm.s32 @!p1 $0x50;
	s28 =	sadd.s32 @!p1 $0xF00, s28  }
0x49: {  	[spmem:s2] =	stream.indirect.scatter.add.f32 @!p1 [tilespmem:s30], [sflag:$0x7], $0x80, s28, s29, $0xb8;
	[tilespmem:$0x1F880] =	vst v63  }
0x4a: {  	s30 =	sadd.s32 $0xFFFFFFFE, s26  }
0x4b: {  	p2 =	sgt.u32 s30, $0x18  }
0x4c: {  	s28 =	simm.s32 @!p2 $0x7  }
0x4d: {  	_ =	swait.ge @!p2 [sflag:s28], $0x2800  }
0x4e: {  	s31 =	sadd.s32 $0x2, s26;
	[sflag:s28] =	ssyncset.done @!p2 $0x0  }
0x4f: {  	[sflag:s28] =	ssyncadd.s32 @!p2 $0xFFFFD800;
	p2 =	sgt.u32 s31, $0x18  }
0x50: {  	s28 =	sadd.s32 @!p2 $0xFFFFF100, s25;
	s30 =	simm.s32 @!p2 $0x50;
	s31 =	simm.s32 @!p2 $0x7000  }
0x51: {  	[tilespmem:s31], [sflag:$0x3] =	stream.indirect.gather @!p2 [hbm4b:s5+s30], $0x80, s28, s30, $0xb8;
	[tilespmem:$0x1F880] =	vst v63  }
0x52: {  	s28 =	smax.u32 s26, $0x1;
	s30 =	simm.s32 @!p1 $0x4  }
0x53: {  	_ =	swait.ge @!p1 [sflag:s30], $0x2800;
	s28 =	sshll.u32 @!p1 s28, $0x7  }
0x54: {  	[sflag:s30] =	ssyncset.done @!p1 $0x0;
	s28 =	sand.u32 @!p1 $0x3FFFFF80, s28  }
0x55: {  	[sflag:s30] =	ssyncadd.s32 @!p1 $0xFFFFD800;
	s28 =	sadd.s32 @!p1 $0xF80, s28;
	s30 =	simm.s32 @!p1 $0x9800  }
0x56: {  	[spmem:s2] =	stream.indirect.scatter.add.f32 @!p1 [tilespmem:s30], [sflag:$0x8], $0x80, s28, s29, $0xb8;
	[tilespmem:$0x1F880] =	vst v63  }
0x57: {  	s28 =	sadd.s32 $0x3, s26  }
0x58: {  	p2 =	sgt.u32 @!p1 s28, $0x1C  }
0x59: {  	p1 =	por p2, p1  }
0x5a: {  	s29 =	simm.s32 @!p1 $0x8  }
0x5b: {  	_ =	swait.ge @!p1 [sflag:s29], $0x2800  }
0x5c: {  	[sflag:s29] =	ssyncset.done @!p1 $0x0  }
0x5d: {  	[sflag:s29] =	ssyncadd.s32 @!p1 $0xFFFFD800;
	p1 =	sgt.u32 s28, $0x18  }
0x5e: {  	s28 =	sadd.s32 @!p1 $0xFFFFF180, s25;
	s29 =	simm.s32 @!p1 $0x50;
	s30 =	simm.s32 @!p1 $0x9800  }
0x5f: {  	[tilespmem:s30], [sflag:$0x4] =	stream.indirect.gather @!p1 [hbm4b:s5+s29], $0x80, s28, s29, $0xb8;
	[tilespmem:$0x1F880] =	vst v63  }
.Ltmp3:
0x60: {  	_ =	swait.ge [sflag:s23], $0x2800;
	(pc) =	sbr.rel .LBB2_2-.Ltmp3, $4  }
0x61: {  	[sflag:s23] =	ssyncset.done $0x0  }
0x62: {  	[sflag:s23] =	ssyncadd.s32 $0xFFFFD800  }
0x63: {  	[spmem:s2] =	stream.indirect.scatter.add.f32 [tilespmem:s22], [sflag:$0x5], $0x80, s25, s21, $0xb8;
	[tilespmem:$0x1F880] =	vst v63  }
0x64: {  	s26 =	sadd.s32 $0x4, s26;
	s25 =	sadd.s32 $0x200, s25  }
.LBB2_4:
0x65: {  	s25 =	simm.s32 $0x0  }
0x66: {  	[tilespmem:s25], [sflag:$0x9] =	stream.linear.gather [hbm4b:s10+s25], $0xC80, $0x38;
	[tilespmem:$0x1F880] =	vst v63  }
0x67: {  	s26 =	simm.s32 $0x1000  }
0x68: {  	[tilespmem:s26], [sflag:$0x9] =	stream.linear.gather [hbm4b:s20+s25], $0xC80, $0x38;
	[tilespmem:$0x1F880] =	vst v63  }
0x69: {  	_ =	swait.ge [sflag:s17], $0x1900  }
0x6a: {  	[sflag:s17] =	ssyncset.done $0x0  }
0x6b: {  	[sflag:s17] =	ssyncadd.s32 $0xFFFFE700  }
.LBB2_5:
0x6c: {  	s28 =	sadd.s32 $0xFFFFFFFC, s25;
	p2 =	seq.s32 s25, $0x1C  }
.Ltmp4:
0x6d: {  	p1 =	sgt.u32 s28, $0x18;
	(pc) =	sbr.rel @p2 .LBB2_7-.Ltmp4, $4  }
0x6e: {  	s28 =	simm.s32 @!p1 $0x5  }
0x6f: {  	_ =	swait.ge @!p1 [sflag:s28], $0x2800  }
0x70: {  	[sflag:s28] =	ssyncset.done @!p1 $0x0  }
0x71: {  	[sflag:s28] =	ssyncadd.s32 @!p1 $0xFFFFD800  }
0x72: {  	s28 =	sadd.s32 $0xFFFFF000, s26;
	s29 =	sadd.s32 $0xFFFFFFFD, s25  }
0x73: {  	[tilespmem:s22], [sflag:$0x1] =	stream.indirect.gather [hbm4b:s5+s21], $0x80, s28, s21, $0xb8;
	[tilespmem:$0x1F880] =	vst v63  }
0x74: {  	p1 =	sgt.u32 s29, $0x18  }
0x75: {  	s28 =	simm.s32 @!p1 $0x2  }
0x76: {  	s29 =	smax.u32 s25, $0x3;
	_ =	swait.ge @!p1 [sflag:s28], $0x2800  }
0x77: {  	s29 =	sshll.u32 @!p1 s29, $0x7;
	[sflag:s28] =	ssyncset.done @!p1 $0x0  }
0x78: {  	[sflag:s28] =	ssyncadd.s32 @!p1 $0xFFFFD800;
	s28 =	sand.u32 @!p1 $0x3FFFFF80, s29  }
0x79: {  	s30 =	simm.s32 @!p1 $0x4800;
	s29 =	simm.s32 @!p1 $0x50;
	s28 =	sadd.s32 @!p1 $0xE80, s28  }
0x7a: {  	[spmem:s2] =	stream.indirect.scatter.add.f32 @!p1 [tilespmem:s30], [sflag:$0x6], $0x80, s28, s29, $0xb8;
	[tilespmem:$0x1F880] =	vst v63  }
0x7b: {  	s28 =	sadd.s32 $0x1, s25;
	p1 =	seq.s32 s25, $0x0  }
0x7c: {  	p2 =	sgt.u32 @!p1 s28, $0x1C  }
0x7d: {  	p2 =	por p2, p1  }
0x7e: {  	s29 =	simm.s32 @!p2 $0x6  }
0x7f: {  	_ =	swait.ge @!p2 [sflag:s29], $0x2800  }
0x80: {  	[sflag:s29] =	ssyncset.done @!p2 $0x0  }
0x81: {  	[sflag:s29] =	ssyncadd.s32 @!p2 $0xFFFFD800;
	p2 =	sgt.u32 s28, $0x18  }
0x82: {  	s28 =	sadd.s32 @!p2 $0xFFFFF080, s26;
	s29 =	simm.s32 @!p2 $0x50;
	s30 =	simm.s32 @!p2 $0x4800  }
0x83: {  	[tilespmem:s30], [sflag:$0x2] =	stream.indirect.gather @!p2 [hbm4b:s5+s29], $0x80, s28, s29, $0xb8;
	[tilespmem:$0x1F880] =	vst v63  }
0x84: {  	s28 =	simm.s32 @!p1 $0x3  }
0x85: {  	s29 =	smax.u32 s25, $0x2;
	_ =	swait.ge @!p1 [sflag:s28], $0x2800  }
0x86: {  	s29 =	sshll.u32 @!p1 s29, $0x7;
	[sflag:s28] =	ssyncset.done @!p1 $0x0  }
0x87: {  	[sflag:s28] =	ssyncadd.s32 @!p1 $0xFFFFD800;
	s28 =	sand.u32 @!p1 $0x3FFFFF80, s29  }
0x88: {  	s30 =	simm.s32 @!p1 $0x7000;
	s29 =	simm.s32 @!p1 $0x50;
	s28 =	sadd.s32 @!p1 $0xF00, s28  }
0x89: {  	[spmem:s2] =	stream.indirect.scatter.add.f32 @!p1 [tilespmem:s30], [sflag:$0x7], $0x80, s28, s29, $0xb8;
	[tilespmem:$0x1F880] =	vst v63  }
0x8a: {  	s30 =	sadd.s32 $0xFFFFFFFE, s25  }
0x8b: {  	p2 =	sgt.u32 s30, $0x18  }
0x8c: {  	s28 =	simm.s32 @!p2 $0x7  }
0x8d: {  	_ =	swait.ge @!p2 [sflag:s28], $0x2800  }
0x8e: {  	s31 =	sadd.s32 $0x2, s25;
	[sflag:s28] =	ssyncset.done @!p2 $0x0  }
0x8f: {  	[sflag:s28] =	ssyncadd.s32 @!p2 $0xFFFFD800;
	p2 =	sgt.u32 s31, $0x18  }
0x90: {  	s28 =	sadd.s32 @!p2 $0xFFFFF100, s26;
	s30 =	simm.s32 @!p2 $0x50;
	s31 =	simm.s32 @!p2 $0x7000  }
0x91: {  	[tilespmem:s31], [sflag:$0x3] =	stream.indirect.gather @!p2 [hbm4b:s5+s30], $0x80, s28, s30, $0xb8;
	[tilespmem:$0x1F880] =	vst v63  }
0x92: {  	s28 =	smax.u32 s25, $0x1;
	s30 =	simm.s32 @!p1 $0x4  }
0x93: {  	_ =	swait.ge @!p1 [sflag:s30], $0x2800;
	s28 =	sshll.u32 @!p1 s28, $0x7  }
0x94: {  	[sflag:s30] =	ssyncset.done @!p1 $0x0;
	s28 =	sand.u32 @!p1 $0x3FFFFF80, s28  }
0x95: {  	[sflag:s30] =	ssyncadd.s32 @!p1 $0xFFFFD800;
	s28 =	sadd.s32 @!p1 $0xF80, s28;
	s30 =	simm.s32 @!p1 $0x9800  }
0x96: {  	[spmem:s2] =	stream.indirect.scatter.add.f32 @!p1 [tilespmem:s30], [sflag:$0x8], $0x80, s28, s29, $0xb8;
	[tilespmem:$0x1F880] =	vst v63  }
0x97: {  	s28 =	sadd.s32 $0x3, s25  }
0x98: {  	p2 =	sgt.u32 @!p1 s28, $0x1C  }
0x99: {  	p1 =	por p2, p1  }
0x9a: {  	s29 =	simm.s32 @!p1 $0x8  }
0x9b: {  	_ =	swait.ge @!p1 [sflag:s29], $0x2800  }
0x9c: {  	[sflag:s29] =	ssyncset.done @!p1 $0x0  }
0x9d: {  	[sflag:s29] =	ssyncadd.s32 @!p1 $0xFFFFD800;
	p1 =	sgt.u32 s28, $0x18  }
0x9e: {  	s28 =	sadd.s32 @!p1 $0xFFFFF180, s26;
	s29 =	simm.s32 @!p1 $0x50;
	s30 =	simm.s32 @!p1 $0x9800  }
0x9f: {  	[tilespmem:s30], [sflag:$0x4] =	stream.indirect.gather @!p1 [hbm4b:s5+s29], $0x80, s28, s29, $0xb8;
	[tilespmem:$0x1F880] =	vst v63  }
.Ltmp5:
0xa0: {  	_ =	swait.ge [sflag:s23], $0x2800;
	(pc) =	sbr.rel .LBB2_5-.Ltmp5, $4  }
0xa1: {  	[sflag:s23] =	ssyncset.done $0x0  }
0xa2: {  	[sflag:s23] =	ssyncadd.s32 $0xFFFFD800  }
0xa3: {  	[spmem:s2] =	stream.indirect.scatter.add.f32 [tilespmem:s22], [sflag:$0x5], $0x80, s26, s21, $0xb8;
	[tilespmem:$0x1F880] =	vst v63  }
0xa4: {  	s25 =	sadd.s32 $0x4, s25;
	s26 =	sadd.s32 $0x200, s26  }
.LBB2_7:
0xa5: {  	s25 =	simm.s32 $0x0  }
0xa6: {  	[tilespmem:s25], [sflag:$0x9] =	stream.linear.gather [hbm4b:s11+s25], $0xC80, $0x38;
	[tilespmem:$0x1F880] =	vst v63  }
0xa7: {  	s28 =	sadd.s32 $0x200, s11;
	s26 =	simm.s32 $0x1000  }
0xa8: {  	[tilespmem:s26], [sflag:$0x9] =	stream.linear.gather [hbm4b:s28+s25], $0xC80, $0x38;
	[tilespmem:$0x1F880] =	vst v63  }
0xa9: {  	_ =	swait.ge [sflag:s17], $0x1900  }
0xaa: {  	[sflag:s17] =	ssyncset.done $0x0  }
0xab: {  	[sflag:s17] =	ssyncadd.s32 $0xFFFFE700  }
.LBB2_8:
0xac: {  	s28 =	sadd.s32 $0xFFFFFFFC, s25;
	p2 =	seq.s32 s25, $0x1C  }
.Ltmp6:
0xad: {  	p1 =	sgt.u32 s28, $0x18;
	(pc) =	sbr.rel @p2 .LBB2_10-.Ltmp6, $4  }
0xae: {  	s28 =	simm.s32 @!p1 $0x5  }
0xaf: {  	_ =	swait.ge @!p1 [sflag:s28], $0x2800  }
0xb0: {  	[sflag:s28] =	ssyncset.done @!p1 $0x0  }
0xb1: {  	[sflag:s28] =	ssyncadd.s32 @!p1 $0xFFFFD800  }
0xb2: {  	s28 =	sadd.s32 $0xFFFFF000, s26;
	s29 =	sadd.s32 $0xFFFFFFFD, s25  }
0xb3: {  	[tilespmem:s22], [sflag:$0x1] =	stream.indirect.gather [hbm4b:s5+s21], $0x80, s28, s21, $0xb8;
	[tilespmem:$0x1F880] =	vst v63  }
0xb4: {  	p1 =	sgt.u32 s29, $0x18  }
0xb5: {  	s28 =	simm.s32 @!p1 $0x2  }
0xb6: {  	s29 =	smax.u32 s25, $0x3;
	_ =	swait.ge @!p1 [sflag:s28], $0x2800  }
0xb7: {  	s29 =	sshll.u32 @!p1 s29, $0x7;
	[sflag:s28] =	ssyncset.done @!p1 $0x0  }
0xb8: {  	[sflag:s28] =	ssyncadd.s32 @!p1 $0xFFFFD800;
	s28 =	sand.u32 @!p1 $0x3FFFFF80, s29  }
0xb9: {  	s30 =	simm.s32 @!p1 $0x4800;
	s29 =	simm.s32 @!p1 $0x50;
	s28 =	sadd.s32 @!p1 $0xE80, s28  }
0xba: {  	[spmem:s2] =	stream.indirect.scatter.add.f32 @!p1 [tilespmem:s30], [sflag:$0x6], $0x80, s28, s29, $0xb8;
	[tilespmem:$0x1F880] =	vst v63  }
0xbb: {  	s28 =	sadd.s32 $0x1, s25;
	p1 =	seq.s32 s25, $0x0  }
0xbc: {  	p2 =	sgt.u32 @!p1 s28, $0x1C  }
0xbd: {  	p2 =	por p2, p1  }
0xbe: {  	s29 =	simm.s32 @!p2 $0x6  }
0xbf: {  	_ =	swait.ge @!p2 [sflag:s29], $0x2800  }
0xc0: {  	[sflag:s29] =	ssyncset.done @!p2 $0x0  }
0xc1: {  	[sflag:s29] =	ssyncadd.s32 @!p2 $0xFFFFD800;
	p2 =	sgt.u32 s28, $0x18  }
0xc2: {  	s28 =	sadd.s32 @!p2 $0xFFFFF080, s26;
	s29 =	simm.s32 @!p2 $0x50;
	s30 =	simm.s32 @!p2 $0x4800  }
0xc3: {  	[tilespmem:s30], [sflag:$0x2] =	stream.indirect.gather @!p2 [hbm4b:s5+s29], $0x80, s28, s29, $0xb8;
	[tilespmem:$0x1F880] =	vst v63  }
0xc4: {  	s28 =	simm.s32 @!p1 $0x3  }
0xc5: {  	s29 =	smax.u32 s25, $0x2;
	_ =	swait.ge @!p1 [sflag:s28], $0x2800  }
0xc6: {  	s29 =	sshll.u32 @!p1 s29, $0x7;
	[sflag:s28] =	ssyncset.done @!p1 $0x0  }
0xc7: {  	[sflag:s28] =	ssyncadd.s32 @!p1 $0xFFFFD800;
	s28 =	sand.u32 @!p1 $0x3FFFFF80, s29  }
0xc8: {  	s30 =	simm.s32 @!p1 $0x7000;
	s29 =	simm.s32 @!p1 $0x50;
	s28 =	sadd.s32 @!p1 $0xF00, s28  }
0xc9: {  	[spmem:s2] =	stream.indirect.scatter.add.f32 @!p1 [tilespmem:s30], [sflag:$0x7], $0x80, s28, s29, $0xb8;
	[tilespmem:$0x1F880] =	vst v63  }
0xca: {  	s30 =	sadd.s32 $0xFFFFFFFE, s25  }
0xcb: {  	p2 =	sgt.u32 s30, $0x18  }
0xcc: {  	s28 =	simm.s32 @!p2 $0x7  }
0xcd: {  	_ =	swait.ge @!p2 [sflag:s28], $0x2800  }
0xce: {  	s31 =	sadd.s32 $0x2, s25;
	[sflag:s28] =	ssyncset.done @!p2 $0x0  }
0xcf: {  	[sflag:s28] =	ssyncadd.s32 @!p2 $0xFFFFD800;
	p2 =	sgt.u32 s31, $0x18  }
0xd0: {  	s28 =	sadd.s32 @!p2 $0xFFFFF100, s26;
	s30 =	simm.s32 @!p2 $0x50;
	s31 =	simm.s32 @!p2 $0x7000  }
0xd1: {  	[tilespmem:s31], [sflag:$0x3] =	stream.indirect.gather @!p2 [hbm4b:s5+s30], $0x80, s28, s30, $0xb8;
	[tilespmem:$0x1F880] =	vst v63  }
0xd2: {  	s28 =	smax.u32 s25, $0x1;
	s30 =	simm.s32 @!p1 $0x4  }
0xd3: {  	_ =	swait.ge @!p1 [sflag:s30], $0x2800;
	s28 =	sshll.u32 @!p1 s28, $0x7  }
0xd4: {  	[sflag:s30] =	ssyncset.done @!p1 $0x0;
	s28 =	sand.u32 @!p1 $0x3FFFFF80, s28  }
0xd5: {  	[sflag:s30] =	ssyncadd.s32 @!p1 $0xFFFFD800;
	s28 =	sadd.s32 @!p1 $0xF80, s28;
	s30 =	simm.s32 @!p1 $0x9800  }
0xd6: {  	[spmem:s2] =	stream.indirect.scatter.add.f32 @!p1 [tilespmem:s30], [sflag:$0x8], $0x80, s28, s29, $0xb8;
	[tilespmem:$0x1F880] =	vst v63  }
0xd7: {  	s28 =	sadd.s32 $0x3, s25  }
0xd8: {  	p2 =	sgt.u32 @!p1 s28, $0x1C  }
0xd9: {  	p1 =	por p2, p1  }
0xda: {  	s29 =	simm.s32 @!p1 $0x8  }
0xdb: {  	_ =	swait.ge @!p1 [sflag:s29], $0x2800  }
0xdc: {  	[sflag:s29] =	ssyncset.done @!p1 $0x0  }
0xdd: {  	[sflag:s29] =	ssyncadd.s32 @!p1 $0xFFFFD800;
	p1 =	sgt.u32 s28, $0x18  }
0xde: {  	s28 =	sadd.s32 @!p1 $0xFFFFF180, s26;
	s29 =	simm.s32 @!p1 $0x50;
	s30 =	simm.s32 @!p1 $0x9800  }
0xdf: {  	[tilespmem:s30], [sflag:$0x4] =	stream.indirect.gather @!p1 [hbm4b:s5+s29], $0x80, s28, s29, $0xb8;
	[tilespmem:$0x1F880] =	vst v63  }
.Ltmp7:
0xe0: {  	_ =	swait.ge [sflag:s23], $0x2800;
	(pc) =	sbr.rel .LBB2_8-.Ltmp7, $4  }
0xe1: {  	[sflag:s23] =	ssyncset.done $0x0  }
0xe2: {  	[sflag:s23] =	ssyncadd.s32 $0xFFFFD800  }
0xe3: {  	[spmem:s2] =	stream.indirect.scatter.add.f32 [tilespmem:s22], [sflag:$0x5], $0x80, s26, s21, $0xb8;
	[tilespmem:$0x1F880] =	vst v63  }
0xe4: {  	s25 =	sadd.s32 $0x4, s25;
	s26 =	sadd.s32 $0x200, s26  }
.LBB2_10:
0xe5: {  	s25 =	simm.s32 $0x0  }
0xe6: {  	[tilespmem:s25], [sflag:$0x9] =	stream.linear.gather [hbm4b:s12+s25], $0xC80, $0x38;
	[tilespmem:$0x1F880] =	vst v63  }
0xe7: {  	s28 =	sadd.s32 $0x200, s12;
	s26 =	simm.s32 $0x1000  }
0xe8: {  	[tilespmem:s26], [sflag:$0x9] =	stream.linear.gather [hbm4b:s28+s25], $0xC80, $0x38;
	[tilespmem:$0x1F880] =	vst v63  }
0xe9: {  	_ =	swait.ge [sflag:s17], $0x1900  }
0xea: {  	[sflag:s17] =	ssyncset.done $0x0  }
0xeb: {  	[sflag:s17] =	ssyncadd.s32 $0xFFFFE700  }
.LBB2_11:
0xec: {  	s28 =	sadd.s32 $0xFFFFFFFC, s25;
	p2 =	seq.s32 s25, $0x1C  }
.Ltmp8:
0xed: {  	p1 =	sgt.u32 s28, $0x18;
	(pc) =	sbr.rel @p2 .LBB2_13-.Ltmp8, $4  }
0xee: {  	s28 =	simm.s32 @!p1 $0x5  }
0xef: {  	_ =	swait.ge @!p1 [sflag:s28], $0x2800  }
0xf0: {  	[sflag:s28] =	ssyncset.done @!p1 $0x0  }
0xf1: {  	[sflag:s28] =	ssyncadd.s32 @!p1 $0xFFFFD800  }
0xf2: {  	s28 =	sadd.s32 $0xFFFFF000, s26;
	s29 =	sadd.s32 $0xFFFFFFFD, s25  }
0xf3: {  	[tilespmem:s22], [sflag:$0x1] =	stream.indirect.gather [hbm4b:s5+s21], $0x80, s28, s21, $0xb8;
	[tilespmem:$0x1F880] =	vst v63  }
0xf4: {  	p1 =	sgt.u32 s29, $0x18  }
0xf5: {  	s28 =	simm.s32 @!p1 $0x2  }
0xf6: {  	s29 =	smax.u32 s25, $0x3;
	_ =	swait.ge @!p1 [sflag:s28], $0x2800  }
0xf7: {  	s29 =	sshll.u32 @!p1 s29, $0x7;
	[sflag:s28] =	ssyncset.done @!p1 $0x0  }
0xf8: {  	[sflag:s28] =	ssyncadd.s32 @!p1 $0xFFFFD800;
	s28 =	sand.u32 @!p1 $0x3FFFFF80, s29  }
0xf9: {  	s30 =	simm.s32 @!p1 $0x4800;
	s29 =	simm.s32 @!p1 $0x50;
	s28 =	sadd.s32 @!p1 $0xE80, s28  }
0xfa: {  	[spmem:s2] =	stream.indirect.scatter.add.f32 @!p1 [tilespmem:s30], [sflag:$0x6], $0x80, s28, s29, $0xb8;
	[tilespmem:$0x1F880] =	vst v63  }
0xfb: {  	s28 =	sadd.s32 $0x1, s25;
	p1 =	seq.s32 s25, $0x0  }
0xfc: {  	p2 =	sgt.u32 @!p1 s28, $0x1C  }
0xfd: {  	p2 =	por p2, p1  }
0xfe: {  	s29 =	simm.s32 @!p2 $0x6  }
0xff: {  	_ =	swait.ge @!p2 [sflag:s29], $0x2800  }
0x100: {  	[sflag:s29] =	ssyncset.done @!p2 $0x0  }
0x101: {  	[sflag:s29] =	ssyncadd.s32 @!p2 $0xFFFFD800;
	p2 =	sgt.u32 s28, $0x18  }
0x102: {  	s28 =	sadd.s32 @!p2 $0xFFFFF080, s26;
	s29 =	simm.s32 @!p2 $0x50;
	s30 =	simm.s32 @!p2 $0x4800  }
0x103: {  	[tilespmem:s30], [sflag:$0x2] =	stream.indirect.gather @!p2 [hbm4b:s5+s29], $0x80, s28, s29, $0xb8;
	[tilespmem:$0x1F880] =	vst v63  }
0x104: {  	s28 =	simm.s32 @!p1 $0x3  }
0x105: {  	s29 =	smax.u32 s25, $0x2;
	_ =	swait.ge @!p1 [sflag:s28], $0x2800  }
0x106: {  	s29 =	sshll.u32 @!p1 s29, $0x7;
	[sflag:s28] =	ssyncset.done @!p1 $0x0  }
0x107: {  	[sflag:s28] =	ssyncadd.s32 @!p1 $0xFFFFD800;
	s28 =	sand.u32 @!p1 $0x3FFFFF80, s29  }
0x108: {  	s30 =	simm.s32 @!p1 $0x7000;
	s29 =	simm.s32 @!p1 $0x50;
	s28 =	sadd.s32 @!p1 $0xF00, s28  }
0x109: {  	[spmem:s2] =	stream.indirect.scatter.add.f32 @!p1 [tilespmem:s30], [sflag:$0x7], $0x80, s28, s29, $0xb8;
	[tilespmem:$0x1F880] =	vst v63  }
0x10a: {  	s30 =	sadd.s32 $0xFFFFFFFE, s25  }
0x10b: {  	p2 =	sgt.u32 s30, $0x18  }
0x10c: {  	s28 =	simm.s32 @!p2 $0x7  }
0x10d: {  	_ =	swait.ge @!p2 [sflag:s28], $0x2800  }
0x10e: {  	s31 =	sadd.s32 $0x2, s25;
	[sflag:s28] =	ssyncset.done @!p2 $0x0  }
0x10f: {  	[sflag:s28] =	ssyncadd.s32 @!p2 $0xFFFFD800;
	p2 =	sgt.u32 s31, $0x18  }
0x110: {  	s28 =	sadd.s32 @!p2 $0xFFFFF100, s26;
	s30 =	simm.s32 @!p2 $0x50;
	s31 =	simm.s32 @!p2 $0x7000  }
0x111: {  	[tilespmem:s31], [sflag:$0x3] =	stream.indirect.gather @!p2 [hbm4b:s5+s30], $0x80, s28, s30, $0xb8;
	[tilespmem:$0x1F880] =	vst v63  }
0x112: {  	s28 =	smax.u32 s25, $0x1;
	s30 =	simm.s32 @!p1 $0x4  }
0x113: {  	_ =	swait.ge @!p1 [sflag:s30], $0x2800;
	s28 =	sshll.u32 @!p1 s28, $0x7  }
0x114: {  	[sflag:s30] =	ssyncset.done @!p1 $0x0;
	s28 =	sand.u32 @!p1 $0x3FFFFF80, s28  }
0x115: {  	[sflag:s30] =	ssyncadd.s32 @!p1 $0xFFFFD800;
	s28 =	sadd.s32 @!p1 $0xF80, s28;
	s30 =	simm.s32 @!p1 $0x9800  }
0x116: {  	[spmem:s2] =	stream.indirect.scatter.add.f32 @!p1 [tilespmem:s30], [sflag:$0x8], $0x80, s28, s29, $0xb8;
	[tilespmem:$0x1F880] =	vst v63  }
0x117: {  	s28 =	sadd.s32 $0x3, s25  }
0x118: {  	p2 =	sgt.u32 @!p1 s28, $0x1C  }
0x119: {  	p1 =	por p2, p1  }
0x11a: {  	s29 =	simm.s32 @!p1 $0x8  }
0x11b: {  	_ =	swait.ge @!p1 [sflag:s29], $0x2800  }
0x11c: {  	[sflag:s29] =	ssyncset.done @!p1 $0x0  }
0x11d: {  	[sflag:s29] =	ssyncadd.s32 @!p1 $0xFFFFD800;
	p1 =	sgt.u32 s28, $0x18  }
0x11e: {  	s28 =	sadd.s32 @!p1 $0xFFFFF180, s26;
	s29 =	simm.s32 @!p1 $0x50;
	s30 =	simm.s32 @!p1 $0x9800  }
0x11f: {  	[tilespmem:s30], [sflag:$0x4] =	stream.indirect.gather @!p1 [hbm4b:s5+s29], $0x80, s28, s29, $0xb8;
	[tilespmem:$0x1F880] =	vst v63  }
.Ltmp9:
0x120: {  	_ =	swait.ge [sflag:s23], $0x2800;
	(pc) =	sbr.rel .LBB2_11-.Ltmp9, $4  }
0x121: {  	[sflag:s23] =	ssyncset.done $0x0  }
0x122: {  	[sflag:s23] =	ssyncadd.s32 $0xFFFFD800  }
0x123: {  	[spmem:s2] =	stream.indirect.scatter.add.f32 [tilespmem:s22], [sflag:$0x5], $0x80, s26, s21, $0xb8;
	[tilespmem:$0x1F880] =	vst v63  }
0x124: {  	s25 =	sadd.s32 $0x4, s25;
	s26 =	sadd.s32 $0x200, s26  }
.LBB2_13:
0x125: {  	s25 =	simm.s32 $0x0  }
0x126: {  	[tilespmem:s25], [sflag:$0x9] =	stream.linear.gather [hbm4b:s13+s25], $0xC80, $0x38;
	[tilespmem:$0x1F880] =	vst v63  }
0x127: {  	s28 =	sadd.s32 $0x200, s13;
	s26 =	simm.s32 $0x1000  }
0x128: {  	[tilespmem:s26], [sflag:$0x9] =	stream.linear.gather [hbm4b:s28+s25], $0xC80, $0x38;
	[tilespmem:$0x1F880] =	vst v63  }
0x129: {  	_ =	swait.ge [sflag:s17], $0x1900  }
0x12a: {  	[sflag:s17] =	ssyncset.done $0x0  }
0x12b: {  	[sflag:s17] =	ssyncadd.s32 $0xFFFFE700  }
.LBB2_14:
0x12c: {  	s28 =	sadd.s32 $0xFFFFFFFC, s25;
	p2 =	seq.s32 s25, $0x1C  }
.Ltmp10:
0x12d: {  	p1 =	sgt.u32 s28, $0x18;
	(pc) =	sbr.rel @p2 .LBB2_16-.Ltmp10, $4  }
0x12e: {  	s28 =	simm.s32 @!p1 $0x5  }
0x12f: {  	_ =	swait.ge @!p1 [sflag:s28], $0x2800  }
0x130: {  	[sflag:s28] =	ssyncset.done @!p1 $0x0  }
0x131: {  	[sflag:s28] =	ssyncadd.s32 @!p1 $0xFFFFD800  }
0x132: {  	s28 =	sadd.s32 $0xFFFFF000, s26;
	s29 =	sadd.s32 $0xFFFFFFFD, s25  }
0x133: {  	[tilespmem:s22], [sflag:$0x1] =	stream.indirect.gather [hbm4b:s5+s21], $0x80, s28, s21, $0xb8;
	[tilespmem:$0x1F880] =	vst v63  }
0x134: {  	p1 =	sgt.u32 s29, $0x18  }
0x135: {  	s28 =	simm.s32 @!p1 $0x2  }
0x136: {  	s29 =	smax.u32 s25, $0x3;
	_ =	swait.ge @!p1 [sflag:s28], $0x2800  }
0x137: {  	s29 =	sshll.u32 @!p1 s29, $0x7;
	[sflag:s28] =	ssyncset.done @!p1 $0x0  }
0x138: {  	[sflag:s28] =	ssyncadd.s32 @!p1 $0xFFFFD800;
	s28 =	sand.u32 @!p1 $0x3FFFFF80, s29  }
0x139: {  	s30 =	simm.s32 @!p1 $0x4800;
	s29 =	simm.s32 @!p1 $0x50;
	s28 =	sadd.s32 @!p1 $0xE80, s28  }
0x13a: {  	[spmem:s2] =	stream.indirect.scatter.add.f32 @!p1 [tilespmem:s30], [sflag:$0x6], $0x80, s28, s29, $0xb8;
	[tilespmem:$0x1F880] =	vst v63  }
0x13b: {  	s28 =	sadd.s32 $0x1, s25;
	p1 =	seq.s32 s25, $0x0  }
0x13c: {  	p2 =	sgt.u32 @!p1 s28, $0x1C  }
0x13d: {  	p2 =	por p2, p1  }
0x13e: {  	s29 =	simm.s32 @!p2 $0x6  }
0x13f: {  	_ =	swait.ge @!p2 [sflag:s29], $0x2800  }
0x140: {  	[sflag:s29] =	ssyncset.done @!p2 $0x0  }
0x141: {  	[sflag:s29] =	ssyncadd.s32 @!p2 $0xFFFFD800;
	p2 =	sgt.u32 s28, $0x18  }
0x142: {  	s28 =	sadd.s32 @!p2 $0xFFFFF080, s26;
	s29 =	simm.s32 @!p2 $0x50;
	s30 =	simm.s32 @!p2 $0x4800  }
0x143: {  	[tilespmem:s30], [sflag:$0x2] =	stream.indirect.gather @!p2 [hbm4b:s5+s29], $0x80, s28, s29, $0xb8;
	[tilespmem:$0x1F880] =	vst v63  }
0x144: {  	s28 =	simm.s32 @!p1 $0x3  }
0x145: {  	s29 =	smax.u32 s25, $0x2;
	_ =	swait.ge @!p1 [sflag:s28], $0x2800  }
0x146: {  	s29 =	sshll.u32 @!p1 s29, $0x7;
	[sflag:s28] =	ssyncset.done @!p1 $0x0  }
0x147: {  	[sflag:s28] =	ssyncadd.s32 @!p1 $0xFFFFD800;
	s28 =	sand.u32 @!p1 $0x3FFFFF80, s29  }
0x148: {  	s30 =	simm.s32 @!p1 $0x7000;
	s29 =	simm.s32 @!p1 $0x50;
	s28 =	sadd.s32 @!p1 $0xF00, s28  }
0x149: {  	[spmem:s2] =	stream.indirect.scatter.add.f32 @!p1 [tilespmem:s30], [sflag:$0x7], $0x80, s28, s29, $0xb8;
	[tilespmem:$0x1F880] =	vst v63  }
0x14a: {  	s30 =	sadd.s32 $0xFFFFFFFE, s25  }
0x14b: {  	p2 =	sgt.u32 s30, $0x18  }
0x14c: {  	s28 =	simm.s32 @!p2 $0x7  }
0x14d: {  	_ =	swait.ge @!p2 [sflag:s28], $0x2800  }
0x14e: {  	s31 =	sadd.s32 $0x2, s25;
	[sflag:s28] =	ssyncset.done @!p2 $0x0  }
0x14f: {  	[sflag:s28] =	ssyncadd.s32 @!p2 $0xFFFFD800;
	p2 =	sgt.u32 s31, $0x18  }
0x150: {  	s28 =	sadd.s32 @!p2 $0xFFFFF100, s26;
	s30 =	simm.s32 @!p2 $0x50;
	s31 =	simm.s32 @!p2 $0x7000  }
0x151: {  	[tilespmem:s31], [sflag:$0x3] =	stream.indirect.gather @!p2 [hbm4b:s5+s30], $0x80, s28, s30, $0xb8;
	[tilespmem:$0x1F880] =	vst v63  }
0x152: {  	s28 =	smax.u32 s25, $0x1;
	s30 =	simm.s32 @!p1 $0x4  }
0x153: {  	_ =	swait.ge @!p1 [sflag:s30], $0x2800;
	s28 =	sshll.u32 @!p1 s28, $0x7  }
0x154: {  	[sflag:s30] =	ssyncset.done @!p1 $0x0;
	s28 =	sand.u32 @!p1 $0x3FFFFF80, s28  }
0x155: {  	[sflag:s30] =	ssyncadd.s32 @!p1 $0xFFFFD800;
	s28 =	sadd.s32 @!p1 $0xF80, s28;
	s30 =	simm.s32 @!p1 $0x9800  }
0x156: {  	[spmem:s2] =	stream.indirect.scatter.add.f32 @!p1 [tilespmem:s30], [sflag:$0x8], $0x80, s28, s29, $0xb8;
	[tilespmem:$0x1F880] =	vst v63  }
0x157: {  	s28 =	sadd.s32 $0x3, s25  }
0x158: {  	p2 =	sgt.u32 @!p1 s28, $0x1C  }
0x159: {  	p1 =	por p2, p1  }
0x15a: {  	s29 =	simm.s32 @!p1 $0x8  }
0x15b: {  	_ =	swait.ge @!p1 [sflag:s29], $0x2800  }
0x15c: {  	[sflag:s29] =	ssyncset.done @!p1 $0x0  }
0x15d: {  	[sflag:s29] =	ssyncadd.s32 @!p1 $0xFFFFD800;
	p1 =	sgt.u32 s28, $0x18  }
0x15e: {  	s28 =	sadd.s32 @!p1 $0xFFFFF180, s26;
	s29 =	simm.s32 @!p1 $0x50;
	s30 =	simm.s32 @!p1 $0x9800  }
0x15f: {  	[tilespmem:s30], [sflag:$0x4] =	stream.indirect.gather @!p1 [hbm4b:s5+s29], $0x80, s28, s29, $0xb8;
	[tilespmem:$0x1F880] =	vst v63  }
.Ltmp11:
0x160: {  	_ =	swait.ge [sflag:s23], $0x2800;
	(pc) =	sbr.rel .LBB2_14-.Ltmp11, $4  }
0x161: {  	[sflag:s23] =	ssyncset.done $0x0  }
0x162: {  	[sflag:s23] =	ssyncadd.s32 $0xFFFFD800  }
0x163: {  	[spmem:s2] =	stream.indirect.scatter.add.f32 [tilespmem:s22], [sflag:$0x5], $0x80, s26, s21, $0xb8;
	[tilespmem:$0x1F880] =	vst v63  }
0x164: {  	s25 =	sadd.s32 $0x4, s25;
	s26 =	sadd.s32 $0x200, s26  }
.LBB2_17:
0x165: {  	_ =	sfence.sel $0x180000  }
0x166: {  	[bflag:$0x0] =	sbarrier.arrive $0xFFFF  }
0x167: {  	p0 =	sne.s32 s0, $0x0;
	_ =	strace $0x9000004D  }
0x168: {  	s0 =	sadd.s32 @!p0 $0x100000, s1;
	[bflag:$0x2] =	sbarrier.arrive $0xFFFF  }
0x169: {  	[sflag:s0] =	ssyncadd.tile.s32 @!p0 $0x1;
	_ =	shalt  }
.Lfunc_end2:
_tile_overlayer_lowered:
.L_overlay_start_2:
0x16a: {  	(tag) =	ssettag $0x2  }
0x16b: {  	s0 =	rddreg [dreg:$0x0];
	s2 =	stileid.u32  }
0x16c: {  	s1 =	rddreg [dreg:$0x1];
	p0 =	sne.s32 s2, $0x0  }
0x16d: {  	s3 =	rddreg [dreg:$0x2];
	[bflag:$0x3] =	sbarrier.arrive $0xFFFF;
	s2 =	simm.s32 @!p0 $0x1C09  }
0x16e: {  	[timem:s3], [sflag:s2] =	dma.local @!p0 [hbm:s0], s1  }
0x16f: {  	s0 =	simm.s32 @!p0 $0x9  }
0x170: {  	_ =	swait.ge @!p0 [sflag:s0], s1  }
0x171: {  	s1 =	ssub.s32 @!p0 $0x0, s1;
	[sflag:s0] =	ssyncset.done @!p0 $0x0  }
0x172: {  	[sflag:s0] =	ssyncadd.s32 @!p0 s1  }
0x173: {  	[bflag:$0x3] =	sbarrier.arrive $0xFFFF  }
0x174: {  	_ =	shalt  }

// kernel: kernel.8.cloned.1.call-start
scs
__scs_entry_jumppad:
0x0: {  	(pc) =	sbr.rel $0x88, $3  }
0x1: {  	(tag) =	ssettag $0x0;
	lr =	simm.s32 $0x1  }
0x2: {  	[smem:$0x3F98] =	sst lr;
	_ =	strace $0xD0000000  }
0x3: {  	_ = 	snop  }
0x4: {  	_ = 	snop  }
0x5: {  	_ = 	snop  }
0x6: {  	_ = 	snop  }
0x7: {  	_ = 	snop  }
__scs_overlays_trampoline_lowered:
0x8: {  	[smem:$0x3FA7] =	sst s0  }
0x9: {  	[smem:$0x3FA8] =	sst s1  }
0xa: {  	[smem:$0x3FA9] =	sst s2  }
0xb: {  	[smem:$0x3FAA] =	sst s3  }
0xc: {  	[smem:$0x3FAB] =	sst s4  }
0xd: {  	[smem:$0x3FAC] =	sst s5  }
0xe: {  	[smem:$0x3FAD] =	sst s6  }
0xf: {  	[smem:$0x3FAE] =	sst s7  }
0x10: {  	[smem:$0x3FAF] =	sst s8  }
0x11: {  	[smem:$0x3FB0] =	sst s9;
	s0 =	simm.s32 @!p0 $0x0  }
0x12: {  	s1 =	sld [smem:$0x3F96];
	s0 =	simm.s32 @p0 $0x1  }
0x13: {  	[smem:$0x3FB1] =	sst s0;
	s0 =	simm.s32 @!p1 $0x0  }
0x14: {  	s2 =	sld [smem:$0x3F95];
	s0 =	simm.s32 @p1 $0x1  }
0x15: {  	[smem:$0x3FB2] =	sst s0;
	s0 =	simm.s32 @!p2 $0x0  }
0x16: {  	s3 =	sld [smem:$0x3FDB];
	s0 =	simm.s32 @p2 $0x1  }
0x17: {  	s4 =	simm.s32 $0x1BF5;
	[smem:$0x3FB4] =	sst s0  }
0x18: {  	s0 =	sld [smem:$0x3F97];
	_ =	swait.ge [sflag:s4], $0x0  }
0x19: {  	s7 =	sld [smem:$0x3F98]  }
0x1a: {  	s8 =	sadd.s32 $0xFFFFE003, lr  }
0x1b: {  	s9 =	sadd.s32 $0xFFFFFEF7, lr;
	s5 =	simm.s32 $0xFFFFFFFF;
	p2 =	slt.u32 s8, $0xFFFFF086  }
0x1c: {  	p1 =	slt.u32 s9, $0xF7A;
	s5 =	simm.s32 @!p2 $0x0  }
0x1d: {  	s5 =	simm.s32 @p1 $0x1;
	p0 =	seq.s32 s7, s2  }
0x1e: {  	s7 =	smul.u32 @!p0 $0xF7A, s2;
	p2 =	seq.s32 @!p0 s5, $0x0  }
0x1f: {  	s9 =	smul.u32 $0xF7A, s1;
	s8 =	simm.s32 @!p0 $0x1BF5;
	p2 =	por !p2, p0  }
0x20: {  	[sflag:s8] =	ssyncset.s32 @!p0 $0xFFFFF086;
	s6 =	sadd.s32 @!p0 s3, s7;
	s7 =	simm.s32 @!p0 $0x108  }
0x21: {  	s3 =	sadd.s32 s3, s9;
	s6 =	sadd.s32 @!p0 $0x88, s6;
	s7 =	simm.s32 @p2 $0x1082  }
0x22: {  	[simem:s7], [sflag:s8] =	dma.local @!p0 [hbm:s6], $0xF7A  }
0x23: {  	s9 =	sor.u32 $0xD0000000, s2;
	s6 =	simm.s32 $0x108;
	_ =	swait.ge @!p0 [sflag:s8], $0x0  }
0x24: {  	s3 =	sadd.s32 $0x88, s3;
	s6 =	simm.s32 @!p1 $0x1082;
	[sflag:s4] =	ssyncset.s32 $0xFFFFF086  }
0x25: {  	[simem:s6], [sflag:s4] =	dma.local [hbm:s3], $0xF7A  }
0x26: {  	[smem:$0x3F98] =	sst s1;
	(tag) =	ssettag s2;
	_ =	strace s9  }
0x27: {  	s1 =	sld [smem:$0x3FA8]  }
0x28: {  	s2 =	sld [smem:$0x3FA9]  }
0x29: {  	s4 =	sld [smem:$0x3FAB]  }
0x2a: {  	p0 =	seq.s32 s5, $0x0;
	s5 =	sld [smem:$0x3FAC]  }
0x2b: {  	s6 =	sld [smem:$0x3FAD]  }
0x2c: {  	s7 =	sld [smem:$0x3FAE]  }
0x2d: {  	s3 =	simm.s32 $0x108;
	s8 =	sld [smem:$0x3FAF]  }
0x2e: {  	s3 =	simm.s32 @!p0 $0x1082;
	s9 =	sld [smem:$0x3FB0]  }
0x2f: {  	lr =	sadd.s32 s0, s3;
	s0 =	sld [smem:$0x3FA7]  }
0x30: {  	s3 =	sld [smem:$0x3FAA]  }
0x31: {  	[smem:$0x3FB3] =	sst s10  }
0x32: {  	s10 =	sld [smem:$0x3FB1];
	_ =	sdelay $0x3  }
0x33: {  	p0 =	seq.s32 s10, $0x1;
	s10 =	sld [smem:$0x3FB3];
	_ =	sdelay $0x3  }
0x34: {  	[smem:$0x3FB3] =	sst s10  }
0x35: {  	s10 =	sld [smem:$0x3FB2];
	_ =	sdelay $0x3  }
0x36: {  	p1 =	seq.s32 s10, $0x1;
	s10 =	sld [smem:$0x3FB3];
	_ =	sdelay $0x3  }
0x37: {  	[smem:$0x3FB3] =	sst s10  }
0x38: {  	s10 =	sld [smem:$0x3FB4]  }
0x39: {  	_ = 	snop;
	(pc) =	sbr.ind lr, $3  }
0x3a: {  	_ = 	snop  }
0x3b: {  	_ = 	snop  }
0x3c: {  	p2 =	seq.s32 s10, $0x1;
	s10 =	sld [smem:$0x3FB3]  }
0x3d: {  	_ =	shalt  }
0x3e: {  	_ =	shalt  }
0x3f: {  	_ =	shalt  }
0x40: {  	_ =	shalt  }
0x41: {  	_ =	shalt  }
0x42: {  	_ =	shalt  }
0x43: {  	_ =	shalt  }
0x44: {  	_ =	shalt  }
0x45: {  	_ =	shalt  }
0x46: {  	_ =	shalt  }
0x47: {  	_ =	shalt  }
0x48: {  	_ =	shalt  }
0x49: {  	_ =	shalt  }
0x4a: {  	_ =	shalt  }
0x4b: {  	_ =	shalt  }
0x4c: {  	_ =	shalt  }
0x4d: {  	_ =	shalt  }
0x4e: {  	_ =	shalt  }
0x4f: {  	_ =	shalt  }
0x50: {  	_ =	shalt  }
0x51: {  	_ =	shalt  }
0x52: {  	_ =	shalt  }
0x53: {  	_ =	shalt  }
0x54: {  	_ =	shalt  }
0x55: {  	_ =	shalt  }
0x56: {  	_ =	shalt  }
0x57: {  	_ =	shalt  }
0x58: {  	_ =	shalt  }
0x59: {  	_ =	shalt  }
0x5a: {  	_ =	shalt  }
0x5b: {  	_ =	shalt  }
0x5c: {  	_ =	shalt  }
0x5d: {  	_ =	shalt  }
0x5e: {  	_ =	shalt  }
0x5f: {  	_ =	shalt  }
0x60: {  	_ =	shalt  }
0x61: {  	_ =	shalt  }
0x62: {  	_ =	shalt  }
0x63: {  	_ =	shalt  }
0x64: {  	_ =	shalt  }
0x65: {  	_ =	shalt  }
0x66: {  	_ =	shalt  }
0x67: {  	_ =	shalt  }
0x68: {  	_ =	shalt  }
0x69: {  	_ =	shalt  }
0x6a: {  	_ =	shalt  }
0x6b: {  	_ =	shalt  }
0x6c: {  	_ =	shalt  }
0x6d: {  	_ =	shalt  }
0x6e: {  	_ =	shalt  }
0x6f: {  	_ =	shalt  }
0x70: {  	_ =	shalt  }
0x71: {  	_ =	shalt  }
0x72: {  	_ =	shalt  }
0x73: {  	_ =	shalt  }
0x74: {  	_ =	shalt  }
0x75: {  	_ =	shalt  }
0x76: {  	_ =	shalt  }
0x77: {  	_ =	shalt  }
0x78: {  	_ =	shalt  }
0x79: {  	_ =	shalt  }
0x7a: {  	_ =	shalt  }
0x7b: {  	_ =	shalt  }
0x7c: {  	_ =	shalt  }
0x7d: {  	_ =	shalt  }
0x7e: {  	_ =	shalt  }
0x7f: {  	_ =	shalt  }
0x80: {  	_ =	shalt  }
0x81: {  	_ =	shalt  }
0x82: {  	_ =	shalt  }
0x83: {  	_ =	shalt  }
0x84: {  	_ =	shalt  }
0x85: {  	_ =	shalt  }
0x86: {  	_ =	shalt  }
0x87: {  	_ =	shalt  }
.Lfunc_end0:
.L_simem_size_0:
called_computation_lowered:
.L_overlay_start_0:
0x88: {  	s2 =	sld [smem:$0x3FD9]  }
0x89: {  	s3 =	sld [smem:$0x3FFE];
	_ =	sdelay $0x1  }
0x8a: {  	s1 =	srdreg.scid  }
0x8b: {  	s0 =	sand.u32 $0x1, s1  }
0x8c: {  	s16 =	sshll.u32 s0, $0xA;
	s2 =	sadd.s32 s3, s2  }
0x8d: {  	s2 =	sadd.s32 s2, s16  }
0x8e: {  	[smem:$0x3FBF] =	sst s2  }
0x8f: {  	_ = 	snop  }
0x90: {  	(tm) =	ssettm $0x1  }
0x91: {  	s17 =	sld [smem:$0x3FFB];
	_ =	sdelay $0x3  }
0x92: {  	_ =	strace s17  }
0x93: {  	s2 =	sld [smem:$0x3FFC];
	_ =	sdelay $0x3  }
0x94: {  	_ =	strace s2  }
0x95: {  	s2 =	sld [smem:$0x3FFD];
	_ =	sdelay $0x3  }
0x96: {  	_ =	strace s2  }
0x97: {  	_ =	strace $0x8FFFFFFF  }
0x98: {  	s18 =	sld [smem:$0x3FDB];
	_ =	sdelay $0x1  }
0x99: {  	s19 =	simm.s32 $_scs_section_size  }
0x9a: {  	s4 =	simm.s32 $_size__tile_overlayer_lowered;
	s5 =	simm.s32 $_tile_overlayer_lowered  }
0x9b: {  	s22 =	simm.s32 $0x1BFF;
	s21 =	sshll.u32 s5, $0x1;
	s2 =	sadd.s32 s19, s18  }
0x9c: {  	s6 =	simm.s32 $0x0;
	s20 =	sshll.u32 s4, $0x1;
	s4 =	sadd.s32 s21, s2  }
0x9d: {  	[timem:s6], [sflag:s22] =	dma.local [hbm:s4], s20  }
0x9e: {  	_ =	swait.ge [sflag:s22], s20  }
0x9f: {  	s3 =	ssub.s32 $0x0, s20;
	[sflag:s22] =	ssyncset.done $0x0  }
0xa0: {  	[sflag:s22] =	ssyncadd.s32 s3;
	_ =	sdelay $0x1  }
0xa1: {  	s23 =	simm.s32 $0x1B8B  }
0xa2: {  	_ =	swait.ge [sflag:s23], $0x1  }
0xa3: {  	[sflag:s23] =	ssyncset.done $0x0  }
0xa4: {  	s25 =	simm.s32 $0x1B8E;
	s24 =	sld [smem:$0x3FFE];
	[sflag:s23] =	ssyncadd.s32 $0xFFFFFFFF  }
0xa5: {  	s26 =	simm.s32 $execute0_lowered;
	[smem:$0x3FD2] =	sst s25  }
0xa6: {  	s4 =	sshll.u32 s26, $0x1;
	_ =	strace $0x80000046;
	[dreg:$0x1] =	wrdreg $0xFFFFFFFF  }
0xa7: {  	s28 =	simm.s32 $_size_execute0_lowered;
	s2 =	sadd.s32 s2, s4;
	[dreg:$0x0] =	wrdreg $0x0  }
0xa8: {  	s4 =	sshll.u32 s28, $0x1;
	[dreg:$0x2] =	wrdreg s2  }
0xa9: {  	[dreg:$0x3] =	wrdreg s4  }
0xaa: {  	[dreg:$0x4] =	wrdreg $0xC0  }
0xab: {  	_ =	task [dreg:s6], $0x5FFFF  }
0xac: {  	[dreg:$0x1] =	wrdreg $0xFFFFFFFF  }
0xad: {  	[dreg:$0x0] =	wrdreg $0x60  }
0xae: {  	[dreg:$0x2] =	wrdreg s24  }
0xaf: {  	[dreg:$0x3] =	wrdreg $0x9  }
0xb0: {  	_ =	task.clear_ibuf [dreg:s6], $0x4FFFF;
	_ =	strace $0x90000046  }
0xb1: {  	s29 =	simm.s32 $0x9;
	_ =	strace $0x80000048  }
0xb2: {  	_ =	swait.ge [sflag:s29], $0x1  }
0xb3: {  	[sflag:s29] =	ssyncadd.s32 $0xFFFFFFFF  }
0xb4: {  	_ =	strace $0x90000048  }
0xb5: {  	_ =	sfence  }
0xb6: {  	s30 =	sld [smem:$0x0];
	_ =	sdelay $0x2  }
0xb7: {  	s31 =	sshll.u32 s1, $0xD;
	s1 =	sshrl.u32 s1, $0x2  }
0xb8: {  	s3 =	sand.u32 $0x4000, s31;
	s1 =	sadd.s32 s1, s30  }
0xb9: {  	s0 =	sor.u32 s3, s0;
	s1 =	sshll.u32 s1, $0x11  }
0xba: {  	s0 =	sor.u32 s1, s0  }
0xbb: {  	s0 =	sadd.s32 $0x8F2B, s0  }
0xbc: {  	[sflag:s0] =	ssyncadd.remote.s32 $0x1  }
0xbd: {  	_ =	sfence.sel $0xFFFF  }
0xbe: {  	[dreg:$0x0] =	wrdreg $0xFFFFFFFF;
	(pc) =	sbr.abs _section_cstart, $3  }
0xbf: {  	[dreg:$0x1] =	wrdreg $0xFFFFFFFF  }
0xc0: {  	_ =	task.clear_ibuf [dreg:s6], $0x2FFFF;
	_ =	strace $0x9FFFFFFF  }
0xc1: {  	(tm) =	ssettm $0x7FFFFFFF  }
tec
execute0_lowered:
.L_overlay_start_1:
0x0: {  	(tag) =	ssettag $0x1  }
0x1: {  	s4 =	rddreg [dreg:$0x0];
	s1 =	srdreg.scid  }
0x2: {  	s0 =	stileid.u32;
	s8 =	simm.s32 $0x400;
	s9 =	simm.s32 $0x1  }
0x3: {  	s10 =	simm.s32 $0x2780;
	s11 =	simm.s32 $0x0;
	s3 =	sand.u32 $0x1, s1  }
0x4: {  	s29 =	sshrl.u32 s0, $0x2;
	s2 =	sshll.u32 s0, $0x8;
	s1 =	rddreg [dreg:$0x1]  }
0x5: {  	s5 =	smul.u32 $0x13C00, s29;
	s6 =	sshll.u32 s3, $0x7;
	s7 =	sand.u32 $0x300, s2  }
0x6: {  	s2 =	simm.s32 $0x0;
	s30 =	ssub.s32 $0x2, s3;
	s6 =	sor.u32 s6, s7  }
0x7: {  	s3 =	sadd.s32 $0xC600, s4;
	[smem:$0x7FF] =	sst s2;
	s5 =	sor.u32 s5, s6  }
0x8: {  	s31 =	sshrl.u32 s30, $0x1;
	s7 =	simm.s32 $0x80;
	s5 =	sshrl.u32 s5, $0x3  }
0x9: {  	_ =	strace $0x80000047;
	s6 =	ssub.s32 s30, s31;
	s5 =	sadd.s32 s5, s4  }
0xa: {  	v0 =	vimm.f32 $1.000000000e+00;
	s6 =	smax.u32 s6, $0x1;
	s4 =	sadd.s32 $0x2800, s5;
	s5 =	sadd.s32 $0xCC00, s5  }
.LBB2_1:
0xb: {  	[tilespmem:s2], [sflag:$0x1] =	stream.strided.gather [hbm4b:s4+s7], $0x2780, s8, s7, $0x38;
	[tilespmem:$0x4F00] =	vst v63  }
0xc: {  	_ =	swait.ge [sflag:s9], $0x2780  }
0xd: {  	[sflag:s9] =	ssyncset.done $0x0  }
0xe: {  	[sflag:s9] =	ssyncadd.s32 $0xFFFFD880  }
0xf: {  	[tilespmem:s10], [sflag:$0x1] =	stream.linear.gather [hbm4b:s3+s2], $0x2780, $0x38;
	[tilespmem:$0x4F00] =	vst v63  }
0x10: {  	_ =	swait.ge [sflag:s9], $0x2780  }
0x11: {  	[sflag:s9] =	ssyncset.done $0x0  }
0x12: {  	s13 =	simm.s32 $0x0;
	s12 =	simm.s32 $0x40;
	[sflag:s9] =	ssyncadd.s32 $0xFFFFD880  }
.LBB2_2:
0x13: {  	p0 =	sne.s32 s12, $0x9C00;
	v1 =	vld [tilespmem:s13+$0x0];
	_ =	sdelay $0x3  }
.Ltmp0:
0x14: {  	(pc) =	sbr.rel @p0 .LBB2_2-.Ltmp0, $2  }
0x15: {  	_ =	sdelay $0x2  }
0x16: {  	s13 =	sshra.s32 s12, $0x2;
	s12 =	sadd.s32 $0x40, s12;
	[tilespmem:v1+s10+$0x0] =	vst.idx.add.f32.msk $0xffff, v0  }
0x17: {  	v1 =	vld [tilespmem:s13+$0x0];
	_ =	sdelay $0x5  }
0x18: {  	s11 =	sadd.s32 $0x1, s11  }
0x19: {  	p0 =	sne.s32 s11, s6  }
.Ltmp1:
0x1a: {  	[tilespmem:v1+s10+$0x0] =	vst.idx.add.f32.msk $0xffff, v0;
	(pc) =	sbr.rel @p0 .LBB2_1-.Ltmp1, $4  }
0x1b: {  	[hbm4b:s5+s7] =	stream.strided.scatter [tilespmem:s10], [sflag:$0x1], $0x2780, s8, s7, $0x38;
	[tilespmem:$0x4F00] =	vst v63  }
0x1c: {  	_ =	swait.ge [sflag:s9], $0x2780  }
0x1d: {  	[sflag:s9] =	ssyncset.done $0x0  }
0x1e: {  	[sflag:s9] =	ssyncadd.s32 $0xFFFFD880  }
0x1f: {  	_ =	sfence.sel $0x180000  }
0x20: {  	[bflag:$0x0] =	sbarrier.arrive $0xFFFF  }
0x21: {  	p0 =	sne.s32 s0, $0x0;
	_ =	strace $0x90000047  }
0x22: {  	s0 =	sadd.s32 @!p0 $0x100000, s1;
	[bflag:$0x2] =	sbarrier.arrive $0xFFFF  }
0x23: {  	[sflag:s0] =	ssyncadd.tile.s32 @!p0 $0x1;
	_ =	shalt  }
.Lfunc_end2:
_tile_overlayer_lowered:
.L_overlay_start_2:
0x24: {  	(tag) =	ssettag $0x2  }
0x25: {  	s0 =	rddreg [dreg:$0x0];
	s2 =	stileid.u32  }
0x26: {  	s1 =	rddreg [dreg:$0x1];
	p0 =	sne.s32 s2, $0x0  }
0x27: {  	s3 =	rddreg [dreg:$0x2];
	[bflag:$0x3] =	sbarrier.arrive $0xFFFF;
	s2 =	simm.s32 @!p0 $0x1C01  }
0x28: {  	[timem:s3], [sflag:s2] =	dma.local @!p0 [hbm:s0], s1  }
0x29: {  	s0 =	simm.s32 @!p0 $0x1  }
0x2a: {  	_ =	swait.ge @!p0 [sflag:s0], s1  }
0x2b: {  	s1 =	ssub.s32 @!p0 $0x0, s1;
	[sflag:s0] =	ssyncset.done @!p0 $0x0  }
0x2c: {  	[sflag:s0] =	ssyncadd.s32 @!p0 s1  }
0x2d: {  	[bflag:$0x3] =	sbarrier.arrive $0xFFFF  }
0x2e: {  	_ =	shalt  }

</sc_bundles>
